<compile_context>
chip_gen: v7x
topology: tpu7x:2x2x1
jax: 0.10.2.dev20260603
libtpu: 0.0.44.dev20260713+nightly
codegen_flags: <defaults>
</compile_context>

<pallas_src>
import functools

import jax
import jax.numpy as jnp
from jax import lax
from jax.experimental import pallas as pl
from jax.experimental.pallas import tpu as pltpu
from jax.experimental.pallas import tpu_sc as plsc

D = 128
HEADS = 4
N_L = 10000
N_G = 50000
N_D = 10000
E = 100000

NSUB = 16
BATCH = 128
EPAD = 102400
EROWS = EPAD // BATCH
NPS = 10240
NPG = 50176


def _mesh():
    return plsc.VectorSubcoreMesh(core_axis_name="c", subcore_axis_name="s")


def _fill16(ref, n, val):
    @pl.loop(0, n)
    def _(i):
        ref[i, :] = val


def _seg_full(table, src3d, dst3d):
    rows_per = NPS // NSUB
    nbatch = EROWS // 32

    @functools.partial(
        pl.kernel,
        mesh=_mesh(),
        out_type=jax.ShapeDtypeStruct((2, NPS, D), jnp.float32),
        scratch_types=[
            pltpu.VMEM_SHARED((NPS, D), jnp.float32),
            pltpu.VMEM((nbatch, 1, BATCH), jnp.int32),
            pltpu.VMEM((nbatch, 1, BATCH), jnp.int32),
            pltpu.VMEM((BATCH, D), jnp.float32),
            pltpu.VMEM((64, D), jnp.float32),
            pltpu.SemaphoreType.DMA,
        ],
    )
    def k(tbl, src, dst, out_sum, acc, src_v, dst_v, rows_v, zb, sem):
        c = lax.axis_index("c")
        s = lax.axis_index("s")
        w = c * NSUB + s
        zero16 = jnp.zeros((16,), jnp.float32)

        @pl.loop(0, 64)
        def _(i):
            for j in range(D // 16):
                zb[i, pl.ds(j * 16, 16)] = zero16

        r0 = s * rows_per

        @pl.loop(0, rows_per // 64)
        def _(t):
            pltpu.sync_copy(zb, acc.at[pl.ds(r0 + t * 64, 64)])

        pltpu.sync_copy(src.at[pl.ds(w * nbatch, nbatch)], src_v)
        pltpu.sync_copy(dst.at[pl.ds(w * nbatch, nbatch)], dst_v)
        plsc.subcore_barrier()

        @pl.loop(0, nbatch)
        def _(j):
            pltpu.async_copy(tbl.at[src_v.at[j, 0]], rows_v, sem).wait()
            pltpu.sync_copy(rows_v, acc.at[dst_v.at[j, 0]], add=True)

        plsc.subcore_barrier()
        pltpu.sync_copy(acc.at[pl.ds(r0, rows_per)],
                        out_sum.at[c, pl.ds(r0, rows_per)])

    return k(table, src3d, dst3d)


def _seg_chunk(table4, src3d, dst3d):
    rows_per = NPG // NSUB
    nbatch = EROWS // NSUB

    @functools.partial(
        pl.kernel,
        mesh=_mesh(),
        compiler_params=pltpu.CompilerParams(use_tc_tiling_on_sc=False),
        out_type=jax.ShapeDtypeStruct((4, NPG, 32), jnp.float32),
        scratch_types=[
            pltpu.VMEM_SHARED((NPG, 32), jnp.float32),
            pltpu.VMEM((nbatch, 1, BATCH), jnp.int32),
            pltpu.VMEM((nbatch, 1, BATCH), jnp.int32),
            pltpu.VMEM((nbatch, 1, BATCH), jnp.int32),
            pltpu.VMEM((BATCH, 32), jnp.float32),
            pltpu.VMEM((64, 32), jnp.float32),
            pltpu.SemaphoreType.DMA,
        ],
    )
    def k(tbl, src, dst, out_s, acc, src_v, sidx_v, dst_v, rows_v, zb32, sem):
        c = lax.axis_index("c")
        s = lax.axis_index("s")
        zero16 = jnp.zeros((16,), jnp.float32)

        @pl.loop(0, 64)
        def _(i):
            zb32[i, pl.ds(0, 16)] = zero16
            zb32[i, pl.ds(16, 16)] = zero16

        r0 = s * rows_per
        pltpu.sync_copy(src.at[pl.ds(s * nbatch, nbatch)], src_v)
        pltpu.sync_copy(dst.at[pl.ds(s * nbatch, nbatch)], dst_v)

        for k2 in range(2):
            chunk = c * 2 + k2

            @pl.loop(0, rows_per // 64)
            def _(t):
                pltpu.sync_copy(zb32, acc.at[pl.ds(r0 + t * 64, 64)])

            @pl.loop(0, nbatch)
            def _(i):
                for j in range(BATCH // 16):
                    sidx_v[i, 0, pl.ds(j * 16, 16)] = (
                        src_v[i, 0, pl.ds(j * 16, 16)] * 4 + chunk)

            plsc.subcore_barrier()

            @pl.loop(0, nbatch)
            def _(j):
                pltpu.async_copy(tbl.at[sidx_v.at[j, 0]], rows_v, sem).wait()
                pltpu.sync_copy(rows_v, acc.at[dst_v.at[j, 0]], add=True)

            plsc.subcore_barrier()
            pltpu.sync_copy(acc.at[pl.ds(r0, rows_per)],
                            out_s.at[chunk, pl.ds(r0, rows_per)])

    return k(table4, src3d, dst3d)


def _deg_x6(dsts_small, dsts_gene):
    rps = NPS // NSUB
    rpg = NPG // NSUB
    nbatch = EROWS // NSUB

    @functools.partial(
        pl.kernel,
        mesh=_mesh(),
        compiler_params=pltpu.CompilerParams(use_tc_tiling_on_sc=False),
        out_type=(jax.ShapeDtypeStruct((4, NPS, 16), jnp.float32),
                  jax.ShapeDtypeStruct((2, NPG, 16), jnp.float32)),
        scratch_types=[
            pltpu.VMEM_SHARED((NPG, 16), jnp.float32),
            pltpu.VMEM((nbatch, 1, BATCH), jnp.int32),
            pltpu.VMEM((BATCH, 16), jnp.float32),
            pltpu.VMEM((16, 16), jnp.float32),
        ],
    )
    def k(dsml, dgen, out_s, out_g, dacc, dst_v, ones_v, zb16):
        c = lax.axis_index("c")
        s = lax.axis_index("s")
        _fill16(zb16, 16, jnp.zeros((16,), jnp.float32))
        _fill16(ones_v, BATCH, jnp.ones((16,), jnp.float32))

        for (inref, outref, nrel_pc, rows_per) in (
                (dsml, out_s, 2, rps), (dgen, out_g, 1, rpg)):
            r0 = s * rows_per
            for rr in range(nrel_pc):
                rel = c * nrel_pc + rr

                @pl.loop(0, rows_per // 16)
                def _(t):
                    pltpu.sync_copy(zb16, dacc.at[pl.ds(r0 + t * 16, 16)])

                pltpu.sync_copy(inref.at[rel, pl.ds(s * nbatch, nbatch)],
                                dst_v)
                plsc.subcore_barrier()

                @pl.loop(0, nbatch)
                def _(j):
                    pltpu.sync_copy(ones_v, dacc.at[dst_v.at[j, 0]],
                                    add=True)

                plsc.subcore_barrier()
                pltpu.sync_copy(dacc.at[pl.ds(r0, rows_per)],
                                outref.at[rel, pl.ds(r0, rows_per)])

    return k(dsts_small, dsts_gene)


_ATT_SCALE = 1.0 / (float(D) ** 0.5 * 0.5)


def _update_body(partials, h_ref, s0_ref, d0_ref, s1_ref, d1_ref,
                 w0_ref, w1_ref, ws_ref, a0_ref, a1_ref, g_ref, b_ref, o_ref):
    if partials:
        S0 = s0_ref[0] + s0_ref[1]
        S1 = s1_ref[0] + s1_ref[1]
    else:
        S0 = jnp.concatenate([s0_ref[k] for k in range(4)], axis=-1)
        S1 = jnp.concatenate([s1_ref[k] for k in range(4)], axis=-1)
    dg0 = d0_ref[:, 0:1]
    dg1 = d1_ref[:, 0:1]
    dg0 = jnp.where(dg0 == 0.0, 1.0, dg0)
    dg1 = jnp.where(dg1 == 0.0, 1.0, dg1)
    m0 = jnp.dot(S0, w0_ref[...], preferred_element_type=jnp.float32) / dg0
    m1 = jnp.dot(S1, w1_ref[...], preferred_element_type=jnp.float32) / dg1
    dn = (((1,), (1,)), ((), ()))
    sc0 = lax.dot_general(m0, a0_ref[...], dn,
                          preferred_element_type=jnp.float32)[:, :HEADS]
    sc1 = lax.dot_general(m1, a1_ref[...], dn,
                          preferred_element_type=jnp.float32)[:, :HEADS]
    sc0 = sc0 * _ATT_SCALE
    sc1 = sc1 * _ATT_SCALE
    mx = jnp.maximum(sc0, sc1)
    e0 = jnp.exp(sc0 - mx)
    e1 = jnp.exp(sc1 - mx)
    wt0 = jnp.mean(e0 / (e0 + e1), axis=1, keepdims=True)
    wt1 = 1.0 - wt0
    agg = wt0 * m0 + wt1 * m1
    hb = h_ref[...]
    h_up = jnp.dot(hb, ws_ref[...], preferred_element_type=jnp.float32) + agg + hb
    mu = jnp.mean(h_up, axis=1, keepdims=True)
    cen = h_up - mu
    var = jnp.mean(cen * cen, axis=1, keepdims=True)
    hn = cen / jnp.sqrt(var + 1e-5) * g_ref[...] + b_ref[...]
    o_ref[...] = jnp.where(hn >= 0.0, hn, 0.01 * hn)


def _update_call(partials, n, h, S0, D0, S1, D1, W0, W1, Ws, a0p, a1p, g2, b2):
    bn = 400
    if partials:
        s_spec = pl.BlockSpec((2, bn, D), lambda i: (0, i, 0))
    else:
        s_spec = pl.BlockSpec((4, bn, 32), lambda i: (0, i, 0))
    d_spec = pl.BlockSpec((bn, 16), lambda i: (i, 0))
    wspec = pl.BlockSpec((D, D), lambda i: (0, 0))
    aspec = pl.BlockSpec((8, D), lambda i: (0, 0))
    vspec = pl.BlockSpec((1, D), lambda i: (0, 0))
    return pl.pallas_call(
        functools.partial(_update_body, partials),
        grid=(n // bn,),
        in_specs=[pl.BlockSpec((bn, D), lambda i: (i, 0)),
                  s_spec, d_spec, s_spec, d_spec,
                  wspec, wspec, wspec, aspec, aspec, vspec, vspec],
        out_specs=pl.BlockSpec((bn, D), lambda i: (i, 0)),
        out_shape=jax.ShapeDtypeStruct((n, D), jnp.float32),
    )(h, S0, D0, S1, D1, W0, W1, Ws, a0p, a1p, g2, b2)


def _pad_edges(src, dst, n_dst, npad):
    pad_dst = n_dst + jnp.arange(EPAD - E, dtype=jnp.int32) % (npad - n_dst)
    src_p = jnp.concatenate(
        [src.astype(jnp.int32), jnp.zeros((EPAD - E,), jnp.int32)])
    dst_p = jnp.concatenate([dst.astype(jnp.int32), pad_dst])
    return src_p.reshape(EROWS, 1, BATCH), dst_p.reshape(EROWS, 1, BATCH)


def _pad_att(a):
    return jnp.pad(a, ((0, 8 - HEADS), (0, 0)))


def kernel(h_lncRNA, h_gene, h_disease, src_lg, dst_lg, src_dg, dst_dg,
           src_gd, dst_gd, src_ld, dst_ld, src_gl, dst_gl, src_dl, dst_dl,
           W_lg, W_dg, W_gd, W_ld, W_gl, W_dl, Ws_l, Ws_g, Ws_d,
           a_lg, a_dg, a_gd, a_ld, a_gl, a_dl,
           ln_g_l, ln_b_l, ln_g_g, ln_b_g, ln_g_d, ln_b_d):
    s_gd, d_gd = _pad_edges(src_gd, dst_gd, N_D, NPS)
    s_ld, d_ld = _pad_edges(src_ld, dst_ld, N_D, NPS)
    s_gl, d_gl = _pad_edges(src_gl, dst_gl, N_L, NPS)
    s_dl, d_dl = _pad_edges(src_dl, dst_dl, N_L, NPS)
    s_lg, d_lg = _pad_edges(src_lg, dst_lg, N_G, NPG)
    s_dg, d_dg = _pad_edges(src_dg, dst_dg, N_G, NPG)

    S_gd = _seg_full(h_gene, s_gd, d_gd)
    S_ld = _seg_full(h_lncRNA, s_ld, d_ld)
    S_gl = _seg_full(h_gene, s_gl, d_gl)
    S_dl = _seg_full(h_disease, s_dl, d_dl)
    S_lg = _seg_chunk(h_lncRNA.reshape(4 * N_L, 32), s_lg, d_lg)
    S_dg = _seg_chunk(h_disease.reshape(4 * N_D, 32), s_dg, d_dg)
    Dg_s, Dg_g = _deg_x6(jnp.stack([d_gd, d_ld, d_gl, d_dl]),
                         jnp.stack([d_lg, d_dg]))
    Dg_gd, Dg_ld, Dg_gl, Dg_dl = Dg_s[0], Dg_s[1], Dg_s[2], Dg_s[3]
    Dg_lg, Dg_dg = Dg_g[0], Dg_g[1]

    g_l, b_l = ln_g_l.reshape(1, D), ln_b_l.reshape(1, D)
    g_g, b_g = ln_g_g.reshape(1, D), ln_b_g.reshape(1, D)
    g_d, b_d = ln_g_d.reshape(1, D), ln_b_d.reshape(1, D)
    out_l = _update_call(True, N_L, h_lncRNA, S_gl, Dg_gl, S_dl, Dg_dl,
                         W_gl, W_dl, Ws_l, _pad_att(a_gl), _pad_att(a_dl),
                         g_l, b_l)
    out_g = _update_call(False, N_G, h_gene, S_lg, Dg_lg, S_dg, Dg_dg,
                         W_lg, W_dg, Ws_g, _pad_att(a_lg), _pad_att(a_dg),
                         g_g, b_g)
    out_d = _update_call(True, N_D, h_disease, S_gd, Dg_gd, S_ld, Dg_ld,
                         W_gd, W_ld, Ws_d, _pad_att(a_gd), _pad_att(a_ld),
                         g_d, b_d)
    return (out_l, out_g, out_d)

# --- scband reference (transcript-rebuilt; emitter-appended) ---
"""Pipeline reference for scband-heterogeneous-gnnlayer-11209864642593 (READ-ONLY COPY).

The authoritative reference and input builder live on the scoring server;
editing this copy changes nothing except your own understanding.
"""

import jax, jax.numpy as jnp
import numpy as np

EMB = 128
N_L = 10000
N_G = 50000
N_D = 10000
E = 100000
H = 4


def setup_inputs(seed: int = 0) -> dict:
    key = jax.random.key(seed)
    ks = jax.random.split(key, 40)
    inp = {}
    inp['h_lncRNA'] = jax.random.normal(ks[0], (N_L, EMB), dtype=jnp.float32)
    inp['h_gene'] = jax.random.normal(ks[1], (N_G, EMB), dtype=jnp.float32)
    inp['h_disease'] = jax.random.normal(ks[2], (N_D, EMB), dtype=jnp.float32)
    inp['src_lg'] = jax.random.randint(ks[3], (E,), 0, N_L)
    inp['dst_lg'] = jax.random.randint(ks[4], (E,), 0, N_G)
    inp['src_dg'] = jax.random.randint(ks[5], (E,), 0, N_D)
    inp['dst_dg'] = jax.random.randint(ks[6], (E,), 0, N_G)
    inp['src_gd'] = jax.random.randint(ks[7], (E,), 0, N_G)
    inp['dst_gd'] = jax.random.randint(ks[8], (E,), 0, N_D)
    inp['src_ld'] = jax.random.randint(ks[9], (E,), 0, N_L)
    inp['dst_ld'] = jax.random.randint(ks[10], (E,), 0, N_D)
    inp['src_gl'] = jax.random.randint(ks[11], (E,), 0, N_G)
    inp['dst_gl'] = jax.random.randint(ks[12], (E,), 0, N_L)
    inp['src_dl'] = jax.random.randint(ks[13], (E,), 0, N_D)
    inp['dst_dl'] = jax.random.randint(ks[14], (E,), 0, N_L)
    s = 1.0 / np.sqrt(EMB)
    wnames = ['W_lg', 'W_dg', 'W_gd', 'W_ld', 'W_gl', 'W_dl', 'Ws_l', 'Ws_g', 'Ws_d']
    for i, nm in enumerate(wnames):
        inp[nm] = jax.random.normal(ks[15 + i], (EMB, EMB), dtype=jnp.float32) * s
    anames = ['a_lg', 'a_dg', 'a_gd', 'a_ld', 'a_gl', 'a_dl']
    for i, nm in enumerate(anames):
        inp[nm] = jax.random.normal(ks[24 + i], (H, EMB), dtype=jnp.float32)
    for t in ['l', 'g', 'd']:
        inp['ln_g_' + t] = jnp.ones((EMB,), dtype=jnp.float32)
        inp['ln_b_' + t] = jnp.zeros((EMB,), dtype=jnp.float32)
    return inp


def _rel_msg(h_src, W, src_idx, dst_idx, num_dst):
    # message: gather src nodes, linear transform, scatter-add to dst, degree-normalize (D^-1 A)
    m = h_src[src_idx] @ W
    ssum = jax.ops.segment_sum(m, dst_idx, num_segments=num_dst)
    deg = jax.ops.segment_sum(jnp.ones(dst_idx.shape[0], dtype=jnp.float32), dst_idx, num_segments=num_dst)
    deg = jnp.where(deg == 0.0, 1.0, deg)
    return ssum / deg[:, None]


def _update(h_t, msgs, atts, Ws, ln_g, ln_b):
    # multi-head type-level attention over incoming relations + self transform + residual + LayerNorm + LeakyReLU
    msg_stack = jnp.stack(msgs, axis=1)            # [N, R, D]
    A = jnp.stack(atts, axis=0)                    # [R, H, D]
    scores = jnp.einsum('nrd,rhd->nhr', msg_stack, A) / (EMB ** 0.5)
    alpha = jax.nn.softmax(scores / 0.5, axis=-1)  # softmax over relations per head
    agg = jnp.einsum('nhr,nrd->nd', alpha, msg_stack) / float(alpha.shape[1])  # mean over heads
    h_up = h_t @ Ws + agg + h_t
    mu = jnp.mean(h_up, axis=-1, keepdims=True)
    var = jnp.var(h_up, axis=-1, keepdims=True)
    h_up = (h_up - mu) / jnp.sqrt(var + 1e-5) * ln_g + ln_b
    return jax.nn.leaky_relu(h_up, negative_slope=0.01)


def reference(h_lncRNA, h_gene, h_disease,
              src_lg, dst_lg, src_dg, dst_dg, src_gd, dst_gd,
              src_ld, dst_ld, src_gl, dst_gl, src_dl, dst_dl,
              W_lg, W_dg, W_gd, W_ld, W_gl, W_dl,
              Ws_l, Ws_g, Ws_d,
              a_lg, a_dg, a_gd, a_ld, a_gl, a_dl,
              ln_g_l, ln_b_l, ln_g_g, ln_b_g, ln_g_d, ln_b_d):
    m_lg = _rel_msg(h_lncRNA, W_lg, src_lg, dst_lg, N_G)
    m_dg = _rel_msg(h_disease, W_dg, src_dg, dst_dg, N_G)
    m_gd = _rel_msg(h_gene, W_gd, src_gd, dst_gd, N_D)
    m_ld = _rel_msg(h_lncRNA, W_ld, src_ld, dst_ld, N_D)
    m_gl = _rel_msg(h_gene, W_gl, src_gl, dst_gl, N_L)
    m_dl = _rel_msg(h_disease, W_dl, src_dl, dst_dl, N_L)
    out_l = _update(h_lncRNA, [m_gl, m_dl], [a_gl, a_dl], Ws_l, ln_g_l, ln_b_l)
    out_g = _update(h_gene, [m_lg, m_dg], [a_lg, a_dg], Ws_g, ln_g_g, ln_b_g)
    out_d = _update(h_disease, [m_gd, m_ld], [a_gd, a_ld], Ws_d, ln_g_d, ln_b_d)
    return (out_l, out_g, out_d)

if __name__ == "__main__":
    import jax
    _d = setup_inputs()
    print(jax.jit(kernel)(*tuple(_d.values())))

</pallas_src>

<mosaic_0001>
#map = affine_map<(d0, d1) -> (0, 0)>
#map1 = affine_map<(d0, d1) -> (0, 0, 0)>
module attributes {stable_mosaic.version = 14 : i64} {
  func.func @k(%arg0: i32, %arg1: i32, %arg2: memref<40000x32xf32, #tpu.memory_space<hbm>>, %arg3: memref<800x1x128xi32, #tpu.memory_space<hbm>>, %arg4: memref<800x1x128xi32, #tpu.memory_space<hbm>>, %arg5: memref<4x50176x32xf32, #tpu.memory_space<hbm>>, %arg6: memref<50176x32xf32, #tpu.memory_space<vmem_shared>>, %arg7: memref<50x1x128xi32, #tpu.memory_space<vmem>>, %arg8: memref<50x1x128xi32, #tpu.memory_space<vmem>>, %arg9: memref<50x1x128xi32, #tpu.memory_space<vmem>>, %arg10: memref<128x32xf32, #tpu.memory_space<vmem>>, %arg11: memref<64x32xf32, #tpu.memory_space<vmem>>, %arg12: memref<!tpu.dma_semaphore, #tpu.memory_space<semaphore_mem>>) attributes {dimension_semantics = [#tpu.dimension_semantics<core_parallel>, #tpu.dimension_semantics<subcore_parallel>], iteration_bounds = array<i64: 2, 16>, scalar_prefetch = 0 : i64, scratch_operands = 7 : i64, tpu.core_type = #tpu.core_type<sc_vector_subcore>, window_params = [{transform_indices = #map}, {transform_indices = #map1}, {transform_indices = #map1}, {transform_indices = #map1}]} {
    %broadcast_in_dim3A = arith.constant 0.000000e+00 : f32
    %broadcast_in_dim3A_0 = vector.broadcast %broadcast_in_dim3A : f32 to vector<16xf32>
    %scan3A = arith.constant 0 : i32
    %scan3A_1 = arith.constant 64 : i32
    %scan3A_2 = arith.addi %scan3A, %scan3A_1 : i32
    %scan3A_3 = arith.constant 1 : i32
    scf.for %scan3A_50 = %scan3A to %scan3A_2 step %scan3A_3  : i32 {
      %mul3A_51 = arith.constant 1 : i32
      %mul3A_52 = arith.muli %scan3A_50, %mul3A_51 : i32
      %add3A_53 = arith.constant 0 : i32
      %add3A_54 = arith.addi %add3A_53, %mul3A_52 : i32
      %swap3A = arith.index_cast %add3A_54 : i32 to index
      %swap3A_55 = arith.constant 0 : index
      %swap3A_56 = tpu.vector_load %arg11[%swap3A, %swap3A_55] {strides = array<i32>} : memref<64x32xf32, #tpu.memory_space<vmem>>, vector<1x16xf32>,
      %swap3A_57 = vector.shape_cast %swap3A_56 : vector<1x16xf32> to vector<16xf32>
      %swap3A_58 = vector.shape_cast %broadcast_in_dim3A_0 : vector<16xf32> to vector<1x16xf32>
      tpu.vector_store %arg11[%swap3A, %swap3A_55], %swap3A_58 {strides = array<i32>} : memref<64x32xf32, #tpu.memory_space<vmem>>, vector<1x16xf32>,
      %swap3A_59 = arith.index_cast %add3A_54 : i32 to index
      %swap3A_60 = arith.constant 16 : index
      %swap3A_61 = tpu.vector_load %arg11[%swap3A_59, %swap3A_60] {strides = array<i32>} : memref<64x32xf32, #tpu.memory_space<vmem>>, vector<1x16xf32>,
      %swap3A_62 = vector.shape_cast %swap3A_61 : vector<1x16xf32> to vector<16xf32>
      %swap3A_63 = vector.shape_cast %broadcast_in_dim3A_0 : vector<16xf32> to vector<1x16xf32>
      tpu.vector_store %arg11[%swap3A_59, %swap3A_60], %swap3A_63 {strides = array<i32>} : memref<64x32xf32, #tpu.memory_space<vmem>>, vector<1x16xf32>,
    }
    %scan3A_4 = arith.constant 64 : i32
    %mul3A = arith.constant 3136 : i32
    %mul3A_5 = arith.muli %arg1, %mul3A : i32
    %mul3A_6 = arith.constant 50 : i32
    %mul3A_7 = arith.muli %arg1, %mul3A_6 : i32
    "tpu.region"() ({
      %run_scoped3A = tpu.sem_alloc : memref<!tpu.dma_semaphore, #tpu.memory_space<semaphore_mem>>
      %dma_start3A = arith.constant 0 : i32
      %dma_start3A_50 = arith.constant 0 : i32
      %dma_start3A_51 = tpu.memref_slice %arg3[%mul3A_7, %dma_start3A, %dma_start3A_50] : memref<800x1x128xi32, #tpu.memory_space<hbm>> -> memref<50x1x128xi32, #tpu.memory_space<hbm>>
      %dma_start3A_52 = arith.constant 0 : i32
      %dma_start3A_53 = arith.constant 0 : i32
      %dma_start3A_54 = tpu.memref_slice %arg3[%mul3A_7, %dma_start3A_52, %dma_start3A_53] : memref<800x1x128xi32, #tpu.memory_space<hbm>> -> memref<50x1x128xi32, #tpu.memory_space<hbm>>
      tpu.enqueue_dma source(%dma_start3A_54 : memref<50x1x128xi32, #tpu.memory_space<hbm>>) target(%arg7 : memref<50x1x128xi32, #tpu.memory_space<vmem>>) target_semaphore(%run_scoped3A : memref<!tpu.dma_semaphore, #tpu.memory_space<semaphore_mem>>)
      %dma_wait3A = arith.constant 0 : i32
      %dma_wait3A_55 = arith.constant 0 : i32
      %dma_wait3A_56 = tpu.memref_slice %arg3[%mul3A_7, %dma_wait3A, %dma_wait3A_55] : memref<800x1x128xi32, #tpu.memory_space<hbm>> -> memref<50x1x128xi32, #tpu.memory_space<hbm>>
      %dma_wait3A_57 = arith.constant 0 : i32
      %dma_wait3A_58 = arith.constant 0 : i32
      %dma_wait3A_59 = tpu.memref_slice %arg3[%mul3A_7, %dma_wait3A_57, %dma_wait3A_58] : memref<800x1x128xi32, #tpu.memory_space<hbm>> -> memref<50x1x128xi32, #tpu.memory_space<hbm>>
      tpu.wait_dma2 semaphore(%run_scoped3A : memref<!tpu.dma_semaphore, #tpu.memory_space<semaphore_mem>>) src(%dma_wait3A_59 : memref<50x1x128xi32, #tpu.memory_space<hbm>>) dst(%arg7 : memref<50x1x128xi32, #tpu.memory_space<vmem>>)
      tpu.yield
    }) : () -> ()
    %mul3A_8 = arith.constant 50 : i32
    %mul3A_9 = arith.muli %arg1, %mul3A_8 : i32
    "tpu.region"() ({
      %run_scoped3A = tpu.sem_alloc : memref<!tpu.dma_semaphore, #tpu.memory_space<semaphore_mem>>
      %dma_start3A = arith.constant 0 : i32
      %dma_start3A_50 = arith.constant 0 : i32
      %dma_start3A_51 = tpu.memref_slice %arg4[%mul3A_9, %dma_start3A, %dma_start3A_50] : memref<800x1x128xi32, #tpu.memory_space<hbm>> -> memref<50x1x128xi32, #tpu.memory_space<hbm>>
      %dma_start3A_52 = arith.constant 0 : i32
      %dma_start3A_53 = arith.constant 0 : i32
      %dma_start3A_54 = tpu.memref_slice %arg4[%mul3A_9, %dma_start3A_52, %dma_start3A_53] : memref<800x1x128xi32, #tpu.memory_space<hbm>> -> memref<50x1x128xi32, #tpu.memory_space<hbm>>
      tpu.enqueue_dma source(%dma_start3A_54 : memref<50x1x128xi32, #tpu.memory_space<hbm>>) target(%arg9 : memref<50x1x128xi32, #tpu.memory_space<vmem>>) target_semaphore(%run_scoped3A : memref<!tpu.dma_semaphore, #tpu.memory_space<semaphore_mem>>)
      %dma_wait3A = arith.constant 0 : i32
      %dma_wait3A_55 = arith.constant 0 : i32
      %dma_wait3A_56 = tpu.memref_slice %arg4[%mul3A_9, %dma_wait3A, %dma_wait3A_55] : memref<800x1x128xi32, #tpu.memory_space<hbm>> -> memref<50x1x128xi32, #tpu.memory_space<hbm>>
      %dma_wait3A_57 = arith.constant 0 : i32
      %dma_wait3A_58 = arith.constant 0 : i32
      %dma_wait3A_59 = tpu.memref_slice %arg4[%mul3A_9, %dma_wait3A_57, %dma_wait3A_58] : memref<800x1x128xi32, #tpu.memory_space<hbm>> -> memref<50x1x128xi32, #tpu.memory_space<hbm>>
      tpu.wait_dma2 semaphore(%run_scoped3A : memref<!tpu.dma_semaphore, #tpu.memory_space<semaphore_mem>>) src(%dma_wait3A_59 : memref<50x1x128xi32, #tpu.memory_space<hbm>>) dst(%arg9 : memref<50x1x128xi32, #tpu.memory_space<vmem>>)
      tpu.yield
    }) : () -> ()
    %mul3A_10 = arith.constant 2 : i32
    %mul3A_11 = arith.muli %arg0, %mul3A_10 : i32
    %add3A = arith.constant 0 : i32
    %add3A_12 = arith.addi %mul3A_11, %add3A : i32
    %scan3A_13 = arith.constant 0 : i32
    %scan3A_14 = arith.constant 49 : i32
    %scan3A_15 = arith.addi %scan3A_13, %scan3A_14 : i32
    %scan3A_16 = arith.constant 1 : i32
    scf.for %scan3A_50 = %scan3A_13 to %scan3A_15 step %scan3A_16  : i32 {
      %mul3A_51 = arith.constant 1 : i32
      %mul3A_52 = arith.muli %scan3A_50, %mul3A_51 : i32
      %add3A_53 = arith.constant 0 : i32
      %add3A_54 = arith.addi %add3A_53, %mul3A_52 : i32
      %mul3A_55 = arith.constant 64 : i32
      %mul3A_56 = arith.muli %add3A_54, %mul3A_55 : i32
      %add3A_57 = arith.addi %mul3A_5, %mul3A_56 : i32
      "tpu.region"() ({
        %run_scoped3A = tpu.sem_alloc : memref<!tpu.dma_semaphore, #tpu.memory_space<semaphore_mem>>
        %dma_start3A = arith.constant 0 : i32
        %dma_start3A_58 = tpu.memref_slice %arg6[%add3A_57, %dma_start3A] : memref<50176x32xf32, #tpu.memory_space<vmem_shared>> -> memref<64x32xf32, #tpu.memory_space<vmem_shared>>
        %dma_start3A_59 = arith.constant 0 : i32
        %dma_start3A_60 = tpu.memref_slice %arg6[%add3A_57, %dma_start3A_59] : memref<50176x32xf32, #tpu.memory_space<vmem_shared>> -> memref<64x32xf32, #tpu.memory_space<vmem_shared>>
        tpu.enqueue_dma source(%arg11 : memref<64x32xf32, #tpu.memory_space<vmem>>) target(%dma_start3A_60 : memref<64x32xf32, #tpu.memory_space<vmem_shared>>) target_semaphore(%run_scoped3A : memref<!tpu.dma_semaphore, #tpu.memory_space<semaphore_mem>>)
        %dma_wait3A = arith.constant 0 : i32
        %dma_wait3A_61 = tpu.memref_slice %arg6[%add3A_57, %dma_wait3A] : memref<50176x32xf32, #tpu.memory_space<vmem_shared>> -> memref<64x32xf32, #tpu.memory_space<vmem_shared>>
        %dma_wait3A_62 = arith.constant 0 : i32
        %dma_wait3A_63 = tpu.memref_slice %arg6[%add3A_57, %dma_wait3A_62] : memref<50176x32xf32, #tpu.memory_space<vmem_shared>> -> memref<64x32xf32, #tpu.memory_space<vmem_shared>>
        tpu.wait_dma2 semaphore(%run_scoped3A : memref<!tpu.dma_semaphore, #tpu.memory_space<semaphore_mem>>) src(%arg11 : memref<64x32xf32, #tpu.memory_space<vmem>>) dst(%dma_wait3A_63 : memref<64x32xf32, #tpu.memory_space<vmem_shared>>)
        tpu.yield
      }) : () -> ()
    }
    %scan3A_17 = arith.constant 49 : i32
    %scan3A_18 = arith.constant 0 : i32
    %scan3A_19 = arith.constant 50 : i32
    %scan3A_20 = arith.addi %scan3A_18, %scan3A_19 : i32
    %scan3A_21 = arith.constant 1 : i32
    scf.for %scan3A_50 = %scan3A_18 to %scan3A_20 step %scan3A_21  : i32 {
      %mul3A_51 = arith.constant 1 : i32
      %mul3A_52 = arith.muli %scan3A_50, %mul3A_51 : i32
      %add3A_53 = arith.constant 0 : i32
      %add3A_54 = arith.addi %add3A_53, %mul3A_52 : i32
      %get3A = arith.constant 0 : i32
      %get3A_55 = arith.index_cast %add3A_54 : i32 to index
      %get3A_56 = arith.index_cast %get3A : i32 to index
      %get3A_57 = arith.constant 0 : index
      %get3A_58 = tpu.vector_load %arg7[%get3A_55, %get3A_56, %get3A_57] {strides = array<i32>} : memref<50x1x128xi32, #tpu.memory_space<vmem>>, vector<1x1x16xi32>,
      %get3A_59 = vector.shape_cast %get3A_58 : vector<1x1x16xi32> to vector<16xi32>
      %mul3A_60 = arith.constant 4 : i32
      %mul3A_61 = vector.broadcast %mul3A_60 : i32 to vector<16xi32>
      %mul3A_62 = arith.muli %get3A_59, %mul3A_61 : vector<16xi32>
      %add3A_63 = vector.broadcast %add3A_12 : i32 to vector<16xi32>
      %add3A_64 = arith.addi %mul3A_62, %add3A_63 : vector<16xi32>
      %swap3A = arith.constant 0 : i32
      %swap3A_65 = arith.index_cast %add3A_54 : i32 to index
      %swap3A_66 = arith.index_cast %swap3A : i32 to index
      %swap3A_67 = arith.constant 0 : index
      %swap3A_68 = tpu.vector_load %arg8[%swap3A_65, %swap3A_66, %swap3A_67] {strides = array<i32>} : memref<50x1x128xi32, #tpu.memory_space<vmem>>, vector<1x1x16xi32>,
      %swap3A_69 = vector.shape_cast %swap3A_68 : vector<1x1x16xi32> to vector<16xi32>
      %swap3A_70 = vector.shape_cast %add3A_64 : vector<16xi32> to vector<1x1x16xi32>
      tpu.vector_store %arg8[%swap3A_65, %swap3A_66, %swap3A_67], %swap3A_70 {strides = array<i32>} : memref<50x1x128xi32, #tpu.memory_space<vmem>>, vector<1x1x16xi32>,
      %get3A_71 = arith.constant 0 : i32
      %get3A_72 = arith.index_cast %add3A_54 : i32 to index
      %get3A_73 = arith.index_cast %get3A_71 : i32 to index
      %get3A_74 = arith.constant 16 : index
      %get3A_75 = tpu.vector_load %arg7[%get3A_72, %get3A_73, %get3A_74] {strides = array<i32>} : memref<50x1x128xi32, #tpu.memory_space<vmem>>, vector<1x1x16xi32>,
      %get3A_76 = vector.shape_cast %get3A_75 : vector<1x1x16xi32> to vector<16xi32>
      %mul3A_77 = arith.constant 4 : i32
      %mul3A_78 = vector.broadcast %mul3A_77 : i32 to vector<16xi32>
      %mul3A_79 = arith.muli %get3A_76, %mul3A_78 : vector<16xi32>
      %add3A_80 = vector.broadcast %add3A_12 : i32 to vector<16xi32>
      %add3A_81 = arith.addi %mul3A_79, %add3A_80 : vector<16xi32>
      %swap3A_82 = arith.constant 0 : i32
      %swap3A_83 = arith.index_cast %add3A_54 : i32 to index
      %swap3A_84 = arith.index_cast %swap3A_82 : i32 to index
      %swap3A_85 = arith.constant 16 : index
      %swap3A_86 = tpu.vector_load %arg8[%swap3A_83, %swap3A_84, %swap3A_85] {strides = array<i32>} : memref<50x1x128xi32, #tpu.memory_space<vmem>>, vector<1x1x16xi32>,
      %swap3A_87 = vector.shape_cast %swap3A_86 : vector<1x1x16xi32> to vector<16xi32>
      %swap3A_88 = vector.shape_cast %add3A_81 : vector<16xi32> to vector<1x1x16xi32>
      tpu.vector_store %arg8[%swap3A_83, %swap3A_84, %swap3A_85], %swap3A_88 {strides = array<i32>} : memref<50x1x128xi32, #tpu.memory_space<vmem>>, vector<1x1x16xi32>,
      %get3A_89 = arith.constant 0 : i32
      %get3A_90 = arith.index_cast %add3A_54 : i32 to index
      %get3A_91 = arith.index_cast %get3A_89 : i32 to index
      %get3A_92 = arith.constant 32 : index
      %get3A_93 = tpu.vector_load %arg7[%get3A_90, %get3A_91, %get3A_92] {strides = array<i32>} : memref<50x1x128xi32, #tpu.memory_space<vmem>>, vector<1x1x16xi32>,
      %get3A_94 = vector.shape_cast %get3A_93 : vector<1x1x16xi32> to vector<16xi32>
      %mul3A_95 = arith.constant 4 : i32
      %mul3A_96 = vector.broadcast %mul3A_95 : i32 to vector<16xi32>
      %mul3A_97 = arith.muli %get3A_94, %mul3A_96 : vector<16xi32>
      %add3A_98 = vector.broadcast %add3A_12 : i32 to vector<16xi32>
      %add3A_99 = arith.addi %mul3A_97, %add3A_98 : vector<16xi32>
      %swap3A_100 = arith.constant 0 : i32
      %swap3A_101 = arith.index_cast %add3A_54 : i32 to index
      %swap3A_102 = arith.index_cast %swap3A_100 : i32 to index
      %swap3A_103 = arith.constant 32 : index
      %swap3A_104 = tpu.vector_load %arg8[%swap3A_101, %swap3A_102, %swap3A_103] {strides = array<i32>} : memref<50x1x128xi32, #tpu.memory_space<vmem>>, vector<1x1x16xi32>,
      %swap3A_105 = vector.shape_cast %swap3A_104 : vector<1x1x16xi32> to vector<16xi32>
      %swap3A_106 = vector.shape_cast %add3A_99 : vector<16xi32> to vector<1x1x16xi32>
      tpu.vector_store %arg8[%swap3A_101, %swap3A_102, %swap3A_103], %swap3A_106 {strides = array<i32>} : memref<50x1x128xi32, #tpu.memory_space<vmem>>, vector<1x1x16xi32>,
      %get3A_107 = arith.constant 0 : i32
      %get3A_108 = arith.index_cast %add3A_54 : i32 to index
      %get3A_109 = arith.index_cast %get3A_107 : i32 to index
      %get3A_110 = arith.constant 48 : index
      %get3A_111 = tpu.vector_load %arg7[%get3A_108, %get3A_109, %get3A_110] {strides = array<i32>} : memref<50x1x128xi32, #tpu.memory_space<vmem>>, vector<1x1x16xi32>,
      %get3A_112 = vector.shape_cast %get3A_111 : vector<1x1x16xi32> to vector<16xi32>
      %mul3A_113 = arith.constant 4 : i32
      %mul3A_114 = vector.broadcast %mul3A_113 : i32 to vector<16xi32>
      %mul3A_115 = arith.muli %get3A_112, %mul3A_114 : vector<16xi32>
      %add3A_116 = vector.broadcast %add3A_12 : i32 to vector<16xi32>
      %add3A_117 = arith.addi %mul3A_115, %add3A_116 : vector<16xi32>
      %swap3A_118 = arith.constant 0 : i32
      %swap3A_119 = arith.index_cast %add3A_54 : i32 to index
      %swap3A_120 = arith.index_cast %swap3A_118 : i32 to index
      %swap3A_121 = arith.constant 48 : index
      %swap3A_122 = tpu.vector_load %arg8[%swap3A_119, %swap3A_120, %swap3A_121] {strides = array<i32>} : memref<50x1x128xi32, #tpu.memory_space<vmem>>, vector<1x1x16xi32>,
      %swap3A_123 = vector.shape_cast %swap3A_122 : vector<1x1x16xi32> to vector<16xi32>
      %swap3A_124 = vector.shape_cast %add3A_117 : vector<16xi32> to vector<1x1x16xi32>
      tpu.vector_store %arg8[%swap3A_119, %swap3A_120, %swap3A_121], %swap3A_124 {strides = array<i32>} : memref<50x1x128xi32, #tpu.memory_space<vmem>>, vector<1x1x16xi32>,
      %get3A_125 = arith.constant 0 : i32
      %get3A_126 = arith.index_cast %add3A_54 : i32 to index
      %get3A_127 = arith.index_cast %get3A_125 : i32 to index
      %get3A_128 = arith.constant 64 : index
      %get3A_129 = tpu.vector_load %arg7[%get3A_126, %get3A_127, %get3A_128] {strides = array<i32>} : memref<50x1x128xi32, #tpu.memory_space<vmem>>, vector<1x1x16xi32>,
      %get3A_130 = vector.shape_cast %get3A_129 : vector<1x1x16xi32> to vector<16xi32>
      %mul3A_131 = arith.constant 4 : i32
      %mul3A_132 = vector.broadcast %mul3A_131 : i32 to vector<16xi32>
      %mul3A_133 = arith.muli %get3A_130, %mul3A_132 : vector<16xi32>
      %add3A_134 = vector.broadcast %add3A_12 : i32 to vector<16xi32>
      %add3A_135 = arith.addi %mul3A_133, %add3A_134 : vector<16xi32>
      %swap3A_136 = arith.constant 0 : i32
      %swap3A_137 = arith.index_cast %add3A_54 : i32 to index
      %swap3A_138 = arith.index_cast %swap3A_136 : i32 to index
      %swap3A_139 = arith.constant 64 : index
      %swap3A_140 = tpu.vector_load %arg8[%swap3A_137, %swap3A_138, %swap3A_139] {strides = array<i32>} : memref<50x1x128xi32, #tpu.memory_space<vmem>>, vector<1x1x16xi32>,
      %swap3A_141 = vector.shape_cast %swap3A_140 : vector<1x1x16xi32> to vector<16xi32>
      %swap3A_142 = vector.shape_cast %add3A_135 : vector<16xi32> to vector<1x1x16xi32>
      tpu.vector_store %arg8[%swap3A_137, %swap3A_138, %swap3A_139], %swap3A_142 {strides = array<i32>} : memref<50x1x128xi32, #tpu.memory_space<vmem>>, vector<1x1x16xi32>,
      %get3A_143 = arith.constant 0 : i32
      %get3A_144 = arith.index_cast %add3A_54 : i32 to index
      %get3A_145 = arith.index_cast %get3A_143 : i32 to index
      %get3A_146 = arith.constant 80 : index
      %get3A_147 = tpu.vector_load %arg7[%get3A_144, %get3A_145, %get3A_146] {strides = array<i32>} : memref<50x1x128xi32, #tpu.memory_space<vmem>>, vector<1x1x16xi32>,
      %get3A_148 = vector.shape_cast %get3A_147 : vector<1x1x16xi32> to vector<16xi32>
      %mul3A_149 = arith.constant 4 : i32
      %mul3A_150 = vector.broadcast %mul3A_149 : i32 to vector<16xi32>
      %mul3A_151 = arith.muli %get3A_148, %mul3A_150 : vector<16xi32>
      %add3A_152 = vector.broadcast %add3A_12 : i32 to vector<16xi32>
      %add3A_153 = arith.addi %mul3A_151, %add3A_152 : vector<16xi32>
      %swap3A_154 = arith.constant 0 : i32
      %swap3A_155 = arith.index_cast %add3A_54 : i32 to index
      %swap3A_156 = arith.index_cast %swap3A_154 : i32 to index
      %swap3A_157 = arith.constant 80 : index
      %swap3A_158 = tpu.vector_load %arg8[%swap3A_155, %swap3A_156, %swap3A_157] {strides = array<i32>} : memref<50x1x128xi32, #tpu.memory_space<vmem>>, vector<1x1x16xi32>,
      %swap3A_159 = vector.shape_cast %swap3A_158 : vector<1x1x16xi32> to vector<16xi32>
      %swap3A_160 = vector.shape_cast %add3A_153 : vector<16xi32> to vector<1x1x16xi32>
      tpu.vector_store %arg8[%swap3A_155, %swap3A_156, %swap3A_157], %swap3A_160 {strides = array<i32>} : memref<50x1x128xi32, #tpu.memory_space<vmem>>, vector<1x1x16xi32>,
      %get3A_161 = arith.constant 0 : i32
      %get3A_162 = arith.index_cast %add3A_54 : i32 to index
      %get3A_163 = arith.index_cast %get3A_161 : i32 to index
      %get3A_164 = arith.constant 96 : index
      %get3A_165 = tpu.vector_load %arg7[%get3A_162, %get3A_163, %get3A_164] {strides = array<i32>} : memref<50x1x128xi32, #tpu.memory_space<vmem>>, vector<1x1x16xi32>,
      %get3A_166 = vector.shape_cast %get3A_165 : vector<1x1x16xi32> to vector<16xi32>
      %mul3A_167 = arith.constant 4 : i32
      %mul3A_168 = vector.broadcast %mul3A_167 : i32 to vector<16xi32>
      %mul3A_169 = arith.muli %get3A_166, %mul3A_168 : vector<16xi32>
      %add3A_170 = vector.broadcast %add3A_12 : i32 to vector<16xi32>
      %add3A_171 = arith.addi %mul3A_169, %add3A_170 : vector<16xi32>
      %swap3A_172 = arith.constant 0 : i32
      %swap3A_173 = arith.index_cast %add3A_54 : i32 to index
      %swap3A_174 = arith.index_cast %swap3A_172 : i32 to index
      %swap3A_175 = arith.constant 96 : index
      %swap3A_176 = tpu.vector_load %arg8[%swap3A_173, %swap3A_174, %swap3A_175] {strides = array<i32>} : memref<50x1x128xi32, #tpu.memory_space<vmem>>, vector<1x1x16xi32>,
      %swap3A_177 = vector.shape_cast %swap3A_176 : vector<1x1x16xi32> to vector<16xi32>
      %swap3A_178 = vector.shape_cast %add3A_171 : vector<16xi32> to vector<1x1x16xi32>
      tpu.vector_store %arg8[%swap3A_173, %swap3A_174, %swap3A_175], %swap3A_178 {strides = array<i32>} : memref<50x1x128xi32, #tpu.memory_space<vmem>>, vector<1x1x16xi32>,
      %get3A_179 = arith.constant 0 : i32
      %get3A_180 = arith.index_cast %add3A_54 : i32 to index
      %get3A_181 = arith.index_cast %get3A_179 : i32 to index
      %get3A_182 = arith.constant 112 : index
      %get3A_183 = tpu.vector_load %arg7[%get3A_180, %get3A_181, %get3A_182] {strides = array<i32>} : memref<50x1x128xi32, #tpu.memory_space<vmem>>, vector<1x1x16xi32>,
      %get3A_184 = vector.shape_cast %get3A_183 : vector<1x1x16xi32> to vector<16xi32>
      %mul3A_185 = arith.constant 4 : i32
      %mul3A_186 = vector.broadcast %mul3A_185 : i32 to vector<16xi32>
      %mul3A_187 = arith.muli %get3A_184, %mul3A_186 : vector<16xi32>
      %add3A_188 = vector.broadcast %add3A_12 : i32 to vector<16xi32>
      %add3A_189 = arith.addi %mul3A_187, %add3A_188 : vector<16xi32>
      %swap3A_190 = arith.constant 0 : i32
      %swap3A_191 = arith.index_cast %add3A_54 : i32 to index
      %swap3A_192 = arith.index_cast %swap3A_190 : i32 to index
      %swap3A_193 = arith.constant 112 : index
      %swap3A_194 = tpu.vector_load %arg8[%swap3A_191, %swap3A_192, %swap3A_193] {strides = array<i32>} : memref<50x1x128xi32, #tpu.memory_space<vmem>>, vector<1x1x16xi32>,
      %swap3A_195 = vector.shape_cast %swap3A_194 : vector<1x1x16xi32> to vector<16xi32>
      %swap3A_196 = vector.shape_cast %add3A_189 : vector<16xi32> to vector<1x1x16xi32>
      tpu.vector_store %arg8[%swap3A_191, %swap3A_192, %swap3A_193], %swap3A_196 {strides = array<i32>} : memref<50x1x128xi32, #tpu.memory_space<vmem>>, vector<1x1x16xi32>,
    }
    %scan3A_22 = arith.constant 50 : i32
    %barrier3A = arith.constant 0 : index
    tpu.barrier barrier_id(%barrier3A)
    %scan3A_23 = arith.constant 0 : i32
    %scan3A_24 = arith.constant 50 : i32
    %scan3A_25 = arith.addi %scan3A_23, %scan3A_24 : i32
    %scan3A_26 = arith.constant 1 : i32
    scf.for %scan3A_50 = %scan3A_23 to %scan3A_25 step %scan3A_26  : i32 {
      %mul3A_51 = arith.constant 1 : i32
      %mul3A_52 = arith.muli %scan3A_50, %mul3A_51 : i32
      %add3A_53 = arith.constant 0 : i32
      %add3A_54 = arith.addi %add3A_53, %mul3A_52 : i32
      %dma_start3A = arith.constant 0 : i32
      %dma_start3A_55 = arith.constant 0 : i32
      %dma_start3A_56 = tpu.memref_slice %arg8[%add3A_54, %dma_start3A, %dma_start3A_55] : memref<50x1x128xi32, #tpu.memory_space<vmem>> -> memref<1x1x128xi32, #tpu.memory_space<vmem>>
      %dma_start3A_57 = tpu.memref_squeeze %dma_start3A_56 : memref<1x1x128xi32, #tpu.memory_space<vmem>> -> memref<128xi32, #tpu.memory_space<vmem>>
      %dma_start3A_58 = arith.constant 0 : i32
      %dma_start3A_59 = arith.constant 0 : i32
      %dma_start3A_60 = tpu.memref_slice %arg2[%dma_start3A_58, %dma_start3A_59] : memref<40000x32xf32, #tpu.memory_space<hbm>> -> memref<40000x32xf32, #tpu.memory_space<hbm>>
      tpu.enqueue_indirect_dma source(%dma_start3A_60 : memref<40000x32xf32, #tpu.memory_space<hbm>>) target(%arg10 : memref<128x32xf32, #tpu.memory_space<vmem>>) offsets(%dma_start3A_57 : memref<128xi32, #tpu.memory_space<vmem>>) semaphore(%arg12 : memref<!tpu.dma_semaphore, #tpu.memory_space<semaphore_mem>>)
      %dma_wait3A = arith.constant 0 : i32
      %dma_wait3A_61 = arith.constant 0 : i32
      %dma_wait3A_62 = tpu.memref_slice %arg8[%add3A_54, %dma_wait3A, %dma_wait3A_61] : memref<50x1x128xi32, #tpu.memory_space<vmem>> -> memref<1x1x128xi32, #tpu.memory_space<vmem>>
      %dma_wait3A_63 = tpu.memref_squeeze %dma_wait3A_62 : memref<1x1x128xi32, #tpu.memory_space<vmem>> -> memref<128xi32, #tpu.memory_space<vmem>>
      %dma_wait3A_64 = arith.constant 0 : i32
      %dma_wait3A_65 = arith.constant 0 : i32
      %dma_wait3A_66 = tpu.memref_slice %arg2[%dma_wait3A_64, %dma_wait3A_65] : memref<40000x32xf32, #tpu.memory_space<hbm>> -> memref<40000x32xf32, #tpu.memory_space<hbm>>
      tpu.wait_indirect_dma semaphore(%arg12 : memref<!tpu.dma_semaphore, #tpu.memory_space<semaphore_mem>>) src(%dma_wait3A_66 : memref<40000x32xf32, #tpu.memory_space<hbm>>) dst(%arg10 : memref<128x32xf32, #tpu.memory_space<vmem>>)
      %run_scoped3A = arith.constant 0 : i32
      "tpu.region"() ({
        %run_scoped3A_67 = tpu.sem_alloc : memref<!tpu.dma_semaphore, #tpu.memory_space<semaphore_mem>>
        %dma_start3A_68 = arith.constant 0 : i32
        %dma_start3A_69 = tpu.memref_slice %arg9[%add3A_54, %run_scoped3A, %dma_start3A_68] : memref<50x1x128xi32, #tpu.memory_space<vmem>> -> memref<1x1x128xi32, #tpu.memory_space<vmem>>
        %dma_start3A_70 = tpu.memref_squeeze %dma_start3A_69 : memref<1x1x128xi32, #tpu.memory_space<vmem>> -> memref<128xi32, #tpu.memory_space<vmem>>
        %dma_start3A_71 = arith.constant 0 : i32
        %dma_start3A_72 = arith.constant 0 : i32
        %dma_start3A_73 = tpu.memref_slice %arg6[%dma_start3A_71, %dma_start3A_72] : memref<50176x32xf32, #tpu.memory_space<vmem_shared>> -> memref<50176x32xf32, #tpu.memory_space<vmem_shared>>
        tpu.enqueue_indirect_dma source(%arg10 : memref<128x32xf32, #tpu.memory_space<vmem>>) target(%dma_start3A_73 : memref<50176x32xf32, #tpu.memory_space<vmem_shared>>) offsets(%dma_start3A_70 : memref<128xi32, #tpu.memory_space<vmem>>) semaphore(%run_scoped3A_67 : memref<!tpu.dma_semaphore, #tpu.memory_space<semaphore_mem>>) {add = true}
        %dma_wait3A_74 = arith.constant 0 : i32
        %dma_wait3A_75 = tpu.memref_slice %arg9[%add3A_54, %run_scoped3A, %dma_wait3A_74] : memref<50x1x128xi32, #tpu.memory_space<vmem>> -> memref<1x1x128xi32, #tpu.memory_space<vmem>>
        %dma_wait3A_76 = tpu.memref_squeeze %dma_wait3A_75 : memref<1x1x128xi32, #tpu.memory_space<vmem>> -> memref<128xi32, #tpu.memory_space<vmem>>
        %dma_wait3A_77 = arith.constant 0 : i32
        %dma_wait3A_78 = arith.constant 0 : i32
        %dma_wait3A_79 = tpu.memref_slice %arg6[%dma_wait3A_77, %dma_wait3A_78] : memref<50176x32xf32, #tpu.memory_space<vmem_shared>> -> memref<50176x32xf32, #tpu.memory_space<vmem_shared>>
        tpu.wait_indirect_dma semaphore(%run_scoped3A_67 : memref<!tpu.dma_semaphore, #tpu.memory_space<semaphore_mem>>) src(%arg10 : memref<128x32xf32, #tpu.memory_space<vmem>>) dst(%dma_wait3A_79 : memref<50176x32xf32, #tpu.memory_space<vmem_shared>>)
        tpu.yield
      }) : () -> ()
    }
    %scan3A_27 = arith.constant 50 : i32
    %barrier3A_28 = arith.constant 0 : index
    tpu.barrier barrier_id(%barrier3A_28)
    "tpu.region"() ({
      %run_scoped3A = tpu.sem_alloc : memref<!tpu.dma_semaphore, #tpu.memory_space<semaphore_mem>>
      %dma_start3A = arith.constant 0 : i32
      %dma_start3A_50 = tpu.memref_slice %arg5[%add3A_12, %mul3A_5, %dma_start3A] : memref<4x50176x32xf32, #tpu.memory_space<hbm>> -> memref<1x3136x32xf32, #tpu.memory_space<hbm>>
      %dma_start3A_51 = tpu.memref_squeeze %dma_start3A_50 : memref<1x3136x32xf32, #tpu.memory_space<hbm>> -> memref<3136x32xf32, #tpu.memory_space<hbm>>
      %dma_start3A_52 = arith.constant 0 : i32
      %dma_start3A_53 = tpu.memref_slice %arg6[%mul3A_5, %dma_start3A_52] : memref<50176x32xf32, #tpu.memory_space<vmem_shared>> -> memref<3136x32xf32, #tpu.memory_space<vmem_shared>>
      tpu.enqueue_dma source(%dma_start3A_53 : memref<3136x32xf32, #tpu.memory_space<vmem_shared>>) target(%dma_start3A_51 : memref<3136x32xf32, #tpu.memory_space<hbm>>) target_semaphore(%run_scoped3A : memref<!tpu.dma_semaphore, #tpu.memory_space<semaphore_mem>>)
      %dma_wait3A = arith.constant 0 : i32
      %dma_wait3A_54 = tpu.memref_slice %arg5[%add3A_12, %mul3A_5, %dma_wait3A] : memref<4x50176x32xf32, #tpu.memory_space<hbm>> -> memref<1x3136x32xf32, #tpu.memory_space<hbm>>
      %dma_wait3A_55 = tpu.memref_squeeze %dma_wait3A_54 : memref<1x3136x32xf32, #tpu.memory_space<hbm>> -> memref<3136x32xf32, #tpu.memory_space<hbm>>
      %dma_wait3A_56 = arith.constant 0 : i32
      %dma_wait3A_57 = tpu.memref_slice %arg6[%mul3A_5, %dma_wait3A_56] : memref<50176x32xf32, #tpu.memory_space<vmem_shared>> -> memref<3136x32xf32, #tpu.memory_space<vmem_shared>>
      tpu.wait_dma2 semaphore(%run_scoped3A : memref<!tpu.dma_semaphore, #tpu.memory_space<semaphore_mem>>) src(%dma_wait3A_57 : memref<3136x32xf32, #tpu.memory_space<vmem_shared>>) dst(%dma_wait3A_55 : memref<3136x32xf32, #tpu.memory_space<hbm>>)
      tpu.yield
    }) : () -> ()
    %mul3A_29 = arith.constant 2 : i32
    %mul3A_30 = arith.muli %arg0, %mul3A_29 : i32
    %add3A_31 = arith.constant 1 : i32
    %add3A_32 = arith.addi %mul3A_30, %add3A_31 : i32
    %scan3A_33 = arith.constant 0 : i32
    %scan3A_34 = arith.constant 49 : i32
    %scan3A_35 = arith.addi %scan3A_33, %scan3A_34 : i32
    %scan3A_36 = arith.constant 1 : i32
    scf.for %scan3A_50 = %scan3A_33 to %scan3A_35 step %scan3A_36  : i32 {
      %mul3A_51 = arith.constant 1 : i32
      %mul3A_52 = arith.muli %scan3A_50, %mul3A_51 : i32
      %add3A_53 = arith.constant 0 : i32
      %add3A_54 = arith.addi %add3A_53, %mul3A_52 : i32
      %mul3A_55 = arith.constant 64 : i32
      %mul3A_56 = arith.muli %add3A_54, %mul3A_55 : i32
      %add3A_57 = arith.addi %mul3A_5, %mul3A_56 : i32
      "tpu.region"() ({
        %run_scoped3A = tpu.sem_alloc : memref<!tpu.dma_semaphore, #tpu.memory_space<semaphore_mem>>
        %dma_start3A = arith.constant 0 : i32
        %dma_start3A_58 = tpu.memref_slice %arg6[%add3A_57, %dma_start3A] : memref<50176x32xf32, #tpu.memory_space<vmem_shared>> -> memref<64x32xf32, #tpu.memory_space<vmem_shared>>
        %dma_start3A_59 = arith.constant 0 : i32
        %dma_start3A_60 = tpu.memref_slice %arg6[%add3A_57, %dma_start3A_59] : memref<50176x32xf32, #tpu.memory_space<vmem_shared>> -> memref<64x32xf32, #tpu.memory_space<vmem_shared>>
        tpu.enqueue_dma source(%arg11 : memref<64x32xf32, #tpu.memory_space<vmem>>) target(%dma_start3A_60 : memref<64x32xf32, #tpu.memory_space<vmem_shared>>) target_semaphore(%run_scoped3A : memref<!tpu.dma_semaphore, #tpu.memory_space<semaphore_mem>>)
        %dma_wait3A = arith.constant 0 : i32
        %dma_wait3A_61 = tpu.memref_slice %arg6[%add3A_57, %dma_wait3A] : memref<50176x32xf32, #tpu.memory_space<vmem_shared>> -> memref<64x32xf32, #tpu.memory_space<vmem_shared>>
        %dma_wait3A_62 = arith.constant 0 : i32
        %dma_wait3A_63 = tpu.memref_slice %arg6[%add3A_57, %dma_wait3A_62] : memref<50176x32xf32, #tpu.memory_space<vmem_shared>> -> memref<64x32xf32, #tpu.memory_space<vmem_shared>>
        tpu.wait_dma2 semaphore(%run_scoped3A : memref<!tpu.dma_semaphore, #tpu.memory_space<semaphore_mem>>) src(%arg11 : memref<64x32xf32, #tpu.memory_space<vmem>>) dst(%dma_wait3A_63 : memref<64x32xf32, #tpu.memory_space<vmem_shared>>)
        tpu.yield
      }) : () -> ()
    }
    %scan3A_37 = arith.constant 49 : i32
    %scan3A_38 = arith.constant 0 : i32
    %scan3A_39 = arith.constant 50 : i32
    %scan3A_40 = arith.addi %scan3A_38, %scan3A_39 : i32
    %scan3A_41 = arith.constant 1 : i32
    scf.for %scan3A_50 = %scan3A_38 to %scan3A_40 step %scan3A_41  : i32 {
      %mul3A_51 = arith.constant 1 : i32
      %mul3A_52 = arith.muli %scan3A_50, %mul3A_51 : i32
      %add3A_53 = arith.constant 0 : i32
      %add3A_54 = arith.addi %add3A_53, %mul3A_52 : i32
      %get3A = arith.constant 0 : i32
      %get3A_55 = arith.index_cast %add3A_54 : i32 to index
      %get3A_56 = arith.index_cast %get3A : i32 to index
      %get3A_57 = arith.constant 0 : index
      %get3A_58 = tpu.vector_load %arg7[%get3A_55, %get3A_56, %get3A_57] {strides = array<i32>} : memref<50x1x128xi32, #tpu.memory_space<vmem>>, vector<1x1x16xi32>,
      %get3A_59 = vector.shape_cast %get3A_58 : vector<1x1x16xi32> to vector<16xi32>
      %mul3A_60 = arith.constant 4 : i32
      %mul3A_61 = vector.broadcast %mul3A_60 : i32 to vector<16xi32>
      %mul3A_62 = arith.muli %get3A_59, %mul3A_61 : vector<16xi32>
      %add3A_63 = vector.broadcast %add3A_32 : i32 to vector<16xi32>
      %add3A_64 = arith.addi %mul3A_62, %add3A_63 : vector<16xi32>
      %swap3A = arith.constant 0 : i32
      %swap3A_65 = arith.index_cast %add3A_54 : i32 to index
      %swap3A_66 = arith.index_cast %swap3A : i32 to index
      %swap3A_67 = arith.constant 0 : index
      %swap3A_68 = tpu.vector_load %arg8[%swap3A_65, %swap3A_66, %swap3A_67] {strides = array<i32>} : memref<50x1x128xi32, #tpu.memory_space<vmem>>, vector<1x1x16xi32>,
      %swap3A_69 = vector.shape_cast %swap3A_68 : vector<1x1x16xi32> to vector<16xi32>
      %swap3A_70 = vector.shape_cast %add3A_64 : vector<16xi32> to vector<1x1x16xi32>
      tpu.vector_store %arg8[%swap3A_65, %swap3A_66, %swap3A_67], %swap3A_70 {strides = array<i32>} : memref<50x1x128xi32, #tpu.memory_space<vmem>>, vector<1x1x16xi32>,
      %get3A_71 = arith.constant 0 : i32
      %get3A_72 = arith.index_cast %add3A_54 : i32 to index
      %get3A_73 = arith.index_cast %get3A_71 : i32 to index
      %get3A_74 = arith.constant 16 : index
      %get3A_75 = tpu.vector_load %arg7[%get3A_72, %get3A_73, %get3A_74] {strides = array<i32>} : memref<50x1x128xi32, #tpu.memory_space<vmem>>, vector<1x1x16xi32>,
      %get3A_76 = vector.shape_cast %get3A_75 : vector<1x1x16xi32> to vector<16xi32>
      %mul3A_77 = arith.constant 4 : i32
      %mul3A_78 = vector.broadcast %mul3A_77 : i32 to vector<16xi32>
      %mul3A_79 = arith.muli %get3A_76, %mul3A_78 : vector<16xi32>
      %add3A_80 = vector.broadcast %add3A_32 : i32 to vector<16xi32>
      %add3A_81 = arith.addi %mul3A_79, %add3A_80 : vector<16xi32>
      %swap3A_82 = arith.constant 0 : i32
      %swap3A_83 = arith.index_cast %add3A_54 : i32 to index
      %swap3A_84 = arith.index_cast %swap3A_82 : i32 to index
      %swap3A_85 = arith.constant 16 : index
      %swap3A_86 = tpu.vector_load %arg8[%swap3A_83, %swap3A_84, %swap3A_85] {strides = array<i32>} : memref<50x1x128xi32, #tpu.memory_space<vmem>>, vector<1x1x16xi32>,
      %swap3A_87 = vector.shape_cast %swap3A_86 : vector<1x1x16xi32> to vector<16xi32>
      %swap3A_88 = vector.shape_cast %add3A_81 : vector<16xi32> to vector<1x1x16xi32>
      tpu.vector_store %arg8[%swap3A_83, %swap3A_84, %swap3A_85], %swap3A_88 {strides = array<i32>} : memref<50x1x128xi32, #tpu.memory_space<vmem>>, vector<1x1x16xi32>,
      %get3A_89 = arith.constant 0 : i32
      %get3A_90 = arith.index_cast %add3A_54 : i32 to index
      %get3A_91 = arith.index_cast %get3A_89 : i32 to index
      %get3A_92 = arith.constant 32 : index
      %get3A_93 = tpu.vector_load %arg7[%get3A_90, %get3A_91, %get3A_92] {strides = array<i32>} : memref<50x1x128xi32, #tpu.memory_space<vmem>>, vector<1x1x16xi32>,
      %get3A_94 = vector.shape_cast %get3A_93 : vector<1x1x16xi32> to vector<16xi32>
      %mul3A_95 = arith.constant 4 : i32
      %mul3A_96 = vector.broadcast %mul3A_95 : i32 to vector<16xi32>
      %mul3A_97 = arith.muli %get3A_94, %mul3A_96 : vector<16xi32>
      %add3A_98 = vector.broadcast %add3A_32 : i32 to vector<16xi32>
      %add3A_99 = arith.addi %mul3A_97, %add3A_98 : vector<16xi32>
      %swap3A_100 = arith.constant 0 : i32
      %swap3A_101 = arith.index_cast %add3A_54 : i32 to index
      %swap3A_102 = arith.index_cast %swap3A_100 : i32 to index
      %swap3A_103 = arith.constant 32 : index
      %swap3A_104 = tpu.vector_load %arg8[%swap3A_101, %swap3A_102, %swap3A_103] {strides = array<i32>} : memref<50x1x128xi32, #tpu.memory_space<vmem>>, vector<1x1x16xi32>,
      %swap3A_105 = vector.shape_cast %swap3A_104 : vector<1x1x16xi32> to vector<16xi32>
      %swap3A_106 = vector.shape_cast %add3A_99 : vector<16xi32> to vector<1x1x16xi32>
      tpu.vector_store %arg8[%swap3A_101, %swap3A_102, %swap3A_103], %swap3A_106 {strides = array<i32>} : memref<50x1x128xi32, #tpu.memory_space<vmem>>, vector<1x1x16xi32>,
      %get3A_107 = arith.constant 0 : i32
      %get3A_108 = arith.index_cast %add3A_54 : i32 to index
      %get3A_109 = arith.index_cast %get3A_107 : i32 to index
      %get3A_110 = arith.constant 48 : index
      %get3A_111 = tpu.vector_load %arg7[%get3A_108, %get3A_109, %get3A_110] {strides = array<i32>} : memref<50x1x128xi32, #tpu.memory_space<vmem>>, vector<1x1x16xi32>,
      %get3A_112 = vector.shape_cast %get3A_111 : vector<1x1x16xi32> to vector<16xi32>
      %mul3A_113 = arith.constant 4 : i32
      %mul3A_114 = vector.broadcast %mul3A_113 : i32 to vector<16xi32>
      %mul3A_115 = arith.muli %get3A_112, %mul3A_114 : vector<16xi32>
      %add3A_116 = vector.broadcast %add3A_32 : i32 to vector<16xi32>
      %add3A_117 = arith.addi %mul3A_115, %add3A_116 : vector<16xi32>
      %swap3A_118 = arith.constant 0 : i32
      %swap3A_119 = arith.index_cast %add3A_54 : i32 to index
      %swap3A_120 = arith.index_cast %swap3A_118 : i32 to index
      %swap3A_121 = arith.constant 48 : index
      %swap3A_122 = tpu.vector_load %arg8[%swap3A_119, %swap3A_120, %swap3A_121] {strides = array<i32>} : memref<50x1x128xi32, #tpu.memory_space<vmem>>, vector<1x1x16xi32>,
      %swap3A_123 = vector.shape_cast %swap3A_122 : vector<1x1x16xi32> to vector<16xi32>
      %swap3A_124 = vector.shape_cast %add3A_117 : vector<16xi32> to vector<1x1x16xi32>
      tpu.vector_store %arg8[%swap3A_119, %swap3A_120, %swap3A_121], %swap3A_124 {strides = array<i32>} : memref<50x1x128xi32, #tpu.memory_space<vmem>>, vector<1x1x16xi32>,
      %get3A_125 = arith.constant 0 : i32
      %get3A_126 = arith.index_cast %add3A_54 : i32 to index
      %get3A_127 = arith.index_cast %get3A_125 : i32 to index
      %get3A_128 = arith.constant 64 : index
      %get3A_129 = tpu.vector_load %arg7[%get3A_126, %get3A_127, %get3A_128] {strides = array<i32>} : memref<50x1x128xi32, #tpu.memory_space<vmem>>, vector<1x1x16xi32>,
      %get3A_130 = vector.shape_cast %get3A_129 : vector<1x1x16xi32> to vector<16xi32>
      %mul3A_131 = arith.constant 4 : i32
      %mul3A_132 = vector.broadcast %mul3A_131 : i32 to vector<16xi32>
      %mul3A_133 = arith.muli %get3A_130, %mul3A_132 : vector<16xi32>
      %add3A_134 = vector.broadcast %add3A_32 : i32 to vector<16xi32>
      %add3A_135 = arith.addi %mul3A_133, %add3A_134 : vector<16xi32>
      %swap3A_136 = arith.constant 0 : i32
      %swap3A_137 = arith.index_cast %add3A_54 : i32 to index
      %swap3A_138 = arith.index_cast %swap3A_136 : i32 to index
      %swap3A_139 = arith.constant 64 : index
      %swap3A_140 = tpu.vector_load %arg8[%swap3A_137, %swap3A_138, %swap3A_139] {strides = array<i32>} : memref<50x1x128xi32, #tpu.memory_space<vmem>>, vector<1x1x16xi32>,
      %swap3A_141 = vector.shape_cast %swap3A_140 : vector<1x1x16xi32> to vector<16xi32>
      %swap3A_142 = vector.shape_cast %add3A_135 : vector<16xi32> to vector<1x1x16xi32>
      tpu.vector_store %arg8[%swap3A_137, %swap3A_138, %swap3A_139], %swap3A_142 {strides = array<i32>} : memref<50x1x128xi32, #tpu.memory_space<vmem>>, vector<1x1x16xi32>,
      %get3A_143 = arith.constant 0 : i32
      %get3A_144 = arith.index_cast %add3A_54 : i32 to index
      %get3A_145 = arith.index_cast %get3A_143 : i32 to index
      %get3A_146 = arith.constant 80 : index
      %get3A_147 = tpu.vector_load %arg7[%get3A_144, %get3A_145, %get3A_146] {strides = array<i32>} : memref<50x1x128xi32, #tpu.memory_space<vmem>>, vector<1x1x16xi32>,
      %get3A_148 = vector.shape_cast %get3A_147 : vector<1x1x16xi32> to vector<16xi32>
      %mul3A_149 = arith.constant 4 : i32
      %mul3A_150 = vector.broadcast %mul3A_149 : i32 to vector<16xi32>
      %mul3A_151 = arith.muli %get3A_148, %mul3A_150 : vector<16xi32>
      %add3A_152 = vector.broadcast %add3A_32 : i32 to vector<16xi32>
      %add3A_153 = arith.addi %mul3A_151, %add3A_152 : vector<16xi32>
      %swap3A_154 = arith.constant 0 : i32
      %swap3A_155 = arith.index_cast %add3A_54 : i32 to index
      %swap3A_156 = arith.index_cast %swap3A_154 : i32 to index
      %swap3A_157 = arith.constant 80 : index
      %swap3A_158 = tpu.vector_load %arg8[%swap3A_155, %swap3A_156, %swap3A_157] {strides = array<i32>} : memref<50x1x128xi32, #tpu.memory_space<vmem>>, vector<1x1x16xi32>,
      %swap3A_159 = vector.shape_cast %swap3A_158 : vector<1x1x16xi32> to vector<16xi32>
      %swap3A_160 = vector.shape_cast %add3A_153 : vector<16xi32> to vector<1x1x16xi32>
      tpu.vector_store %arg8[%swap3A_155, %swap3A_156, %swap3A_157], %swap3A_160 {strides = array<i32>} : memref<50x1x128xi32, #tpu.memory_space<vmem>>, vector<1x1x16xi32>,
      %get3A_161 = arith.constant 0 : i32
      %get3A_162 = arith.index_cast %add3A_54 : i32 to index
      %get3A_163 = arith.index_cast %get3A_161 : i32 to index
      %get3A_164 = arith.constant 96 : index
      %get3A_165 = tpu.vector_load %arg7[%get3A_162, %get3A_163, %get3A_164] {strides = array<i32>} : memref<50x1x128xi32, #tpu.memory_space<vmem>>, vector<1x1x16xi32>,
      %get3A_166 = vector.shape_cast %get3A_165 : vector<1x1x16xi32> to vector<16xi32>
      %mul3A_167 = arith.constant 4 : i32
      %mul3A_168 = vector.broadcast %mul3A_167 : i32 to vector<16xi32>
      %mul3A_169 = arith.muli %get3A_166, %mul3A_168 : vector<16xi32>
      %add3A_170 = vector.broadcast %add3A_32 : i32 to vector<16xi32>
      %add3A_171 = arith.addi %mul3A_169, %add3A_170 : vector<16xi32>
      %swap3A_172 = arith.constant 0 : i32
      %swap3A_173 = arith.index_cast %add3A_54 : i32 to index
      %swap3A_174 = arith.index_cast %swap3A_172 : i32 to index
      %swap3A_175 = arith.constant 96 : index
      %swap3A_176 = tpu.vector_load %arg8[%swap3A_173, %swap3A_174, %swap3A_175] {strides = array<i32>} : memref<50x1x128xi32, #tpu.memory_space<vmem>>, vector<1x1x16xi32>,
      %swap3A_177 = vector.shape_cast %swap3A_176 : vector<1x1x16xi32> to vector<16xi32>
      %swap3A_178 = vector.shape_cast %add3A_171 : vector<16xi32> to vector<1x1x16xi32>
      tpu.vector_store %arg8[%swap3A_173, %swap3A_174, %swap3A_175], %swap3A_178 {strides = array<i32>} : memref<50x1x128xi32, #tpu.memory_space<vmem>>, vector<1x1x16xi32>,
      %get3A_179 = arith.constant 0 : i32
      %get3A_180 = arith.index_cast %add3A_54 : i32 to index
      %get3A_181 = arith.index_cast %get3A_179 : i32 to index
      %get3A_182 = arith.constant 112 : index
      %get3A_183 = tpu.vector_load %arg7[%get3A_180, %get3A_181, %get3A_182] {strides = array<i32>} : memref<50x1x128xi32, #tpu.memory_space<vmem>>, vector<1x1x16xi32>,
      %get3A_184 = vector.shape_cast %get3A_183 : vector<1x1x16xi32> to vector<16xi32>
      %mul3A_185 = arith.constant 4 : i32
      %mul3A_186 = vector.broadcast %mul3A_185 : i32 to vector<16xi32>
      %mul3A_187 = arith.muli %get3A_184, %mul3A_186 : vector<16xi32>
      %add3A_188 = vector.broadcast %add3A_32 : i32 to vector<16xi32>
      %add3A_189 = arith.addi %mul3A_187, %add3A_188 : vector<16xi32>
      %swap3A_190 = arith.constant 0 : i32
      %swap3A_191 = arith.index_cast %add3A_54 : i32 to index
      %swap3A_192 = arith.index_cast %swap3A_190 : i32 to index
      %swap3A_193 = arith.constant 112 : index
      %swap3A_194 = tpu.vector_load %arg8[%swap3A_191, %swap3A_192, %swap3A_193] {strides = array<i32>} : memref<50x1x128xi32, #tpu.memory_space<vmem>>, vector<1x1x16xi32>,
      %swap3A_195 = vector.shape_cast %swap3A_194 : vector<1x1x16xi32> to vector<16xi32>
      %swap3A_196 = vector.shape_cast %add3A_189 : vector<16xi32> to vector<1x1x16xi32>
      tpu.vector_store %arg8[%swap3A_191, %swap3A_192, %swap3A_193], %swap3A_196 {strides = array<i32>} : memref<50x1x128xi32, #tpu.memory_space<vmem>>, vector<1x1x16xi32>,
    }
    %scan3A_42 = arith.constant 50 : i32
    %barrier3A_43 = arith.constant 0 : index
    tpu.barrier barrier_id(%barrier3A_43)
    %scan3A_44 = arith.constant 0 : i32
    %scan3A_45 = arith.constant 50 : i32
    %scan3A_46 = arith.addi %scan3A_44, %scan3A_45 : i32
    %scan3A_47 = arith.constant 1 : i32
    scf.for %scan3A_50 = %scan3A_44 to %scan3A_46 step %scan3A_47  : i32 {
      %mul3A_51 = arith.constant 1 : i32
      %mul3A_52 = arith.muli %scan3A_50, %mul3A_51 : i32
      %add3A_53 = arith.constant 0 : i32
      %add3A_54 = arith.addi %add3A_53, %mul3A_52 : i32
      %dma_start3A = arith.constant 0 : i32
      %dma_start3A_55 = arith.constant 0 : i32
      %dma_start3A_56 = tpu.memref_slice %arg8[%add3A_54, %dma_start3A, %dma_start3A_55] : memref<50x1x128xi32, #tpu.memory_space<vmem>> -> memref<1x1x128xi32, #tpu.memory_space<vmem>>
      %dma_start3A_57 = tpu.memref_squeeze %dma_start3A_56 : memref<1x1x128xi32, #tpu.memory_space<vmem>> -> memref<128xi32, #tpu.memory_space<vmem>>
      %dma_start3A_58 = arith.constant 0 : i32
      %dma_start3A_59 = arith.constant 0 : i32
      %dma_start3A_60 = tpu.memref_slice %arg2[%dma_start3A_58, %dma_start3A_59] : memref<40000x32xf32, #tpu.memory_space<hbm>> -> memref<40000x32xf32, #tpu.memory_space<hbm>>
      tpu.enqueue_indirect_dma source(%dma_start3A_60 : memref<40000x32xf32, #tpu.memory_space<hbm>>) target(%arg10 : memref<128x32xf32, #tpu.memory_space<vmem>>) offsets(%dma_start3A_57 : memref<128xi32, #tpu.memory_space<vmem>>) semaphore(%arg12 : memref<!tpu.dma_semaphore, #tpu.memory_space<semaphore_mem>>)
      %dma_wait3A = arith.constant 0 : i32
      %dma_wait3A_61 = arith.constant 0 : i32
      %dma_wait3A_62 = tpu.memref_slice %arg8[%add3A_54, %dma_wait3A, %dma_wait3A_61] : memref<50x1x128xi32, #tpu.memory_space<vmem>> -> memref<1x1x128xi32, #tpu.memory_space<vmem>>
      %dma_wait3A_63 = tpu.memref_squeeze %dma_wait3A_62 : memref<1x1x128xi32, #tpu.memory_space<vmem>> -> memref<128xi32, #tpu.memory_space<vmem>>
      %dma_wait3A_64 = arith.constant 0 : i32
      %dma_wait3A_65 = arith.constant 0 : i32
      %dma_wait3A_66 = tpu.memref_slice %arg2[%dma_wait3A_64, %dma_wait3A_65] : memref<40000x32xf32, #tpu.memory_space<hbm>> -> memref<40000x32xf32, #tpu.memory_space<hbm>>
      tpu.wait_indirect_dma semaphore(%arg12 : memref<!tpu.dma_semaphore, #tpu.memory_space<semaphore_mem>>) src(%dma_wait3A_66 : memref<40000x32xf32, #tpu.memory_space<hbm>>) dst(%arg10 : memref<128x32xf32, #tpu.memory_space<vmem>>)
      %run_scoped3A = arith.constant 0 : i32
      "tpu.region"() ({
        %run_scoped3A_67 = tpu.sem_alloc : memref<!tpu.dma_semaphore, #tpu.memory_space<semaphore_mem>>
        %dma_start3A_68 = arith.constant 0 : i32
        %dma_start3A_69 = tpu.memref_slice %arg9[%add3A_54, %run_scoped3A, %dma_start3A_68] : memref<50x1x128xi32, #tpu.memory_space<vmem>> -> memref<1x1x128xi32, #tpu.memory_space<vmem>>
        %dma_start3A_70 = tpu.memref_squeeze %dma_start3A_69 : memref<1x1x128xi32, #tpu.memory_space<vmem>> -> memref<128xi32, #tpu.memory_space<vmem>>
        %dma_start3A_71 = arith.constant 0 : i32
        %dma_start3A_72 = arith.constant 0 : i32
        %dma_start3A_73 = tpu.memref_slice %arg6[%dma_start3A_71, %dma_start3A_72] : memref<50176x32xf32, #tpu.memory_space<vmem_shared>> -> memref<50176x32xf32, #tpu.memory_space<vmem_shared>>
        tpu.enqueue_indirect_dma source(%arg10 : memref<128x32xf32, #tpu.memory_space<vmem>>) target(%dma_start3A_73 : memref<50176x32xf32, #tpu.memory_space<vmem_shared>>) offsets(%dma_start3A_70 : memref<128xi32, #tpu.memory_space<vmem>>) semaphore(%run_scoped3A_67 : memref<!tpu.dma_semaphore, #tpu.memory_space<semaphore_mem>>) {add = true}
        %dma_wait3A_74 = arith.constant 0 : i32
        %dma_wait3A_75 = tpu.memref_slice %arg9[%add3A_54, %run_scoped3A, %dma_wait3A_74] : memref<50x1x128xi32, #tpu.memory_space<vmem>> -> memref<1x1x128xi32, #tpu.memory_space<vmem>>
        %dma_wait3A_76 = tpu.memref_squeeze %dma_wait3A_75 : memref<1x1x128xi32, #tpu.memory_space<vmem>> -> memref<128xi32, #tpu.memory_space<vmem>>
        %dma_wait3A_77 = arith.constant 0 : i32
        %dma_wait3A_78 = arith.constant 0 : i32
        %dma_wait3A_79 = tpu.memref_slice %arg6[%dma_wait3A_77, %dma_wait3A_78] : memref<50176x32xf32, #tpu.memory_space<vmem_shared>> -> memref<50176x32xf32, #tpu.memory_space<vmem_shared>>
        tpu.wait_indirect_dma semaphore(%run_scoped3A_67 : memref<!tpu.dma_semaphore, #tpu.memory_space<semaphore_mem>>) src(%arg10 : memref<128x32xf32, #tpu.memory_space<vmem>>) dst(%dma_wait3A_79 : memref<50176x32xf32, #tpu.memory_space<vmem_shared>>)
        tpu.yield
      }) : () -> ()
    }
    %scan3A_48 = arith.constant 50 : i32
    %barrier3A_49 = arith.constant 0 : index
    tpu.barrier barrier_id(%barrier3A_49)
    "tpu.region"() ({
      %run_scoped3A = tpu.sem_alloc : memref<!tpu.dma_semaphore, #tpu.memory_space<semaphore_mem>>
      %dma_start3A = arith.constant 0 : i32
      %dma_start3A_50 = tpu.memref_slice %arg5[%add3A_32, %mul3A_5, %dma_start3A] : memref<4x50176x32xf32, #tpu.memory_space<hbm>> -> memref<1x3136x32xf32, #tpu.memory_space<hbm>>
      %dma_start3A_51 = tpu.memref_squeeze %dma_start3A_50 : memref<1x3136x32xf32, #tpu.memory_space<hbm>> -> memref<3136x32xf32, #tpu.memory_space<hbm>>
      %dma_start3A_52 = arith.constant 0 : i32
      %dma_start3A_53 = tpu.memref_slice %arg6[%mul3A_5, %dma_start3A_52] : memref<50176x32xf32, #tpu.memory_space<vmem_shared>> -> memref<3136x32xf32, #tpu.memory_space<vmem_shared>>
      tpu.enqueue_dma source(%dma_start3A_53 : memref<3136x32xf32, #tpu.memory_space<vmem_shared>>) target(%dma_start3A_51 : memref<3136x32xf32, #tpu.memory_space<hbm>>) target_semaphore(%run_scoped3A : memref<!tpu.dma_semaphore, #tpu.memory_space<semaphore_mem>>)
      %dma_wait3A = arith.constant 0 : i32
      %dma_wait3A_54 = tpu.memref_slice %arg5[%add3A_32, %mul3A_5, %dma_wait3A] : memref<4x50176x32xf32, #tpu.memory_space<hbm>> -> memref<1x3136x32xf32, #tpu.memory_space<hbm>>
      %dma_wait3A_55 = tpu.memref_squeeze %dma_wait3A_54 : memref<1x3136x32xf32, #tpu.memory_space<hbm>> -> memref<3136x32xf32, #tpu.memory_space<hbm>>
      %dma_wait3A_56 = arith.constant 0 : i32
      %dma_wait3A_57 = tpu.memref_slice %arg6[%mul3A_5, %dma_wait3A_56] : memref<50176x32xf32, #tpu.memory_space<vmem_shared>> -> memref<3136x32xf32, #tpu.memory_space<vmem_shared>>
      tpu.wait_dma2 semaphore(%run_scoped3A : memref<!tpu.dma_semaphore, #tpu.memory_space<semaphore_mem>>) src(%dma_wait3A_57 : memref<3136x32xf32, #tpu.memory_space<vmem_shared>>) dst(%dma_wait3A_55 : memref<3136x32xf32, #tpu.memory_space<hbm>>)
      tpu.yield
    }) : () -> ()
    return
  }
}

#map = affine_map<(d0, d1) -> (0, 0)>
#map1 = affine_map<(d0, d1) -> (0, 0, 0)>
module attributes {stable_mosaic.version = 14 : i64} {
  func.func @k(%arg0: i32, %arg1: i32, %arg2: memref<50000x128xf32, #tpu.memory_space<hbm>>, %arg3: memref<800x1x128xi32, #tpu.memory_space<hbm>>, %arg4: memref<800x1x128xi32, #tpu.memory_space<hbm>>, %arg5: memref<2x10240x128xf32, #tpu.memory_space<hbm>>, %arg6: memref<10240x128xf32, #tpu.memory_space<vmem_shared>>, %arg7: memref<25x1x128xi32, #tpu.memory_space<vmem>>, %arg8: memref<25x1x128xi32, #tpu.memory_space<vmem>>, %arg9: memref<128x128xf32, #tpu.memory_space<vmem>>, %arg10: memref<64x128xf32, #tpu.memory_space<vmem>>, %arg11: memref<!tpu.dma_semaphore, #tpu.memory_space<semaphore_mem>>) attributes {dimension_semantics = [#tpu.dimension_semantics<core_parallel>, #tpu.dimension_semantics<subcore_parallel>], iteration_bounds = array<i64: 2, 16>, scalar_prefetch = 0 : i64, scratch_operands = 6 : i64, tpu.core_type = #tpu.core_type<sc_vector_subcore>, window_params = [{transform_indices = #map}, {transform_indices = #map1}, {transform_indices = #map1}, {transform_indices = #map1}]} {
    %mul3A = arith.constant 16 : i32
    %mul3A_0 = arith.muli %arg0, %mul3A : i32
    %add3A = arith.addi %mul3A_0, %arg1 : i32
    %broadcast_in_dim3A = arith.constant 0.000000e+00 : f32
    %broadcast_in_dim3A_1 = vector.broadcast %broadcast_in_dim3A : f32 to vector<16xf32>
    %scan3A = arith.constant 0 : i32
    %scan3A_2 = arith.constant 64 : i32
    %scan3A_3 = arith.addi %scan3A, %scan3A_2 : i32
    %scan3A_4 = arith.constant 1 : i32
    scf.for %scan3A_23 = %scan3A to %scan3A_3 step %scan3A_4  : i32 {
      %mul3A_24 = arith.constant 1 : i32
      %mul3A_25 = arith.muli %scan3A_23, %mul3A_24 : i32
      %add3A_26 = arith.constant 0 : i32
      %add3A_27 = arith.addi %add3A_26, %mul3A_25 : i32
      %swap3A = arith.index_cast %add3A_27 : i32 to index
      %swap3A_28 = arith.constant 0 : index
      %swap3A_29 = tpu.vector_load %arg10[%swap3A, %swap3A_28] {strides = array<i32>} : memref<64x128xf32, #tpu.memory_space<vmem>>, vector<1x16xf32>,
      %swap3A_30 = vector.shape_cast %swap3A_29 : vector<1x16xf32> to vector<16xf32>
      %swap3A_31 = vector.shape_cast %broadcast_in_dim3A_1 : vector<16xf32> to vector<1x16xf32>
      tpu.vector_store %arg10[%swap3A, %swap3A_28], %swap3A_31 {strides = array<i32>} : memref<64x128xf32, #tpu.memory_space<vmem>>, vector<1x16xf32>,
      %swap3A_32 = arith.index_cast %add3A_27 : i32 to index
      %swap3A_33 = arith.constant 16 : index
      %swap3A_34 = tpu.vector_load %arg10[%swap3A_32, %swap3A_33] {strides = array<i32>} : memref<64x128xf32, #tpu.memory_space<vmem>>, vector<1x16xf32>,
      %swap3A_35 = vector.shape_cast %swap3A_34 : vector<1x16xf32> to vector<16xf32>
      %swap3A_36 = vector.shape_cast %broadcast_in_dim3A_1 : vector<16xf32> to vector<1x16xf32>
      tpu.vector_store %arg10[%swap3A_32, %swap3A_33], %swap3A_36 {strides = array<i32>} : memref<64x128xf32, #tpu.memory_space<vmem>>, vector<1x16xf32>,
      %swap3A_37 = arith.index_cast %add3A_27 : i32 to index
      %swap3A_38 = arith.constant 32 : index
      %swap3A_39 = tpu.vector_load %arg10[%swap3A_37, %swap3A_38] {strides = array<i32>} : memref<64x128xf32, #tpu.memory_space<vmem>>, vector<1x16xf32>,
      %swap3A_40 = vector.shape_cast %swap3A_39 : vector<1x16xf32> to vector<16xf32>
      %swap3A_41 = vector.shape_cast %broadcast_in_dim3A_1 : vector<16xf32> to vector<1x16xf32>
      tpu.vector_store %arg10[%swap3A_37, %swap3A_38], %swap3A_41 {strides = array<i32>} : memref<64x128xf32, #tpu.memory_space<vmem>>, vector<1x16xf32>,
      %swap3A_42 = arith.index_cast %add3A_27 : i32 to index
      %swap3A_43 = arith.constant 48 : index
      %swap3A_44 = tpu.vector_load %arg10[%swap3A_42, %swap3A_43] {strides = array<i32>} : memref<64x128xf32, #tpu.memory_space<vmem>>, vector<1x16xf32>,
      %swap3A_45 = vector.shape_cast %swap3A_44 : vector<1x16xf32> to vector<16xf32>
      %swap3A_46 = vector.shape_cast %broadcast_in_dim3A_1 : vector<16xf32> to vector<1x16xf32>
      tpu.vector_store %arg10[%swap3A_42, %swap3A_43], %swap3A_46 {strides = array<i32>} : memref<64x128xf32, #tpu.memory_space<vmem>>, vector<1x16xf32>,
      %swap3A_47 = arith.index_cast %add3A_27 : i32 to index
      %swap3A_48 = arith.constant 64 : index
      %swap3A_49 = tpu.vector_load %arg10[%swap3A_47, %swap3A_48] {strides = array<i32>} : memref<64x128xf32, #tpu.memory_space<vmem>>, vector<1x16xf32>,
      %swap3A_50 = vector.shape_cast %swap3A_49 : vector<1x16xf32> to vector<16xf32>
      %swap3A_51 = vector.shape_cast %broadcast_in_dim3A_1 : vector<16xf32> to vector<1x16xf32>
      tpu.vector_store %arg10[%swap3A_47, %swap3A_48], %swap3A_51 {strides = array<i32>} : memref<64x128xf32, #tpu.memory_space<vmem>>, vector<1x16xf32>,
      %swap3A_52 = arith.index_cast %add3A_27 : i32 to index
      %swap3A_53 = arith.constant 80 : index
      %swap3A_54 = tpu.vector_load %arg10[%swap3A_52, %swap3A_53] {strides = array<i32>} : memref<64x128xf32, #tpu.memory_space<vmem>>, vector<1x16xf32>,
      %swap3A_55 = vector.shape_cast %swap3A_54 : vector<1x16xf32> to vector<16xf32>
      %swap3A_56 = vector.shape_cast %broadcast_in_dim3A_1 : vector<16xf32> to vector<1x16xf32>
      tpu.vector_store %arg10[%swap3A_52, %swap3A_53], %swap3A_56 {strides = array<i32>} : memref<64x128xf32, #tpu.memory_space<vmem>>, vector<1x16xf32>,
      %swap3A_57 = arith.index_cast %add3A_27 : i32 to index
      %swap3A_58 = arith.constant 96 : index
      %swap3A_59 = tpu.vector_load %arg10[%swap3A_57, %swap3A_58] {strides = array<i32>} : memref<64x128xf32, #tpu.memory_space<vmem>>, vector<1x16xf32>,
      %swap3A_60 = vector.shape_cast %swap3A_59 : vector<1x16xf32> to vector<16xf32>
      %swap3A_61 = vector.shape_cast %broadcast_in_dim3A_1 : vector<16xf32> to vector<1x16xf32>
      tpu.vector_store %arg10[%swap3A_57, %swap3A_58], %swap3A_61 {strides = array<i32>} : memref<64x128xf32, #tpu.memory_space<vmem>>, vector<1x16xf32>,
      %swap3A_62 = arith.index_cast %add3A_27 : i32 to index
      %swap3A_63 = arith.constant 112 : index
      %swap3A_64 = tpu.vector_load %arg10[%swap3A_62, %swap3A_63] {strides = array<i32>} : memref<64x128xf32, #tpu.memory_space<vmem>>, vector<1x16xf32>,
      %swap3A_65 = vector.shape_cast %swap3A_64 : vector<1x16xf32> to vector<16xf32>
      %swap3A_66 = vector.shape_cast %broadcast_in_dim3A_1 : vector<16xf32> to vector<1x16xf32>
      tpu.vector_store %arg10[%swap3A_62, %swap3A_63], %swap3A_66 {strides = array<i32>} : memref<64x128xf32, #tpu.memory_space<vmem>>, vector<1x16xf32>,
    }
    %scan3A_5 = arith.constant 64 : i32
    %mul3A_6 = arith.constant 640 : i32
    %mul3A_7 = arith.muli %arg1, %mul3A_6 : i32
    %scan3A_8 = arith.constant 0 : i32
    %scan3A_9 = arith.constant 10 : i32
    %scan3A_10 = arith.addi %scan3A_8, %scan3A_9 : i32
    %scan3A_11 = arith.constant 1 : i32
    scf.for %scan3A_23 = %scan3A_8 to %scan3A_10 step %scan3A_11  : i32 {
      %mul3A_24 = arith.constant 1 : i32
      %mul3A_25 = arith.muli %scan3A_23, %mul3A_24 : i32
      %add3A_26 = arith.constant 0 : i32
      %add3A_27 = arith.addi %add3A_26, %mul3A_25 : i32
      %mul3A_28 = arith.constant 64 : i32
      %mul3A_29 = arith.muli %add3A_27, %mul3A_28 : i32
      %add3A_30 = arith.addi %mul3A_7, %mul3A_29 : i32
      "tpu.region"() ({
        %run_scoped3A = tpu.sem_alloc : memref<!tpu.dma_semaphore, #tpu.memory_space<semaphore_mem>>
        %dma_start3A = arith.constant 0 : i32
        %dma_start3A_31 = tpu.memref_slice %arg6[%add3A_30, %dma_start3A] : memref<10240x128xf32, #tpu.memory_space<vmem_shared>> -> memref<64x128xf32, #tpu.memory_space<vmem_shared>>
        %dma_start3A_32 = arith.constant 0 : i32
        %dma_start3A_33 = tpu.memref_slice %arg6[%add3A_30, %dma_start3A_32] : memref<10240x128xf32, #tpu.memory_space<vmem_shared>> -> memref<64x128xf32, #tpu.memory_space<vmem_shared>>
        tpu.enqueue_dma source(%arg10 : memref<64x128xf32, #tpu.memory_space<vmem>>) target(%dma_start3A_33 : memref<64x128xf32, #tpu.memory_space<vmem_shared>>) target_semaphore(%run_scoped3A : memref<!tpu.dma_semaphore, #tpu.memory_space<semaphore_mem>>)
        %dma_wait3A = arith.constant 0 : i32
        %dma_wait3A_34 = tpu.memref_slice %arg6[%add3A_30, %dma_wait3A] : memref<10240x128xf32, #tpu.memory_space<vmem_shared>> -> memref<64x128xf32, #tpu.memory_space<vmem_shared>>
        %dma_wait3A_35 = arith.constant 0 : i32
        %dma_wait3A_36 = tpu.memref_slice %arg6[%add3A_30, %dma_wait3A_35] : memref<10240x128xf32, #tpu.memory_space<vmem_shared>> -> memref<64x128xf32, #tpu.memory_space<vmem_shared>>
        tpu.wait_dma2 semaphore(%run_scoped3A : memref<!tpu.dma_semaphore, #tpu.memory_space<semaphore_mem>>) src(%arg10 : memref<64x128xf32, #tpu.memory_space<vmem>>) dst(%dma_wait3A_36 : memref<64x128xf32, #tpu.memory_space<vmem_shared>>)
        tpu.yield
      }) : () -> ()
    }
    %scan3A_12 = arith.constant 10 : i32
    %mul3A_13 = arith.constant 25 : i32
    %mul3A_14 = arith.muli %add3A, %mul3A_13 : i32
    "tpu.region"() ({
      %run_scoped3A = tpu.sem_alloc : memref<!tpu.dma_semaphore, #tpu.memory_space<semaphore_mem>>
      %dma_start3A = arith.constant 0 : i32
      %dma_start3A_23 = arith.constant 0 : i32
      %dma_start3A_24 = tpu.memref_slice %arg3[%mul3A_14, %dma_start3A, %dma_start3A_23] : memref<800x1x128xi32, #tpu.memory_space<hbm>> -> memref<25x1x128xi32, #tpu.memory_space<hbm>>
      %dma_start3A_25 = arith.constant 0 : i32
      %dma_start3A_26 = arith.constant 0 : i32
      %dma_start3A_27 = tpu.memref_slice %arg3[%mul3A_14, %dma_start3A_25, %dma_start3A_26] : memref<800x1x128xi32, #tpu.memory_space<hbm>> -> memref<25x1x128xi32, #tpu.memory_space<hbm>>
      tpu.enqueue_dma source(%dma_start3A_27 : memref<25x1x128xi32, #tpu.memory_space<hbm>>) target(%arg7 : memref<25x1x128xi32, #tpu.memory_space<vmem>>) target_semaphore(%run_scoped3A : memref<!tpu.dma_semaphore, #tpu.memory_space<semaphore_mem>>)
      %dma_wait3A = arith.constant 0 : i32
      %dma_wait3A_28 = arith.constant 0 : i32
      %dma_wait3A_29 = tpu.memref_slice %arg3[%mul3A_14, %dma_wait3A, %dma_wait3A_28] : memref<800x1x128xi32, #tpu.memory_space<hbm>> -> memref<25x1x128xi32, #tpu.memory_space<hbm>>
      %dma_wait3A_30 = arith.constant 0 : i32
      %dma_wait3A_31 = arith.constant 0 : i32
      %dma_wait3A_32 = tpu.memref_slice %arg3[%mul3A_14, %dma_wait3A_30, %dma_wait3A_31] : memref<800x1x128xi32, #tpu.memory_space<hbm>> -> memref<25x1x128xi32, #tpu.memory_space<hbm>>
      tpu.wait_dma2 semaphore(%run_scoped3A : memref<!tpu.dma_semaphore, #tpu.memory_space<semaphore_mem>>) src(%dma_wait3A_32 : memref<25x1x128xi32, #tpu.memory_space<hbm>>) dst(%arg7 : memref<25x1x128xi32, #tpu.memory_space<vmem>>)
      tpu.yield
    }) : () -> ()
    %mul3A_15 = arith.constant 25 : i32
    %mul3A_16 = arith.muli %add3A, %mul3A_15 : i32
    "tpu.region"() ({
      %run_scoped3A = tpu.sem_alloc : memref<!tpu.dma_semaphore, #tpu.memory_space<semaphore_mem>>
      %dma_start3A = arith.constant 0 : i32
      %dma_start3A_23 = arith.constant 0 : i32
      %dma_start3A_24 = tpu.memref_slice %arg4[%mul3A_16, %dma_start3A, %dma_start3A_23] : memref<800x1x128xi32, #tpu.memory_space<hbm>> -> memref<25x1x128xi32, #tpu.memory_space<hbm>>
      %dma_start3A_25 = arith.constant 0 : i32
      %dma_start3A_26 = arith.constant 0 : i32
      %dma_start3A_27 = tpu.memref_slice %arg4[%mul3A_16, %dma_start3A_25, %dma_start3A_26] : memref<800x1x128xi32, #tpu.memory_space<hbm>> -> memref<25x1x128xi32, #tpu.memory_space<hbm>>
      tpu.enqueue_dma source(%dma_start3A_27 : memref<25x1x128xi32, #tpu.memory_space<hbm>>) target(%arg8 : memref<25x1x128xi32, #tpu.memory_space<vmem>>) target_semaphore(%run_scoped3A : memref<!tpu.dma_semaphore, #tpu.memory_space<semaphore_mem>>)
      %dma_wait3A = arith.constant 0 : i32
      %dma_wait3A_28 = arith.constant 0 : i32
      %dma_wait3A_29 = tpu.memref_slice %arg4[%mul3A_16, %dma_wait3A, %dma_wait3A_28] : memref<800x1x128xi32, #tpu.memory_space<hbm>> -> memref<25x1x128xi32, #tpu.memory_space<hbm>>
      %dma_wait3A_30 = arith.constant 0 : i32
      %dma_wait3A_31 = arith.constant 0 : i32
      %dma_wait3A_32 = tpu.memref_slice %arg4[%mul3A_16, %dma_wait3A_30, %dma_wait3A_31] : memref<800x1x128xi32, #tpu.memory_space<hbm>> -> memref<25x1x128xi32, #tpu.memory_space<hbm>>
      tpu.wait_dma2 semaphore(%run_scoped3A : memref<!tpu.dma_semaphore, #tpu.memory_space<semaphore_mem>>) src(%dma_wait3A_32 : memref<25x1x128xi32, #tpu.memory_space<hbm>>) dst(%arg8 : memref<25x1x128xi32, #tpu.memory_space<vmem>>)
      tpu.yield
    }) : () -> ()
    %barrier3A = arith.constant 0 : index
    tpu.barrier barrier_id(%barrier3A)
    %scan3A_17 = arith.constant 0 : i32
    %scan3A_18 = arith.constant 25 : i32
    %scan3A_19 = arith.addi %scan3A_17, %scan3A_18 : i32
    %scan3A_20 = arith.constant 1 : i32
    scf.for %scan3A_23 = %scan3A_17 to %scan3A_19 step %scan3A_20  : i32 {
      %mul3A_24 = arith.constant 1 : i32
      %mul3A_25 = arith.muli %scan3A_23, %mul3A_24 : i32
      %add3A_26 = arith.constant 0 : i32
      %add3A_27 = arith.addi %add3A_26, %mul3A_25 : i32
      %dma_start3A = arith.constant 0 : i32
      %dma_start3A_28 = arith.constant 0 : i32
      %dma_start3A_29 = tpu.memref_slice %arg7[%add3A_27, %dma_start3A, %dma_start3A_28] : memref<25x1x128xi32, #tpu.memory_space<vmem>> -> memref<1x1x128xi32, #tpu.memory_space<vmem>>
      %dma_start3A_30 = tpu.memref_squeeze %dma_start3A_29 : memref<1x1x128xi32, #tpu.memory_space<vmem>> -> memref<128xi32, #tpu.memory_space<vmem>>
      %dma_start3A_31 = arith.constant 0 : i32
      %dma_start3A_32 = arith.constant 0 : i32
      %dma_start3A_33 = tpu.memref_slice %arg2[%dma_start3A_31, %dma_start3A_32] : memref<50000x128xf32, #tpu.memory_space<hbm>> -> memref<50000x128xf32, #tpu.memory_space<hbm>>
      tpu.enqueue_indirect_dma source(%dma_start3A_33 : memref<50000x128xf32, #tpu.memory_space<hbm>>) target(%arg9 : memref<128x128xf32, #tpu.memory_space<vmem>>) offsets(%dma_start3A_30 : memref<128xi32, #tpu.memory_space<vmem>>) semaphore(%arg11 : memref<!tpu.dma_semaphore, #tpu.memory_space<semaphore_mem>>)
      %dma_wait3A = arith.constant 0 : i32
      %dma_wait3A_34 = arith.constant 0 : i32
      %dma_wait3A_35 = tpu.memref_slice %arg7[%add3A_27, %dma_wait3A, %dma_wait3A_34] : memref<25x1x128xi32, #tpu.memory_space<vmem>> -> memref<1x1x128xi32, #tpu.memory_space<vmem>>
      %dma_wait3A_36 = tpu.memref_squeeze %dma_wait3A_35 : memref<1x1x128xi32, #tpu.memory_space<vmem>> -> memref<128xi32, #tpu.memory_space<vmem>>
      %dma_wait3A_37 = arith.constant 0 : i32
      %dma_wait3A_38 = arith.constant 0 : i32
      %dma_wait3A_39 = tpu.memref_slice %arg2[%dma_wait3A_37, %dma_wait3A_38] : memref<50000x128xf32, #tpu.memory_space<hbm>> -> memref<50000x128xf32, #tpu.memory_space<hbm>>
      tpu.wait_indirect_dma semaphore(%arg11 : memref<!tpu.dma_semaphore, #tpu.memory_space<semaphore_mem>>) src(%dma_wait3A_39 : memref<50000x128xf32, #tpu.memory_space<hbm>>) dst(%arg9 : memref<128x128xf32, #tpu.memory_space<vmem>>)
      %run_scoped3A = arith.constant 0 : i32
      "tpu.region"() ({
        %run_scoped3A_40 = tpu.sem_alloc : memref<!tpu.dma_semaphore, #tpu.memory_space<semaphore_mem>>
        %dma_start3A_41 = arith.constant 0 : i32
        %dma_start3A_42 = tpu.memref_slice %arg8[%add3A_27, %run_scoped3A, %dma_start3A_41] : memref<25x1x128xi32, #tpu.memory_space<vmem>> -> memref<1x1x128xi32, #tpu.memory_space<vmem>>
        %dma_start3A_43 = tpu.memref_squeeze %dma_start3A_42 : memref<1x1x128xi32, #tpu.memory_space<vmem>> -> memref<128xi32, #tpu.memory_space<vmem>>
        %dma_start3A_44 = arith.constant 0 : i32
        %dma_start3A_45 = arith.constant 0 : i32
        %dma_start3A_46 = tpu.memref_slice %arg6[%dma_start3A_44, %dma_start3A_45] : memref<10240x128xf32, #tpu.memory_space<vmem_shared>> -> memref<10240x128xf32, #tpu.memory_space<vmem_shared>>
        tpu.enqueue_indirect_dma source(%arg9 : memref<128x128xf32, #tpu.memory_space<vmem>>) target(%dma_start3A_46 : memref<10240x128xf32, #tpu.memory_space<vmem_shared>>) offsets(%dma_start3A_43 : memref<128xi32, #tpu.memory_space<vmem>>) semaphore(%run_scoped3A_40 : memref<!tpu.dma_semaphore, #tpu.memory_space<semaphore_mem>>) {add = true}
        %dma_wait3A_47 = arith.constant 0 : i32
        %dma_wait3A_48 = tpu.memref_slice %arg8[%add3A_27, %run_scoped3A, %dma_wait3A_47] : memref<25x1x128xi32, #tpu.memory_space<vmem>> -> memref<1x1x128xi32, #tpu.memory_space<vmem>>
        %dma_wait3A_49 = tpu.memref_squeeze %dma_wait3A_48 : memref<1x1x128xi32, #tpu.memory_space<vmem>> -> memref<128xi32, #tpu.memory_space<vmem>>
        %dma_wait3A_50 = arith.constant 0 : i32
        %dma_wait3A_51 = arith.constant 0 : i32
        %dma_wait3A_52 = tpu.memref_slice %arg6[%dma_wait3A_50, %dma_wait3A_51] : memref<10240x128xf32, #tpu.memory_space<vmem_shared>> -> memref<10240x128xf32, #tpu.memory_space<vmem_shared>>
        tpu.wait_indirect_dma semaphore(%run_scoped3A_40 : memref<!tpu.dma_semaphore, #tpu.memory_space<semaphore_mem>>) src(%arg9 : memref<128x128xf32, #tpu.memory_space<vmem>>) dst(%dma_wait3A_52 : memref<10240x128xf32, #tpu.memory_space<vmem_shared>>)
        tpu.yield
      }) : () -> ()
    }
    %scan3A_21 = arith.constant 25 : i32
    %barrier3A_22 = arith.constant 0 : index
    tpu.barrier barrier_id(%barrier3A_22)
    "tpu.region"() ({
      %run_scoped3A = tpu.sem_alloc : memref<!tpu.dma_semaphore, #tpu.memory_space<semaphore_mem>>
      %dma_start3A = arith.constant 0 : i32
      %dma_start3A_23 = tpu.memref_slice %arg5[%arg0, %mul3A_7, %dma_start3A] : memref<2x10240x128xf32, #tpu.memory_space<hbm>> -> memref<1x640x128xf32, #tpu.memory_space<hbm>>
      %dma_start3A_24 = tpu.memref_squeeze %dma_start3A_23 : memref<1x640x128xf32, #tpu.memory_space<hbm>> -> memref<640x128xf32, #tpu.memory_space<hbm>>
      %dma_start3A_25 = arith.constant 0 : i32
      %dma_start3A_26 = tpu.memref_slice %arg6[%mul3A_7, %dma_start3A_25] : memref<10240x128xf32, #tpu.memory_space<vmem_shared>> -> memref<640x128xf32, #tpu.memory_space<vmem_shared>>
      tpu.enqueue_dma source(%dma_start3A_26 : memref<640x128xf32, #tpu.memory_space<vmem_shared>>) target(%dma_start3A_24 : memref<640x128xf32, #tpu.memory_space<hbm>>) target_semaphore(%run_scoped3A : memref<!tpu.dma_semaphore, #tpu.memory_space<semaphore_mem>>)
      %dma_wait3A = arith.constant 0 : i32
      %dma_wait3A_27 = tpu.memref_slice %arg5[%arg0, %mul3A_7, %dma_wait3A] : memref<2x10240x128xf32, #tpu.memory_space<hbm>> -> memref<1x640x128xf32, #tpu.memory_space<hbm>>
      %dma_wait3A_28 = tpu.memref_squeeze %dma_wait3A_27 : memref<1x640x128xf32, #tpu.memory_space<hbm>> -> memref<640x128xf32, #tpu.memory_space<hbm>>
      %dma_wait3A_29 = arith.constant 0 : i32
      %dma_wait3A_30 = tpu.memref_slice %arg6[%mul3A_7, %dma_wait3A_29] : memref<10240x128xf32, #tpu.memory_space<vmem_shared>> -> memref<640x128xf32, #tpu.memory_space<vmem_shared>>
      tpu.wait_dma2 semaphore(%run_scoped3A : memref<!tpu.dma_semaphore, #tpu.memory_space<semaphore_mem>>) src(%dma_wait3A_30 : memref<640x128xf32, #tpu.memory_space<vmem_shared>>) dst(%dma_wait3A_28 : memref<640x128xf32, #tpu.memory_space<hbm>>)
      tpu.yield
    }) : () -> ()
    return
  }
}

#map = affine_map<(d0, d1) -> (0, 0, 0, 0)>
#map1 = affine_map<(d0, d1) -> (0, 0, 0)>
module attributes {stable_mosaic.version = 14 : i64} {
  func.func @k(%arg0: i32, %arg1: i32, %arg2: memref<4x800x1x128xi32, #tpu.memory_space<hbm>>, %arg3: memref<2x800x1x128xi32, #tpu.memory_space<hbm>>, %arg4: memref<4x10240x16xf32, #tpu.memory_space<hbm>>, %arg5: memref<2x50176x16xf32, #tpu.memory_space<hbm>>, %arg6: memref<50176x16xf32, #tpu.memory_space<vmem_shared>>, %arg7: memref<50x1x128xi32, #tpu.memory_space<vmem>>, %arg8: memref<128x16xf32, #tpu.memory_space<vmem>>, %arg9: memref<16x16xf32, #tpu.memory_space<vmem>>) attributes {dimension_semantics = [#tpu.dimension_semantics<core_parallel>, #tpu.dimension_semantics<subcore_parallel>], iteration_bounds = array<i64: 2, 16>, scalar_prefetch = 0 : i64, scratch_operands = 4 : i64, tpu.core_type = #tpu.core_type<sc_vector_subcore>, window_params = [{transform_indices = #map}, {transform_indices = #map}, {transform_indices = #map1}, {transform_indices = #map1}]} {
    %broadcast_in_dim3A = arith.constant 0.000000e+00 : f32
    %broadcast_in_dim3A_0 = vector.broadcast %broadcast_in_dim3A : f32 to vector<16xf32>
    %scan3A = arith.constant 0 : i32
    %scan3A_1 = arith.constant 16 : i32
    %scan3A_2 = arith.addi %scan3A, %scan3A_1 : i32
    %scan3A_3 = arith.constant 1 : i32
    scf.for %scan3A_67 = %scan3A to %scan3A_2 step %scan3A_3  : i32 {
      %mul3A_68 = arith.constant 1 : i32
      %mul3A_69 = arith.muli %scan3A_67, %mul3A_68 : i32
      %add3A_70 = arith.constant 0 : i32
      %add3A_71 = arith.addi %add3A_70, %mul3A_69 : i32
      %swap3A = arith.index_cast %add3A_71 : i32 to index
      %swap3A_72 = arith.constant 0 : index
      %swap3A_73 = tpu.vector_load %arg9[%swap3A, %swap3A_72] {strides = array<i32>} : memref<16x16xf32, #tpu.memory_space<vmem>>, vector<1x16xf32>,
      %swap3A_74 = vector.shape_cast %swap3A_73 : vector<1x16xf32> to vector<16xf32>
      %swap3A_75 = vector.shape_cast %broadcast_in_dim3A_0 : vector<16xf32> to vector<1x16xf32>
      tpu.vector_store %arg9[%swap3A, %swap3A_72], %swap3A_75 {strides = array<i32>} : memref<16x16xf32, #tpu.memory_space<vmem>>, vector<1x16xf32>,
    }
    %scan3A_4 = arith.constant 16 : i32
    %broadcast_in_dim3A_5 = arith.constant 1.000000e+00 : f32
    %broadcast_in_dim3A_6 = vector.broadcast %broadcast_in_dim3A_5 : f32 to vector<16xf32>
    %scan3A_7 = arith.constant 0 : i32
    %scan3A_8 = arith.constant 128 : i32
    %scan3A_9 = arith.addi %scan3A_7, %scan3A_8 : i32
    %scan3A_10 = arith.constant 1 : i32
    scf.for %scan3A_67 = %scan3A_7 to %scan3A_9 step %scan3A_10  : i32 {
      %mul3A_68 = arith.constant 1 : i32
      %mul3A_69 = arith.muli %scan3A_67, %mul3A_68 : i32
      %add3A_70 = arith.constant 0 : i32
      %add3A_71 = arith.addi %add3A_70, %mul3A_69 : i32
      %swap3A = arith.index_cast %add3A_71 : i32 to index
      %swap3A_72 = arith.constant 0 : index
      %swap3A_73 = tpu.vector_load %arg8[%swap3A, %swap3A_72] {strides = array<i32>} : memref<128x16xf32, #tpu.memory_space<vmem>>, vector<1x16xf32>,
      %swap3A_74 = vector.shape_cast %swap3A_73 : vector<1x16xf32> to vector<16xf32>
      %swap3A_75 = vector.shape_cast %broadcast_in_dim3A_6 : vector<16xf32> to vector<1x16xf32>
      tpu.vector_store %arg8[%swap3A, %swap3A_72], %swap3A_75 {strides = array<i32>} : memref<128x16xf32, #tpu.memory_space<vmem>>, vector<1x16xf32>,
    }
    %scan3A_11 = arith.constant 128 : i32
    %mul3A = arith.constant 640 : i32
    %mul3A_12 = arith.muli %arg1, %mul3A : i32
    %mul3A_13 = arith.constant 2 : i32
    %mul3A_14 = arith.muli %arg0, %mul3A_13 : i32
    %add3A = arith.constant 0 : i32
    %add3A_15 = arith.addi %mul3A_14, %add3A : i32
    %scan3A_16 = arith.constant 0 : i32
    %scan3A_17 = arith.constant 40 : i32
    %scan3A_18 = arith.addi %scan3A_16, %scan3A_17 : i32
    %scan3A_19 = arith.constant 1 : i32
    scf.for %scan3A_67 = %scan3A_16 to %scan3A_18 step %scan3A_19  : i32 {
      %mul3A_68 = arith.constant 1 : i32
      %mul3A_69 = arith.muli %scan3A_67, %mul3A_68 : i32
      %add3A_70 = arith.constant 0 : i32
      %add3A_71 = arith.addi %add3A_70, %mul3A_69 : i32
      %mul3A_72 = arith.constant 16 : i32
      %mul3A_73 = arith.muli %add3A_71, %mul3A_72 : i32
      %add3A_74 = arith.addi %mul3A_12, %mul3A_73 : i32
      "tpu.region"() ({
        %run_scoped3A = tpu.sem_alloc : memref<!tpu.dma_semaphore, #tpu.memory_space<semaphore_mem>>
        %dma_start3A = arith.constant 0 : i32
        %dma_start3A_75 = tpu.memref_slice %arg6[%add3A_74, %dma_start3A] : memref<50176x16xf32, #tpu.memory_space<vmem_shared>> -> memref<16x16xf32, #tpu.memory_space<vmem_shared>>
        %dma_start3A_76 = arith.constant 0 : i32
        %dma_start3A_77 = tpu.memref_slice %arg6[%add3A_74, %dma_start3A_76] : memref<50176x16xf32, #tpu.memory_space<vmem_shared>> -> memref<16x16xf32, #tpu.memory_space<vmem_shared>>
        tpu.enqueue_dma source(%arg9 : memref<16x16xf32, #tpu.memory_space<vmem>>) target(%dma_start3A_77 : memref<16x16xf32, #tpu.memory_space<vmem_shared>>) target_semaphore(%run_scoped3A : memref<!tpu.dma_semaphore, #tpu.memory_space<semaphore_mem>>)
        %dma_wait3A = arith.constant 0 : i32
        %dma_wait3A_78 = tpu.memref_slice %arg6[%add3A_74, %dma_wait3A] : memref<50176x16xf32, #tpu.memory_space<vmem_shared>> -> memref<16x16xf32, #tpu.memory_space<vmem_shared>>
        %dma_wait3A_79 = arith.constant 0 : i32
        %dma_wait3A_80 = tpu.memref_slice %arg6[%add3A_74, %dma_wait3A_79] : memref<50176x16xf32, #tpu.memory_space<vmem_shared>> -> memref<16x16xf32, #tpu.memory_space<vmem_shared>>
        tpu.wait_dma2 semaphore(%run_scoped3A : memref<!tpu.dma_semaphore, #tpu.memory_space<semaphore_mem>>) src(%arg9 : memref<16x16xf32, #tpu.memory_space<vmem>>) dst(%dma_wait3A_80 : memref<16x16xf32, #tpu.memory_space<vmem_shared>>)
        tpu.yield
      }) : () -> ()
    }
    %scan3A_20 = arith.constant 40 : i32
    %mul3A_21 = arith.constant 50 : i32
    %mul3A_22 = arith.muli %arg1, %mul3A_21 : i32
    "tpu.region"() ({
      %run_scoped3A = tpu.sem_alloc : memref<!tpu.dma_semaphore, #tpu.memory_space<semaphore_mem>>
      %dma_start3A = arith.constant 0 : i32
      %dma_start3A_67 = arith.constant 0 : i32
      %dma_start3A_68 = tpu.memref_slice %arg2[%add3A_15, %mul3A_22, %dma_start3A, %dma_start3A_67] : memref<4x800x1x128xi32, #tpu.memory_space<hbm>> -> memref<1x50x1x128xi32, #tpu.memory_space<hbm>>
      %dma_start3A_69 = tpu.memref_squeeze %dma_start3A_68 : memref<1x50x1x128xi32, #tpu.memory_space<hbm>> -> memref<50x1x128xi32, #tpu.memory_space<hbm>>
      %dma_start3A_70 = arith.constant 0 : i32
      %dma_start3A_71 = arith.constant 0 : i32
      %dma_start3A_72 = tpu.memref_slice %arg2[%add3A_15, %mul3A_22, %dma_start3A_70, %dma_start3A_71] : memref<4x800x1x128xi32, #tpu.memory_space<hbm>> -> memref<1x50x1x128xi32, #tpu.memory_space<hbm>>
      %dma_start3A_73 = tpu.memref_squeeze %dma_start3A_72 : memref<1x50x1x128xi32, #tpu.memory_space<hbm>> -> memref<50x1x128xi32, #tpu.memory_space<hbm>>
      tpu.enqueue_dma source(%dma_start3A_73 : memref<50x1x128xi32, #tpu.memory_space<hbm>>) target(%arg7 : memref<50x1x128xi32, #tpu.memory_space<vmem>>) target_semaphore(%run_scoped3A : memref<!tpu.dma_semaphore, #tpu.memory_space<semaphore_mem>>)
      %dma_wait3A = arith.constant 0 : i32
      %dma_wait3A_74 = arith.constant 0 : i32
      %dma_wait3A_75 = tpu.memref_slice %arg2[%add3A_15, %mul3A_22, %dma_wait3A, %dma_wait3A_74] : memref<4x800x1x128xi32, #tpu.memory_space<hbm>> -> memref<1x50x1x128xi32, #tpu.memory_space<hbm>>
      %dma_wait3A_76 = tpu.memref_squeeze %dma_wait3A_75 : memref<1x50x1x128xi32, #tpu.memory_space<hbm>> -> memref<50x1x128xi32, #tpu.memory_space<hbm>>
      %dma_wait3A_77 = arith.constant 0 : i32
      %dma_wait3A_78 = arith.constant 0 : i32
      %dma_wait3A_79 = tpu.memref_slice %arg2[%add3A_15, %mul3A_22, %dma_wait3A_77, %dma_wait3A_78] : memref<4x800x1x128xi32, #tpu.memory_space<hbm>> -> memref<1x50x1x128xi32, #tpu.memory_space<hbm>>
      %dma_wait3A_80 = tpu.memref_squeeze %dma_wait3A_79 : memref<1x50x1x128xi32, #tpu.memory_space<hbm>> -> memref<50x1x128xi32, #tpu.memory_space<hbm>>
      tpu.wait_dma2 semaphore(%run_scoped3A : memref<!tpu.dma_semaphore, #tpu.memory_space<semaphore_mem>>) src(%dma_wait3A_80 : memref<50x1x128xi32, #tpu.memory_space<hbm>>) dst(%arg7 : memref<50x1x128xi32, #tpu.memory_space<vmem>>)
      tpu.yield
    }) : () -> ()
    %barrier3A = arith.constant 0 : index
    tpu.barrier barrier_id(%barrier3A)
    %scan3A_23 = arith.constant 0 : i32
    %scan3A_24 = arith.constant 50 : i32
    %scan3A_25 = arith.addi %scan3A_23, %scan3A_24 : i32
    %scan3A_26 = arith.constant 1 : i32
    scf.for %scan3A_67 = %scan3A_23 to %scan3A_25 step %scan3A_26  : i32 {
      %mul3A_68 = arith.constant 1 : i32
      %mul3A_69 = arith.muli %scan3A_67, %mul3A_68 : i32
      %add3A_70 = arith.constant 0 : i32
      %add3A_71 = arith.addi %add3A_70, %mul3A_69 : i32
      %run_scoped3A = arith.constant 0 : i32
      "tpu.region"() ({
        %run_scoped3A_72 = tpu.sem_alloc : memref<!tpu.dma_semaphore, #tpu.memory_space<semaphore_mem>>
        %dma_start3A = arith.constant 0 : i32
        %dma_start3A_73 = tpu.memref_slice %arg7[%add3A_71, %run_scoped3A, %dma_start3A] : memref<50x1x128xi32, #tpu.memory_space<vmem>> -> memref<1x1x128xi32, #tpu.memory_space<vmem>>
        %dma_start3A_74 = tpu.memref_squeeze %dma_start3A_73 : memref<1x1x128xi32, #tpu.memory_space<vmem>> -> memref<128xi32, #tpu.memory_space<vmem>>
        %dma_start3A_75 = arith.constant 0 : i32
        %dma_start3A_76 = arith.constant 0 : i32
        %dma_start3A_77 = tpu.memref_slice %arg6[%dma_start3A_75, %dma_start3A_76] : memref<50176x16xf32, #tpu.memory_space<vmem_shared>> -> memref<50176x16xf32, #tpu.memory_space<vmem_shared>>
        tpu.enqueue_indirect_dma source(%arg8 : memref<128x16xf32, #tpu.memory_space<vmem>>) target(%dma_start3A_77 : memref<50176x16xf32, #tpu.memory_space<vmem_shared>>) offsets(%dma_start3A_74 : memref<128xi32, #tpu.memory_space<vmem>>) semaphore(%run_scoped3A_72 : memref<!tpu.dma_semaphore, #tpu.memory_space<semaphore_mem>>) {add = true}
        %dma_wait3A = arith.constant 0 : i32
        %dma_wait3A_78 = tpu.memref_slice %arg7[%add3A_71, %run_scoped3A, %dma_wait3A] : memref<50x1x128xi32, #tpu.memory_space<vmem>> -> memref<1x1x128xi32, #tpu.memory_space<vmem>>
        %dma_wait3A_79 = tpu.memref_squeeze %dma_wait3A_78 : memref<1x1x128xi32, #tpu.memory_space<vmem>> -> memref<128xi32, #tpu.memory_space<vmem>>
        %dma_wait3A_80 = arith.constant 0 : i32
        %dma_wait3A_81 = arith.constant 0 : i32
        %dma_wait3A_82 = tpu.memref_slice %arg6[%dma_wait3A_80, %dma_wait3A_81] : memref<50176x16xf32, #tpu.memory_space<vmem_shared>> -> memref<50176x16xf32, #tpu.memory_space<vmem_shared>>
        tpu.wait_indirect_dma semaphore(%run_scoped3A_72 : memref<!tpu.dma_semaphore, #tpu.memory_space<semaphore_mem>>) src(%arg8 : memref<128x16xf32, #tpu.memory_space<vmem>>) dst(%dma_wait3A_82 : memref<50176x16xf32, #tpu.memory_space<vmem_shared>>)
        tpu.yield
      }) : () -> ()
    }
    %scan3A_27 = arith.constant 50 : i32
    %barrier3A_28 = arith.constant 0 : index
    tpu.barrier barrier_id(%barrier3A_28)
    "tpu.region"() ({
      %run_scoped3A = tpu.sem_alloc : memref<!tpu.dma_semaphore, #tpu.memory_space<semaphore_mem>>
      %dma_start3A = arith.constant 0 : i32
      %dma_start3A_67 = tpu.memref_slice %arg4[%add3A_15, %mul3A_12, %dma_start3A] : memref<4x10240x16xf32, #tpu.memory_space<hbm>> -> memref<1x640x16xf32, #tpu.memory_space<hbm>>
      %dma_start3A_68 = tpu.memref_squeeze %dma_start3A_67 : memref<1x640x16xf32, #tpu.memory_space<hbm>> -> memref<640x16xf32, #tpu.memory_space<hbm>>
      %dma_start3A_69 = arith.constant 0 : i32
      %dma_start3A_70 = tpu.memref_slice %arg6[%mul3A_12, %dma_start3A_69] : memref<50176x16xf32, #tpu.memory_space<vmem_shared>> -> memref<640x16xf32, #tpu.memory_space<vmem_shared>>
      tpu.enqueue_dma source(%dma_start3A_70 : memref<640x16xf32, #tpu.memory_space<vmem_shared>>) target(%dma_start3A_68 : memref<640x16xf32, #tpu.memory_space<hbm>>) target_semaphore(%run_scoped3A : memref<!tpu.dma_semaphore, #tpu.memory_space<semaphore_mem>>)
      %dma_wait3A = arith.constant 0 : i32
      %dma_wait3A_71 = tpu.memref_slice %arg4[%add3A_15, %mul3A_12, %dma_wait3A] : memref<4x10240x16xf32, #tpu.memory_space<hbm>> -> memref<1x640x16xf32, #tpu.memory_space<hbm>>
      %dma_wait3A_72 = tpu.memref_squeeze %dma_wait3A_71 : memref<1x640x16xf32, #tpu.memory_space<hbm>> -> memref<640x16xf32, #tpu.memory_space<hbm>>
      %dma_wait3A_73 = arith.constant 0 : i32
      %dma_wait3A_74 = tpu.memref_slice %arg6[%mul3A_12, %dma_wait3A_73] : memref<50176x16xf32, #tpu.memory_space<vmem_shared>> -> memref<640x16xf32, #tpu.memory_space<vmem_shared>>
      tpu.wait_dma2 semaphore(%run_scoped3A : memref<!tpu.dma_semaphore, #tpu.memory_space<semaphore_mem>>) src(%dma_wait3A_74 : memref<640x16xf32, #tpu.memory_space<vmem_shared>>) dst(%dma_wait3A_72 : memref<640x16xf32, #tpu.memory_space<hbm>>)
      tpu.yield
    }) : () -> ()
    %mul3A_29 = arith.constant 2 : i32
    %mul3A_30 = arith.muli %arg0, %mul3A_29 : i32
    %add3A_31 = arith.constant 1 : i32
    %add3A_32 = arith.addi %mul3A_30, %add3A_31 : i32
    %scan3A_33 = arith.constant 0 : i32
    %scan3A_34 = arith.constant 40 : i32
    %scan3A_35 = arith.addi %scan3A_33, %scan3A_34 : i32
    %scan3A_36 = arith.constant 1 : i32
    scf.for %scan3A_67 = %scan3A_33 to %scan3A_35 step %scan3A_36  : i32 {
      %mul3A_68 = arith.constant 1 : i32
      %mul3A_69 = arith.muli %scan3A_67, %mul3A_68 : i32
      %add3A_70 = arith.constant 0 : i32
      %add3A_71 = arith.addi %add3A_70, %mul3A_69 : i32
      %mul3A_72 = arith.constant 16 : i32
      %mul3A_73 = arith.muli %add3A_71, %mul3A_72 : i32
      %add3A_74 = arith.addi %mul3A_12, %mul3A_73 : i32
      "tpu.region"() ({
        %run_scoped3A = tpu.sem_alloc : memref<!tpu.dma_semaphore, #tpu.memory_space<semaphore_mem>>
        %dma_start3A = arith.constant 0 : i32
        %dma_start3A_75 = tpu.memref_slice %arg6[%add3A_74, %dma_start3A] : memref<50176x16xf32, #tpu.memory_space<vmem_shared>> -> memref<16x16xf32, #tpu.memory_space<vmem_shared>>
        %dma_start3A_76 = arith.constant 0 : i32
        %dma_start3A_77 = tpu.memref_slice %arg6[%add3A_74, %dma_start3A_76] : memref<50176x16xf32, #tpu.memory_space<vmem_shared>> -> memref<16x16xf32, #tpu.memory_space<vmem_shared>>
        tpu.enqueue_dma source(%arg9 : memref<16x16xf32, #tpu.memory_space<vmem>>) target(%dma_start3A_77 : memref<16x16xf32, #tpu.memory_space<vmem_shared>>) target_semaphore(%run_scoped3A : memref<!tpu.dma_semaphore, #tpu.memory_space<semaphore_mem>>)
        %dma_wait3A = arith.constant 0 : i32
        %dma_wait3A_78 = tpu.memref_slice %arg6[%add3A_74, %dma_wait3A] : memref<50176x16xf32, #tpu.memory_space<vmem_shared>> -> memref<16x16xf32, #tpu.memory_space<vmem_shared>>
        %dma_wait3A_79 = arith.constant 0 : i32
        %dma_wait3A_80 = tpu.memref_slice %arg6[%add3A_74, %dma_wait3A_79] : memref<50176x16xf32, #tpu.memory_space<vmem_shared>> -> memref<16x16xf32, #tpu.memory_space<vmem_shared>>
        tpu.wait_dma2 semaphore(%run_scoped3A : memref<!tpu.dma_semaphore, #tpu.memory_space<semaphore_mem>>) src(%arg9 : memref<16x16xf32, #tpu.memory_space<vmem>>) dst(%dma_wait3A_80 : memref<16x16xf32, #tpu.memory_space<vmem_shared>>)
        tpu.yield
      }) : () -> ()
    }
    %scan3A_37 = arith.constant 40 : i32
    %mul3A_38 = arith.constant 50 : i32
    %mul3A_39 = arith.muli %arg1, %mul3A_38 : i32
    "tpu.region"() ({
      %run_scoped3A = tpu.sem_alloc : memref<!tpu.dma_semaphore, #tpu.memory_space<semaphore_mem>>
      %dma_start3A = arith.constant 0 : i32
      %dma_start3A_67 = arith.constant 0 : i32
      %dma_start3A_68 = tpu.memref_slice %arg2[%add3A_32, %mul3A_39, %dma_start3A, %dma_start3A_67] : memref<4x800x1x128xi32, #tpu.memory_space<hbm>> -> memref<1x50x1x128xi32, #tpu.memory_space<hbm>>
      %dma_start3A_69 = tpu.memref_squeeze %dma_start3A_68 : memref<1x50x1x128xi32, #tpu.memory_space<hbm>> -> memref<50x1x128xi32, #tpu.memory_space<hbm>>
      %dma_start3A_70 = arith.constant 0 : i32
      %dma_start3A_71 = arith.constant 0 : i32
      %dma_start3A_72 = tpu.memref_slice %arg2[%add3A_32, %mul3A_39, %dma_start3A_70, %dma_start3A_71] : memref<4x800x1x128xi32, #tpu.memory_space<hbm>> -> memref<1x50x1x128xi32, #tpu.memory_space<hbm>>
      %dma_start3A_73 = tpu.memref_squeeze %dma_start3A_72 : memref<1x50x1x128xi32, #tpu.memory_space<hbm>> -> memref<50x1x128xi32, #tpu.memory_space<hbm>>
      tpu.enqueue_dma source(%dma_start3A_73 : memref<50x1x128xi32, #tpu.memory_space<hbm>>) target(%arg7 : memref<50x1x128xi32, #tpu.memory_space<vmem>>) target_semaphore(%run_scoped3A : memref<!tpu.dma_semaphore, #tpu.memory_space<semaphore_mem>>)
      %dma_wait3A = arith.constant 0 : i32
      %dma_wait3A_74 = arith.constant 0 : i32
      %dma_wait3A_75 = tpu.memref_slice %arg2[%add3A_32, %mul3A_39, %dma_wait3A, %dma_wait3A_74] : memref<4x800x1x128xi32, #tpu.memory_space<hbm>> -> memref<1x50x1x128xi32, #tpu.memory_space<hbm>>
      %dma_wait3A_76 = tpu.memref_squeeze %dma_wait3A_75 : memref<1x50x1x128xi32, #tpu.memory_space<hbm>> -> memref<50x1x128xi32, #tpu.memory_space<hbm>>
      %dma_wait3A_77 = arith.constant 0 : i32
      %dma_wait3A_78 = arith.constant 0 : i32
      %dma_wait3A_79 = tpu.memref_slice %arg2[%add3A_32, %mul3A_39, %dma_wait3A_77, %dma_wait3A_78] : memref<4x800x1x128xi32, #tpu.memory_space<hbm>> -> memref<1x50x1x128xi32, #tpu.memory_space<hbm>>
      %dma_wait3A_80 = tpu.memref_squeeze %dma_wait3A_79 : memref<1x50x1x128xi32, #tpu.memory_space<hbm>> -> memref<50x1x128xi32, #tpu.memory_space<hbm>>
      tpu.wait_dma2 semaphore(%run_scoped3A : memref<!tpu.dma_semaphore, #tpu.memory_space<semaphore_mem>>) src(%dma_wait3A_80 : memref<50x1x128xi32, #tpu.memory_space<hbm>>) dst(%arg7 : memref<50x1x128xi32, #tpu.memory_space<vmem>>)
      tpu.yield
    }) : () -> ()
    %barrier3A_40 = arith.constant 0 : index
    tpu.barrier barrier_id(%barrier3A_40)
    %scan3A_41 = arith.constant 0 : i32
    %scan3A_42 = arith.constant 50 : i32
    %scan3A_43 = arith.addi %scan3A_41, %scan3A_42 : i32
    %scan3A_44 = arith.constant 1 : i32
    scf.for %scan3A_67 = %scan3A_41 to %scan3A_43 step %scan3A_44  : i32 {
      %mul3A_68 = arith.constant 1 : i32
      %mul3A_69 = arith.muli %scan3A_67, %mul3A_68 : i32
      %add3A_70 = arith.constant 0 : i32
      %add3A_71 = arith.addi %add3A_70, %mul3A_69 : i32
      %run_scoped3A = arith.constant 0 : i32
      "tpu.region"() ({
        %run_scoped3A_72 = tpu.sem_alloc : memref<!tpu.dma_semaphore, #tpu.memory_space<semaphore_mem>>
        %dma_start3A = arith.constant 0 : i32
        %dma_start3A_73 = tpu.memref_slice %arg7[%add3A_71, %run_scoped3A, %dma_start3A] : memref<50x1x128xi32, #tpu.memory_space<vmem>> -> memref<1x1x128xi32, #tpu.memory_space<vmem>>
        %dma_start3A_74 = tpu.memref_squeeze %dma_start3A_73 : memref<1x1x128xi32, #tpu.memory_space<vmem>> -> memref<128xi32, #tpu.memory_space<vmem>>
        %dma_start3A_75 = arith.constant 0 : i32
        %dma_start3A_76 = arith.constant 0 : i32
        %dma_start3A_77 = tpu.memref_slice %arg6[%dma_start3A_75, %dma_start3A_76] : memref<50176x16xf32, #tpu.memory_space<vmem_shared>> -> memref<50176x16xf32, #tpu.memory_space<vmem_shared>>
        tpu.enqueue_indirect_dma source(%arg8 : memref<128x16xf32, #tpu.memory_space<vmem>>) target(%dma_start3A_77 : memref<50176x16xf32, #tpu.memory_space<vmem_shared>>) offsets(%dma_start3A_74 : memref<128xi32, #tpu.memory_space<vmem>>) semaphore(%run_scoped3A_72 : memref<!tpu.dma_semaphore, #tpu.memory_space<semaphore_mem>>) {add = true}
        %dma_wait3A = arith.constant 0 : i32
        %dma_wait3A_78 = tpu.memref_slice %arg7[%add3A_71, %run_scoped3A, %dma_wait3A] : memref<50x1x128xi32, #tpu.memory_space<vmem>> -> memref<1x1x128xi32, #tpu.memory_space<vmem>>
        %dma_wait3A_79 = tpu.memref_squeeze %dma_wait3A_78 : memref<1x1x128xi32, #tpu.memory_space<vmem>> -> memref<128xi32, #tpu.memory_space<vmem>>
        %dma_wait3A_80 = arith.constant 0 : i32
        %dma_wait3A_81 = arith.constant 0 : i32
        %dma_wait3A_82 = tpu.memref_slice %arg6[%dma_wait3A_80, %dma_wait3A_81] : memref<50176x16xf32, #tpu.memory_space<vmem_shared>> -> memref<50176x16xf32, #tpu.memory_space<vmem_shared>>
        tpu.wait_indirect_dma semaphore(%run_scoped3A_72 : memref<!tpu.dma_semaphore, #tpu.memory_space<semaphore_mem>>) src(%arg8 : memref<128x16xf32, #tpu.memory_space<vmem>>) dst(%dma_wait3A_82 : memref<50176x16xf32, #tpu.memory_space<vmem_shared>>)
        tpu.yield
      }) : () -> ()
    }
    %scan3A_45 = arith.constant 50 : i32
    %barrier3A_46 = arith.constant 0 : index
    tpu.barrier barrier_id(%barrier3A_46)
    "tpu.region"() ({
      %run_scoped3A = tpu.sem_alloc : memref<!tpu.dma_semaphore, #tpu.memory_space<semaphore_mem>>
      %dma_start3A = arith.constant 0 : i32
      %dma_start3A_67 = tpu.memref_slice %arg4[%add3A_32, %mul3A_12, %dma_start3A] : memref<4x10240x16xf32, #tpu.memory_space<hbm>> -> memref<1x640x16xf32, #tpu.memory_space<hbm>>
      %dma_start3A_68 = tpu.memref_squeeze %dma_start3A_67 : memref<1x640x16xf32, #tpu.memory_space<hbm>> -> memref<640x16xf32, #tpu.memory_space<hbm>>
      %dma_start3A_69 = arith.constant 0 : i32
      %dma_start3A_70 = tpu.memref_slice %arg6[%mul3A_12, %dma_start3A_69] : memref<50176x16xf32, #tpu.memory_space<vmem_shared>> -> memref<640x16xf32, #tpu.memory_space<vmem_shared>>
      tpu.enqueue_dma source(%dma_start3A_70 : memref<640x16xf32, #tpu.memory_space<vmem_shared>>) target(%dma_start3A_68 : memref<640x16xf32, #tpu.memory_space<hbm>>) target_semaphore(%run_scoped3A : memref<!tpu.dma_semaphore, #tpu.memory_space<semaphore_mem>>)
      %dma_wait3A = arith.constant 0 : i32
      %dma_wait3A_71 = tpu.memref_slice %arg4[%add3A_32, %mul3A_12, %dma_wait3A] : memref<4x10240x16xf32, #tpu.memory_space<hbm>> -> memref<1x640x16xf32, #tpu.memory_space<hbm>>
      %dma_wait3A_72 = tpu.memref_squeeze %dma_wait3A_71 : memref<1x640x16xf32, #tpu.memory_space<hbm>> -> memref<640x16xf32, #tpu.memory_space<hbm>>
      %dma_wait3A_73 = arith.constant 0 : i32
      %dma_wait3A_74 = tpu.memref_slice %arg6[%mul3A_12, %dma_wait3A_73] : memref<50176x16xf32, #tpu.memory_space<vmem_shared>> -> memref<640x16xf32, #tpu.memory_space<vmem_shared>>
      tpu.wait_dma2 semaphore(%run_scoped3A : memref<!tpu.dma_semaphore, #tpu.memory_space<semaphore_mem>>) src(%dma_wait3A_74 : memref<640x16xf32, #tpu.memory_space<vmem_shared>>) dst(%dma_wait3A_72 : memref<640x16xf32, #tpu.memory_space<hbm>>)
      tpu.yield
    }) : () -> ()
    %mul3A_47 = arith.constant 3136 : i32
    %mul3A_48 = arith.muli %arg1, %mul3A_47 : i32
    %mul3A_49 = arith.constant 1 : i32
    %mul3A_50 = arith.muli %arg0, %mul3A_49 : i32
    %add3A_51 = arith.constant 0 : i32
    %add3A_52 = arith.addi %mul3A_50, %add3A_51 : i32
    %scan3A_53 = arith.constant 0 : i32
    %scan3A_54 = arith.constant 196 : i32
    %scan3A_55 = arith.addi %scan3A_53, %scan3A_54 : i32
    %scan3A_56 = arith.constant 1 : i32
    scf.for %scan3A_67 = %scan3A_53 to %scan3A_55 step %scan3A_56  : i32 {
      %mul3A_68 = arith.constant 1 : i32
      %mul3A_69 = arith.muli %scan3A_67, %mul3A_68 : i32
      %add3A_70 = arith.constant 0 : i32
      %add3A_71 = arith.addi %add3A_70, %mul3A_69 : i32
      %mul3A_72 = arith.constant 16 : i32
      %mul3A_73 = arith.muli %add3A_71, %mul3A_72 : i32
      %add3A_74 = arith.addi %mul3A_48, %mul3A_73 : i32
      "tpu.region"() ({
        %run_scoped3A = tpu.sem_alloc : memref<!tpu.dma_semaphore, #tpu.memory_space<semaphore_mem>>
        %dma_start3A = arith.constant 0 : i32
        %dma_start3A_75 = tpu.memref_slice %arg6[%add3A_74, %dma_start3A] : memref<50176x16xf32, #tpu.memory_space<vmem_shared>> -> memref<16x16xf32, #tpu.memory_space<vmem_shared>>
        %dma_start3A_76 = arith.constant 0 : i32
        %dma_start3A_77 = tpu.memref_slice %arg6[%add3A_74, %dma_start3A_76] : memref<50176x16xf32, #tpu.memory_space<vmem_shared>> -> memref<16x16xf32, #tpu.memory_space<vmem_shared>>
        tpu.enqueue_dma source(%arg9 : memref<16x16xf32, #tpu.memory_space<vmem>>) target(%dma_start3A_77 : memref<16x16xf32, #tpu.memory_space<vmem_shared>>) target_semaphore(%run_scoped3A : memref<!tpu.dma_semaphore, #tpu.memory_space<semaphore_mem>>)
        %dma_wait3A = arith.constant 0 : i32
        %dma_wait3A_78 = tpu.memref_slice %arg6[%add3A_74, %dma_wait3A] : memref<50176x16xf32, #tpu.memory_space<vmem_shared>> -> memref<16x16xf32, #tpu.memory_space<vmem_shared>>
        %dma_wait3A_79 = arith.constant 0 : i32
        %dma_wait3A_80 = tpu.memref_slice %arg6[%add3A_74, %dma_wait3A_79] : memref<50176x16xf32, #tpu.memory_space<vmem_shared>> -> memref<16x16xf32, #tpu.memory_space<vmem_shared>>
        tpu.wait_dma2 semaphore(%run_scoped3A : memref<!tpu.dma_semaphore, #tpu.memory_space<semaphore_mem>>) src(%arg9 : memref<16x16xf32, #tpu.memory_space<vmem>>) dst(%dma_wait3A_80 : memref<16x16xf32, #tpu.memory_space<vmem_shared>>)
        tpu.yield
      }) : () -> ()
    }
    %scan3A_57 = arith.constant 196 : i32
    %mul3A_58 = arith.constant 50 : i32
    %mul3A_59 = arith.muli %arg1, %mul3A_58 : i32
    "tpu.region"() ({
      %run_scoped3A = tpu.sem_alloc : memref<!tpu.dma_semaphore, #tpu.memory_space<semaphore_mem>>
      %dma_start3A = arith.constant 0 : i32
      %dma_start3A_67 = arith.constant 0 : i32
      %dma_start3A_68 = tpu.memref_slice %arg3[%add3A_52, %mul3A_59, %dma_start3A, %dma_start3A_67] : memref<2x800x1x128xi32, #tpu.memory_space<hbm>> -> memref<1x50x1x128xi32, #tpu.memory_space<hbm>>
      %dma_start3A_69 = tpu.memref_squeeze %dma_start3A_68 : memref<1x50x1x128xi32, #tpu.memory_space<hbm>> -> memref<50x1x128xi32, #tpu.memory_space<hbm>>
      %dma_start3A_70 = arith.constant 0 : i32
      %dma_start3A_71 = arith.constant 0 : i32
      %dma_start3A_72 = tpu.memref_slice %arg3[%add3A_52, %mul3A_59, %dma_start3A_70, %dma_start3A_71] : memref<2x800x1x128xi32, #tpu.memory_space<hbm>> -> memref<1x50x1x128xi32, #tpu.memory_space<hbm>>
      %dma_start3A_73 = tpu.memref_squeeze %dma_start3A_72 : memref<1x50x1x128xi32, #tpu.memory_space<hbm>> -> memref<50x1x128xi32, #tpu.memory_space<hbm>>
      tpu.enqueue_dma source(%dma_start3A_73 : memref<50x1x128xi32, #tpu.memory_space<hbm>>) target(%arg7 : memref<50x1x128xi32, #tpu.memory_space<vmem>>) target_semaphore(%run_scoped3A : memref<!tpu.dma_semaphore, #tpu.memory_space<semaphore_mem>>)
      %dma_wait3A = arith.constant 0 : i32
      %dma_wait3A_74 = arith.constant 0 : i32
      %dma_wait3A_75 = tpu.memref_slice %arg3[%add3A_52, %mul3A_59, %dma_wait3A, %dma_wait3A_74] : memref<2x800x1x128xi32, #tpu.memory_space<hbm>> -> memref<1x50x1x128xi32, #tpu.memory_space<hbm>>
      %dma_wait3A_76 = tpu.memref_squeeze %dma_wait3A_75 : memref<1x50x1x128xi32, #tpu.memory_space<hbm>> -> memref<50x1x128xi32, #tpu.memory_space<hbm>>
      %dma_wait3A_77 = arith.constant 0 : i32
      %dma_wait3A_78 = arith.constant 0 : i32
      %dma_wait3A_79 = tpu.memref_slice %arg3[%add3A_52, %mul3A_59, %dma_wait3A_77, %dma_wait3A_78] : memref<2x800x1x128xi32, #tpu.memory_space<hbm>> -> memref<1x50x1x128xi32, #tpu.memory_space<hbm>>
      %dma_wait3A_80 = tpu.memref_squeeze %dma_wait3A_79 : memref<1x50x1x128xi32, #tpu.memory_space<hbm>> -> memref<50x1x128xi32, #tpu.memory_space<hbm>>
      tpu.wait_dma2 semaphore(%run_scoped3A : memref<!tpu.dma_semaphore, #tpu.memory_space<semaphore_mem>>) src(%dma_wait3A_80 : memref<50x1x128xi32, #tpu.memory_space<hbm>>) dst(%arg7 : memref<50x1x128xi32, #tpu.memory_space<vmem>>)
      tpu.yield
    }) : () -> ()
    %barrier3A_60 = arith.constant 0 : index
    tpu.barrier barrier_id(%barrier3A_60)
    %scan3A_61 = arith.constant 0 : i32
    %scan3A_62 = arith.constant 50 : i32
    %scan3A_63 = arith.addi %scan3A_61, %scan3A_62 : i32
    %scan3A_64 = arith.constant 1 : i32
    scf.for %scan3A_67 = %scan3A_61 to %scan3A_63 step %scan3A_64  : i32 {
      %mul3A_68 = arith.constant 1 : i32
      %mul3A_69 = arith.muli %scan3A_67, %mul3A_68 : i32
      %add3A_70 = arith.constant 0 : i32
      %add3A_71 = arith.addi %add3A_70, %mul3A_69 : i32
      %run_scoped3A = arith.constant 0 : i32
      "tpu.region"() ({
        %run_scoped3A_72 = tpu.sem_alloc : memref<!tpu.dma_semaphore, #tpu.memory_space<semaphore_mem>>
        %dma_start3A = arith.constant 0 : i32
        %dma_start3A_73 = tpu.memref_slice %arg7[%add3A_71, %run_scoped3A, %dma_start3A] : memref<50x1x128xi32, #tpu.memory_space<vmem>> -> memref<1x1x128xi32, #tpu.memory_space<vmem>>
        %dma_start3A_74 = tpu.memref_squeeze %dma_start3A_73 : memref<1x1x128xi32, #tpu.memory_space<vmem>> -> memref<128xi32, #tpu.memory_space<vmem>>
        %dma_start3A_75 = arith.constant 0 : i32
        %dma_start3A_76 = arith.constant 0 : i32
        %dma_start3A_77 = tpu.memref_slice %arg6[%dma_start3A_75, %dma_start3A_76] : memref<50176x16xf32, #tpu.memory_space<vmem_shared>> -> memref<50176x16xf32, #tpu.memory_space<vmem_shared>>
        tpu.enqueue_indirect_dma source(%arg8 : memref<128x16xf32, #tpu.memory_space<vmem>>) target(%dma_start3A_77 : memref<50176x16xf32, #tpu.memory_space<vmem_shared>>) offsets(%dma_start3A_74 : memref<128xi32, #tpu.memory_space<vmem>>) semaphore(%run_scoped3A_72 : memref<!tpu.dma_semaphore, #tpu.memory_space<semaphore_mem>>) {add = true}
        %dma_wait3A = arith.constant 0 : i32
        %dma_wait3A_78 = tpu.memref_slice %arg7[%add3A_71, %run_scoped3A, %dma_wait3A] : memref<50x1x128xi32, #tpu.memory_space<vmem>> -> memref<1x1x128xi32, #tpu.memory_space<vmem>>
        %dma_wait3A_79 = tpu.memref_squeeze %dma_wait3A_78 : memref<1x1x128xi32, #tpu.memory_space<vmem>> -> memref<128xi32, #tpu.memory_space<vmem>>
        %dma_wait3A_80 = arith.constant 0 : i32
        %dma_wait3A_81 = arith.constant 0 : i32
        %dma_wait3A_82 = tpu.memref_slice %arg6[%dma_wait3A_80, %dma_wait3A_81] : memref<50176x16xf32, #tpu.memory_space<vmem_shared>> -> memref<50176x16xf32, #tpu.memory_space<vmem_shared>>
        tpu.wait_indirect_dma semaphore(%run_scoped3A_72 : memref<!tpu.dma_semaphore, #tpu.memory_space<semaphore_mem>>) src(%arg8 : memref<128x16xf32, #tpu.memory_space<vmem>>) dst(%dma_wait3A_82 : memref<50176x16xf32, #tpu.memory_space<vmem_shared>>)
        tpu.yield
      }) : () -> ()
    }
    %scan3A_65 = arith.constant 50 : i32
    %barrier3A_66 = arith.constant 0 : index
    tpu.barrier barrier_id(%barrier3A_66)
    "tpu.region"() ({
      %run_scoped3A = tpu.sem_alloc : memref<!tpu.dma_semaphore, #tpu.memory_space<semaphore_mem>>
      %dma_start3A = arith.constant 0 : i32
      %dma_start3A_67 = tpu.memref_slice %arg5[%add3A_52, %mul3A_48, %dma_start3A] : memref<2x50176x16xf32, #tpu.memory_space<hbm>> -> memref<1x3136x16xf32, #tpu.memory_space<hbm>>
      %dma_start3A_68 = tpu.memref_squeeze %dma_start3A_67 : memref<1x3136x16xf32, #tpu.memory_space<hbm>> -> memref<3136x16xf32, #tpu.memory_space<hbm>>
      %dma_start3A_69 = arith.constant 0 : i32
      %dma_start3A_70 = tpu.memref_slice %arg6[%mul3A_48, %dma_start3A_69] : memref<50176x16xf32, #tpu.memory_space<vmem_shared>> -> memref<3136x16xf32, #tpu.memory_space<vmem_shared>>
      tpu.enqueue_dma source(%dma_start3A_70 : memref<3136x16xf32, #tpu.memory_space<vmem_shared>>) target(%dma_start3A_68 : memref<3136x16xf32, #tpu.memory_space<hbm>>) target_semaphore(%run_scoped3A : memref<!tpu.dma_semaphore, #tpu.memory_space<semaphore_mem>>)
      %dma_wait3A = arith.constant 0 : i32
      %dma_wait3A_71 = tpu.memref_slice %arg5[%add3A_52, %mul3A_48, %dma_wait3A] : memref<2x50176x16xf32, #tpu.memory_space<hbm>> -> memref<1x3136x16xf32, #tpu.memory_space<hbm>>
      %dma_wait3A_72 = tpu.memref_squeeze %dma_wait3A_71 : memref<1x3136x16xf32, #tpu.memory_space<hbm>> -> memref<3136x16xf32, #tpu.memory_space<hbm>>
      %dma_wait3A_73 = arith.constant 0 : i32
      %dma_wait3A_74 = tpu.memref_slice %arg6[%mul3A_48, %dma_wait3A_73] : memref<50176x16xf32, #tpu.memory_space<vmem_shared>> -> memref<3136x16xf32, #tpu.memory_space<vmem_shared>>
      tpu.wait_dma2 semaphore(%run_scoped3A : memref<!tpu.dma_semaphore, #tpu.memory_space<semaphore_mem>>) src(%dma_wait3A_74 : memref<3136x16xf32, #tpu.memory_space<vmem_shared>>) dst(%dma_wait3A_72 : memref<3136x16xf32, #tpu.memory_space<hbm>>)
      tpu.yield
    }) : () -> ()
    return
  }
}

#map = affine_map<(d0, d1) -> (0, 0)>
#map1 = affine_map<(d0, d1) -> (0, 0, 0)>
module attributes {stable_mosaic.version = 14 : i64} {
  func.func @k(%arg0: i32, %arg1: i32, %arg2: memref<40000x32xf32, #tpu.memory_space<hbm>>, %arg3: memref<800x1x128xi32, #tpu.memory_space<hbm>>, %arg4: memref<800x1x128xi32, #tpu.memory_space<hbm>>, %arg5: memref<4x50176x32xf32, #tpu.memory_space<hbm>>, %arg6: memref<50176x32xf32, #tpu.memory_space<vmem_shared>>, %arg7: memref<50x1x128xi32, #tpu.memory_space<vmem>>, %arg8: memref<50x1x128xi32, #tpu.memory_space<vmem>>, %arg9: memref<50x1x128xi32, #tpu.memory_space<vmem>>, %arg10: memref<128x32xf32, #tpu.memory_space<vmem>>, %arg11: memref<64x32xf32, #tpu.memory_space<vmem>>, %arg12: memref<!tpu.dma_semaphore, #tpu.memory_space<semaphore_mem>>) attributes {dimension_semantics = [#tpu.dimension_semantics<core_parallel>, #tpu.dimension_semantics<subcore_parallel>], iteration_bounds = array<i64: 2, 16>, scalar_prefetch = 0 : i64, scratch_operands = 7 : i64, tpu.core_type = #tpu.core_type<sc_vector_subcore>, window_params = [{transform_indices = #map}, {transform_indices = #map1}, {transform_indices = #map1}, {transform_indices = #map1}]} {
    %broadcast_in_dim3A = arith.constant 0.000000e+00 : f32
    %broadcast_in_dim3A_0 = vector.broadcast %broadcast_in_dim3A : f32 to vector<16xf32>
    %scan3A = arith.constant 0 : i32
    %scan3A_1 = arith.constant 64 : i32
    %scan3A_2 = arith.addi %scan3A, %scan3A_1 : i32
    %scan3A_3 = arith.constant 1 : i32
    scf.for %scan3A_50 = %scan3A to %scan3A_2 step %scan3A_3  : i32 {
      %mul3A_51 = arith.constant 1 : i32
      %mul3A_52 = arith.muli %scan3A_50, %mul3A_51 : i32
      %add3A_53 = arith.constant 0 : i32
      %add3A_54 = arith.addi %add3A_53, %mul3A_52 : i32
      %swap3A = arith.index_cast %add3A_54 : i32 to index
      %swap3A_55 = arith.constant 0 : index
      %swap3A_56 = tpu.vector_load %arg11[%swap3A, %swap3A_55] {strides = array<i32>} : memref<64x32xf32, #tpu.memory_space<vmem>>, vector<1x16xf32>,
      %swap3A_57 = vector.shape_cast %swap3A_56 : vector<1x16xf32> to vector<16xf32>
      %swap3A_58 = vector.shape_cast %broadcast_in_dim3A_0 : vector<16xf32> to vector<1x16xf32>
      tpu.vector_store %arg11[%swap3A, %swap3A_55], %swap3A_58 {strides = array<i32>} : memref<64x32xf32, #tpu.memory_space<vmem>>, vector<1x16xf32>,
      %swap3A_59 = arith.index_cast %add3A_54 : i32 to index
      %swap3A_60 = arith.constant 16 : index
      %swap3A_61 = tpu.vector_load %arg11[%swap3A_59, %swap3A_60] {strides = array<i32>} : memref<64x32xf32, #tpu.memory_space<vmem>>, vector<1x16xf32>,
      %swap3A_62 = vector.shape_cast %swap3A_61 : vector<1x16xf32> to vector<16xf32>
      %swap3A_63 = vector.shape_cast %broadcast_in_dim3A_0 : vector<16xf32> to vector<1x16xf32>
      tpu.vector_store %arg11[%swap3A_59, %swap3A_60], %swap3A_63 {strides = array<i32>} : memref<64x32xf32, #tpu.memory_space<vmem>>, vector<1x16xf32>,
    }
    %scan3A_4 = arith.constant 64 : i32
    %mul3A = arith.constant 3136 : i32
    %mul3A_5 = arith.muli %arg1, %mul3A : i32
    %mul3A_6 = arith.constant 50 : i32
    %mul3A_7 = arith.muli %arg1, %mul3A_6 : i32
    "tpu.region"() ({
      %run_scoped3A = tpu.sem_alloc : memref<!tpu.dma_semaphore, #tpu.memory_space<semaphore_mem>>
      %dma_start3A = arith.constant 0 : i32
      %dma_start3A_50 = arith.constant 0 : i32
      %dma_start3A_51 = tpu.memref_slice %arg3[%mul3A_7, %dma_start3A, %dma_start3A_50] : memref<800x1x128xi32, #tpu.memory_space<hbm>> -> memref<50x1x128xi32, #tpu.memory_space<hbm>>
      %dma_start3A_52 = arith.constant 0 : i32
      %dma_start3A_53 = arith.constant 0 : i32
      %dma_start3A_54 = tpu.memref_slice %arg3[%mul3A_7, %dma_start3A_52, %dma_start3A_53] : memref<800x1x128xi32, #tpu.memory_space<hbm>> -> memref<50x1x128xi32, #tpu.memory_space<hbm>>
      tpu.enqueue_dma source(%dma_start3A_54 : memref<50x1x128xi32, #tpu.memory_space<hbm>>) target(%arg7 : memref<50x1x128xi32, #tpu.memory_space<vmem>>) target_semaphore(%run_scoped3A : memref<!tpu.dma_semaphore, #tpu.memory_space<semaphore_mem>>)
      %dma_wait3A = arith.constant 0 : i32
      %dma_wait3A_55 = arith.constant 0 : i32
      %dma_wait3A_56 = tpu.memref_slice %arg3[%mul3A_7, %dma_wait3A, %dma_wait3A_55] : memref<800x1x128xi32, #tpu.memory_space<hbm>> -> memref<50x1x128xi32, #tpu.memory_space<hbm>>
      %dma_wait3A_57 = arith.constant 0 : i32
      %dma_wait3A_58 = arith.constant 0 : i32
      %dma_wait3A_59 = tpu.memref_slice %arg3[%mul3A_7, %dma_wait3A_57, %dma_wait3A_58] : memref<800x1x128xi32, #tpu.memory_space<hbm>> -> memref<50x1x128xi32, #tpu.memory_space<hbm>>
      tpu.wait_dma2 semaphore(%run_scoped3A : memref<!tpu.dma_semaphore, #tpu.memory_space<semaphore_mem>>) src(%dma_wait3A_59 : memref<50x1x128xi32, #tpu.memory_space<hbm>>) dst(%arg7 : memref<50x1x128xi32, #tpu.memory_space<vmem>>)
      tpu.yield
    }) : () -> ()
    %mul3A_8 = arith.constant 50 : i32
    %mul3A_9 = arith.muli %arg1, %mul3A_8 : i32
    "tpu.region"() ({
      %run_scoped3A = tpu.sem_alloc : memref<!tpu.dma_semaphore, #tpu.memory_space<semaphore_mem>>
      %dma_start3A = arith.constant 0 : i32
      %dma_start3A_50 = arith.constant 0 : i32
      %dma_start3A_51 = tpu.memref_slice %arg4[%mul3A_9, %dma_start3A, %dma_start3A_50] : memref<800x1x128xi32, #tpu.memory_space<hbm>> -> memref<50x1x128xi32, #tpu.memory_space<hbm>>
      %dma_start3A_52 = arith.constant 0 : i32
      %dma_start3A_53 = arith.constant 0 : i32
      %dma_start3A_54 = tpu.memref_slice %arg4[%mul3A_9, %dma_start3A_52, %dma_start3A_53] : memref<800x1x128xi32, #tpu.memory_space<hbm>> -> memref<50x1x128xi32, #tpu.memory_space<hbm>>
      tpu.enqueue_dma source(%dma_start3A_54 : memref<50x1x128xi32, #tpu.memory_space<hbm>>) target(%arg9 : memref<50x1x128xi32, #tpu.memory_space<vmem>>) target_semaphore(%run_scoped3A : memref<!tpu.dma_semaphore, #tpu.memory_space<semaphore_mem>>)
      %dma_wait3A = arith.constant 0 : i32
      %dma_wait3A_55 = arith.constant 0 : i32
      %dma_wait3A_56 = tpu.memref_slice %arg4[%mul3A_9, %dma_wait3A, %dma_wait3A_55] : memref<800x1x128xi32, #tpu.memory_space<hbm>> -> memref<50x1x128xi32, #tpu.memory_space<hbm>>
      %dma_wait3A_57 = arith.constant 0 : i32
      %dma_wait3A_58 = arith.constant 0 : i32
      %dma_wait3A_59 = tpu.memref_slice %arg4[%mul3A_9, %dma_wait3A_57, %dma_wait3A_58] : memref<800x1x128xi32, #tpu.memory_space<hbm>> -> memref<50x1x128xi32, #tpu.memory_space<hbm>>
      tpu.wait_dma2 semaphore(%run_scoped3A : memref<!tpu.dma_semaphore, #tpu.memory_space<semaphore_mem>>) src(%dma_wait3A_59 : memref<50x1x128xi32, #tpu.memory_space<hbm>>) dst(%arg9 : memref<50x1x128xi32, #tpu.memory_space<vmem>>)
      tpu.yield
    }) : () -> ()
    %mul3A_10 = arith.constant 2 : i32
    %mul3A_11 = arith.muli %arg0, %mul3A_10 : i32
    %add3A = arith.constant 0 : i32
    %add3A_12 = arith.addi %mul3A_11, %add3A : i32
    %scan3A_13 = arith.constant 0 : i32
    %scan3A_14 = arith.constant 49 : i32
    %scan3A_15 = arith.addi %scan3A_13, %scan3A_14 : i32
    %scan3A_16 = arith.constant 1 : i32
    scf.for %scan3A_50 = %scan3A_13 to %scan3A_15 step %scan3A_16  : i32 {
      %mul3A_51 = arith.constant 1 : i32
      %mul3A_52 = arith.muli %scan3A_50, %mul3A_51 : i32
      %add3A_53 = arith.constant 0 : i32
      %add3A_54 = arith.addi %add3A_53, %mul3A_52 : i32
      %mul3A_55 = arith.constant 64 : i32
      %mul3A_56 = arith.muli %add3A_54, %mul3A_55 : i32
      %add3A_57 = arith.addi %mul3A_5, %mul3A_56 : i32
      "tpu.region"() ({
        %run_scoped3A = tpu.sem_alloc : memref<!tpu.dma_semaphore, #tpu.memory_space<semaphore_mem>>
        %dma_start3A = arith.constant 0 : i32
        %dma_start3A_58 = tpu.memref_slice %arg6[%add3A_57, %dma_start3A] : memref<50176x32xf32, #tpu.memory_space<vmem_shared>> -> memref<64x32xf32, #tpu.memory_space<vmem_shared>>
        %dma_start3A_59 = arith.constant 0 : i32
        %dma_start3A_60 = tpu.memref_slice %arg6[%add3A_57, %dma_start3A_59] : memref<50176x32xf32, #tpu.memory_space<vmem_shared>> -> memref<64x32xf32, #tpu.memory_space<vmem_shared>>
        tpu.enqueue_dma source(%arg11 : memref<64x32xf32, #tpu.memory_space<vmem>>) target(%dma_start3A_60 : memref<64x32xf32, #tpu.memory_space<vmem_shared>>) target_semaphore(%run_scoped3A : memref<!tpu.dma_semaphore, #tpu.memory_space<semaphore_mem>>)
        %dma_wait3A = arith.constant 0 : i32
        %dma_wait3A_61 = tpu.memref_slice %arg6[%add3A_57, %dma_wait3A] : memref<50176x32xf32, #tpu.memory_space<vmem_shared>> -> memref<64x32xf32, #tpu.memory_space<vmem_shared>>
        %dma_wait3A_62 = arith.constant 0 : i32
        %dma_wait3A_63 = tpu.memref_slice %arg6[%add3A_57, %dma_wait3A_62] : memref<50176x32xf32, #tpu.memory_space<vmem_shared>> -> memref<64x32xf32, #tpu.memory_space<vmem_shared>>
        tpu.wait_dma2 semaphore(%run_scoped3A : memref<!tpu.dma_semaphore, #tpu.memory_space<semaphore_mem>>) src(%arg11 : memref<64x32xf32, #tpu.memory_space<vmem>>) dst(%dma_wait3A_63 : memref<64x32xf32, #tpu.memory_space<vmem_shared>>)
        tpu.yield
      }) : () -> ()
    }
    %scan3A_17 = arith.constant 49 : i32
    %scan3A_18 = arith.constant 0 : i32
    %scan3A_19 = arith.constant 50 : i32
    %scan3A_20 = arith.addi %scan3A_18, %scan3A_19 : i32
    %scan3A_21 = arith.constant 1 : i32
    scf.for %scan3A_50 = %scan3A_18 to %scan3A_20 step %scan3A_21  : i32 {
      %mul3A_51 = arith.constant 1 : i32
      %mul3A_52 = arith.muli %scan3A_50, %mul3A_51 : i32
      %add3A_53 = arith.constant 0 : i32
      %add3A_54 = arith.addi %add3A_53, %mul3A_52 : i32
      %get3A = arith.constant 0 : i32
      %get3A_55 = arith.index_cast %add3A_54 : i32 to index
      %get3A_56 = arith.index_cast %get3A : i32 to index
      %get3A_57 = arith.constant 0 : index
      %get3A_58 = tpu.vector_load %arg7[%get3A_55, %get3A_56, %get3A_57] {strides = array<i32>} : memref<50x1x128xi32, #tpu.memory_space<vmem>>, vector<1x1x16xi32>,
      %get3A_59 = vector.shape_cast %get3A_58 : vector<1x1x16xi32> to vector<16xi32>
      %mul3A_60 = arith.constant 4 : i32
      %mul3A_61 = vector.broadcast %mul3A_60 : i32 to vector<16xi32>
      %mul3A_62 = arith.muli %get3A_59, %mul3A_61 : vector<16xi32>
      %add3A_63 = vector.broadcast %add3A_12 : i32 to vector<16xi32>
      %add3A_64 = arith.addi %mul3A_62, %add3A_63 : vector<16xi32>
      %swap3A = arith.constant 0 : i32
      %swap3A_65 = arith.index_cast %add3A_54 : i32 to index
      %swap3A_66 = arith.index_cast %swap3A : i32 to index
      %swap3A_67 = arith.constant 0 : index
      %swap3A_68 = tpu.vector_load %arg8[%swap3A_65, %swap3A_66, %swap3A_67] {strides = array<i32>} : memref<50x1x128xi32, #tpu.memory_space<vmem>>, vector<1x1x16xi32>,
      %swap3A_69 = vector.shape_cast %swap3A_68 : vector<1x1x16xi32> to vector<16xi32>
      %swap3A_70 = vector.shape_cast %add3A_64 : vector<16xi32> to vector<1x1x16xi32>
      tpu.vector_store %arg8[%swap3A_65, %swap3A_66, %swap3A_67], %swap3A_70 {strides = array<i32>} : memref<50x1x128xi32, #tpu.memory_space<vmem>>, vector<1x1x16xi32>,
      %get3A_71 = arith.constant 0 : i32
      %get3A_72 = arith.index_cast %add3A_54 : i32 to index
      %get3A_73 = arith.index_cast %get3A_71 : i32 to index
      %get3A_74 = arith.constant 16 : index
      %get3A_75 = tpu.vector_load %arg7[%get3A_72, %get3A_73, %get3A_74] {strides = array<i32>} : memref<50x1x128xi32, #tpu.memory_space<vmem>>, vector<1x1x16xi32>,
      %get3A_76 = vector.shape_cast %get3A_75 : vector<1x1x16xi32> to vector<16xi32>
      %mul3A_77 = arith.constant 4 : i32
      %mul3A_78 = vector.broadcast %mul3A_77 : i32 to vector<16xi32>
      %mul3A_79 = arith.muli %get3A_76, %mul3A_78 : vector<16xi32>
      %add3A_80 = vector.broadcast %add3A_12 : i32 to vector<16xi32>
      %add3A_81 = arith.addi %mul3A_79, %add3A_80 : vector<16xi32>
      %swap3A_82 = arith.constant 0 : i32
      %swap3A_83 = arith.index_cast %add3A_54 : i32 to index
      %swap3A_84 = arith.index_cast %swap3A_82 : i32 to index
      %swap3A_85 = arith.constant 16 : index
      %swap3A_86 = tpu.vector_load %arg8[%swap3A_83, %swap3A_84, %swap3A_85] {strides = array<i32>} : memref<50x1x128xi32, #tpu.memory_space<vmem>>, vector<1x1x16xi32>,
      %swap3A_87 = vector.shape_cast %swap3A_86 : vector<1x1x16xi32> to vector<16xi32>
      %swap3A_88 = vector.shape_cast %add3A_81 : vector<16xi32> to vector<1x1x16xi32>
      tpu.vector_store %arg8[%swap3A_83, %swap3A_84, %swap3A_85], %swap3A_88 {strides = array<i32>} : memref<50x1x128xi32, #tpu.memory_space<vmem>>, vector<1x1x16xi32>,
      %get3A_89 = arith.constant 0 : i32
      %get3A_90 = arith.index_cast %add3A_54 : i32 to index
      %get3A_91 = arith.index_cast %get3A_89 : i32 to index
      %get3A_92 = arith.constant 32 : index
      %get3A_93 = tpu.vector_load %arg7[%get3A_90, %get3A_91, %get3A_92] {strides = array<i32>} : memref<50x1x128xi32, #tpu.memory_space<vmem>>, vector<1x1x16xi32>,
      %get3A_94 = vector.shape_cast %get3A_93 : vector<1x1x16xi32> to vector<16xi32>
      %mul3A_95 = arith.constant 4 : i32
      %mul3A_96 = vector.broadcast %mul3A_95 : i32 to vector<16xi32>
      %mul3A_97 = arith.muli %get3A_94, %mul3A_96 : vector<16xi32>
      %add3A_98 = vector.broadcast %add3A_12 : i32 to vector<16xi32>
      %add3A_99 = arith.addi %mul3A_97, %add3A_98 : vector<16xi32>
      %swap3A_100 = arith.constant 0 : i32
      %swap3A_101 = arith.index_cast %add3A_54 : i32 to index
      %swap3A_102 = arith.index_cast %swap3A_100 : i32 to index
      %swap3A_103 = arith.constant 32 : index
      %swap3A_104 = tpu.vector_load %arg8[%swap3A_101, %swap3A_102, %swap3A_103] {strides = array<i32>} : memref<50x1x128xi32, #tpu.memory_space<vmem>>, vector<1x1x16xi32>,
      %swap3A_105 = vector.shape_cast %swap3A_104 : vector<1x1x16xi32> to vector<16xi32>
      %swap3A_106 = vector.shape_cast %add3A_99 : vector<16xi32> to vector<1x1x16xi32>
      tpu.vector_store %arg8[%swap3A_101, %swap3A_102, %swap3A_103], %swap3A_106 {strides = array<i32>} : memref<50x1x128xi32, #tpu.memory_space<vmem>>, vector<1x1x16xi32>,
      %get3A_107 = arith.constant 0 : i32
      %get3A_108 = arith.index_cast %add3A_54 : i32 to index
      %get3A_109 = arith.index_cast %get3A_107 : i32 to index
      %get3A_110 = arith.constant 48 : index
      %get3A_111 = tpu.vector_load %arg7[%get3A_108, %get3A_109, %get3A_110] {strides = array<i32>} : memref<50x1x128xi32, #tpu.memory_space<vmem>>, vector<1x1x16xi32>,
      %get3A_112 = vector.shape_cast %get3A_111 : vector<1x1x16xi32> to vector<16xi32>
      %mul3A_113 = arith.constant 4 : i32
      %mul3A_114 = vector.broadcast %mul3A_113 : i32 to vector<16xi32>
      %mul3A_115 = arith.muli %get3A_112, %mul3A_114 : vector<16xi32>
      %add3A_116 = vector.broadcast %add3A_12 : i32 to vector<16xi32>
      %add3A_117 = arith.addi %mul3A_115, %add3A_116 : vector<16xi32>
      %swap3A_118 = arith.constant 0 : i32
      %swap3A_119 = arith.index_cast %add3A_54 : i32 to index
      %swap3A_120 = arith.index_cast %swap3A_118 : i32 to index
      %swap3A_121 = arith.constant 48 : index
      %swap3A_122 = tpu.vector_load %arg8[%swap3A_119, %swap3A_120, %swap3A_121] {strides = array<i32>} : memref<50x1x128xi32, #tpu.memory_space<vmem>>, vector<1x1x16xi32>,
      %swap3A_123 = vector.shape_cast %swap3A_122 : vector<1x1x16xi32> to vector<16xi32>
      %swap3A_124 = vector.shape_cast %add3A_117 : vector<16xi32> to vector<1x1x16xi32>
      tpu.vector_store %arg8[%swap3A_119, %swap3A_120, %swap3A_121], %swap3A_124 {strides = array<i32>} : memref<50x1x128xi32, #tpu.memory_space<vmem>>, vector<1x1x16xi32>,
      %get3A_125 = arith.constant 0 : i32
      %get3A_126 = arith.index_cast %add3A_54 : i32 to index
      %get3A_127 = arith.index_cast %get3A_125 : i32 to index
      %get3A_128 = arith.constant 64 : index
      %get3A_129 = tpu.vector_load %arg7[%get3A_126, %get3A_127, %get3A_128] {strides = array<i32>} : memref<50x1x128xi32, #tpu.memory_space<vmem>>, vector<1x1x16xi32>,
      %get3A_130 = vector.shape_cast %get3A_129 : vector<1x1x16xi32> to vector<16xi32>
      %mul3A_131 = arith.constant 4 : i32
      %mul3A_132 = vector.broadcast %mul3A_131 : i32 to vector<16xi32>
      %mul3A_133 = arith.muli %get3A_130, %mul3A_132 : vector<16xi32>
      %add3A_134 = vector.broadcast %add3A_12 : i32 to vector<16xi32>
      %add3A_135 = arith.addi %mul3A_133, %add3A_134 : vector<16xi32>
      %swap3A_136 = arith.constant 0 : i32
      %swap3A_137 = arith.index_cast %add3A_54 : i32 to index
      %swap3A_138 = arith.index_cast %swap3A_136 : i32 to index
      %swap3A_139 = arith.constant 64 : index
      %swap3A_140 = tpu.vector_load %arg8[%swap3A_137, %swap3A_138, %swap3A_139] {strides = array<i32>} : memref<50x1x128xi32, #tpu.memory_space<vmem>>, vector<1x1x16xi32>,
      %swap3A_141 = vector.shape_cast %swap3A_140 : vector<1x1x16xi32> to vector<16xi32>
      %swap3A_142 = vector.shape_cast %add3A_135 : vector<16xi32> to vector<1x1x16xi32>
      tpu.vector_store %arg8[%swap3A_137, %swap3A_138, %swap3A_139], %swap3A_142 {strides = array<i32>} : memref<50x1x128xi32, #tpu.memory_space<vmem>>, vector<1x1x16xi32>,
      %get3A_143 = arith.constant 0 : i32
      %get3A_144 = arith.index_cast %add3A_54 : i32 to index
      %get3A_145 = arith.index_cast %get3A_143 : i32 to index
      %get3A_146 = arith.constant 80 : index
      %get3A_147 = tpu.vector_load %arg7[%get3A_144, %get3A_145, %get3A_146] {strides = array<i32>} : memref<50x1x128xi32, #tpu.memory_space<vmem>>, vector<1x1x16xi32>,
      %get3A_148 = vector.shape_cast %get3A_147 : vector<1x1x16xi32> to vector<16xi32>
      %mul3A_149 = arith.constant 4 : i32
      %mul3A_150 = vector.broadcast %mul3A_149 : i32 to vector<16xi32>
      %mul3A_151 = arith.muli %get3A_148, %mul3A_150 : vector<16xi32>
      %add3A_152 = vector.broadcast %add3A_12 : i32 to vector<16xi32>
      %add3A_153 = arith.addi %mul3A_151, %add3A_152 : vector<16xi32>
      %swap3A_154 = arith.constant 0 : i32
      %swap3A_155 = arith.index_cast %add3A_54 : i32 to index
      %swap3A_156 = arith.index_cast %swap3A_154 : i32 to index
      %swap3A_157 = arith.constant 80 : index
      %swap3A_158 = tpu.vector_load %arg8[%swap3A_155, %swap3A_156, %swap3A_157] {strides = array<i32>} : memref<50x1x128xi32, #tpu.memory_space<vmem>>, vector<1x1x16xi32>,
      %swap3A_159 = vector.shape_cast %swap3A_158 : vector<1x1x16xi32> to vector<16xi32>
      %swap3A_160 = vector.shape_cast %add3A_153 : vector<16xi32> to vector<1x1x16xi32>
      tpu.vector_store %arg8[%swap3A_155, %swap3A_156, %swap3A_157], %swap3A_160 {strides = array<i32>} : memref<50x1x128xi32, #tpu.memory_space<vmem>>, vector<1x1x16xi32>,
      %get3A_161 = arith.constant 0 : i32
      %get3A_162 = arith.index_cast %add3A_54 : i32 to index
      %get3A_163 = arith.index_cast %get3A_161 : i32 to index
      %get3A_164 = arith.constant 96 : index
      %get3A_165 = tpu.vector_load %arg7[%get3A_162, %get3A_163, %get3A_164] {strides = array<i32>} : memref<50x1x128xi32, #tpu.memory_space<vmem>>, vector<1x1x16xi32>,
      %get3A_166 = vector.shape_cast %get3A_165 : vector<1x1x16xi32> to vector<16xi32>
      %mul3A_167 = arith.constant 4 : i32
      %mul3A_168 = vector.broadcast %mul3A_167 : i32 to vector<16xi32>
      %mul3A_169 = arith.muli %get3A_166, %mul3A_168 : vector<16xi32>
      %add3A_170 = vector.broadcast %add3A_12 : i32 to vector<16xi32>
      %add3A_171 = arith.addi %mul3A_169, %add3A_170 : vector<16xi32>
      %swap3A_172 = arith.constant 0 : i32
      %swap3A_173 = arith.index_cast %add3A_54 : i32 to index
      %swap3A_174 = arith.index_cast %swap3A_172 : i32 to index
      %swap3A_175 = arith.constant 96 : index
      %swap3A_176 = tpu.vector_load %arg8[%swap3A_173, %swap3A_174, %swap3A_175] {strides = array<i32>} : memref<50x1x128xi32, #tpu.memory_space<vmem>>, vector<1x1x16xi32>,
      %swap3A_177 = vector.shape_cast %swap3A_176 : vector<1x1x16xi32> to vector<16xi32>
      %swap3A_178 = vector.shape_cast %add3A_171 : vector<16xi32> to vector<1x1x16xi32>
      tpu.vector_store %arg8[%swap3A_173, %swap3A_174, %swap3A_175], %swap3A_178 {strides = array<i32>} : memref<50x1x128xi32, #tpu.memory_space<vmem>>, vector<1x1x16xi32>,
      %get3A_179 = arith.constant 0 : i32
      %get3A_180 = arith.index_cast %add3A_54 : i32 to index
      %get3A_181 = arith.index_cast %get3A_179 : i32 to index
      %get3A_182 = arith.constant 112 : index
      %get3A_183 = tpu.vector_load %arg7[%get3A_180, %get3A_181, %get3A_182] {strides = array<i32>} : memref<50x1x128xi32, #tpu.memory_space<vmem>>, vector<1x1x16xi32>,
      %get3A_184 = vector.shape_cast %get3A_183 : vector<1x1x16xi32> to vector<16xi32>
      %mul3A_185 = arith.constant 4 : i32
      %mul3A_186 = vector.broadcast %mul3A_185 : i32 to vector<16xi32>
      %mul3A_187 = arith.muli %get3A_184, %mul3A_186 : vector<16xi32>
      %add3A_188 = vector.broadcast %add3A_12 : i32 to vector<16xi32>
      %add3A_189 = arith.addi %mul3A_187, %add3A_188 : vector<16xi32>
      %swap3A_190 = arith.constant 0 : i32
      %swap3A_191 = arith.index_cast %add3A_54 : i32 to index
      %swap3A_192 = arith.index_cast %swap3A_190 : i32 to index
      %swap3A_193 = arith.constant 112 : index
      %swap3A_194 = tpu.vector_load %arg8[%swap3A_191, %swap3A_192, %swap3A_193] {strides = array<i32>} : memref<50x1x128xi32, #tpu.memory_space<vmem>>, vector<1x1x16xi32>,
      %swap3A_195 = vector.shape_cast %swap3A_194 : vector<1x1x16xi32> to vector<16xi32>
      %swap3A_196 = vector.shape_cast %add3A_189 : vector<16xi32> to vector<1x1x16xi32>
      tpu.vector_store %arg8[%swap3A_191, %swap3A_192, %swap3A_193], %swap3A_196 {strides = array<i32>} : memref<50x1x128xi32, #tpu.memory_space<vmem>>, vector<1x1x16xi32>,
    }
    %scan3A_22 = arith.constant 50 : i32
    %barrier3A = arith.constant 0 : index
    tpu.barrier barrier_id(%barrier3A)
    %scan3A_23 = arith.constant 0 : i32
    %scan3A_24 = arith.constant 50 : i32
    %scan3A_25 = arith.addi %scan3A_23, %scan3A_24 : i32
    %scan3A_26 = arith.constant 1 : i32
    scf.for %scan3A_50 = %scan3A_23 to %scan3A_25 step %scan3A_26  : i32 {
      %mul3A_51 = arith.constant 1 : i32
      %mul3A_52 = arith.muli %scan3A_50, %mul3A_51 : i32
      %add3A_53 = arith.constant 0 : i32
      %add3A_54 = arith.addi %add3A_53, %mul3A_52 : i32
      %dma_start3A = arith.constant 0 : i32
      %dma_start3A_55 = arith.constant 0 : i32
      %dma_start3A_56 = tpu.memref_slice %arg8[%add3A_54, %dma_start3A, %dma_start3A_55] : memref<50x1x128xi32, #tpu.memory_space<vmem>> -> memref<1x1x128xi32, #tpu.memory_space<vmem>>
      %dma_start3A_57 = tpu.memref_squeeze %dma_start3A_56 : memref<1x1x128xi32, #tpu.memory_space<vmem>> -> memref<128xi32, #tpu.memory_space<vmem>>
      %dma_start3A_58 = arith.constant 0 : i32
      %dma_start3A_59 = arith.constant 0 : i32
      %dma_start3A_60 = tpu.memref_slice %arg2[%dma_start3A_58, %dma_start3A_59] : memref<40000x32xf32, #tpu.memory_space<hbm>> -> memref<40000x32xf32, #tpu.memory_space<hbm>>
      tpu.enqueue_indirect_dma source(%dma_start3A_60 : memref<40000x32xf32, #tpu.memory_space<hbm>>) target(%arg10 : memref<128x32xf32, #tpu.memory_space<vmem>>) offsets(%dma_start3A_57 : memref<128xi32, #tpu.memory_space<vmem>>) semaphore(%arg12 : memref<!tpu.dma_semaphore, #tpu.memory_space<semaphore_mem>>)
      %dma_wait3A = arith.constant 0 : i32
      %dma_wait3A_61 = arith.constant 0 : i32
      %dma_wait3A_62 = tpu.memref_slice %arg8[%add3A_54, %dma_wait3A, %dma_wait3A_61] : memref<50x1x128xi32, #tpu.memory_space<vmem>> -> memref<1x1x128xi32, #tpu.memory_space<vmem>>
      %dma_wait3A_63 = tpu.memref_squeeze %dma_wait3A_62 : memref<1x1x128xi32, #tpu.memory_space<vmem>> -> memref<128xi32, #tpu.memory_space<vmem>>
      %dma_wait3A_64 = arith.constant 0 : i32
      %dma_wait3A_65 = arith.constant 0 : i32
      %dma_wait3A_66 = tpu.memref_slice %arg2[%dma_wait3A_64, %dma_wait3A_65] : memref<40000x32xf32, #tpu.memory_space<hbm>> -> memref<40000x32xf32, #tpu.memory_space<hbm>>
      tpu.wait_indirect_dma semaphore(%arg12 : memref<!tpu.dma_semaphore, #tpu.memory_space<semaphore_mem>>) src(%dma_wait3A_66 : memref<40000x32xf32, #tpu.memory_space<hbm>>) dst(%arg10 : memref<128x32xf32, #tpu.memory_space<vmem>>)
      %run_scoped3A = arith.constant 0 : i32
      "tpu.region"() ({
        %run_scoped3A_67 = tpu.sem_alloc : memref<!tpu.dma_semaphore, #tpu.memory_space<semaphore_mem>>
        %dma_start3A_68 = arith.constant 0 : i32
        %dma_start3A_69 = tpu.memref_slice %arg9[%add3A_54, %run_scoped3A, %dma_start3A_68] : memref<50x1x128xi32, #tpu.memory_space<vmem>> -> memref<1x1x128xi32, #tpu.memory_space<vmem>>
        %dma_start3A_70 = tpu.memref_squeeze %dma_start3A_69 : memref<1x1x128xi32, #tpu.memory_space<vmem>> -> memref<128xi32, #tpu.memory_space<vmem>>
        %dma_start3A_71 = arith.constant 0 : i32
        %dma_start3A_72 = arith.constant 0 : i32
        %dma_start3A_73 = tpu.memref_slice %arg6[%dma_start3A_71, %dma_start3A_72] : memref<50176x32xf32, #tpu.memory_space<vmem_shared>> -> memref<50176x32xf32, #tpu.memory_space<vmem_shared>>
        tpu.enqueue_indirect_dma source(%arg10 : memref<128x32xf32, #tpu.memory_space<vmem>>) target(%dma_start3A_73 : memref<50176x32xf32, #tpu.memory_space<vmem_shared>>) offsets(%dma_start3A_70 : memref<128xi32, #tpu.memory_space<vmem>>) semaphore(%run_scoped3A_67 : memref<!tpu.dma_semaphore, #tpu.memory_space<semaphore_mem>>) {add = true}
        %dma_wait3A_74 = arith.constant 0 : i32
        %dma_wait3A_75 = tpu.memref_slice %arg9[%add3A_54, %run_scoped3A, %dma_wait3A_74] : memref<50x1x128xi32, #tpu.memory_space<vmem>> -> memref<1x1x128xi32, #tpu.memory_space<vmem>>
        %dma_wait3A_76 = tpu.memref_squeeze %dma_wait3A_75 : memref<1x1x128xi32, #tpu.memory_space<vmem>> -> memref<128xi32, #tpu.memory_space<vmem>>
        %dma_wait3A_77 = arith.constant 0 : i32
        %dma_wait3A_78 = arith.constant 0 : i32
        %dma_wait3A_79 = tpu.memref_slice %arg6[%dma_wait3A_77, %dma_wait3A_78] : memref<50176x32xf32, #tpu.memory_space<vmem_shared>> -> memref<50176x32xf32, #tpu.memory_space<vmem_shared>>
        tpu.wait_indirect_dma semaphore(%run_scoped3A_67 : memref<!tpu.dma_semaphore, #tpu.memory_space<semaphore_mem>>) src(%arg10 : memref<128x32xf32, #tpu.memory_space<vmem>>) dst(%dma_wait3A_79 : memref<50176x32xf32, #tpu.memory_space<vmem_shared>>)
        tpu.yield
      }) : () -> ()
    }
    %scan3A_27 = arith.constant 50 : i32
    %barrier3A_28 = arith.constant 0 : index
    tpu.barrier barrier_id(%barrier3A_28)
    "tpu.region"() ({
      %run_scoped3A = tpu.sem_alloc : memref<!tpu.dma_semaphore, #tpu.memory_space<semaphore_mem>>
      %dma_start3A = arith.constant 0 : i32
      %dma_start3A_50 = tpu.memref_slice %arg5[%add3A_12, %mul3A_5, %dma_start3A] : memref<4x50176x32xf32, #tpu.memory_space<hbm>> -> memref<1x3136x32xf32, #tpu.memory_space<hbm>>
      %dma_start3A_51 = tpu.memref_squeeze %dma_start3A_50 : memref<1x3136x32xf32, #tpu.memory_space<hbm>> -> memref<3136x32xf32, #tpu.memory_space<hbm>>
      %dma_start3A_52 = arith.constant 0 : i32
      %dma_start3A_53 = tpu.memref_slice %arg6[%mul3A_5, %dma_start3A_52] : memref<50176x32xf32, #tpu.memory_space<vmem_shared>> -> memref<3136x32xf32, #tpu.memory_space<vmem_shared>>
      tpu.enqueue_dma source(%dma_start3A_53 : memref<3136x32xf32, #tpu.memory_space<vmem_shared>>) target(%dma_start3A_51 : memref<3136x32xf32, #tpu.memory_space<hbm>>) target_semaphore(%run_scoped3A : memref<!tpu.dma_semaphore, #tpu.memory_space<semaphore_mem>>)
      %dma_wait3A = arith.constant 0 : i32
      %dma_wait3A_54 = tpu.memref_slice %arg5[%add3A_12, %mul3A_5, %dma_wait3A] : memref<4x50176x32xf32, #tpu.memory_space<hbm>> -> memref<1x3136x32xf32, #tpu.memory_space<hbm>>
      %dma_wait3A_55 = tpu.memref_squeeze %dma_wait3A_54 : memref<1x3136x32xf32, #tpu.memory_space<hbm>> -> memref<3136x32xf32, #tpu.memory_space<hbm>>
      %dma_wait3A_56 = arith.constant 0 : i32
      %dma_wait3A_57 = tpu.memref_slice %arg6[%mul3A_5, %dma_wait3A_56] : memref<50176x32xf32, #tpu.memory_space<vmem_shared>> -> memref<3136x32xf32, #tpu.memory_space<vmem_shared>>
      tpu.wait_dma2 semaphore(%run_scoped3A : memref<!tpu.dma_semaphore, #tpu.memory_space<semaphore_mem>>) src(%dma_wait3A_57 : memref<3136x32xf32, #tpu.memory_space<vmem_shared>>) dst(%dma_wait3A_55 : memref<3136x32xf32, #tpu.memory_space<hbm>>)
      tpu.yield
    }) : () -> ()
    %mul3A_29 = arith.constant 2 : i32
    %mul3A_30 = arith.muli %arg0, %mul3A_29 : i32
    %add3A_31 = arith.constant 1 : i32
    %add3A_32 = arith.addi %mul3A_30, %add3A_31 : i32
    %scan3A_33 = arith.constant 0 : i32
    %scan3A_34 = arith.constant 49 : i32
    %scan3A_35 = arith.addi %scan3A_33, %scan3A_34 : i32
    %scan3A_36 = arith.constant 1 : i32
    scf.for %scan3A_50 = %scan3A_33 to %scan3A_35 step %scan3A_36  : i32 {
      %mul3A_51 = arith.constant 1 : i32
      %mul3A_52 = arith.muli %scan3A_50, %mul3A_51 : i32
      %add3A_53 = arith.constant 0 : i32
      %add3A_54 = arith.addi %add3A_53, %mul3A_52 : i32
      %mul3A_55 = arith.constant 64 : i32
      %mul3A_56 = arith.muli %add3A_54, %mul3A_55 : i32
      %add3A_57 = arith.addi %mul3A_5, %mul3A_56 : i32
      "tpu.region"() ({
        %run_scoped3A = tpu.sem_alloc : memref<!tpu.dma_semaphore, #tpu.memory_space<semaphore_mem>>
        %dma_start3A = arith.constant 0 : i32
        %dma_start3A_58 = tpu.memref_slice %arg6[%add3A_57, %dma_start3A] : memref<50176x32xf32, #tpu.memory_space<vmem_shared>> -> memref<64x32xf32, #tpu.memory_space<vmem_shared>>
        %dma_start3A_59 = arith.constant 0 : i32
        %dma_start3A_60 = tpu.memref_slice %arg6[%add3A_57, %dma_start3A_59] : memref<50176x32xf32, #tpu.memory_space<vmem_shared>> -> memref<64x32xf32, #tpu.memory_space<vmem_shared>>
        tpu.enqueue_dma source(%arg11 : memref<64x32xf32, #tpu.memory_space<vmem>>) target(%dma_start3A_60 : memref<64x32xf32, #tpu.memory_space<vmem_shared>>) target_semaphore(%run_scoped3A : memref<!tpu.dma_semaphore, #tpu.memory_space<semaphore_mem>>)
        %dma_wait3A = arith.constant 0 : i32
        %dma_wait3A_61 = tpu.memref_slice %arg6[%add3A_57, %dma_wait3A] : memref<50176x32xf32, #tpu.memory_space<vmem_shared>> -> memref<64x32xf32, #tpu.memory_space<vmem_shared>>
        %dma_wait3A_62 = arith.constant 0 : i32
        %dma_wait3A_63 = tpu.memref_slice %arg6[%add3A_57, %dma_wait3A_62] : memref<50176x32xf32, #tpu.memory_space<vmem_shared>> -> memref<64x32xf32, #tpu.memory_space<vmem_shared>>
        tpu.wait_dma2 semaphore(%run_scoped3A : memref<!tpu.dma_semaphore, #tpu.memory_space<semaphore_mem>>) src(%arg11 : memref<64x32xf32, #tpu.memory_space<vmem>>) dst(%dma_wait3A_63 : memref<64x32xf32, #tpu.memory_space<vmem_shared>>)
        tpu.yield
      }) : () -> ()
    }
    %scan3A_37 = arith.constant 49 : i32
    %scan3A_38 = arith.constant 0 : i32
    %scan3A_39 = arith.constant 50 : i32
    %scan3A_40 = arith.addi %scan3A_38, %scan3A_39 : i32
    %scan3A_41 = arith.constant 1 : i32
    scf.for %scan3A_50 = %scan3A_38 to %scan3A_40 step %scan3A_41  : i32 {
      %mul3A_51 = arith.constant 1 : i32
      %mul3A_52 = arith.muli %scan3A_50, %mul3A_51 : i32
      %add3A_53 = arith.constant 0 : i32
      %add3A_54 = arith.addi %add3A_53, %mul3A_52 : i32
      %get3A = arith.constant 0 : i32
      %get3A_55 = arith.index_cast %add3A_54 : i32 to index
      %get3A_56 = arith.index_cast %get3A : i32 to index
      %get3A_57 = arith.constant 0 : index
      %get3A_58 = tpu.vector_load %arg7[%get3A_55, %get3A_56, %get3A_57] {strides = array<i32>} : memref<50x1x128xi32, #tpu.memory_space<vmem>>, vector<1x1x16xi32>,
      %get3A_59 = vector.shape_cast %get3A_58 : vector<1x1x16xi32> to vector<16xi32>
      %mul3A_60 = arith.constant 4 : i32
      %mul3A_61 = vector.broadcast %mul3A_60 : i32 to vector<16xi32>
      %mul3A_62 = arith.muli %get3A_59, %mul3A_61 : vector<16xi32>
      %add3A_63 = vector.broadcast %add3A_32 : i32 to vector<16xi32>
      %add3A_64 = arith.addi %mul3A_62, %add3A_63 : vector<16xi32>
      %swap3A = arith.constant 0 : i32
      %swap3A_65 = arith.index_cast %add3A_54 : i32 to index
      %swap3A_66 = arith.index_cast %swap3A : i32 to index
      %swap3A_67 = arith.constant 0 : index
      %swap3A_68 = tpu.vector_load %arg8[%swap3A_65, %swap3A_66, %swap3A_67] {strides = array<i32>} : memref<50x1x128xi32, #tpu.memory_space<vmem>>, vector<1x1x16xi32>,
      %swap3A_69 = vector.shape_cast %swap3A_68 : vector<1x1x16xi32> to vector<16xi32>
      %swap3A_70 = vector.shape_cast %add3A_64 : vector<16xi32> to vector<1x1x16xi32>
      tpu.vector_store %arg8[%swap3A_65, %swap3A_66, %swap3A_67], %swap3A_70 {strides = array<i32>} : memref<50x1x128xi32, #tpu.memory_space<vmem>>, vector<1x1x16xi32>,
      %get3A_71 = arith.constant 0 : i32
      %get3A_72 = arith.index_cast %add3A_54 : i32 to index
      %get3A_73 = arith.index_cast %get3A_71 : i32 to index
      %get3A_74 = arith.constant 16 : index
      %get3A_75 = tpu.vector_load %arg7[%get3A_72, %get3A_73, %get3A_74] {strides = array<i32>} : memref<50x1x128xi32, #tpu.memory_space<vmem>>, vector<1x1x16xi32>,
      %get3A_76 = vector.shape_cast %get3A_75 : vector<1x1x16xi32> to vector<16xi32>
      %mul3A_77 = arith.constant 4 : i32
      %mul3A_78 = vector.broadcast %mul3A_77 : i32 to vector<16xi32>
      %mul3A_79 = arith.muli %get3A_76, %mul3A_78 : vector<16xi32>
      %add3A_80 = vector.broadcast %add3A_32 : i32 to vector<16xi32>
      %add3A_81 = arith.addi %mul3A_79, %add3A_80 : vector<16xi32>
      %swap3A_82 = arith.constant 0 : i32
      %swap3A_83 = arith.index_cast %add3A_54 : i32 to index
      %swap3A_84 = arith.index_cast %swap3A_82 : i32 to index
      %swap3A_85 = arith.constant 16 : index
      %swap3A_86 = tpu.vector_load %arg8[%swap3A_83, %swap3A_84, %swap3A_85] {strides = array<i32>} : memref<50x1x128xi32, #tpu.memory_space<vmem>>, vector<1x1x16xi32>,
      %swap3A_87 = vector.shape_cast %swap3A_86 : vector<1x1x16xi32> to vector<16xi32>
      %swap3A_88 = vector.shape_cast %add3A_81 : vector<16xi32> to vector<1x1x16xi32>
      tpu.vector_store %arg8[%swap3A_83, %swap3A_84, %swap3A_85], %swap3A_88 {strides = array<i32>} : memref<50x1x128xi32, #tpu.memory_space<vmem>>, vector<1x1x16xi32>,
      %get3A_89 = arith.constant 0 : i32
      %get3A_90 = arith.index_cast %add3A_54 : i32 to index
      %get3A_91 = arith.index_cast %get3A_89 : i32 to index
      %get3A_92 = arith.constant 32 : index
      %get3A_93 = tpu.vector_load %arg7[%get3A_90, %get3A_91, %get3A_92] {strides = array<i32>} : memref<50x1x128xi32, #tpu.memory_space<vmem>>, vector<1x1x16xi32>,
      %get3A_94 = vector.shape_cast %get3A_93 : vector<1x1x16xi32> to vector<16xi32>
      %mul3A_95 = arith.constant 4 : i32
      %mul3A_96 = vector.broadcast %mul3A_95 : i32 to vector<16xi32>
      %mul3A_97 = arith.muli %get3A_94, %mul3A_96 : vector<16xi32>
      %add3A_98 = vector.broadcast %add3A_32 : i32 to vector<16xi32>
      %add3A_99 = arith.addi %mul3A_97, %add3A_98 : vector<16xi32>
      %swap3A_100 = arith.constant 0 : i32
      %swap3A_101 = arith.index_cast %add3A_54 : i32 to index
      %swap3A_102 = arith.index_cast %swap3A_100 : i32 to index
      %swap3A_103 = arith.constant 32 : index
      %swap3A_104 = tpu.vector_load %arg8[%swap3A_101, %swap3A_102, %swap3A_103] {strides = array<i32>} : memref<50x1x128xi32, #tpu.memory_space<vmem>>, vector<1x1x16xi32>,
      %swap3A_105 = vector.shape_cast %swap3A_104 : vector<1x1x16xi32> to vector<16xi32>
      %swap3A_106 = vector.shape_cast %add3A_99 : vector<16xi32> to vector<1x1x16xi32>
      tpu.vector_store %arg8[%swap3A_101, %swap3A_102, %swap3A_103], %swap3A_106 {strides = array<i32>} : memref<50x1x128xi32, #tpu.memory_space<vmem>>, vector<1x1x16xi32>,
      %get3A_107 = arith.constant 0 : i32
      %get3A_108 = arith.index_cast %add3A_54 : i32 to index
      %get3A_109 = arith.index_cast %get3A_107 : i32 to index
      %get3A_110 = arith.constant 48 : index
      %get3A_111 = tpu.vector_load %arg7[%get3A_108, %get3A_109, %get3A_110] {strides = array<i32>} : memref<50x1x128xi32, #tpu.memory_space<vmem>>, vector<1x1x16xi32>,
      %get3A_112 = vector.shape_cast %get3A_111 : vector<1x1x16xi32> to vector<16xi32>
      %mul3A_113 = arith.constant 4 : i32
      %mul3A_114 = vector.broadcast %mul3A_113 : i32 to vector<16xi32>
      %mul3A_115 = arith.muli %get3A_112, %mul3A_114 : vector<16xi32>
      %add3A_116 = vector.broadcast %add3A_32 : i32 to vector<16xi32>
      %add3A_117 = arith.addi %mul3A_115, %add3A_116 : vector<16xi32>
      %swap3A_118 = arith.constant 0 : i32
      %swap3A_119 = arith.index_cast %add3A_54 : i32 to index
      %swap3A_120 = arith.index_cast %swap3A_118 : i32 to index
      %swap3A_121 = arith.constant 48 : index
      %swap3A_122 = tpu.vector_load %arg8[%swap3A_119, %swap3A_120, %swap3A_121] {strides = array<i32>} : memref<50x1x128xi32, #tpu.memory_space<vmem>>, vector<1x1x16xi32>,
      %swap3A_123 = vector.shape_cast %swap3A_122 : vector<1x1x16xi32> to vector<16xi32>
      %swap3A_124 = vector.shape_cast %add3A_117 : vector<16xi32> to vector<1x1x16xi32>
      tpu.vector_store %arg8[%swap3A_119, %swap3A_120, %swap3A_121], %swap3A_124 {strides = array<i32>} : memref<50x1x128xi32, #tpu.memory_space<vmem>>, vector<1x1x16xi32>,
      %get3A_125 = arith.constant 0 : i32
      %get3A_126 = arith.index_cast %add3A_54 : i32 to index
      %get3A_127 = arith.index_cast %get3A_125 : i32 to index
      %get3A_128 = arith.constant 64 : index
      %get3A_129 = tpu.vector_load %arg7[%get3A_126, %get3A_127, %get3A_128] {strides = array<i32>} : memref<50x1x128xi32, #tpu.memory_space<vmem>>, vector<1x1x16xi32>,
      %get3A_130 = vector.shape_cast %get3A_129 : vector<1x1x16xi32> to vector<16xi32>
      %mul3A_131 = arith.constant 4 : i32
      %mul3A_132 = vector.broadcast %mul3A_131 : i32 to vector<16xi32>
      %mul3A_133 = arith.muli %get3A_130, %mul3A_132 : vector<16xi32>
      %add3A_134 = vector.broadcast %add3A_32 : i32 to vector<16xi32>
      %add3A_135 = arith.addi %mul3A_133, %add3A_134 : vector<16xi32>
      %swap3A_136 = arith.constant 0 : i32
      %swap3A_137 = arith.index_cast %add3A_54 : i32 to index
      %swap3A_138 = arith.index_cast %swap3A_136 : i32 to index
      %swap3A_139 = arith.constant 64 : index
      %swap3A_140 = tpu.vector_load %arg8[%swap3A_137, %swap3A_138, %swap3A_139] {strides = array<i32>} : memref<50x1x128xi32, #tpu.memory_space<vmem>>, vector<1x1x16xi32>,
      %swap3A_141 = vector.shape_cast %swap3A_140 : vector<1x1x16xi32> to vector<16xi32>
      %swap3A_142 = vector.shape_cast %add3A_135 : vector<16xi32> to vector<1x1x16xi32>
      tpu.vector_store %arg8[%swap3A_137, %swap3A_138, %swap3A_139], %swap3A_142 {strides = array<i32>} : memref<50x1x128xi32, #tpu.memory_space<vmem>>, vector<1x1x16xi32>,
      %get3A_143 = arith.constant 0 : i32
      %get3A_144 = arith.index_cast %add3A_54 : i32 to index
      %get3A_145 = arith.index_cast %get3A_143 : i32 to index
      %get3A_146 = arith.constant 80 : index
      %get3A_147 = tpu.vector_load %arg7[%get3A_144, %get3A_145, %get3A_146] {strides = array<i32>} : memref<50x1x128xi32, #tpu.memory_space<vmem>>, vector<1x1x16xi32>,
      %get3A_148 = vector.shape_cast %get3A_147 : vector<1x1x16xi32> to vector<16xi32>
      %mul3A_149 = arith.constant 4 : i32
      %mul3A_150 = vector.broadcast %mul3A_149 : i32 to vector<16xi32>
      %mul3A_151 = arith.muli %get3A_148, %mul3A_150 : vector<16xi32>
      %add3A_152 = vector.broadcast %add3A_32 : i32 to vector<16xi32>
      %add3A_153 = arith.addi %mul3A_151, %add3A_152 : vector<16xi32>
      %swap3A_154 = arith.constant 0 : i32
      %swap3A_155 = arith.index_cast %add3A_54 : i32 to index
      %swap3A_156 = arith.index_cast %swap3A_154 : i32 to index
      %swap3A_157 = arith.constant 80 : index
      %swap3A_158 = tpu.vector_load %arg8[%swap3A_155, %swap3A_156, %swap3A_157] {strides = array<i32>} : memref<50x1x128xi32, #tpu.memory_space<vmem>>, vector<1x1x16xi32>,
      %swap3A_159 = vector.shape_cast %swap3A_158 : vector<1x1x16xi32> to vector<16xi32>
      %swap3A_160 = vector.shape_cast %add3A_153 : vector<16xi32> to vector<1x1x16xi32>
      tpu.vector_store %arg8[%swap3A_155, %swap3A_156, %swap3A_157], %swap3A_160 {strides = array<i32>} : memref<50x1x128xi32, #tpu.memory_space<vmem>>, vector<1x1x16xi32>,
      %get3A_161 = arith.constant 0 : i32
      %get3A_162 = arith.index_cast %add3A_54 : i32 to index
      %get3A_163 = arith.index_cast %get3A_161 : i32 to index
      %get3A_164 = arith.constant 96 : index
      %get3A_165 = tpu.vector_load %arg7[%get3A_162, %get3A_163, %get3A_164] {strides = array<i32>} : memref<50x1x128xi32, #tpu.memory_space<vmem>>, vector<1x1x16xi32>,
      %get3A_166 = vector.shape_cast %get3A_165 : vector<1x1x16xi32> to vector<16xi32>
      %mul3A_167 = arith.constant 4 : i32
      %mul3A_168 = vector.broadcast %mul3A_167 : i32 to vector<16xi32>
      %mul3A_169 = arith.muli %get3A_166, %mul3A_168 : vector<16xi32>
      %add3A_170 = vector.broadcast %add3A_32 : i32 to vector<16xi32>
      %add3A_171 = arith.addi %mul3A_169, %add3A_170 : vector<16xi32>
      %swap3A_172 = arith.constant 0 : i32
      %swap3A_173 = arith.index_cast %add3A_54 : i32 to index
      %swap3A_174 = arith.index_cast %swap3A_172 : i32 to index
      %swap3A_175 = arith.constant 96 : index
      %swap3A_176 = tpu.vector_load %arg8[%swap3A_173, %swap3A_174, %swap3A_175] {strides = array<i32>} : memref<50x1x128xi32, #tpu.memory_space<vmem>>, vector<1x1x16xi32>,
      %swap3A_177 = vector.shape_cast %swap3A_176 : vector<1x1x16xi32> to vector<16xi32>
      %swap3A_178 = vector.shape_cast %add3A_171 : vector<16xi32> to vector<1x1x16xi32>
      tpu.vector_store %arg8[%swap3A_173, %swap3A_174, %swap3A_175], %swap3A_178 {strides = array<i32>} : memref<50x1x128xi32, #tpu.memory_space<vmem>>, vector<1x1x16xi32>,
      %get3A_179 = arith.constant 0 : i32
      %get3A_180 = arith.index_cast %add3A_54 : i32 to index
      %get3A_181 = arith.index_cast %get3A_179 : i32 to index
      %get3A_182 = arith.constant 112 : index
      %get3A_183 = tpu.vector_load %arg7[%get3A_180, %get3A_181, %get3A_182] {strides = array<i32>} : memref<50x1x128xi32, #tpu.memory_space<vmem>>, vector<1x1x16xi32>,
      %get3A_184 = vector.shape_cast %get3A_183 : vector<1x1x16xi32> to vector<16xi32>
      %mul3A_185 = arith.constant 4 : i32
      %mul3A_186 = vector.broadcast %mul3A_185 : i32 to vector<16xi32>
      %mul3A_187 = arith.muli %get3A_184, %mul3A_186 : vector<16xi32>
      %add3A_188 = vector.broadcast %add3A_32 : i32 to vector<16xi32>
      %add3A_189 = arith.addi %mul3A_187, %add3A_188 : vector<16xi32>
      %swap3A_190 = arith.constant 0 : i32
      %swap3A_191 = arith.index_cast %add3A_54 : i32 to index
      %swap3A_192 = arith.index_cast %swap3A_190 : i32 to index
      %swap3A_193 = arith.constant 112 : index
      %swap3A_194 = tpu.vector_load %arg8[%swap3A_191, %swap3A_192, %swap3A_193] {strides = array<i32>} : memref<50x1x128xi32, #tpu.memory_space<vmem>>, vector<1x1x16xi32>,
      %swap3A_195 = vector.shape_cast %swap3A_194 : vector<1x1x16xi32> to vector<16xi32>
      %swap3A_196 = vector.shape_cast %add3A_189 : vector<16xi32> to vector<1x1x16xi32>
      tpu.vector_store %arg8[%swap3A_191, %swap3A_192, %swap3A_193], %swap3A_196 {strides = array<i32>} : memref<50x1x128xi32, #tpu.memory_space<vmem>>, vector<1x1x16xi32>,
    }
    %scan3A_42 = arith.constant 50 : i32
    %barrier3A_43 = arith.constant 0 : index
    tpu.barrier barrier_id(%barrier3A_43)
    %scan3A_44 = arith.constant 0 : i32
    %scan3A_45 = arith.constant 50 : i32
    %scan3A_46 = arith.addi %scan3A_44, %scan3A_45 : i32
    %scan3A_47 = arith.constant 1 : i32
    scf.for %scan3A_50 = %scan3A_44 to %scan3A_46 step %scan3A_47  : i32 {
      %mul3A_51 = arith.constant 1 : i32
      %mul3A_52 = arith.muli %scan3A_50, %mul3A_51 : i32
      %add3A_53 = arith.constant 0 : i32
      %add3A_54 = arith.addi %add3A_53, %mul3A_52 : i32
      %dma_start3A = arith.constant 0 : i32
      %dma_start3A_55 = arith.constant 0 : i32
      %dma_start3A_56 = tpu.memref_slice %arg8[%add3A_54, %dma_start3A, %dma_start3A_55] : memref<50x1x128xi32, #tpu.memory_space<vmem>> -> memref<1x1x128xi32, #tpu.memory_space<vmem>>
      %dma_start3A_57 = tpu.memref_squeeze %dma_start3A_56 : memref<1x1x128xi32, #tpu.memory_space<vmem>> -> memref<128xi32, #tpu.memory_space<vmem>>
      %dma_start3A_58 = arith.constant 0 : i32
      %dma_start3A_59 = arith.constant 0 : i32
      %dma_start3A_60 = tpu.memref_slice %arg2[%dma_start3A_58, %dma_start3A_59] : memref<40000x32xf32, #tpu.memory_space<hbm>> -> memref<40000x32xf32, #tpu.memory_space<hbm>>
      tpu.enqueue_indirect_dma source(%dma_start3A_60 : memref<40000x32xf32, #tpu.memory_space<hbm>>) target(%arg10 : memref<128x32xf32, #tpu.memory_space<vmem>>) offsets(%dma_start3A_57 : memref<128xi32, #tpu.memory_space<vmem>>) semaphore(%arg12 : memref<!tpu.dma_semaphore, #tpu.memory_space<semaphore_mem>>)
      %dma_wait3A = arith.constant 0 : i32
      %dma_wait3A_61 = arith.constant 0 : i32
      %dma_wait3A_62 = tpu.memref_slice %arg8[%add3A_54, %dma_wait3A, %dma_wait3A_61] : memref<50x1x128xi32, #tpu.memory_space<vmem>> -> memref<1x1x128xi32, #tpu.memory_space<vmem>>
      %dma_wait3A_63 = tpu.memref_squeeze %dma_wait3A_62 : memref<1x1x128xi32, #tpu.memory_space<vmem>> -> memref<128xi32, #tpu.memory_space<vmem>>
      %dma_wait3A_64 = arith.constant 0 : i32
      %dma_wait3A_65 = arith.constant 0 : i32
      %dma_wait3A_66 = tpu.memref_slice %arg2[%dma_wait3A_64, %dma_wait3A_65] : memref<40000x32xf32, #tpu.memory_space<hbm>> -> memref<40000x32xf32, #tpu.memory_space<hbm>>
      tpu.wait_indirect_dma semaphore(%arg12 : memref<!tpu.dma_semaphore, #tpu.memory_space<semaphore_mem>>) src(%dma_wait3A_66 : memref<40000x32xf32, #tpu.memory_space<hbm>>) dst(%arg10 : memref<128x32xf32, #tpu.memory_space<vmem>>)
      %run_scoped3A = arith.constant 0 : i32
      "tpu.region"() ({
        %run_scoped3A_67 = tpu.sem_alloc : memref<!tpu.dma_semaphore, #tpu.memory_space<semaphore_mem>>
        %dma_start3A_68 = arith.constant 0 : i32
        %dma_start3A_69 = tpu.memref_slice %arg9[%add3A_54, %run_scoped3A, %dma_start3A_68] : memref<50x1x128xi32, #tpu.memory_space<vmem>> -> memref<1x1x128xi32, #tpu.memory_space<vmem>>
        %dma_start3A_70 = tpu.memref_squeeze %dma_start3A_69 : memref<1x1x128xi32, #tpu.memory_space<vmem>> -> memref<128xi32, #tpu.memory_space<vmem>>
        %dma_start3A_71 = arith.constant 0 : i32
        %dma_start3A_72 = arith.constant 0 : i32
        %dma_start3A_73 = tpu.memref_slice %arg6[%dma_start3A_71, %dma_start3A_72] : memref<50176x32xf32, #tpu.memory_space<vmem_shared>> -> memref<50176x32xf32, #tpu.memory_space<vmem_shared>>
        tpu.enqueue_indirect_dma source(%arg10 : memref<128x32xf32, #tpu.memory_space<vmem>>) target(%dma_start3A_73 : memref<50176x32xf32, #tpu.memory_space<vmem_shared>>) offsets(%dma_start3A_70 : memref<128xi32, #tpu.memory_space<vmem>>) semaphore(%run_scoped3A_67 : memref<!tpu.dma_semaphore, #tpu.memory_space<semaphore_mem>>) {add = true}
        %dma_wait3A_74 = arith.constant 0 : i32
        %dma_wait3A_75 = tpu.memref_slice %arg9[%add3A_54, %run_scoped3A, %dma_wait3A_74] : memref<50x1x128xi32, #tpu.memory_space<vmem>> -> memref<1x1x128xi32, #tpu.memory_space<vmem>>
        %dma_wait3A_76 = tpu.memref_squeeze %dma_wait3A_75 : memref<1x1x128xi32, #tpu.memory_space<vmem>> -> memref<128xi32, #tpu.memory_space<vmem>>
        %dma_wait3A_77 = arith.constant 0 : i32
        %dma_wait3A_78 = arith.constant 0 : i32
        %dma_wait3A_79 = tpu.memref_slice %arg6[%dma_wait3A_77, %dma_wait3A_78] : memref<50176x32xf32, #tpu.memory_space<vmem_shared>> -> memref<50176x32xf32, #tpu.memory_space<vmem_shared>>
        tpu.wait_indirect_dma semaphore(%run_scoped3A_67 : memref<!tpu.dma_semaphore, #tpu.memory_space<semaphore_mem>>) src(%arg10 : memref<128x32xf32, #tpu.memory_space<vmem>>) dst(%dma_wait3A_79 : memref<50176x32xf32, #tpu.memory_space<vmem_shared>>)
        tpu.yield
      }) : () -> ()
    }
    %scan3A_48 = arith.constant 50 : i32
    %barrier3A_49 = arith.constant 0 : index
    tpu.barrier barrier_id(%barrier3A_49)
    "tpu.region"() ({
      %run_scoped3A = tpu.sem_alloc : memref<!tpu.dma_semaphore, #tpu.memory_space<semaphore_mem>>
      %dma_start3A = arith.constant 0 : i32
      %dma_start3A_50 = tpu.memref_slice %arg5[%add3A_32, %mul3A_5, %dma_start3A] : memref<4x50176x32xf32, #tpu.memory_space<hbm>> -> memref<1x3136x32xf32, #tpu.memory_space<hbm>>
      %dma_start3A_51 = tpu.memref_squeeze %dma_start3A_50 : memref<1x3136x32xf32, #tpu.memory_space<hbm>> -> memref<3136x32xf32, #tpu.memory_space<hbm>>
      %dma_start3A_52 = arith.constant 0 : i32
      %dma_start3A_53 = tpu.memref_slice %arg6[%mul3A_5, %dma_start3A_52] : memref<50176x32xf32, #tpu.memory_space<vmem_shared>> -> memref<3136x32xf32, #tpu.memory_space<vmem_shared>>
      tpu.enqueue_dma source(%dma_start3A_53 : memref<3136x32xf32, #tpu.memory_space<vmem_shared>>) target(%dma_start3A_51 : memref<3136x32xf32, #tpu.memory_space<hbm>>) target_semaphore(%run_scoped3A : memref<!tpu.dma_semaphore, #tpu.memory_space<semaphore_mem>>)
      %dma_wait3A = arith.constant 0 : i32
      %dma_wait3A_54 = tpu.memref_slice %arg5[%add3A_32, %mul3A_5, %dma_wait3A] : memref<4x50176x32xf32, #tpu.memory_space<hbm>> -> memref<1x3136x32xf32, #tpu.memory_space<hbm>>
      %dma_wait3A_55 = tpu.memref_squeeze %dma_wait3A_54 : memref<1x3136x32xf32, #tpu.memory_space<hbm>> -> memref<3136x32xf32, #tpu.memory_space<hbm>>
      %dma_wait3A_56 = arith.constant 0 : i32
      %dma_wait3A_57 = tpu.memref_slice %arg6[%mul3A_5, %dma_wait3A_56] : memref<50176x32xf32, #tpu.memory_space<vmem_shared>> -> memref<3136x32xf32, #tpu.memory_space<vmem_shared>>
      tpu.wait_dma2 semaphore(%run_scoped3A : memref<!tpu.dma_semaphore, #tpu.memory_space<semaphore_mem>>) src(%dma_wait3A_57 : memref<3136x32xf32, #tpu.memory_space<vmem_shared>>) dst(%dma_wait3A_55 : memref<3136x32xf32, #tpu.memory_space<hbm>>)
      tpu.yield
    }) : () -> ()
    return
  }
}

#map = affine_map<(d0, d1) -> (0, 0)>
#map1 = affine_map<(d0, d1) -> (0, 0, 0)>
module attributes {stable_mosaic.version = 14 : i64} {
  func.func @k(%arg0: i32, %arg1: i32, %arg2: memref<10000x128xf32, #tpu.memory_space<hbm>>, %arg3: memref<800x1x128xi32, #tpu.memory_space<hbm>>, %arg4: memref<800x1x128xi32, #tpu.memory_space<hbm>>, %arg5: memref<2x10240x128xf32, #tpu.memory_space<hbm>>, %arg6: memref<10240x128xf32, #tpu.memory_space<vmem_shared>>, %arg7: memref<25x1x128xi32, #tpu.memory_space<vmem>>, %arg8: memref<25x1x128xi32, #tpu.memory_space<vmem>>, %arg9: memref<128x128xf32, #tpu.memory_space<vmem>>, %arg10: memref<64x128xf32, #tpu.memory_space<vmem>>, %arg11: memref<!tpu.dma_semaphore, #tpu.memory_space<semaphore_mem>>) attributes {dimension_semantics = [#tpu.dimension_semantics<core_parallel>, #tpu.dimension_semantics<subcore_parallel>], iteration_bounds = array<i64: 2, 16>, scalar_prefetch = 0 : i64, scratch_operands = 6 : i64, tpu.core_type = #tpu.core_type<sc_vector_subcore>, window_params = [{transform_indices = #map}, {transform_indices = #map1}, {transform_indices = #map1}, {transform_indices = #map1}]} {
    %mul3A = arith.constant 16 : i32
    %mul3A_0 = arith.muli %arg0, %mul3A : i32
    %add3A = arith.addi %mul3A_0, %arg1 : i32
    %broadcast_in_dim3A = arith.constant 0.000000e+00 : f32
    %broadcast_in_dim3A_1 = vector.broadcast %broadcast_in_dim3A : f32 to vector<16xf32>
    %scan3A = arith.constant 0 : i32
    %scan3A_2 = arith.constant 64 : i32
    %scan3A_3 = arith.addi %scan3A, %scan3A_2 : i32
    %scan3A_4 = arith.constant 1 : i32
    scf.for %scan3A_23 = %scan3A to %scan3A_3 step %scan3A_4  : i32 {
      %mul3A_24 = arith.constant 1 : i32
      %mul3A_25 = arith.muli %scan3A_23, %mul3A_24 : i32
      %add3A_26 = arith.constant 0 : i32
      %add3A_27 = arith.addi %add3A_26, %mul3A_25 : i32
      %swap3A = arith.index_cast %add3A_27 : i32 to index
      %swap3A_28 = arith.constant 0 : index
      %swap3A_29 = tpu.vector_load %arg10[%swap3A, %swap3A_28] {strides = array<i32>} : memref<64x128xf32, #tpu.memory_space<vmem>>, vector<1x16xf32>,
      %swap3A_30 = vector.shape_cast %swap3A_29 : vector<1x16xf32> to vector<16xf32>
      %swap3A_31 = vector.shape_cast %broadcast_in_dim3A_1 : vector<16xf32> to vector<1x16xf32>
      tpu.vector_store %arg10[%swap3A, %swap3A_28], %swap3A_31 {strides = array<i32>} : memref<64x128xf32, #tpu.memory_space<vmem>>, vector<1x16xf32>,
      %swap3A_32 = arith.index_cast %add3A_27 : i32 to index
      %swap3A_33 = arith.constant 16 : index
      %swap3A_34 = tpu.vector_load %arg10[%swap3A_32, %swap3A_33] {strides = array<i32>} : memref<64x128xf32, #tpu.memory_space<vmem>>, vector<1x16xf32>,
      %swap3A_35 = vector.shape_cast %swap3A_34 : vector<1x16xf32> to vector<16xf32>
      %swap3A_36 = vector.shape_cast %broadcast_in_dim3A_1 : vector<16xf32> to vector<1x16xf32>
      tpu.vector_store %arg10[%swap3A_32, %swap3A_33], %swap3A_36 {strides = array<i32>} : memref<64x128xf32, #tpu.memory_space<vmem>>, vector<1x16xf32>,
      %swap3A_37 = arith.index_cast %add3A_27 : i32 to index
      %swap3A_38 = arith.constant 32 : index
      %swap3A_39 = tpu.vector_load %arg10[%swap3A_37, %swap3A_38] {strides = array<i32>} : memref<64x128xf32, #tpu.memory_space<vmem>>, vector<1x16xf32>,
      %swap3A_40 = vector.shape_cast %swap3A_39 : vector<1x16xf32> to vector<16xf32>
      %swap3A_41 = vector.shape_cast %broadcast_in_dim3A_1 : vector<16xf32> to vector<1x16xf32>
      tpu.vector_store %arg10[%swap3A_37, %swap3A_38], %swap3A_41 {strides = array<i32>} : memref<64x128xf32, #tpu.memory_space<vmem>>, vector<1x16xf32>,
      %swap3A_42 = arith.index_cast %add3A_27 : i32 to index
      %swap3A_43 = arith.constant 48 : index
      %swap3A_44 = tpu.vector_load %arg10[%swap3A_42, %swap3A_43] {strides = array<i32>} : memref<64x128xf32, #tpu.memory_space<vmem>>, vector<1x16xf32>,
      %swap3A_45 = vector.shape_cast %swap3A_44 : vector<1x16xf32> to vector<16xf32>
      %swap3A_46 = vector.shape_cast %broadcast_in_dim3A_1 : vector<16xf32> to vector<1x16xf32>
      tpu.vector_store %arg10[%swap3A_42, %swap3A_43], %swap3A_46 {strides = array<i32>} : memref<64x128xf32, #tpu.memory_space<vmem>>, vector<1x16xf32>,
      %swap3A_47 = arith.index_cast %add3A_27 : i32 to index
      %swap3A_48 = arith.constant 64 : index
      %swap3A_49 = tpu.vector_load %arg10[%swap3A_47, %swap3A_48] {strides = array<i32>} : memref<64x128xf32, #tpu.memory_space<vmem>>, vector<1x16xf32>,
      %swap3A_50 = vector.shape_cast %swap3A_49 : vector<1x16xf32> to vector<16xf32>
      %swap3A_51 = vector.shape_cast %broadcast_in_dim3A_1 : vector<16xf32> to vector<1x16xf32>
      tpu.vector_store %arg10[%swap3A_47, %swap3A_48], %swap3A_51 {strides = array<i32>} : memref<64x128xf32, #tpu.memory_space<vmem>>, vector<1x16xf32>,
      %swap3A_52 = arith.index_cast %add3A_27 : i32 to index
      %swap3A_53 = arith.constant 80 : index
      %swap3A_54 = tpu.vector_load %arg10[%swap3A_52, %swap3A_53] {strides = array<i32>} : memref<64x128xf32, #tpu.memory_space<vmem>>, vector<1x16xf32>,
      %swap3A_55 = vector.shape_cast %swap3A_54 : vector<1x16xf32> to vector<16xf32>
      %swap3A_56 = vector.shape_cast %broadcast_in_dim3A_1 : vector<16xf32> to vector<1x16xf32>
      tpu.vector_store %arg10[%swap3A_52, %swap3A_53], %swap3A_56 {strides = array<i32>} : memref<64x128xf32, #tpu.memory_space<vmem>>, vector<1x16xf32>,
      %swap3A_57 = arith.index_cast %add3A_27 : i32 to index
      %swap3A_58 = arith.constant 96 : index
      %swap3A_59 = tpu.vector_load %arg10[%swap3A_57, %swap3A_58] {strides = array<i32>} : memref<64x128xf32, #tpu.memory_space<vmem>>, vector<1x16xf32>,
      %swap3A_60 = vector.shape_cast %swap3A_59 : vector<1x16xf32> to vector<16xf32>
      %swap3A_61 = vector.shape_cast %broadcast_in_dim3A_1 : vector<16xf32> to vector<1x16xf32>
      tpu.vector_store %arg10[%swap3A_57, %swap3A_58], %swap3A_61 {strides = array<i32>} : memref<64x128xf32, #tpu.memory_space<vmem>>, vector<1x16xf32>,
      %swap3A_62 = arith.index_cast %add3A_27 : i32 to index
      %swap3A_63 = arith.constant 112 : index
      %swap3A_64 = tpu.vector_load %arg10[%swap3A_62, %swap3A_63] {strides = array<i32>} : memref<64x128xf32, #tpu.memory_space<vmem>>, vector<1x16xf32>,
      %swap3A_65 = vector.shape_cast %swap3A_64 : vector<1x16xf32> to vector<16xf32>
      %swap3A_66 = vector.shape_cast %broadcast_in_dim3A_1 : vector<16xf32> to vector<1x16xf32>
      tpu.vector_store %arg10[%swap3A_62, %swap3A_63], %swap3A_66 {strides = array<i32>} : memref<64x128xf32, #tpu.memory_space<vmem>>, vector<1x16xf32>,
    }
    %scan3A_5 = arith.constant 64 : i32
    %mul3A_6 = arith.constant 640 : i32
    %mul3A_7 = arith.muli %arg1, %mul3A_6 : i32
    %scan3A_8 = arith.constant 0 : i32
    %scan3A_9 = arith.constant 10 : i32
    %scan3A_10 = arith.addi %scan3A_8, %scan3A_9 : i32
    %scan3A_11 = arith.constant 1 : i32
    scf.for %scan3A_23 = %scan3A_8 to %scan3A_10 step %scan3A_11  : i32 {
      %mul3A_24 = arith.constant 1 : i32
      %mul3A_25 = arith.muli %scan3A_23, %mul3A_24 : i32
      %add3A_26 = arith.constant 0 : i32
      %add3A_27 = arith.addi %add3A_26, %mul3A_25 : i32
      %mul3A_28 = arith.constant 64 : i32
      %mul3A_29 = arith.muli %add3A_27, %mul3A_28 : i32
      %add3A_30 = arith.addi %mul3A_7, %mul3A_29 : i32
      "tpu.region"() ({
        %run_scoped3A = tpu.sem_alloc : memref<!tpu.dma_semaphore, #tpu.memory_space<semaphore_mem>>
        %dma_start3A = arith.constant 0 : i32
        %dma_start3A_31 = tpu.memref_slice %arg6[%add3A_30, %dma_start3A] : memref<10240x128xf32, #tpu.memory_space<vmem_shared>> -> memref<64x128xf32, #tpu.memory_space<vmem_shared>>
        %dma_start3A_32 = arith.constant 0 : i32
        %dma_start3A_33 = tpu.memref_slice %arg6[%add3A_30, %dma_start3A_32] : memref<10240x128xf32, #tpu.memory_space<vmem_shared>> -> memref<64x128xf32, #tpu.memory_space<vmem_shared>>
        tpu.enqueue_dma source(%arg10 : memref<64x128xf32, #tpu.memory_space<vmem>>) target(%dma_start3A_33 : memref<64x128xf32, #tpu.memory_space<vmem_shared>>) target_semaphore(%run_scoped3A : memref<!tpu.dma_semaphore, #tpu.memory_space<semaphore_mem>>)
        %dma_wait3A = arith.constant 0 : i32
        %dma_wait3A_34 = tpu.memref_slice %arg6[%add3A_30, %dma_wait3A] : memref<10240x128xf32, #tpu.memory_space<vmem_shared>> -> memref<64x128xf32, #tpu.memory_space<vmem_shared>>
        %dma_wait3A_35 = arith.constant 0 : i32
        %dma_wait3A_36 = tpu.memref_slice %arg6[%add3A_30, %dma_wait3A_35] : memref<10240x128xf32, #tpu.memory_space<vmem_shared>> -> memref<64x128xf32, #tpu.memory_space<vmem_shared>>
        tpu.wait_dma2 semaphore(%run_scoped3A : memref<!tpu.dma_semaphore, #tpu.memory_space<semaphore_mem>>) src(%arg10 : memref<64x128xf32, #tpu.memory_space<vmem>>) dst(%dma_wait3A_36 : memref<64x128xf32, #tpu.memory_space<vmem_shared>>)
        tpu.yield
      }) : () -> ()
    }
    %scan3A_12 = arith.constant 10 : i32
    %mul3A_13 = arith.constant 25 : i32
    %mul3A_14 = arith.muli %add3A, %mul3A_13 : i32
    "tpu.region"() ({
      %run_scoped3A = tpu.sem_alloc : memref<!tpu.dma_semaphore, #tpu.memory_space<semaphore_mem>>
      %dma_start3A = arith.constant 0 : i32
      %dma_start3A_23 = arith.constant 0 : i32
      %dma_start3A_24 = tpu.memref_slice %arg3[%mul3A_14, %dma_start3A, %dma_start3A_23] : memref<800x1x128xi32, #tpu.memory_space<hbm>> -> memref<25x1x128xi32, #tpu.memory_space<hbm>>
      %dma_start3A_25 = arith.constant 0 : i32
      %dma_start3A_26 = arith.constant 0 : i32
      %dma_start3A_27 = tpu.memref_slice %arg3[%mul3A_14, %dma_start3A_25, %dma_start3A_26] : memref<800x1x128xi32, #tpu.memory_space<hbm>> -> memref<25x1x128xi32, #tpu.memory_space<hbm>>
      tpu.enqueue_dma source(%dma_start3A_27 : memref<25x1x128xi32, #tpu.memory_space<hbm>>) target(%arg7 : memref<25x1x128xi32, #tpu.memory_space<vmem>>) target_semaphore(%run_scoped3A : memref<!tpu.dma_semaphore, #tpu.memory_space<semaphore_mem>>)
      %dma_wait3A = arith.constant 0 : i32
      %dma_wait3A_28 = arith.constant 0 : i32
      %dma_wait3A_29 = tpu.memref_slice %arg3[%mul3A_14, %dma_wait3A, %dma_wait3A_28] : memref<800x1x128xi32, #tpu.memory_space<hbm>> -> memref<25x1x128xi32, #tpu.memory_space<hbm>>
      %dma_wait3A_30 = arith.constant 0 : i32
      %dma_wait3A_31 = arith.constant 0 : i32
      %dma_wait3A_32 = tpu.memref_slice %arg3[%mul3A_14, %dma_wait3A_30, %dma_wait3A_31] : memref<800x1x128xi32, #tpu.memory_space<hbm>> -> memref<25x1x128xi32, #tpu.memory_space<hbm>>
      tpu.wait_dma2 semaphore(%run_scoped3A : memref<!tpu.dma_semaphore, #tpu.memory_space<semaphore_mem>>) src(%dma_wait3A_32 : memref<25x1x128xi32, #tpu.memory_space<hbm>>) dst(%arg7 : memref<25x1x128xi32, #tpu.memory_space<vmem>>)
      tpu.yield
    }) : () -> ()
    %mul3A_15 = arith.constant 25 : i32
    %mul3A_16 = arith.muli %add3A, %mul3A_15 : i32
    "tpu.region"() ({
      %run_scoped3A = tpu.sem_alloc : memref<!tpu.dma_semaphore, #tpu.memory_space<semaphore_mem>>
      %dma_start3A = arith.constant 0 : i32
      %dma_start3A_23 = arith.constant 0 : i32
      %dma_start3A_24 = tpu.memref_slice %arg4[%mul3A_16, %dma_start3A, %dma_start3A_23] : memref<800x1x128xi32, #tpu.memory_space<hbm>> -> memref<25x1x128xi32, #tpu.memory_space<hbm>>
      %dma_start3A_25 = arith.constant 0 : i32
      %dma_start3A_26 = arith.constant 0 : i32
      %dma_start3A_27 = tpu.memref_slice %arg4[%mul3A_16, %dma_start3A_25, %dma_start3A_26] : memref<800x1x128xi32, #tpu.memory_space<hbm>> -> memref<25x1x128xi32, #tpu.memory_space<hbm>>
      tpu.enqueue_dma source(%dma_start3A_27 : memref<25x1x128xi32, #tpu.memory_space<hbm>>) target(%arg8 : memref<25x1x128xi32, #tpu.memory_space<vmem>>) target_semaphore(%run_scoped3A : memref<!tpu.dma_semaphore, #tpu.memory_space<semaphore_mem>>)
      %dma_wait3A = arith.constant 0 : i32
      %dma_wait3A_28 = arith.constant 0 : i32
      %dma_wait3A_29 = tpu.memref_slice %arg4[%mul3A_16, %dma_wait3A, %dma_wait3A_28] : memref<800x1x128xi32, #tpu.memory_space<hbm>> -> memref<25x1x128xi32, #tpu.memory_space<hbm>>
      %dma_wait3A_30 = arith.constant 0 : i32
      %dma_wait3A_31 = arith.constant 0 : i32
      %dma_wait3A_32 = tpu.memref_slice %arg4[%mul3A_16, %dma_wait3A_30, %dma_wait3A_31] : memref<800x1x128xi32, #tpu.memory_space<hbm>> -> memref<25x1x128xi32, #tpu.memory_space<hbm>>
      tpu.wait_dma2 semaphore(%run_scoped3A : memref<!tpu.dma_semaphore, #tpu.memory_space<semaphore_mem>>) src(%dma_wait3A_32 : memref<25x1x128xi32, #tpu.memory_space<hbm>>) dst(%arg8 : memref<25x1x128xi32, #tpu.memory_space<vmem>>)
      tpu.yield
    }) : () -> ()
    %barrier3A = arith.constant 0 : index
    tpu.barrier barrier_id(%barrier3A)
    %scan3A_17 = arith.constant 0 : i32
    %scan3A_18 = arith.constant 25 : i32
    %scan3A_19 = arith.addi %scan3A_17, %scan3A_18 : i32
    %scan3A_20 = arith.constant 1 : i32
    scf.for %scan3A_23 = %scan3A_17 to %scan3A_19 step %scan3A_20  : i32 {
      %mul3A_24 = arith.constant 1 : i32
      %mul3A_25 = arith.muli %scan3A_23, %mul3A_24 : i32
      %add3A_26 = arith.constant 0 : i32
      %add3A_27 = arith.addi %add3A_26, %mul3A_25 : i32
      %dma_start3A = arith.constant 0 : i32
      %dma_start3A_28 = arith.constant 0 : i32
      %dma_start3A_29 = tpu.memref_slice %arg7[%add3A_27, %dma_start3A, %dma_start3A_28] : memref<25x1x128xi32, #tpu.memory_space<vmem>> -> memref<1x1x128xi32, #tpu.memory_space<vmem>>
      %dma_start3A_30 = tpu.memref_squeeze %dma_start3A_29 : memref<1x1x128xi32, #tpu.memory_space<vmem>> -> memref<128xi32, #tpu.memory_space<vmem>>
      %dma_start3A_31 = arith.constant 0 : i32
      %dma_start3A_32 = arith.constant 0 : i32
      %dma_start3A_33 = tpu.memref_slice %arg2[%dma_start3A_31, %dma_start3A_32] : memref<10000x128xf32, #tpu.memory_space<hbm>> -> memref<10000x128xf32, #tpu.memory_space<hbm>>
      tpu.enqueue_indirect_dma source(%dma_start3A_33 : memref<10000x128xf32, #tpu.memory_space<hbm>>) target(%arg9 : memref<128x128xf32, #tpu.memory_space<vmem>>) offsets(%dma_start3A_30 : memref<128xi32, #tpu.memory_space<vmem>>) semaphore(%arg11 : memref<!tpu.dma_semaphore, #tpu.memory_space<semaphore_mem>>)
      %dma_wait3A = arith.constant 0 : i32
      %dma_wait3A_34 = arith.constant 0 : i32
      %dma_wait3A_35 = tpu.memref_slice %arg7[%add3A_27, %dma_wait3A, %dma_wait3A_34] : memref<25x1x128xi32, #tpu.memory_space<vmem>> -> memref<1x1x128xi32, #tpu.memory_space<vmem>>
      %dma_wait3A_36 = tpu.memref_squeeze %dma_wait3A_35 : memref<1x1x128xi32, #tpu.memory_space<vmem>> -> memref<128xi32, #tpu.memory_space<vmem>>
      %dma_wait3A_37 = arith.constant 0 : i32
      %dma_wait3A_38 = arith.constant 0 : i32
      %dma_wait3A_39 = tpu.memref_slice %arg2[%dma_wait3A_37, %dma_wait3A_38] : memref<10000x128xf32, #tpu.memory_space<hbm>> -> memref<10000x128xf32, #tpu.memory_space<hbm>>
      tpu.wait_indirect_dma semaphore(%arg11 : memref<!tpu.dma_semaphore, #tpu.memory_space<semaphore_mem>>) src(%dma_wait3A_39 : memref<10000x128xf32, #tpu.memory_space<hbm>>) dst(%arg9 : memref<128x128xf32, #tpu.memory_space<vmem>>)
      %run_scoped3A = arith.constant 0 : i32
      "tpu.region"() ({
        %run_scoped3A_40 = tpu.sem_alloc : memref<!tpu.dma_semaphore, #tpu.memory_space<semaphore_mem>>
        %dma_start3A_41 = arith.constant 0 : i32
        %dma_start3A_42 = tpu.memref_slice %arg8[%add3A_27, %run_scoped3A, %dma_start3A_41] : memref<25x1x128xi32, #tpu.memory_space<vmem>> -> memref<1x1x128xi32, #tpu.memory_space<vmem>>
        %dma_start3A_43 = tpu.memref_squeeze %dma_start3A_42 : memref<1x1x128xi32, #tpu.memory_space<vmem>> -> memref<128xi32, #tpu.memory_space<vmem>>
        %dma_start3A_44 = arith.constant 0 : i32
        %dma_start3A_45 = arith.constant 0 : i32
        %dma_start3A_46 = tpu.memref_slice %arg6[%dma_start3A_44, %dma_start3A_45] : memref<10240x128xf32, #tpu.memory_space<vmem_shared>> -> memref<10240x128xf32, #tpu.memory_space<vmem_shared>>
        tpu.enqueue_indirect_dma source(%arg9 : memref<128x128xf32, #tpu.memory_space<vmem>>) target(%dma_start3A_46 : memref<10240x128xf32, #tpu.memory_space<vmem_shared>>) offsets(%dma_start3A_43 : memref<128xi32, #tpu.memory_space<vmem>>) semaphore(%run_scoped3A_40 : memref<!tpu.dma_semaphore, #tpu.memory_space<semaphore_mem>>) {add = true}
        %dma_wait3A_47 = arith.constant 0 : i32
        %dma_wait3A_48 = tpu.memref_slice %arg8[%add3A_27, %run_scoped3A, %dma_wait3A_47] : memref<25x1x128xi32, #tpu.memory_space<vmem>> -> memref<1x1x128xi32, #tpu.memory_space<vmem>>
        %dma_wait3A_49 = tpu.memref_squeeze %dma_wait3A_48 : memref<1x1x128xi32, #tpu.memory_space<vmem>> -> memref<128xi32, #tpu.memory_space<vmem>>
        %dma_wait3A_50 = arith.constant 0 : i32
        %dma_wait3A_51 = arith.constant 0 : i32
        %dma_wait3A_52 = tpu.memref_slice %arg6[%dma_wait3A_50, %dma_wait3A_51] : memref<10240x128xf32, #tpu.memory_space<vmem_shared>> -> memref<10240x128xf32, #tpu.memory_space<vmem_shared>>
        tpu.wait_indirect_dma semaphore(%run_scoped3A_40 : memref<!tpu.dma_semaphore, #tpu.memory_space<semaphore_mem>>) src(%arg9 : memref<128x128xf32, #tpu.memory_space<vmem>>) dst(%dma_wait3A_52 : memref<10240x128xf32, #tpu.memory_space<vmem_shared>>)
        tpu.yield
      }) : () -> ()
    }
    %scan3A_21 = arith.constant 25 : i32
    %barrier3A_22 = arith.constant 0 : index
    tpu.barrier barrier_id(%barrier3A_22)
    "tpu.region"() ({
      %run_scoped3A = tpu.sem_alloc : memref<!tpu.dma_semaphore, #tpu.memory_space<semaphore_mem>>
      %dma_start3A = arith.constant 0 : i32
      %dma_start3A_23 = tpu.memref_slice %arg5[%arg0, %mul3A_7, %dma_start3A] : memref<2x10240x128xf32, #tpu.memory_space<hbm>> -> memref<1x640x128xf32, #tpu.memory_space<hbm>>
      %dma_start3A_24 = tpu.memref_squeeze %dma_start3A_23 : memref<1x640x128xf32, #tpu.memory_space<hbm>> -> memref<640x128xf32, #tpu.memory_space<hbm>>
      %dma_start3A_25 = arith.constant 0 : i32
      %dma_start3A_26 = tpu.memref_slice %arg6[%mul3A_7, %dma_start3A_25] : memref<10240x128xf32, #tpu.memory_space<vmem_shared>> -> memref<640x128xf32, #tpu.memory_space<vmem_shared>>
      tpu.enqueue_dma source(%dma_start3A_26 : memref<640x128xf32, #tpu.memory_space<vmem_shared>>) target(%dma_start3A_24 : memref<640x128xf32, #tpu.memory_space<hbm>>) target_semaphore(%run_scoped3A : memref<!tpu.dma_semaphore, #tpu.memory_space<semaphore_mem>>)
      %dma_wait3A = arith.constant 0 : i32
      %dma_wait3A_27 = tpu.memref_slice %arg5[%arg0, %mul3A_7, %dma_wait3A] : memref<2x10240x128xf32, #tpu.memory_space<hbm>> -> memref<1x640x128xf32, #tpu.memory_space<hbm>>
      %dma_wait3A_28 = tpu.memref_squeeze %dma_wait3A_27 : memref<1x640x128xf32, #tpu.memory_space<hbm>> -> memref<640x128xf32, #tpu.memory_space<hbm>>
      %dma_wait3A_29 = arith.constant 0 : i32
      %dma_wait3A_30 = tpu.memref_slice %arg6[%mul3A_7, %dma_wait3A_29] : memref<10240x128xf32, #tpu.memory_space<vmem_shared>> -> memref<640x128xf32, #tpu.memory_space<vmem_shared>>
      tpu.wait_dma2 semaphore(%run_scoped3A : memref<!tpu.dma_semaphore, #tpu.memory_space<semaphore_mem>>) src(%dma_wait3A_30 : memref<640x128xf32, #tpu.memory_space<vmem_shared>>) dst(%dma_wait3A_28 : memref<640x128xf32, #tpu.memory_space<hbm>>)
      tpu.yield
    }) : () -> ()
    return
  }
}

#map = affine_map<(d0, d1) -> (0, 0)>
#map1 = affine_map<(d0, d1) -> (0, 0, 0)>
module attributes {stable_mosaic.version = 14 : i64} {
  func.func @k(%arg0: i32, %arg1: i32, %arg2: memref<50000x128xf32, #tpu.memory_space<hbm>>, %arg3: memref<800x1x128xi32, #tpu.memory_space<hbm>>, %arg4: memref<800x1x128xi32, #tpu.memory_space<hbm>>, %arg5: memref<2x10240x128xf32, #tpu.memory_space<hbm>>, %arg6: memref<10240x128xf32, #tpu.memory_space<vmem_shared>>, %arg7: memref<25x1x128xi32, #tpu.memory_space<vmem>>, %arg8: memref<25x1x128xi32, #tpu.memory_space<vmem>>, %arg9: memref<128x128xf32, #tpu.memory_space<vmem>>, %arg10: memref<64x128xf32, #tpu.memory_space<vmem>>, %arg11: memref<!tpu.dma_semaphore, #tpu.memory_space<semaphore_mem>>) attributes {dimension_semantics = [#tpu.dimension_semantics<core_parallel>, #tpu.dimension_semantics<subcore_parallel>], iteration_bounds = array<i64: 2, 16>, scalar_prefetch = 0 : i64, scratch_operands = 6 : i64, tpu.core_type = #tpu.core_type<sc_vector_subcore>, window_params = [{transform_indices = #map}, {transform_indices = #map1}, {transform_indices = #map1}, {transform_indices = #map1}]} {
    %mul3A = arith.constant 16 : i32
    %mul3A_0 = arith.muli %arg0, %mul3A : i32
    %add3A = arith.addi %mul3A_0, %arg1 : i32
    %broadcast_in_dim3A = arith.constant 0.000000e+00 : f32
    %broadcast_in_dim3A_1 = vector.broadcast %broadcast_in_dim3A : f32 to vector<16xf32>
    %scan3A = arith.constant 0 : i32
    %scan3A_2 = arith.constant 64 : i32
    %scan3A_3 = arith.addi %scan3A, %scan3A_2 : i32
    %scan3A_4 = arith.constant 1 : i32
    scf.for %scan3A_23 = %scan3A to %scan3A_3 step %scan3A_4  : i32 {
      %mul3A_24 = arith.constant 1 : i32
      %mul3A_25 = arith.muli %scan3A_23, %mul3A_24 : i32
      %add3A_26 = arith.constant 0 : i32
      %add3A_27 = arith.addi %add3A_26, %mul3A_25 : i32
      %swap3A = arith.index_cast %add3A_27 : i32 to index
      %swap3A_28 = arith.constant 0 : index
      %swap3A_29 = tpu.vector_load %arg10[%swap3A, %swap3A_28] {strides = array<i32>} : memref<64x128xf32, #tpu.memory_space<vmem>>, vector<1x16xf32>,
      %swap3A_30 = vector.shape_cast %swap3A_29 : vector<1x16xf32> to vector<16xf32>
      %swap3A_31 = vector.shape_cast %broadcast_in_dim3A_1 : vector<16xf32> to vector<1x16xf32>
      tpu.vector_store %arg10[%swap3A, %swap3A_28], %swap3A_31 {strides = array<i32>} : memref<64x128xf32, #tpu.memory_space<vmem>>, vector<1x16xf32>,
      %swap3A_32 = arith.index_cast %add3A_27 : i32 to index
      %swap3A_33 = arith.constant 16 : index
      %swap3A_34 = tpu.vector_load %arg10[%swap3A_32, %swap3A_33] {strides = array<i32>} : memref<64x128xf32, #tpu.memory_space<vmem>>, vector<1x16xf32>,
      %swap3A_35 = vector.shape_cast %swap3A_34 : vector<1x16xf32> to vector<16xf32>
      %swap3A_36 = vector.shape_cast %broadcast_in_dim3A_1 : vector<16xf32> to vector<1x16xf32>
      tpu.vector_store %arg10[%swap3A_32, %swap3A_33], %swap3A_36 {strides = array<i32>} : memref<64x128xf32, #tpu.memory_space<vmem>>, vector<1x16xf32>,
      %swap3A_37 = arith.index_cast %add3A_27 : i32 to index
      %swap3A_38 = arith.constant 32 : index
      %swap3A_39 = tpu.vector_load %arg10[%swap3A_37, %swap3A_38] {strides = array<i32>} : memref<64x128xf32, #tpu.memory_space<vmem>>, vector<1x16xf32>,
      %swap3A_40 = vector.shape_cast %swap3A_39 : vector<1x16xf32> to vector<16xf32>
      %swap3A_41 = vector.shape_cast %broadcast_in_dim3A_1 : vector<16xf32> to vector<1x16xf32>
      tpu.vector_store %arg10[%swap3A_37, %swap3A_38], %swap3A_41 {strides = array<i32>} : memref<64x128xf32, #tpu.memory_space<vmem>>, vector<1x16xf32>,
      %swap3A_42 = arith.index_cast %add3A_27 : i32 to index
      %swap3A_43 = arith.constant 48 : index
      %swap3A_44 = tpu.vector_load %arg10[%swap3A_42, %swap3A_43] {strides = array<i32>} : memref<64x128xf32, #tpu.memory_space<vmem>>, vector<1x16xf32>,
      %swap3A_45 = vector.shape_cast %swap3A_44 : vector<1x16xf32> to vector<16xf32>
      %swap3A_46 = vector.shape_cast %broadcast_in_dim3A_1 : vector<16xf32> to vector<1x16xf32>
      tpu.vector_store %arg10[%swap3A_42, %swap3A_43], %swap3A_46 {strides = array<i32>} : memref<64x128xf32, #tpu.memory_space<vmem>>, vector<1x16xf32>,
      %swap3A_47 = arith.index_cast %add3A_27 : i32 to index
      %swap3A_48 = arith.constant 64 : index
      %swap3A_49 = tpu.vector_load %arg10[%swap3A_47, %swap3A_48] {strides = array<i32>} : memref<64x128xf32, #tpu.memory_space<vmem>>, vector<1x16xf32>,
      %swap3A_50 = vector.shape_cast %swap3A_49 : vector<1x16xf32> to vector<16xf32>
      %swap3A_51 = vector.shape_cast %broadcast_in_dim3A_1 : vector<16xf32> to vector<1x16xf32>
      tpu.vector_store %arg10[%swap3A_47, %swap3A_48], %swap3A_51 {strides = array<i32>} : memref<64x128xf32, #tpu.memory_space<vmem>>, vector<1x16xf32>,
      %swap3A_52 = arith.index_cast %add3A_27 : i32 to index
      %swap3A_53 = arith.constant 80 : index
      %swap3A_54 = tpu.vector_load %arg10[%swap3A_52, %swap3A_53] {strides = array<i32>} : memref<64x128xf32, #tpu.memory_space<vmem>>, vector<1x16xf32>,
      %swap3A_55 = vector.shape_cast %swap3A_54 : vector<1x16xf32> to vector<16xf32>
      %swap3A_56 = vector.shape_cast %broadcast_in_dim3A_1 : vector<16xf32> to vector<1x16xf32>
      tpu.vector_store %arg10[%swap3A_52, %swap3A_53], %swap3A_56 {strides = array<i32>} : memref<64x128xf32, #tpu.memory_space<vmem>>, vector<1x16xf32>,
      %swap3A_57 = arith.index_cast %add3A_27 : i32 to index
      %swap3A_58 = arith.constant 96 : index
      %swap3A_59 = tpu.vector_load %arg10[%swap3A_57, %swap3A_58] {strides = array<i32>} : memref<64x128xf32, #tpu.memory_space<vmem>>, vector<1x16xf32>,
      %swap3A_60 = vector.shape_cast %swap3A_59 : vector<1x16xf32> to vector<16xf32>
      %swap3A_61 = vector.shape_cast %broadcast_in_dim3A_1 : vector<16xf32> to vector<1x16xf32>
      tpu.vector_store %arg10[%swap3A_57, %swap3A_58], %swap3A_61 {strides = array<i32>} : memref<64x128xf32, #tpu.memory_space<vmem>>, vector<1x16xf32>,
      %swap3A_62 = arith.index_cast %add3A_27 : i32 to index
      %swap3A_63 = arith.constant 112 : index
      %swap3A_64 = tpu.vector_load %arg10[%swap3A_62, %swap3A_63] {strides = array<i32>} : memref<64x128xf32, #tpu.memory_space<vmem>>, vector<1x16xf32>,
      %swap3A_65 = vector.shape_cast %swap3A_64 : vector<1x16xf32> to vector<16xf32>
      %swap3A_66 = vector.shape_cast %broadcast_in_dim3A_1 : vector<16xf32> to vector<1x16xf32>
      tpu.vector_store %arg10[%swap3A_62, %swap3A_63], %swap3A_66 {strides = array<i32>} : memref<64x128xf32, #tpu.memory_space<vmem>>, vector<1x16xf32>,
    }
    %scan3A_5 = arith.constant 64 : i32
    %mul3A_6 = arith.constant 640 : i32
    %mul3A_7 = arith.muli %arg1, %mul3A_6 : i32
    %scan3A_8 = arith.constant 0 : i32
    %scan3A_9 = arith.constant 10 : i32
    %scan3A_10 = arith.addi %scan3A_8, %scan3A_9 : i32
    %scan3A_11 = arith.constant 1 : i32
    scf.for %scan3A_23 = %scan3A_8 to %scan3A_10 step %scan3A_11  : i32 {
      %mul3A_24 = arith.constant 1 : i32
      %mul3A_25 = arith.muli %scan3A_23, %mul3A_24 : i32
      %add3A_26 = arith.constant 0 : i32
      %add3A_27 = arith.addi %add3A_26, %mul3A_25 : i32
      %mul3A_28 = arith.constant 64 : i32
      %mul3A_29 = arith.muli %add3A_27, %mul3A_28 : i32
      %add3A_30 = arith.addi %mul3A_7, %mul3A_29 : i32
      "tpu.region"() ({
        %run_scoped3A = tpu.sem_alloc : memref<!tpu.dma_semaphore, #tpu.memory_space<semaphore_mem>>
        %dma_start3A = arith.constant 0 : i32
        %dma_start3A_31 = tpu.memref_slice %arg6[%add3A_30, %dma_start3A] : memref<10240x128xf32, #tpu.memory_space<vmem_shared>> -> memref<64x128xf32, #tpu.memory_space<vmem_shared>>
        %dma_start3A_32 = arith.constant 0 : i32
        %dma_start3A_33 = tpu.memref_slice %arg6[%add3A_30, %dma_start3A_32] : memref<10240x128xf32, #tpu.memory_space<vmem_shared>> -> memref<64x128xf32, #tpu.memory_space<vmem_shared>>
        tpu.enqueue_dma source(%arg10 : memref<64x128xf32, #tpu.memory_space<vmem>>) target(%dma_start3A_33 : memref<64x128xf32, #tpu.memory_space<vmem_shared>>) target_semaphore(%run_scoped3A : memref<!tpu.dma_semaphore, #tpu.memory_space<semaphore_mem>>)
        %dma_wait3A = arith.constant 0 : i32
        %dma_wait3A_34 = tpu.memref_slice %arg6[%add3A_30, %dma_wait3A] : memref<10240x128xf32, #tpu.memory_space<vmem_shared>> -> memref<64x128xf32, #tpu.memory_space<vmem_shared>>
        %dma_wait3A_35 = arith.constant 0 : i32
        %dma_wait3A_36 = tpu.memref_slice %arg6[%add3A_30, %dma_wait3A_35] : memref<10240x128xf32, #tpu.memory_space<vmem_shared>> -> memref<64x128xf32, #tpu.memory_space<vmem_shared>>
        tpu.wait_dma2 semaphore(%run_scoped3A : memref<!tpu.dma_semaphore, #tpu.memory_space<semaphore_mem>>) src(%arg10 : memref<64x128xf32, #tpu.memory_space<vmem>>) dst(%dma_wait3A_36 : memref<64x128xf32, #tpu.memory_space<vmem_shared>>)
        tpu.yield
      }) : () -> ()
    }
    %scan3A_12 = arith.constant 10 : i32
    %mul3A_13 = arith.constant 25 : i32
    %mul3A_14 = arith.muli %add3A, %mul3A_13 : i32
    "tpu.region"() ({
      %run_scoped3A = tpu.sem_alloc : memref<!tpu.dma_semaphore, #tpu.memory_space<semaphore_mem>>
      %dma_start3A = arith.constant 0 : i32
      %dma_start3A_23 = arith.constant 0 : i32
      %dma_start3A_24 = tpu.memref_slice %arg3[%mul3A_14, %dma_start3A, %dma_start3A_23] : memref<800x1x128xi32, #tpu.memory_space<hbm>> -> memref<25x1x128xi32, #tpu.memory_space<hbm>>
      %dma_start3A_25 = arith.constant 0 : i32
      %dma_start3A_26 = arith.constant 0 : i32
      %dma_start3A_27 = tpu.memref_slice %arg3[%mul3A_14, %dma_start3A_25, %dma_start3A_26] : memref<800x1x128xi32, #tpu.memory_space<hbm>> -> memref<25x1x128xi32, #tpu.memory_space<hbm>>
      tpu.enqueue_dma source(%dma_start3A_27 : memref<25x1x128xi32, #tpu.memory_space<hbm>>) target(%arg7 : memref<25x1x128xi32, #tpu.memory_space<vmem>>) target_semaphore(%run_scoped3A : memref<!tpu.dma_semaphore, #tpu.memory_space<semaphore_mem>>)
      %dma_wait3A = arith.constant 0 : i32
      %dma_wait3A_28 = arith.constant 0 : i32
      %dma_wait3A_29 = tpu.memref_slice %arg3[%mul3A_14, %dma_wait3A, %dma_wait3A_28] : memref<800x1x128xi32, #tpu.memory_space<hbm>> -> memref<25x1x128xi32, #tpu.memory_space<hbm>>
      %dma_wait3A_30 = arith.constant 0 : i32
      %dma_wait3A_31 = arith.constant 0 : i32
      %dma_wait3A_32 = tpu.memref_slice %arg3[%mul3A_14, %dma_wait3A_30, %dma_wait3A_31] : memref<800x1x128xi32, #tpu.memory_space<hbm>> -> memref<25x1x128xi32, #tpu.memory_space<hbm>>
      tpu.wait_dma2 semaphore(%run_scoped3A : memref<!tpu.dma_semaphore, #tpu.memory_space<semaphore_mem>>) src(%dma_wait3A_32 : memref<25x1x128xi32, #tpu.memory_space<hbm>>) dst(%arg7 : memref<25x1x128xi32, #tpu.memory_space<vmem>>)
      tpu.yield
    }) : () -> ()
    %mul3A_15 = arith.constant 25 : i32
    %mul3A_16 = arith.muli %add3A, %mul3A_15 : i32
    "tpu.region"() ({
      %run_scoped3A = tpu.sem_alloc : memref<!tpu.dma_semaphore, #tpu.memory_space<semaphore_mem>>
      %dma_start3A = arith.constant 0 : i32
      %dma_start3A_23 = arith.constant 0 : i32
      %dma_start3A_24 = tpu.memref_slice %arg4[%mul3A_16, %dma_start3A, %dma_start3A_23] : memref<800x1x128xi32, #tpu.memory_space<hbm>> -> memref<25x1x128xi32, #tpu.memory_space<hbm>>
      %dma_start3A_25 = arith.constant 0 : i32
      %dma_start3A_26 = arith.constant 0 : i32
      %dma_start3A_27 = tpu.memref_slice %arg4[%mul3A_16, %dma_start3A_25, %dma_start3A_26] : memref<800x1x128xi32, #tpu.memory_space<hbm>> -> memref<25x1x128xi32, #tpu.memory_space<hbm>>
      tpu.enqueue_dma source(%dma_start3A_27 : memref<25x1x128xi32, #tpu.memory_space<hbm>>) target(%arg8 : memref<25x1x128xi32, #tpu.memory_space<vmem>>) target_semaphore(%run_scoped3A : memref<!tpu.dma_semaphore, #tpu.memory_space<semaphore_mem>>)
      %dma_wait3A = arith.constant 0 : i32
      %dma_wait3A_28 = arith.constant 0 : i32
      %dma_wait3A_29 = tpu.memref_slice %arg4[%mul3A_16, %dma_wait3A, %dma_wait3A_28] : memref<800x1x128xi32, #tpu.memory_space<hbm>> -> memref<25x1x128xi32, #tpu.memory_space<hbm>>
      %dma_wait3A_30 = arith.constant 0 : i32
      %dma_wait3A_31 = arith.constant 0 : i32
      %dma_wait3A_32 = tpu.memref_slice %arg4[%mul3A_16, %dma_wait3A_30, %dma_wait3A_31] : memref<800x1x128xi32, #tpu.memory_space<hbm>> -> memref<25x1x128xi32, #tpu.memory_space<hbm>>
      tpu.wait_dma2 semaphore(%run_scoped3A : memref<!tpu.dma_semaphore, #tpu.memory_space<semaphore_mem>>) src(%dma_wait3A_32 : memref<25x1x128xi32, #tpu.memory_space<hbm>>) dst(%arg8 : memref<25x1x128xi32, #tpu.memory_space<vmem>>)
      tpu.yield
    }) : () -> ()
    %barrier3A = arith.constant 0 : index
    tpu.barrier barrier_id(%barrier3A)
    %scan3A_17 = arith.constant 0 : i32
    %scan3A_18 = arith.constant 25 : i32
    %scan3A_19 = arith.addi %scan3A_17, %scan3A_18 : i32
    %scan3A_20 = arith.constant 1 : i32
    scf.for %scan3A_23 = %scan3A_17 to %scan3A_19 step %scan3A_20  : i32 {
      %mul3A_24 = arith.constant 1 : i32
      %mul3A_25 = arith.muli %scan3A_23, %mul3A_24 : i32
      %add3A_26 = arith.constant 0 : i32
      %add3A_27 = arith.addi %add3A_26, %mul3A_25 : i32
      %dma_start3A = arith.constant 0 : i32
      %dma_start3A_28 = arith.constant 0 : i32
      %dma_start3A_29 = tpu.memref_slice %arg7[%add3A_27, %dma_start3A, %dma_start3A_28] : memref<25x1x128xi32, #tpu.memory_space<vmem>> -> memref<1x1x128xi32, #tpu.memory_space<vmem>>
      %dma_start3A_30 = tpu.memref_squeeze %dma_start3A_29 : memref<1x1x128xi32, #tpu.memory_space<vmem>> -> memref<128xi32, #tpu.memory_space<vmem>>
      %dma_start3A_31 = arith.constant 0 : i32
      %dma_start3A_32 = arith.constant 0 : i32
      %dma_start3A_33 = tpu.memref_slice %arg2[%dma_start3A_31, %dma_start3A_32] : memref<50000x128xf32, #tpu.memory_space<hbm>> -> memref<50000x128xf32, #tpu.memory_space<hbm>>
      tpu.enqueue_indirect_dma source(%dma_start3A_33 : memref<50000x128xf32, #tpu.memory_space<hbm>>) target(%arg9 : memref<128x128xf32, #tpu.memory_space<vmem>>) offsets(%dma_start3A_30 : memref<128xi32, #tpu.memory_space<vmem>>) semaphore(%arg11 : memref<!tpu.dma_semaphore, #tpu.memory_space<semaphore_mem>>)
      %dma_wait3A = arith.constant 0 : i32
      %dma_wait3A_34 = arith.constant 0 : i32
      %dma_wait3A_35 = tpu.memref_slice %arg7[%add3A_27, %dma_wait3A, %dma_wait3A_34] : memref<25x1x128xi32, #tpu.memory_space<vmem>> -> memref<1x1x128xi32, #tpu.memory_space<vmem>>
      %dma_wait3A_36 = tpu.memref_squeeze %dma_wait3A_35 : memref<1x1x128xi32, #tpu.memory_space<vmem>> -> memref<128xi32, #tpu.memory_space<vmem>>
      %dma_wait3A_37 = arith.constant 0 : i32
      %dma_wait3A_38 = arith.constant 0 : i32
      %dma_wait3A_39 = tpu.memref_slice %arg2[%dma_wait3A_37, %dma_wait3A_38] : memref<50000x128xf32, #tpu.memory_space<hbm>> -> memref<50000x128xf32, #tpu.memory_space<hbm>>
      tpu.wait_indirect_dma semaphore(%arg11 : memref<!tpu.dma_semaphore, #tpu.memory_space<semaphore_mem>>) src(%dma_wait3A_39 : memref<50000x128xf32, #tpu.memory_space<hbm>>) dst(%arg9 : memref<128x128xf32, #tpu.memory_space<vmem>>)
      %run_scoped3A = arith.constant 0 : i32
      "tpu.region"() ({
        %run_scoped3A_40 = tpu.sem_alloc : memref<!tpu.dma_semaphore, #tpu.memory_space<semaphore_mem>>
        %dma_start3A_41 = arith.constant 0 : i32
        %dma_start3A_42 = tpu.memref_slice %arg8[%add3A_27, %run_scoped3A, %dma_start3A_41] : memref<25x1x128xi32, #tpu.memory_space<vmem>> -> memref<1x1x128xi32, #tpu.memory_space<vmem>>
        %dma_start3A_43 = tpu.memref_squeeze %dma_start3A_42 : memref<1x1x128xi32, #tpu.memory_space<vmem>> -> memref<128xi32, #tpu.memory_space<vmem>>
        %dma_start3A_44 = arith.constant 0 : i32
        %dma_start3A_45 = arith.constant 0 : i32
        %dma_start3A_46 = tpu.memref_slice %arg6[%dma_start3A_44, %dma_start3A_45] : memref<10240x128xf32, #tpu.memory_space<vmem_shared>> -> memref<10240x128xf32, #tpu.memory_space<vmem_shared>>
        tpu.enqueue_indirect_dma source(%arg9 : memref<128x128xf32, #tpu.memory_space<vmem>>) target(%dma_start3A_46 : memref<10240x128xf32, #tpu.memory_space<vmem_shared>>) offsets(%dma_start3A_43 : memref<128xi32, #tpu.memory_space<vmem>>) semaphore(%run_scoped3A_40 : memref<!tpu.dma_semaphore, #tpu.memory_space<semaphore_mem>>) {add = true}
        %dma_wait3A_47 = arith.constant 0 : i32
        %dma_wait3A_48 = tpu.memref_slice %arg8[%add3A_27, %run_scoped3A, %dma_wait3A_47] : memref<25x1x128xi32, #tpu.memory_space<vmem>> -> memref<1x1x128xi32, #tpu.memory_space<vmem>>
        %dma_wait3A_49 = tpu.memref_squeeze %dma_wait3A_48 : memref<1x1x128xi32, #tpu.memory_space<vmem>> -> memref<128xi32, #tpu.memory_space<vmem>>
        %dma_wait3A_50 = arith.constant 0 : i32
        %dma_wait3A_51 = arith.constant 0 : i32
        %dma_wait3A_52 = tpu.memref_slice %arg6[%dma_wait3A_50, %dma_wait3A_51] : memref<10240x128xf32, #tpu.memory_space<vmem_shared>> -> memref<10240x128xf32, #tpu.memory_space<vmem_shared>>
        tpu.wait_indirect_dma semaphore(%run_scoped3A_40 : memref<!tpu.dma_semaphore, #tpu.memory_space<semaphore_mem>>) src(%arg9 : memref<128x128xf32, #tpu.memory_space<vmem>>) dst(%dma_wait3A_52 : memref<10240x128xf32, #tpu.memory_space<vmem_shared>>)
        tpu.yield
      }) : () -> ()
    }
    %scan3A_21 = arith.constant 25 : i32
    %barrier3A_22 = arith.constant 0 : index
    tpu.barrier barrier_id(%barrier3A_22)
    "tpu.region"() ({
      %run_scoped3A = tpu.sem_alloc : memref<!tpu.dma_semaphore, #tpu.memory_space<semaphore_mem>>
      %dma_start3A = arith.constant 0 : i32
      %dma_start3A_23 = tpu.memref_slice %arg5[%arg0, %mul3A_7, %dma_start3A] : memref<2x10240x128xf32, #tpu.memory_space<hbm>> -> memref<1x640x128xf32, #tpu.memory_space<hbm>>
      %dma_start3A_24 = tpu.memref_squeeze %dma_start3A_23 : memref<1x640x128xf32, #tpu.memory_space<hbm>> -> memref<640x128xf32, #tpu.memory_space<hbm>>
      %dma_start3A_25 = arith.constant 0 : i32
      %dma_start3A_26 = tpu.memref_slice %arg6[%mul3A_7, %dma_start3A_25] : memref<10240x128xf32, #tpu.memory_space<vmem_shared>> -> memref<640x128xf32, #tpu.memory_space<vmem_shared>>
      tpu.enqueue_dma source(%dma_start3A_26 : memref<640x128xf32, #tpu.memory_space<vmem_shared>>) target(%dma_start3A_24 : memref<640x128xf32, #tpu.memory_space<hbm>>) target_semaphore(%run_scoped3A : memref<!tpu.dma_semaphore, #tpu.memory_space<semaphore_mem>>)
      %dma_wait3A = arith.constant 0 : i32
      %dma_wait3A_27 = tpu.memref_slice %arg5[%arg0, %mul3A_7, %dma_wait3A] : memref<2x10240x128xf32, #tpu.memory_space<hbm>> -> memref<1x640x128xf32, #tpu.memory_space<hbm>>
      %dma_wait3A_28 = tpu.memref_squeeze %dma_wait3A_27 : memref<1x640x128xf32, #tpu.memory_space<hbm>> -> memref<640x128xf32, #tpu.memory_space<hbm>>
      %dma_wait3A_29 = arith.constant 0 : i32
      %dma_wait3A_30 = tpu.memref_slice %arg6[%mul3A_7, %dma_wait3A_29] : memref<10240x128xf32, #tpu.memory_space<vmem_shared>> -> memref<640x128xf32, #tpu.memory_space<vmem_shared>>
      tpu.wait_dma2 semaphore(%run_scoped3A : memref<!tpu.dma_semaphore, #tpu.memory_space<semaphore_mem>>) src(%dma_wait3A_30 : memref<640x128xf32, #tpu.memory_space<vmem_shared>>) dst(%dma_wait3A_28 : memref<640x128xf32, #tpu.memory_space<hbm>>)
      tpu.yield
    }) : () -> ()
    return
  }
}

#map = affine_map<(d0, d1) -> (0, 0)>
#map1 = affine_map<(d0, d1) -> (0, 0, 0)>
module attributes {stable_mosaic.version = 14 : i64} {
  func.func @k(%arg0: i32, %arg1: i32, %arg2: memref<10000x128xf32, #tpu.memory_space<hbm>>, %arg3: memref<800x1x128xi32, #tpu.memory_space<hbm>>, %arg4: memref<800x1x128xi32, #tpu.memory_space<hbm>>, %arg5: memref<2x10240x128xf32, #tpu.memory_space<hbm>>, %arg6: memref<10240x128xf32, #tpu.memory_space<vmem_shared>>, %arg7: memref<25x1x128xi32, #tpu.memory_space<vmem>>, %arg8: memref<25x1x128xi32, #tpu.memory_space<vmem>>, %arg9: memref<128x128xf32, #tpu.memory_space<vmem>>, %arg10: memref<64x128xf32, #tpu.memory_space<vmem>>, %arg11: memref<!tpu.dma_semaphore, #tpu.memory_space<semaphore_mem>>) attributes {dimension_semantics = [#tpu.dimension_semantics<core_parallel>, #tpu.dimension_semantics<subcore_parallel>], iteration_bounds = array<i64: 2, 16>, scalar_prefetch = 0 : i64, scratch_operands = 6 : i64, tpu.core_type = #tpu.core_type<sc_vector_subcore>, window_params = [{transform_indices = #map}, {transform_indices = #map1}, {transform_indices = #map1}, {transform_indices = #map1}]} {
    %mul3A = arith.constant 16 : i32
    %mul3A_0 = arith.muli %arg0, %mul3A : i32
    %add3A = arith.addi %mul3A_0, %arg1 : i32
    %broadcast_in_dim3A = arith.constant 0.000000e+00 : f32
    %broadcast_in_dim3A_1 = vector.broadcast %broadcast_in_dim3A : f32 to vector<16xf32>
    %scan3A = arith.constant 0 : i32
    %scan3A_2 = arith.constant 64 : i32
    %scan3A_3 = arith.addi %scan3A, %scan3A_2 : i32
    %scan3A_4 = arith.constant 1 : i32
    scf.for %scan3A_23 = %scan3A to %scan3A_3 step %scan3A_4  : i32 {
      %mul3A_24 = arith.constant 1 : i32
      %mul3A_25 = arith.muli %scan3A_23, %mul3A_24 : i32
      %add3A_26 = arith.constant 0 : i32
      %add3A_27 = arith.addi %add3A_26, %mul3A_25 : i32
      %swap3A = arith.index_cast %add3A_27 : i32 to index
      %swap3A_28 = arith.constant 0 : index
      %swap3A_29 = tpu.vector_load %arg10[%swap3A, %swap3A_28] {strides = array<i32>} : memref<64x128xf32, #tpu.memory_space<vmem>>, vector<1x16xf32>,
      %swap3A_30 = vector.shape_cast %swap3A_29 : vector<1x16xf32> to vector<16xf32>
      %swap3A_31 = vector.shape_cast %broadcast_in_dim3A_1 : vector<16xf32> to vector<1x16xf32>
      tpu.vector_store %arg10[%swap3A, %swap3A_28], %swap3A_31 {strides = array<i32>} : memref<64x128xf32, #tpu.memory_space<vmem>>, vector<1x16xf32>,
      %swap3A_32 = arith.index_cast %add3A_27 : i32 to index
      %swap3A_33 = arith.constant 16 : index
      %swap3A_34 = tpu.vector_load %arg10[%swap3A_32, %swap3A_33] {strides = array<i32>} : memref<64x128xf32, #tpu.memory_space<vmem>>, vector<1x16xf32>,
      %swap3A_35 = vector.shape_cast %swap3A_34 : vector<1x16xf32> to vector<16xf32>
      %swap3A_36 = vector.shape_cast %broadcast_in_dim3A_1 : vector<16xf32> to vector<1x16xf32>
      tpu.vector_store %arg10[%swap3A_32, %swap3A_33], %swap3A_36 {strides = array<i32>} : memref<64x128xf32, #tpu.memory_space<vmem>>, vector<1x16xf32>,
      %swap3A_37 = arith.index_cast %add3A_27 : i32 to index
      %swap3A_38 = arith.constant 32 : index
      %swap3A_39 = tpu.vector_load %arg10[%swap3A_37, %swap3A_38] {strides = array<i32>} : memref<64x128xf32, #tpu.memory_space<vmem>>, vector<1x16xf32>,
      %swap3A_40 = vector.shape_cast %swap3A_39 : vector<1x16xf32> to vector<16xf32>
      %swap3A_41 = vector.shape_cast %broadcast_in_dim3A_1 : vector<16xf32> to vector<1x16xf32>
      tpu.vector_store %arg10[%swap3A_37, %swap3A_38], %swap3A_41 {strides = array<i32>} : memref<64x128xf32, #tpu.memory_space<vmem>>, vector<1x16xf32>,
      %swap3A_42 = arith.index_cast %add3A_27 : i32 to index
      %swap3A_43 = arith.constant 48 : index
      %swap3A_44 = tpu.vector_load %arg10[%swap3A_42, %swap3A_43] {strides = array<i32>} : memref<64x128xf32, #tpu.memory_space<vmem>>, vector<1x16xf32>,
      %swap3A_45 = vector.shape_cast %swap3A_44 : vector<1x16xf32> to vector<16xf32>
      %swap3A_46 = vector.shape_cast %broadcast_in_dim3A_1 : vector<16xf32> to vector<1x16xf32>
      tpu.vector_store %arg10[%swap3A_42, %swap3A_43], %swap3A_46 {strides = array<i32>} : memref<64x128xf32, #tpu.memory_space<vmem>>, vector<1x16xf32>,
      %swap3A_47 = arith.index_cast %add3A_27 : i32 to index
      %swap3A_48 = arith.constant 64 : index
      %swap3A_49 = tpu.vector_load %arg10[%swap3A_47, %swap3A_48] {strides = array<i32>} : memref<64x128xf32, #tpu.memory_space<vmem>>, vector<1x16xf32>,
      %swap3A_50 = vector.shape_cast %swap3A_49 : vector<1x16xf32> to vector<16xf32>
      %swap3A_51 = vector.shape_cast %broadcast_in_dim3A_1 : vector<16xf32> to vector<1x16xf32>
      tpu.vector_store %arg10[%swap3A_47, %swap3A_48], %swap3A_51 {strides = array<i32>} : memref<64x128xf32, #tpu.memory_space<vmem>>, vector<1x16xf32>,
      %swap3A_52 = arith.index_cast %add3A_27 : i32 to index
      %swap3A_53 = arith.constant 80 : index
      %swap3A_54 = tpu.vector_load %arg10[%swap3A_52, %swap3A_53] {strides = array<i32>} : memref<64x128xf32, #tpu.memory_space<vmem>>, vector<1x16xf32>,
      %swap3A_55 = vector.shape_cast %swap3A_54 : vector<1x16xf32> to vector<16xf32>
      %swap3A_56 = vector.shape_cast %broadcast_in_dim3A_1 : vector<16xf32> to vector<1x16xf32>
      tpu.vector_store %arg10[%swap3A_52, %swap3A_53], %swap3A_56 {strides = array<i32>} : memref<64x128xf32, #tpu.memory_space<vmem>>, vector<1x16xf32>,
      %swap3A_57 = arith.index_cast %add3A_27 : i32 to index
      %swap3A_58 = arith.constant 96 : index
      %swap3A_59 = tpu.vector_load %arg10[%swap3A_57, %swap3A_58] {strides = array<i32>} : memref<64x128xf32, #tpu.memory_space<vmem>>, vector<1x16xf32>,
      %swap3A_60 = vector.shape_cast %swap3A_59 : vector<1x16xf32> to vector<16xf32>
      %swap3A_61 = vector.shape_cast %broadcast_in_dim3A_1 : vector<16xf32> to vector<1x16xf32>
      tpu.vector_store %arg10[%swap3A_57, %swap3A_58], %swap3A_61 {strides = array<i32>} : memref<64x128xf32, #tpu.memory_space<vmem>>, vector<1x16xf32>,
      %swap3A_62 = arith.index_cast %add3A_27 : i32 to index
      %swap3A_63 = arith.constant 112 : index
      %swap3A_64 = tpu.vector_load %arg10[%swap3A_62, %swap3A_63] {strides = array<i32>} : memref<64x128xf32, #tpu.memory_space<vmem>>, vector<1x16xf32>,
      %swap3A_65 = vector.shape_cast %swap3A_64 : vector<1x16xf32> to vector<16xf32>
      %swap3A_66 = vector.shape_cast %broadcast_in_dim3A_1 : vector<16xf32> to vector<1x16xf32>
      tpu.vector_store %arg10[%swap3A_62, %swap3A_63], %swap3A_66 {strides = array<i32>} : memref<64x128xf32, #tpu.memory_space<vmem>>, vector<1x16xf32>,
    }
    %scan3A_5 = arith.constant 64 : i32
    %mul3A_6 = arith.constant 640 : i32
    %mul3A_7 = arith.muli %arg1, %mul3A_6 : i32
    %scan3A_8 = arith.constant 0 : i32
    %scan3A_9 = arith.constant 10 : i32
    %scan3A_10 = arith.addi %scan3A_8, %scan3A_9 : i32
    %scan3A_11 = arith.constant 1 : i32
    scf.for %scan3A_23 = %scan3A_8 to %scan3A_10 step %scan3A_11  : i32 {
      %mul3A_24 = arith.constant 1 : i32
      %mul3A_25 = arith.muli %scan3A_23, %mul3A_24 : i32
      %add3A_26 = arith.constant 0 : i32
      %add3A_27 = arith.addi %add3A_26, %mul3A_25 : i32
      %mul3A_28 = arith.constant 64 : i32
      %mul3A_29 = arith.muli %add3A_27, %mul3A_28 : i32
      %add3A_30 = arith.addi %mul3A_7, %mul3A_29 : i32
      "tpu.region"() ({
        %run_scoped3A = tpu.sem_alloc : memref<!tpu.dma_semaphore, #tpu.memory_space<semaphore_mem>>
        %dma_start3A = arith.constant 0 : i32
        %dma_start3A_31 = tpu.memref_slice %arg6[%add3A_30, %dma_start3A] : memref<10240x128xf32, #tpu.memory_space<vmem_shared>> -> memref<64x128xf32, #tpu.memory_space<vmem_shared>>
        %dma_start3A_32 = arith.constant 0 : i32
        %dma_start3A_33 = tpu.memref_slice %arg6[%add3A_30, %dma_start3A_32] : memref<10240x128xf32, #tpu.memory_space<vmem_shared>> -> memref<64x128xf32, #tpu.memory_space<vmem_shared>>
        tpu.enqueue_dma source(%arg10 : memref<64x128xf32, #tpu.memory_space<vmem>>) target(%dma_start3A_33 : memref<64x128xf32, #tpu.memory_space<vmem_shared>>) target_semaphore(%run_scoped3A : memref<!tpu.dma_semaphore, #tpu.memory_space<semaphore_mem>>)
        %dma_wait3A = arith.constant 0 : i32
        %dma_wait3A_34 = tpu.memref_slice %arg6[%add3A_30, %dma_wait3A] : memref<10240x128xf32, #tpu.memory_space<vmem_shared>> -> memref<64x128xf32, #tpu.memory_space<vmem_shared>>
        %dma_wait3A_35 = arith.constant 0 : i32
        %dma_wait3A_36 = tpu.memref_slice %arg6[%add3A_30, %dma_wait3A_35] : memref<10240x128xf32, #tpu.memory_space<vmem_shared>> -> memref<64x128xf32, #tpu.memory_space<vmem_shared>>
        tpu.wait_dma2 semaphore(%run_scoped3A : memref<!tpu.dma_semaphore, #tpu.memory_space<semaphore_mem>>) src(%arg10 : memref<64x128xf32, #tpu.memory_space<vmem>>) dst(%dma_wait3A_36 : memref<64x128xf32, #tpu.memory_space<vmem_shared>>)
        tpu.yield
      }) : () -> ()
    }
    %scan3A_12 = arith.constant 10 : i32
    %mul3A_13 = arith.constant 25 : i32
    %mul3A_14 = arith.muli %add3A, %mul3A_13 : i32
    "tpu.region"() ({
      %run_scoped3A = tpu.sem_alloc : memref<!tpu.dma_semaphore, #tpu.memory_space<semaphore_mem>>
      %dma_start3A = arith.constant 0 : i32
      %dma_start3A_23 = arith.constant 0 : i32
      %dma_start3A_24 = tpu.memref_slice %arg3[%mul3A_14, %dma_start3A, %dma_start3A_23] : memref<800x1x128xi32, #tpu.memory_space<hbm>> -> memref<25x1x128xi32, #tpu.memory_space<hbm>>
      %dma_start3A_25 = arith.constant 0 : i32
      %dma_start3A_26 = arith.constant 0 : i32
      %dma_start3A_27 = tpu.memref_slice %arg3[%mul3A_14, %dma_start3A_25, %dma_start3A_26] : memref<800x1x128xi32, #tpu.memory_space<hbm>> -> memref<25x1x128xi32, #tpu.memory_space<hbm>>
      tpu.enqueue_dma source(%dma_start3A_27 : memref<25x1x128xi32, #tpu.memory_space<hbm>>) target(%arg7 : memref<25x1x128xi32, #tpu.memory_space<vmem>>) target_semaphore(%run_scoped3A : memref<!tpu.dma_semaphore, #tpu.memory_space<semaphore_mem>>)
      %dma_wait3A = arith.constant 0 : i32
      %dma_wait3A_28 = arith.constant 0 : i32
      %dma_wait3A_29 = tpu.memref_slice %arg3[%mul3A_14, %dma_wait3A, %dma_wait3A_28] : memref<800x1x128xi32, #tpu.memory_space<hbm>> -> memref<25x1x128xi32, #tpu.memory_space<hbm>>
      %dma_wait3A_30 = arith.constant 0 : i32
      %dma_wait3A_31 = arith.constant 0 : i32
      %dma_wait3A_32 = tpu.memref_slice %arg3[%mul3A_14, %dma_wait3A_30, %dma_wait3A_31] : memref<800x1x128xi32, #tpu.memory_space<hbm>> -> memref<25x1x128xi32, #tpu.memory_space<hbm>>
      tpu.wait_dma2 semaphore(%run_scoped3A : memref<!tpu.dma_semaphore, #tpu.memory_space<semaphore_mem>>) src(%dma_wait3A_32 : memref<25x1x128xi32, #tpu.memory_space<hbm>>) dst(%arg7 : memref<25x1x128xi32, #tpu.memory_space<vmem>>)
      tpu.yield
    }) : () -> ()
    %mul3A_15 = arith.constant 25 : i32
    %mul3A_16 = arith.muli %add3A, %mul3A_15 : i32
    "tpu.region"() ({
      %run_scoped3A = tpu.sem_alloc : memref<!tpu.dma_semaphore, #tpu.memory_space<semaphore_mem>>
      %dma_start3A = arith.constant 0 : i32
      %dma_start3A_23 = arith.constant 0 : i32
      %dma_start3A_24 = tpu.memref_slice %arg4[%mul3A_16, %dma_start3A, %dma_start3A_23] : memref<800x1x128xi32, #tpu.memory_space<hbm>> -> memref<25x1x128xi32, #tpu.memory_space<hbm>>
      %dma_start3A_25 = arith.constant 0 : i32
      %dma_start3A_26 = arith.constant 0 : i32
      %dma_start3A_27 = tpu.memref_slice %arg4[%mul3A_16, %dma_start3A_25, %dma_start3A_26] : memref<800x1x128xi32, #tpu.memory_space<hbm>> -> memref<25x1x128xi32, #tpu.memory_space<hbm>>
      tpu.enqueue_dma source(%dma_start3A_27 : memref<25x1x128xi32, #tpu.memory_space<hbm>>) target(%arg8 : memref<25x1x128xi32, #tpu.memory_space<vmem>>) target_semaphore(%run_scoped3A : memref<!tpu.dma_semaphore, #tpu.memory_space<semaphore_mem>>)
      %dma_wait3A = arith.constant 0 : i32
      %dma_wait3A_28 = arith.constant 0 : i32
      %dma_wait3A_29 = tpu.memref_slice %arg4[%mul3A_16, %dma_wait3A, %dma_wait3A_28] : memref<800x1x128xi32, #tpu.memory_space<hbm>> -> memref<25x1x128xi32, #tpu.memory_space<hbm>>
      %dma_wait3A_30 = arith.constant 0 : i32
      %dma_wait3A_31 = arith.constant 0 : i32
      %dma_wait3A_32 = tpu.memref_slice %arg4[%mul3A_16, %dma_wait3A_30, %dma_wait3A_31] : memref<800x1x128xi32, #tpu.memory_space<hbm>> -> memref<25x1x128xi32, #tpu.memory_space<hbm>>
      tpu.wait_dma2 semaphore(%run_scoped3A : memref<!tpu.dma_semaphore, #tpu.memory_space<semaphore_mem>>) src(%dma_wait3A_32 : memref<25x1x128xi32, #tpu.memory_space<hbm>>) dst(%arg8 : memref<25x1x128xi32, #tpu.memory_space<vmem>>)
      tpu.yield
    }) : () -> ()
    %barrier3A = arith.constant 0 : index
    tpu.barrier barrier_id(%barrier3A)
    %scan3A_17 = arith.constant 0 : i32
    %scan3A_18 = arith.constant 25 : i32
    %scan3A_19 = arith.addi %scan3A_17, %scan3A_18 : i32
    %scan3A_20 = arith.constant 1 : i32
    scf.for %scan3A_23 = %scan3A_17 to %scan3A_19 step %scan3A_20  : i32 {
      %mul3A_24 = arith.constant 1 : i32
      %mul3A_25 = arith.muli %scan3A_23, %mul3A_24 : i32
      %add3A_26 = arith.constant 0 : i32
      %add3A_27 = arith.addi %add3A_26, %mul3A_25 : i32
      %dma_start3A = arith.constant 0 : i32
      %dma_start3A_28 = arith.constant 0 : i32
      %dma_start3A_29 = tpu.memref_slice %arg7[%add3A_27, %dma_start3A, %dma_start3A_28] : memref<25x1x128xi32, #tpu.memory_space<vmem>> -> memref<1x1x128xi32, #tpu.memory_space<vmem>>
      %dma_start3A_30 = tpu.memref_squeeze %dma_start3A_29 : memref<1x1x128xi32, #tpu.memory_space<vmem>> -> memref<128xi32, #tpu.memory_space<vmem>>
      %dma_start3A_31 = arith.constant 0 : i32
      %dma_start3A_32 = arith.constant 0 : i32
      %dma_start3A_33 = tpu.memref_slice %arg2[%dma_start3A_31, %dma_start3A_32] : memref<10000x128xf32, #tpu.memory_space<hbm>> -> memref<10000x128xf32, #tpu.memory_space<hbm>>
      tpu.enqueue_indirect_dma source(%dma_start3A_33 : memref<10000x128xf32, #tpu.memory_space<hbm>>) target(%arg9 : memref<128x128xf32, #tpu.memory_space<vmem>>) offsets(%dma_start3A_30 : memref<128xi32, #tpu.memory_space<vmem>>) semaphore(%arg11 : memref<!tpu.dma_semaphore, #tpu.memory_space<semaphore_mem>>)
      %dma_wait3A = arith.constant 0 : i32
      %dma_wait3A_34 = arith.constant 0 : i32
      %dma_wait3A_35 = tpu.memref_slice %arg7[%add3A_27, %dma_wait3A, %dma_wait3A_34] : memref<25x1x128xi32, #tpu.memory_space<vmem>> -> memref<1x1x128xi32, #tpu.memory_space<vmem>>
      %dma_wait3A_36 = tpu.memref_squeeze %dma_wait3A_35 : memref<1x1x128xi32, #tpu.memory_space<vmem>> -> memref<128xi32, #tpu.memory_space<vmem>>
      %dma_wait3A_37 = arith.constant 0 : i32
      %dma_wait3A_38 = arith.constant 0 : i32
      %dma_wait3A_39 = tpu.memref_slice %arg2[%dma_wait3A_37, %dma_wait3A_38] : memref<10000x128xf32, #tpu.memory_space<hbm>> -> memref<10000x128xf32, #tpu.memory_space<hbm>>
      tpu.wait_indirect_dma semaphore(%arg11 : memref<!tpu.dma_semaphore, #tpu.memory_space<semaphore_mem>>) src(%dma_wait3A_39 : memref<10000x128xf32, #tpu.memory_space<hbm>>) dst(%arg9 : memref<128x128xf32, #tpu.memory_space<vmem>>)
      %run_scoped3A = arith.constant 0 : i32
      "tpu.region"() ({
        %run_scoped3A_40 = tpu.sem_alloc : memref<!tpu.dma_semaphore, #tpu.memory_space<semaphore_mem>>
        %dma_start3A_41 = arith.constant 0 : i32
        %dma_start3A_42 = tpu.memref_slice %arg8[%add3A_27, %run_scoped3A, %dma_start3A_41] : memref<25x1x128xi32, #tpu.memory_space<vmem>> -> memref<1x1x128xi32, #tpu.memory_space<vmem>>
        %dma_start3A_43 = tpu.memref_squeeze %dma_start3A_42 : memref<1x1x128xi32, #tpu.memory_space<vmem>> -> memref<128xi32, #tpu.memory_space<vmem>>
        %dma_start3A_44 = arith.constant 0 : i32
        %dma_start3A_45 = arith.constant 0 : i32
        %dma_start3A_46 = tpu.memref_slice %arg6[%dma_start3A_44, %dma_start3A_45] : memref<10240x128xf32, #tpu.memory_space<vmem_shared>> -> memref<10240x128xf32, #tpu.memory_space<vmem_shared>>
        tpu.enqueue_indirect_dma source(%arg9 : memref<128x128xf32, #tpu.memory_space<vmem>>) target(%dma_start3A_46 : memref<10240x128xf32, #tpu.memory_space<vmem_shared>>) offsets(%dma_start3A_43 : memref<128xi32, #tpu.memory_space<vmem>>) semaphore(%run_scoped3A_40 : memref<!tpu.dma_semaphore, #tpu.memory_space<semaphore_mem>>) {add = true}
        %dma_wait3A_47 = arith.constant 0 : i32
        %dma_wait3A_48 = tpu.memref_slice %arg8[%add3A_27, %run_scoped3A, %dma_wait3A_47] : memref<25x1x128xi32, #tpu.memory_space<vmem>> -> memref<1x1x128xi32, #tpu.memory_space<vmem>>
        %dma_wait3A_49 = tpu.memref_squeeze %dma_wait3A_48 : memref<1x1x128xi32, #tpu.memory_space<vmem>> -> memref<128xi32, #tpu.memory_space<vmem>>
        %dma_wait3A_50 = arith.constant 0 : i32
        %dma_wait3A_51 = arith.constant 0 : i32
        %dma_wait3A_52 = tpu.memref_slice %arg6[%dma_wait3A_50, %dma_wait3A_51] : memref<10240x128xf32, #tpu.memory_space<vmem_shared>> -> memref<10240x128xf32, #tpu.memory_space<vmem_shared>>
        tpu.wait_indirect_dma semaphore(%run_scoped3A_40 : memref<!tpu.dma_semaphore, #tpu.memory_space<semaphore_mem>>) src(%arg9 : memref<128x128xf32, #tpu.memory_space<vmem>>) dst(%dma_wait3A_52 : memref<10240x128xf32, #tpu.memory_space<vmem_shared>>)
        tpu.yield
      }) : () -> ()
    }
    %scan3A_21 = arith.constant 25 : i32
    %barrier3A_22 = arith.constant 0 : index
    tpu.barrier barrier_id(%barrier3A_22)
    "tpu.region"() ({
      %run_scoped3A = tpu.sem_alloc : memref<!tpu.dma_semaphore, #tpu.memory_space<semaphore_mem>>
      %dma_start3A = arith.constant 0 : i32
      %dma_start3A_23 = tpu.memref_slice %arg5[%arg0, %mul3A_7, %dma_start3A] : memref<2x10240x128xf32, #tpu.memory_space<hbm>> -> memref<1x640x128xf32, #tpu.memory_space<hbm>>
      %dma_start3A_24 = tpu.memref_squeeze %dma_start3A_23 : memref<1x640x128xf32, #tpu.memory_space<hbm>> -> memref<640x128xf32, #tpu.memory_space<hbm>>
      %dma_start3A_25 = arith.constant 0 : i32
      %dma_start3A_26 = tpu.memref_slice %arg6[%mul3A_7, %dma_start3A_25] : memref<10240x128xf32, #tpu.memory_space<vmem_shared>> -> memref<640x128xf32, #tpu.memory_space<vmem_shared>>
      tpu.enqueue_dma source(%dma_start3A_26 : memref<640x128xf32, #tpu.memory_space<vmem_shared>>) target(%dma_start3A_24 : memref<640x128xf32, #tpu.memory_space<hbm>>) target_semaphore(%run_scoped3A : memref<!tpu.dma_semaphore, #tpu.memory_space<semaphore_mem>>)
      %dma_wait3A = arith.constant 0 : i32
      %dma_wait3A_27 = tpu.memref_slice %arg5[%arg0, %mul3A_7, %dma_wait3A] : memref<2x10240x128xf32, #tpu.memory_space<hbm>> -> memref<1x640x128xf32, #tpu.memory_space<hbm>>
      %dma_wait3A_28 = tpu.memref_squeeze %dma_wait3A_27 : memref<1x640x128xf32, #tpu.memory_space<hbm>> -> memref<640x128xf32, #tpu.memory_space<hbm>>
      %dma_wait3A_29 = arith.constant 0 : i32
      %dma_wait3A_30 = tpu.memref_slice %arg6[%mul3A_7, %dma_wait3A_29] : memref<10240x128xf32, #tpu.memory_space<vmem_shared>> -> memref<640x128xf32, #tpu.memory_space<vmem_shared>>
      tpu.wait_dma2 semaphore(%run_scoped3A : memref<!tpu.dma_semaphore, #tpu.memory_space<semaphore_mem>>) src(%dma_wait3A_30 : memref<640x128xf32, #tpu.memory_space<vmem_shared>>) dst(%dma_wait3A_28 : memref<640x128xf32, #tpu.memory_space<hbm>>)
      tpu.yield
    }) : () -> ()
    return
  }
}

module attributes {stable_mosaic.version = 14 : i64} {
  func.func @_update_body(%arg0: i32, %arg1: memref<400x128xf32, #tpu.memory_space<vmem>>, %arg2: memref<4x400x32xf32, #tpu.memory_space<vmem>>, %arg3: memref<400x16xf32, #tpu.memory_space<vmem>>, %arg4: memref<4x400x32xf32, #tpu.memory_space<vmem>>, %arg5: memref<400x16xf32, #tpu.memory_space<vmem>>, %arg6: memref<128x128xf32, #tpu.memory_space<vmem>>, %arg7: memref<128x128xf32, #tpu.memory_space<vmem>>, %arg8: memref<128x128xf32, #tpu.memory_space<vmem>>, %arg9: memref<8x128xf32, #tpu.memory_space<vmem>>, %arg10: memref<8x128xf32, #tpu.memory_space<vmem>>, %arg11: memref<1x128xf32, #tpu.memory_space<vmem>>, %arg12: memref<1x128xf32, #tpu.memory_space<vmem>>, %arg13: memref<400x128xf32, #tpu.memory_space<vmem>>) attributes {dimension_semantics = [#tpu.dimension_semantics<arbitrary>], iteration_bounds = array<i64: 125>, scalar_prefetch = 0 : i64, scratch_operands = 0 : i64, tpu.core_type = #tpu.core_type<tc>, window_params = [{transform_indices = @transform_0, window_bounds = array<i64: 400, 128>}, {transform_indices = @transform_1, window_bounds = array<i64: 4, 400, 32>}, {transform_indices = @transform_2, window_bounds = array<i64: 400, 16>}, {transform_indices = @transform_3, window_bounds = array<i64: 4, 400, 32>}, {transform_indices = @transform_4, window_bounds = array<i64: 400, 16>}, {pipeline_mode = #tpu.pipeline_mode<synchronous>, transform_indices = @transform_5, window_bounds = array<i64: 128, 128>}, {pipeline_mode = #tpu.pipeline_mode<synchronous>, transform_indices = @transform_6, window_bounds = array<i64: 128, 128>}, {pipeline_mode = #tpu.pipeline_mode<synchronous>, transform_indices = @transform_7, window_bounds = array<i64: 128, 128>}, {pipeline_mode = #tpu.pipeline_mode<synchronous>, transform_indices = @transform_8, window_bounds = array<i64: 8, 128>}, {pipeline_mode = #tpu.pipeline_mode<synchronous>, transform_indices = @transform_9, window_bounds = array<i64: 8, 128>}, {pipeline_mode = #tpu.pipeline_mode<synchronous>, transform_indices = @transform_10, window_bounds = array<i64: 1, 128>}, {pipeline_mode = #tpu.pipeline_mode<synchronous>, transform_indices = @transform_11, window_bounds = array<i64: 1, 128>}, {transform_indices = @transform_12, window_bounds = array<i64: 400, 128>}]} {
    %get3A = arith.constant 0 : index
    %get3A_0 = arith.constant 0 : index
    %get3A_1 = arith.constant 0 : index
    %get3A_2 = vector.load %arg2[%get3A, %get3A_0, %get3A_1] : memref<4x400x32xf32, #tpu.memory_space<vmem>>, vector<1x400x32xf32>
    %get3A_3 = vector.shape_cast %get3A_2 : vector<1x400x32xf32> to vector<400x32xf32>
    %get3A_4 = arith.constant 1 : index
    %get3A_5 = arith.constant 0 : index
    %get3A_6 = arith.constant 0 : index
    %get3A_7 = vector.load %arg2[%get3A_4, %get3A_5, %get3A_6] : memref<4x400x32xf32, #tpu.memory_space<vmem>>, vector<1x400x32xf32>
    %get3A_8 = vector.shape_cast %get3A_7 : vector<1x400x32xf32> to vector<400x32xf32>
    %get3A_9 = arith.constant 2 : index
    %get3A_10 = arith.constant 0 : index
    %get3A_11 = arith.constant 0 : index
    %get3A_12 = vector.load %arg2[%get3A_9, %get3A_10, %get3A_11] : memref<4x400x32xf32, #tpu.memory_space<vmem>>, vector<1x400x32xf32>
    %get3A_13 = vector.shape_cast %get3A_12 : vector<1x400x32xf32> to vector<400x32xf32>
    %get3A_14 = arith.constant 3 : index
    %get3A_15 = arith.constant 0 : index
    %get3A_16 = arith.constant 0 : index
    %get3A_17 = vector.load %arg2[%get3A_14, %get3A_15, %get3A_16] : memref<4x400x32xf32, #tpu.memory_space<vmem>>, vector<1x400x32xf32>
    %get3A_18 = vector.shape_cast %get3A_17 : vector<1x400x32xf32> to vector<400x32xf32>
    %concatenate3A = tpu.concatenate %get3A_3, %get3A_8, %get3A_13, %get3A_18 in 1 : vector<400x32xf32>, vector<400x32xf32>, vector<400x32xf32>, vector<400x32xf32> -> vector<400x128xf32>
    %get3A_19 = arith.constant 0 : index
    %get3A_20 = arith.constant 0 : index
    %get3A_21 = arith.constant 0 : index
    %get3A_22 = vector.load %arg4[%get3A_19, %get3A_20, %get3A_21] : memref<4x400x32xf32, #tpu.memory_space<vmem>>, vector<1x400x32xf32>
    %get3A_23 = vector.shape_cast %get3A_22 : vector<1x400x32xf32> to vector<400x32xf32>
    %get3A_24 = arith.constant 1 : index
    %get3A_25 = arith.constant 0 : index
    %get3A_26 = arith.constant 0 : index
    %get3A_27 = vector.load %arg4[%get3A_24, %get3A_25, %get3A_26] : memref<4x400x32xf32, #tpu.memory_space<vmem>>, vector<1x400x32xf32>
    %get3A_28 = vector.shape_cast %get3A_27 : vector<1x400x32xf32> to vector<400x32xf32>
    %get3A_29 = arith.constant 2 : index
    %get3A_30 = arith.constant 0 : index
    %get3A_31 = arith.constant 0 : index
    %get3A_32 = vector.load %arg4[%get3A_29, %get3A_30, %get3A_31] : memref<4x400x32xf32, #tpu.memory_space<vmem>>, vector<1x400x32xf32>
    %get3A_33 = vector.shape_cast %get3A_32 : vector<1x400x32xf32> to vector<400x32xf32>
    %get3A_34 = arith.constant 3 : index
    %get3A_35 = arith.constant 0 : index
    %get3A_36 = arith.constant 0 : index
    %get3A_37 = vector.load %arg4[%get3A_34, %get3A_35, %get3A_36] : memref<4x400x32xf32, #tpu.memory_space<vmem>>, vector<1x400x32xf32>
    %get3A_38 = vector.shape_cast %get3A_37 : vector<1x400x32xf32> to vector<400x32xf32>
    %concatenate3A_39 = tpu.concatenate %get3A_23, %get3A_28, %get3A_33, %get3A_38 in 1 : vector<400x32xf32>, vector<400x32xf32>, vector<400x32xf32>, vector<400x32xf32> -> vector<400x128xf32>
    %get3A_40 = arith.constant 0 : index
    %get3A_41 = arith.constant 0 : index
    %get3A_42 = vector.load %arg3[%get3A_40, %get3A_41] : memref<400x16xf32, #tpu.memory_space<vmem>>, vector<400x1xf32>
    %get3A_43 = arith.constant 0 : index
    %get3A_44 = arith.constant 0 : index
    %get3A_45 = vector.load %arg5[%get3A_43, %get3A_44] : memref<400x16xf32, #tpu.memory_space<vmem>>, vector<400x1xf32>
    %eq3A = arith.constant 0.000000e+00 : f32
    %eq3A_46 = vector.broadcast %eq3A : f32 to vector<400x1xf32>
    %eq3A_47 = arith.cmpf oeq, %get3A_42, %eq3A_46 : vector<400x1xf32>
    %jit3A = arith.constant 1.000000e+00 : f32
    %broadcast_in_dim3A = vector.broadcast %jit3A : f32 to vector<400x1xf32>
    %select_n3A = arith.select %eq3A_47, %broadcast_in_dim3A, %get3A_42 : vector<400x1xi1>, vector<400x1xf32>
    %eq3A_48 = arith.constant 0.000000e+00 : f32
    %eq3A_49 = vector.broadcast %eq3A_48 : f32 to vector<400x1xf32>
    %eq3A_50 = arith.cmpf oeq, %get3A_45, %eq3A_49 : vector<400x1xf32>
    %jit3A_51 = arith.constant 1.000000e+00 : f32
    %broadcast_in_dim3A_52 = vector.broadcast %jit3A_51 : f32 to vector<400x1xf32>
    %select_n3A_53 = arith.select %eq3A_50, %broadcast_in_dim3A_52, %get3A_45 : vector<400x1xi1>, vector<400x1xf32>
    %get3A_54 = arith.constant 0 : index
    %get3A_55 = arith.constant 0 : index
    %get3A_56 = vector.load %arg6[%get3A_54, %get3A_55] : memref<128x128xf32, #tpu.memory_space<vmem>>, vector<128x128xf32>
    %dot_general3A = arith.constant dense<0.000000e+00> : vector<400x128xf32>
    %dot_general3A_57 = tpu.matmul %concatenate3A, %get3A_56, %dot_general3A {dimension_numbers = #tpu.dot_dimension_numbers<[1], [0], [0], [1], [0, 0, 1, 1], [], []>, transpose_lhs_hint = false} : vector<400x128xf32>, vector<128x128xf32>, vector<400x128xf32> -> vector<400x128xf32>
    %div3A = vector.broadcast %select_n3A : vector<400x1xf32> to vector<400x128xf32>
    %div3A_58 = arith.divf %dot_general3A_57, %div3A : vector<400x128xf32>
    %get3A_59 = arith.constant 0 : index
    %get3A_60 = arith.constant 0 : index
    %get3A_61 = vector.load %arg7[%get3A_59, %get3A_60] : memref<128x128xf32, #tpu.memory_space<vmem>>, vector<128x128xf32>
    %dot_general3A_62 = arith.constant dense<0.000000e+00> : vector<400x128xf32>
    %dot_general3A_63 = tpu.matmul %concatenate3A_39, %get3A_61, %dot_general3A_62 {dimension_numbers = #tpu.dot_dimension_numbers<[1], [0], [0], [1], [0, 0, 1, 1], [], []>, transpose_lhs_hint = false} : vector<400x128xf32>, vector<128x128xf32>, vector<400x128xf32> -> vector<400x128xf32>
    %div3A_64 = vector.broadcast %select_n3A_53 : vector<400x1xf32> to vector<400x128xf32>
    %div3A_65 = arith.divf %dot_general3A_63, %div3A_64 : vector<400x128xf32>
    %get3A_66 = arith.constant 0 : index
    %get3A_67 = arith.constant 0 : index
    %get3A_68 = vector.load %arg9[%get3A_66, %get3A_67] : memref<8x128xf32, #tpu.memory_space<vmem>>, vector<8x128xf32>
    %dot_general3A_69 = arith.constant dense<0.000000e+00> : vector<400x8xf32>
    %dot_general3A_70 = tpu.matmul %div3A_58, %get3A_68, %dot_general3A_69 {dimension_numbers = #tpu.dot_dimension_numbers<[1], [1], [0], [0], [0, 0, 1, 0], [], []>, transpose_lhs_hint = false} : vector<400x128xf32>, vector<8x128xf32>, vector<400x8xf32> -> vector<400x8xf32>
    %slice3A = vector.extract_strided_slice %dot_general3A_70 {offsets = [0, 0], sizes = [400, 4], strides = [1, 1]} : vector<400x8xf32> to vector<400x4xf32>
    %get3A_71 = arith.constant 0 : index
    %get3A_72 = arith.constant 0 : index
    %get3A_73 = vector.load %arg10[%get3A_71, %get3A_72] : memref<8x128xf32, #tpu.memory_space<vmem>>, vector<8x128xf32>
    %dot_general3A_74 = arith.constant dense<0.000000e+00> : vector<400x8xf32>
    %dot_general3A_75 = tpu.matmul %div3A_65, %get3A_73, %dot_general3A_74 {dimension_numbers = #tpu.dot_dimension_numbers<[1], [1], [0], [0], [0, 0, 1, 0], [], []>, transpose_lhs_hint = false} : vector<400x128xf32>, vector<8x128xf32>, vector<400x8xf32> -> vector<400x8xf32>
    %slice3A_76 = vector.extract_strided_slice %dot_general3A_75 {offsets = [0, 0], sizes = [400, 4], strides = [1, 1]} : vector<400x8xf32> to vector<400x4xf32>
    %mul3A = arith.constant 0.176776692 : f32
    %mul3A_77 = vector.broadcast %mul3A : f32 to vector<400x4xf32>
    %mul3A_78 = arith.mulf %slice3A, %mul3A_77 : vector<400x4xf32>
    %mul3A_79 = arith.constant 0.176776692 : f32
    %mul3A_80 = vector.broadcast %mul3A_79 : f32 to vector<400x4xf32>
    %mul3A_81 = arith.mulf %slice3A_76, %mul3A_80 : vector<400x4xf32>
    %max3A = arith.maximumf %mul3A_78, %mul3A_81 : vector<400x4xf32>
    %sub3A = arith.subf %mul3A_78, %max3A : vector<400x4xf32>
    %exp3A = math.exp %sub3A : vector<400x4xf32>
    %sub3A_82 = arith.subf %mul3A_81, %max3A : vector<400x4xf32>
    %exp3A_83 = math.exp %sub3A_82 : vector<400x4xf32>
    %add3A = arith.addf %exp3A, %exp3A_83 : vector<400x4xf32>
    %div3A_84 = arith.divf %exp3A, %add3A : vector<400x4xf32>
    %reduce_sum3A = arith.constant dense<0.000000e+00> : vector<400xf32>
    %reduce_sum3A_85 = vector.multi_reduction <add>, %div3A_84, %reduce_sum3A [1] : vector<400x4xf32> to vector<400xf32>
    %broadcast_in_dim3A_86 = vector.shape_cast %reduce_sum3A_85 : vector<400xf32> to vector<400x1xf32>
    %div3A_87 = arith.constant 4.000000e+00 : f32
    %div3A_88 = vector.broadcast %div3A_87 : f32 to vector<400x1xf32>
    %div3A_89 = arith.divf %broadcast_in_dim3A_86, %div3A_88 : vector<400x1xf32>
    %sub3A_90 = arith.constant 1.000000e+00 : f32
    %sub3A_91 = vector.broadcast %sub3A_90 : f32 to vector<400x1xf32>
    %sub3A_92 = arith.subf %sub3A_91, %div3A_89 : vector<400x1xf32>
    %mul3A_93 = vector.broadcast %div3A_89 : vector<400x1xf32> to vector<400x128xf32>
    %mul3A_94 = arith.mulf %mul3A_93, %div3A_58 : vector<400x128xf32>
    %mul3A_95 = vector.broadcast %sub3A_92 : vector<400x1xf32> to vector<400x128xf32>
    %mul3A_96 = arith.mulf %mul3A_95, %div3A_65 : vector<400x128xf32>
    %add3A_97 = arith.addf %mul3A_94, %mul3A_96 : vector<400x128xf32>
    %get3A_98 = arith.constant 0 : index
    %get3A_99 = arith.constant 0 : index
    %get3A_100 = vector.load %arg1[%get3A_98, %get3A_99] : memref<400x128xf32, #tpu.memory_space<vmem>>, vector<400x128xf32>
    %get3A_101 = arith.constant 0 : index
    %get3A_102 = arith.constant 0 : index
    %get3A_103 = vector.load %arg8[%get3A_101, %get3A_102] : memref<128x128xf32, #tpu.memory_space<vmem>>, vector<128x128xf32>
    %dot_general3A_104 = arith.constant dense<0.000000e+00> : vector<400x128xf32>
    %dot_general3A_105 = tpu.matmul %get3A_100, %get3A_103, %dot_general3A_104 {dimension_numbers = #tpu.dot_dimension_numbers<[1], [0], [0], [1], [0, 0, 1, 1], [], []>, transpose_lhs_hint = false} : vector<400x128xf32>, vector<128x128xf32>, vector<400x128xf32> -> vector<400x128xf32>
    %add3A_106 = arith.addf %dot_general3A_105, %add3A_97 : vector<400x128xf32>
    %add3A_107 = arith.addf %add3A_106, %get3A_100 : vector<400x128xf32>
    %reduce_sum3A_108 = arith.constant dense<0.000000e+00> : vector<400xf32>
    %reduce_sum3A_109 = vector.multi_reduction <add>, %add3A_107, %reduce_sum3A_108 [1] : vector<400x128xf32> to vector<400xf32>
    %broadcast_in_dim3A_110 = vector.shape_cast %reduce_sum3A_109 : vector<400xf32> to vector<400x1xf32>
    %div3A_111 = arith.constant 1.280000e+02 : f32
    %div3A_112 = vector.broadcast %div3A_111 : f32 to vector<400x1xf32>
    %div3A_113 = arith.divf %broadcast_in_dim3A_110, %div3A_112 : vector<400x1xf32>
    %sub3A_114 = vector.broadcast %div3A_113 : vector<400x1xf32> to vector<400x128xf32>
    %sub3A_115 = arith.subf %add3A_107, %sub3A_114 : vector<400x128xf32>
    %mul3A_116 = arith.mulf %sub3A_115, %sub3A_115 : vector<400x128xf32>
    %reduce_sum3A_117 = arith.constant dense<0.000000e+00> : vector<400xf32>
    %reduce_sum3A_118 = vector.multi_reduction <add>, %mul3A_116, %reduce_sum3A_117 [1] : vector<400x128xf32> to vector<400xf32>
    %broadcast_in_dim3A_119 = vector.shape_cast %reduce_sum3A_118 : vector<400xf32> to vector<400x1xf32>
    %div3A_120 = arith.constant 1.280000e+02 : f32
    %div3A_121 = vector.broadcast %div3A_120 : f32 to vector<400x1xf32>
    %div3A_122 = arith.divf %broadcast_in_dim3A_119, %div3A_121 : vector<400x1xf32>
    %add3A_123 = arith.constant 9.99999974E-6 : f32
    %add3A_124 = vector.broadcast %add3A_123 : f32 to vector<400x1xf32>
    %add3A_125 = arith.addf %div3A_122, %add3A_124 : vector<400x1xf32>
    %sqrt3A = math.sqrt %add3A_125 : vector<400x1xf32>
    %div3A_126 = vector.broadcast %sqrt3A : vector<400x1xf32> to vector<400x128xf32>
    %div3A_127 = arith.divf %sub3A_115, %div3A_126 : vector<400x128xf32>
    %get3A_128 = arith.constant 0 : index
    %get3A_129 = arith.constant 0 : index
    %get3A_130 = vector.load %arg11[%get3A_128, %get3A_129] : memref<1x128xf32, #tpu.memory_space<vmem>>, vector<1x128xf32>
    %mul3A_131 = vector.broadcast %get3A_130 : vector<1x128xf32> to vector<400x128xf32>
    %mul3A_132 = arith.mulf %div3A_127, %mul3A_131 : vector<400x128xf32>
    %get3A_133 = arith.constant 0 : index
    %get3A_134 = arith.constant 0 : index
    %get3A_135 = vector.load %arg12[%get3A_133, %get3A_134] : memref<1x128xf32, #tpu.memory_space<vmem>>, vector<1x128xf32>
    %add3A_136 = vector.broadcast %get3A_135 : vector<1x128xf32> to vector<400x128xf32>
    %add3A_137 = arith.addf %mul3A_132, %add3A_136 : vector<400x128xf32>
    %ge3A = arith.constant 0.000000e+00 : f32
    %ge3A_138 = vector.broadcast %ge3A : f32 to vector<400x128xf32>
    %ge3A_139 = arith.cmpf oge, %add3A_137, %ge3A_138 : vector<400x128xf32>
    %mul3A_140 = arith.constant 0.00999999977 : f32
    %mul3A_141 = vector.broadcast %mul3A_140 : f32 to vector<400x128xf32>
    %mul3A_142 = arith.mulf %mul3A_141, %add3A_137 : vector<400x128xf32>
    %select_n3A_143 = arith.select %ge3A_139, %add3A_137, %mul3A_142 : vector<400x128xi1>, vector<400x128xf32>
    %swap3A = arith.constant 0 : index
    %swap3A_144 = arith.constant 0 : index
    %swap3A_145 = vector.load %arg13[%swap3A, %swap3A_144] : memref<400x128xf32, #tpu.memory_space<vmem>>, vector<400x128xf32>
    tpu.vector_store %arg13[%swap3A, %swap3A_144], %select_n3A_143 {strides = array<i32>} : memref<400x128xf32, #tpu.memory_space<vmem>>, vector<400x128xf32>,
    return
  }
  func.func @transform_0(%arg0: i32) -> (i32, i32) {
    %c0_i32 = arith.constant 0 : i32
    %c0_i32_0 = arith.constant 0 : i32
    return %arg0, %c0_i32 : i32, i32
  }
  func.func @transform_1(%arg0: i32) -> (i32, i32, i32) {
    %c0_i32 = arith.constant 0 : i32
    %c0_i32_0 = arith.constant 0 : i32
    %c0_i32_1 = arith.constant 0 : i32
    return %c0_i32, %arg0, %c0_i32_0 : i32, i32, i32
  }
  func.func @transform_2(%arg0: i32) -> (i32, i32) {
    %c0_i32 = arith.constant 0 : i32
    %c0_i32_0 = arith.constant 0 : i32
    return %arg0, %c0_i32 : i32, i32
  }
  func.func @transform_3(%arg0: i32) -> (i32, i32, i32) {
    %c0_i32 = arith.constant 0 : i32
    %c0_i32_0 = arith.constant 0 : i32
    %c0_i32_1 = arith.constant 0 : i32
    return %c0_i32, %arg0, %c0_i32_0 : i32, i32, i32
  }
  func.func @transform_4(%arg0: i32) -> (i32, i32) {
    %c0_i32 = arith.constant 0 : i32
    %c0_i32_0 = arith.constant 0 : i32
    return %arg0, %c0_i32 : i32, i32
  }
  func.func @transform_5(%arg0: i32) -> (i32, i32) {
    %c0_i32 = arith.constant 0 : i32
    %c0_i32_0 = arith.constant 0 : i32
    %c0_i32_1 = arith.constant 0 : i32
    return %c0_i32, %c0_i32_0 : i32, i32
  }
  func.func @transform_6(%arg0: i32) -> (i32, i32) {
    %c0_i32 = arith.constant 0 : i32
    %c0_i32_0 = arith.constant 0 : i32
    %c0_i32_1 = arith.constant 0 : i32
    return %c0_i32, %c0_i32_0 : i32, i32
  }
  func.func @transform_7(%arg0: i32) -> (i32, i32) {
    %c0_i32 = arith.constant 0 : i32
    %c0_i32_0 = arith.constant 0 : i32
    %c0_i32_1 = arith.constant 0 : i32
    return %c0_i32, %c0_i32_0 : i32, i32
  }
  func.func @transform_8(%arg0: i32) -> (i32, i32) {
    %c0_i32 = arith.constant 0 : i32
    %c0_i32_0 = arith.constant 0 : i32
    %c0_i32_1 = arith.constant 0 : i32
    return %c0_i32, %c0_i32_0 : i32, i32
  }
  func.func @transform_9(%arg0: i32) -> (i32, i32) {
    %c0_i32 = arith.constant 0 : i32
    %c0_i32_0 = arith.constant 0 : i32
    %c0_i32_1 = arith.constant 0 : i32
    return %c0_i32, %c0_i32_0 : i32, i32
  }
  func.func @transform_10(%arg0: i32) -> (i32, i32) {
    %c0_i32 = arith.constant 0 : i32
    %c0_i32_0 = arith.constant 0 : i32
    %c0_i32_1 = arith.constant 0 : i32
    return %c0_i32, %c0_i32_0 : i32, i32
  }
  func.func @transform_11(%arg0: i32) -> (i32, i32) {
    %c0_i32 = arith.constant 0 : i32
    %c0_i32_0 = arith.constant 0 : i32
    %c0_i32_1 = arith.constant 0 : i32
    return %c0_i32, %c0_i32_0 : i32, i32
  }
  func.func @transform_12(%arg0: i32) -> (i32, i32) {
    %c0_i32 = arith.constant 0 : i32
    %c0_i32_0 = arith.constant 0 : i32
    return %arg0, %c0_i32 : i32, i32
  }
}

module attributes {stable_mosaic.version = 14 : i64} {
  func.func @_update_body(%arg0: i32, %arg1: memref<400x128xf32, #tpu.memory_space<vmem>>, %arg2: memref<2x400x128xf32, #tpu.memory_space<vmem>>, %arg3: memref<400x16xf32, #tpu.memory_space<vmem>>, %arg4: memref<2x400x128xf32, #tpu.memory_space<vmem>>, %arg5: memref<400x16xf32, #tpu.memory_space<vmem>>, %arg6: memref<128x128xf32, #tpu.memory_space<vmem>>, %arg7: memref<128x128xf32, #tpu.memory_space<vmem>>, %arg8: memref<128x128xf32, #tpu.memory_space<vmem>>, %arg9: memref<8x128xf32, #tpu.memory_space<vmem>>, %arg10: memref<8x128xf32, #tpu.memory_space<vmem>>, %arg11: memref<1x128xf32, #tpu.memory_space<vmem>>, %arg12: memref<1x128xf32, #tpu.memory_space<vmem>>, %arg13: memref<400x128xf32, #tpu.memory_space<vmem>>) attributes {dimension_semantics = [#tpu.dimension_semantics<arbitrary>], iteration_bounds = array<i64: 25>, scalar_prefetch = 0 : i64, scratch_operands = 0 : i64, tpu.core_type = #tpu.core_type<tc>, window_params = [{transform_indices = @transform_0, window_bounds = array<i64: 400, 128>}, {transform_indices = @transform_1, window_bounds = array<i64: 2, 400, 128>}, {transform_indices = @transform_2, window_bounds = array<i64: 400, 16>}, {transform_indices = @transform_3, window_bounds = array<i64: 2, 400, 128>}, {transform_indices = @transform_4, window_bounds = array<i64: 400, 16>}, {pipeline_mode = #tpu.pipeline_mode<synchronous>, transform_indices = @transform_5, window_bounds = array<i64: 128, 128>}, {pipeline_mode = #tpu.pipeline_mode<synchronous>, transform_indices = @transform_6, window_bounds = array<i64: 128, 128>}, {pipeline_mode = #tpu.pipeline_mode<synchronous>, transform_indices = @transform_7, window_bounds = array<i64: 128, 128>}, {pipeline_mode = #tpu.pipeline_mode<synchronous>, transform_indices = @transform_8, window_bounds = array<i64: 8, 128>}, {pipeline_mode = #tpu.pipeline_mode<synchronous>, transform_indices = @transform_9, window_bounds = array<i64: 8, 128>}, {pipeline_mode = #tpu.pipeline_mode<synchronous>, transform_indices = @transform_10, window_bounds = array<i64: 1, 128>}, {pipeline_mode = #tpu.pipeline_mode<synchronous>, transform_indices = @transform_11, window_bounds = array<i64: 1, 128>}, {transform_indices = @transform_12, window_bounds = array<i64: 400, 128>}]} {
    %get3A = arith.constant 0 : index
    %get3A_0 = arith.constant 0 : index
    %get3A_1 = arith.constant 0 : index
    %get3A_2 = vector.load %arg2[%get3A, %get3A_0, %get3A_1] : memref<2x400x128xf32, #tpu.memory_space<vmem>>, vector<1x400x128xf32>
    %get3A_3 = vector.shape_cast %get3A_2 : vector<1x400x128xf32> to vector<400x128xf32>
    %get3A_4 = arith.constant 1 : index
    %get3A_5 = arith.constant 0 : index
    %get3A_6 = arith.constant 0 : index
    %get3A_7 = vector.load %arg2[%get3A_4, %get3A_5, %get3A_6] : memref<2x400x128xf32, #tpu.memory_space<vmem>>, vector<1x400x128xf32>
    %get3A_8 = vector.shape_cast %get3A_7 : vector<1x400x128xf32> to vector<400x128xf32>
    %add3A = arith.addf %get3A_3, %get3A_8 : vector<400x128xf32>
    %get3A_9 = arith.constant 0 : index
    %get3A_10 = arith.constant 0 : index
    %get3A_11 = arith.constant 0 : index
    %get3A_12 = vector.load %arg4[%get3A_9, %get3A_10, %get3A_11] : memref<2x400x128xf32, #tpu.memory_space<vmem>>, vector<1x400x128xf32>
    %get3A_13 = vector.shape_cast %get3A_12 : vector<1x400x128xf32> to vector<400x128xf32>
    %get3A_14 = arith.constant 1 : index
    %get3A_15 = arith.constant 0 : index
    %get3A_16 = arith.constant 0 : index
    %get3A_17 = vector.load %arg4[%get3A_14, %get3A_15, %get3A_16] : memref<2x400x128xf32, #tpu.memory_space<vmem>>, vector<1x400x128xf32>
    %get3A_18 = vector.shape_cast %get3A_17 : vector<1x400x128xf32> to vector<400x128xf32>
    %add3A_19 = arith.addf %get3A_13, %get3A_18 : vector<400x128xf32>
    %get3A_20 = arith.constant 0 : index
    %get3A_21 = arith.constant 0 : index
    %get3A_22 = vector.load %arg3[%get3A_20, %get3A_21] : memref<400x16xf32, #tpu.memory_space<vmem>>, vector<400x1xf32>
    %get3A_23 = arith.constant 0 : index
    %get3A_24 = arith.constant 0 : index
    %get3A_25 = vector.load %arg5[%get3A_23, %get3A_24] : memref<400x16xf32, #tpu.memory_space<vmem>>, vector<400x1xf32>
    %eq3A = arith.constant 0.000000e+00 : f32
    %eq3A_26 = vector.broadcast %eq3A : f32 to vector<400x1xf32>
    %eq3A_27 = arith.cmpf oeq, %get3A_22, %eq3A_26 : vector<400x1xf32>
    %jit3A = arith.constant 1.000000e+00 : f32
    %broadcast_in_dim3A = vector.broadcast %jit3A : f32 to vector<400x1xf32>
    %select_n3A = arith.select %eq3A_27, %broadcast_in_dim3A, %get3A_22 : vector<400x1xi1>, vector<400x1xf32>
    %eq3A_28 = arith.constant 0.000000e+00 : f32
    %eq3A_29 = vector.broadcast %eq3A_28 : f32 to vector<400x1xf32>
    %eq3A_30 = arith.cmpf oeq, %get3A_25, %eq3A_29 : vector<400x1xf32>
    %jit3A_31 = arith.constant 1.000000e+00 : f32
    %broadcast_in_dim3A_32 = vector.broadcast %jit3A_31 : f32 to vector<400x1xf32>
    %select_n3A_33 = arith.select %eq3A_30, %broadcast_in_dim3A_32, %get3A_25 : vector<400x1xi1>, vector<400x1xf32>
    %get3A_34 = arith.constant 0 : index
    %get3A_35 = arith.constant 0 : index
    %get3A_36 = vector.load %arg6[%get3A_34, %get3A_35] : memref<128x128xf32, #tpu.memory_space<vmem>>, vector<128x128xf32>
    %dot_general3A = arith.constant dense<0.000000e+00> : vector<400x128xf32>
    %dot_general3A_37 = tpu.matmul %add3A, %get3A_36, %dot_general3A {dimension_numbers = #tpu.dot_dimension_numbers<[1], [0], [0], [1], [0, 0, 1, 1], [], []>, transpose_lhs_hint = false} : vector<400x128xf32>, vector<128x128xf32>, vector<400x128xf32> -> vector<400x128xf32>
    %div3A = vector.broadcast %select_n3A : vector<400x1xf32> to vector<400x128xf32>
    %div3A_38 = arith.divf %dot_general3A_37, %div3A : vector<400x128xf32>
    %get3A_39 = arith.constant 0 : index
    %get3A_40 = arith.constant 0 : index
    %get3A_41 = vector.load %arg7[%get3A_39, %get3A_40] : memref<128x128xf32, #tpu.memory_space<vmem>>, vector<128x128xf32>
    %dot_general3A_42 = arith.constant dense<0.000000e+00> : vector<400x128xf32>
    %dot_general3A_43 = tpu.matmul %add3A_19, %get3A_41, %dot_general3A_42 {dimension_numbers = #tpu.dot_dimension_numbers<[1], [0], [0], [1], [0, 0, 1, 1], [], []>, transpose_lhs_hint = false} : vector<400x128xf32>, vector<128x128xf32>, vector<400x128xf32> -> vector<400x128xf32>
    %div3A_44 = vector.broadcast %select_n3A_33 : vector<400x1xf32> to vector<400x128xf32>
    %div3A_45 = arith.divf %dot_general3A_43, %div3A_44 : vector<400x128xf32>
    %get3A_46 = arith.constant 0 : index
    %get3A_47 = arith.constant 0 : index
    %get3A_48 = vector.load %arg9[%get3A_46, %get3A_47] : memref<8x128xf32, #tpu.memory_space<vmem>>, vector<8x128xf32>
    %dot_general3A_49 = arith.constant dense<0.000000e+00> : vector<400x8xf32>
    %dot_general3A_50 = tpu.matmul %div3A_38, %get3A_48, %dot_general3A_49 {dimension_numbers = #tpu.dot_dimension_numbers<[1], [1], [0], [0], [0, 0, 1, 0], [], []>, transpose_lhs_hint = false} : vector<400x128xf32>, vector<8x128xf32>, vector<400x8xf32> -> vector<400x8xf32>
    %slice3A = vector.extract_strided_slice %dot_general3A_50 {offsets = [0, 0], sizes = [400, 4], strides = [1, 1]} : vector<400x8xf32> to vector<400x4xf32>
    %get3A_51 = arith.constant 0 : index
    %get3A_52 = arith.constant 0 : index
    %get3A_53 = vector.load %arg10[%get3A_51, %get3A_52] : memref<8x128xf32, #tpu.memory_space<vmem>>, vector<8x128xf32>
    %dot_general3A_54 = arith.constant dense<0.000000e+00> : vector<400x8xf32>
    %dot_general3A_55 = tpu.matmul %div3A_45, %get3A_53, %dot_general3A_54 {dimension_numbers = #tpu.dot_dimension_numbers<[1], [1], [0], [0], [0, 0, 1, 0], [], []>, transpose_lhs_hint = false} : vector<400x128xf32>, vector<8x128xf32>, vector<400x8xf32> -> vector<400x8xf32>
    %slice3A_56 = vector.extract_strided_slice %dot_general3A_55 {offsets = [0, 0], sizes = [400, 4], strides = [1, 1]} : vector<400x8xf32> to vector<400x4xf32>
    %mul3A = arith.constant 0.176776692 : f32
    %mul3A_57 = vector.broadcast %mul3A : f32 to vector<400x4xf32>
    %mul3A_58 = arith.mulf %slice3A, %mul3A_57 : vector<400x4xf32>
    %mul3A_59 = arith.constant 0.176776692 : f32
    %mul3A_60 = vector.broadcast %mul3A_59 : f32 to vector<400x4xf32>
    %mul3A_61 = arith.mulf %slice3A_56, %mul3A_60 : vector<400x4xf32>
    %max3A = arith.maximumf %mul3A_58, %mul3A_61 : vector<400x4xf32>
    %sub3A = arith.subf %mul3A_58, %max3A : vector<400x4xf32>
    %exp3A = math.exp %sub3A : vector<400x4xf32>
    %sub3A_62 = arith.subf %mul3A_61, %max3A : vector<400x4xf32>
    %exp3A_63 = math.exp %sub3A_62 : vector<400x4xf32>
    %add3A_64 = arith.addf %exp3A, %exp3A_63 : vector<400x4xf32>
    %div3A_65 = arith.divf %exp3A, %add3A_64 : vector<400x4xf32>
    %reduce_sum3A = arith.constant dense<0.000000e+00> : vector<400xf32>
    %reduce_sum3A_66 = vector.multi_reduction <add>, %div3A_65, %reduce_sum3A [1] : vector<400x4xf32> to vector<400xf32>
    %broadcast_in_dim3A_67 = vector.shape_cast %reduce_sum3A_66 : vector<400xf32> to vector<400x1xf32>
    %div3A_68 = arith.constant 4.000000e+00 : f32
    %div3A_69 = vector.broadcast %div3A_68 : f32 to vector<400x1xf32>
    %div3A_70 = arith.divf %broadcast_in_dim3A_67, %div3A_69 : vector<400x1xf32>
    %sub3A_71 = arith.constant 1.000000e+00 : f32
    %sub3A_72 = vector.broadcast %sub3A_71 : f32 to vector<400x1xf32>
    %sub3A_73 = arith.subf %sub3A_72, %div3A_70 : vector<400x1xf32>
    %mul3A_74 = vector.broadcast %div3A_70 : vector<400x1xf32> to vector<400x128xf32>
    %mul3A_75 = arith.mulf %mul3A_74, %div3A_38 : vector<400x128xf32>
    %mul3A_76 = vector.broadcast %sub3A_73 : vector<400x1xf32> to vector<400x128xf32>
    %mul3A_77 = arith.mulf %mul3A_76, %div3A_45 : vector<400x128xf32>
    %add3A_78 = arith.addf %mul3A_75, %mul3A_77 : vector<400x128xf32>
    %get3A_79 = arith.constant 0 : index
    %get3A_80 = arith.constant 0 : index
    %get3A_81 = vector.load %arg1[%get3A_79, %get3A_80] : memref<400x128xf32, #tpu.memory_space<vmem>>, vector<400x128xf32>
    %get3A_82 = arith.constant 0 : index
    %get3A_83 = arith.constant 0 : index
    %get3A_84 = vector.load %arg8[%get3A_82, %get3A_83] : memref<128x128xf32, #tpu.memory_space<vmem>>, vector<128x128xf32>
    %dot_general3A_85 = arith.constant dense<0.000000e+00> : vector<400x128xf32>
    %dot_general3A_86 = tpu.matmul %get3A_81, %get3A_84, %dot_general3A_85 {dimension_numbers = #tpu.dot_dimension_numbers<[1], [0], [0], [1], [0, 0, 1, 1], [], []>, transpose_lhs_hint = false} : vector<400x128xf32>, vector<128x128xf32>, vector<400x128xf32> -> vector<400x128xf32>
    %add3A_87 = arith.addf %dot_general3A_86, %add3A_78 : vector<400x128xf32>
    %add3A_88 = arith.addf %add3A_87, %get3A_81 : vector<400x128xf32>
    %reduce_sum3A_89 = arith.constant dense<0.000000e+00> : vector<400xf32>
    %reduce_sum3A_90 = vector.multi_reduction <add>, %add3A_88, %reduce_sum3A_89 [1] : vector<400x128xf32> to vector<400xf32>
    %broadcast_in_dim3A_91 = vector.shape_cast %reduce_sum3A_90 : vector<400xf32> to vector<400x1xf32>
    %div3A_92 = arith.constant 1.280000e+02 : f32
    %div3A_93 = vector.broadcast %div3A_92 : f32 to vector<400x1xf32>
    %div3A_94 = arith.divf %broadcast_in_dim3A_91, %div3A_93 : vector<400x1xf32>
    %sub3A_95 = vector.broadcast %div3A_94 : vector<400x1xf32> to vector<400x128xf32>
    %sub3A_96 = arith.subf %add3A_88, %sub3A_95 : vector<400x128xf32>
    %mul3A_97 = arith.mulf %sub3A_96, %sub3A_96 : vector<400x128xf32>
    %reduce_sum3A_98 = arith.constant dense<0.000000e+00> : vector<400xf32>
    %reduce_sum3A_99 = vector.multi_reduction <add>, %mul3A_97, %reduce_sum3A_98 [1] : vector<400x128xf32> to vector<400xf32>
    %broadcast_in_dim3A_100 = vector.shape_cast %reduce_sum3A_99 : vector<400xf32> to vector<400x1xf32>
    %div3A_101 = arith.constant 1.280000e+02 : f32
    %div3A_102 = vector.broadcast %div3A_101 : f32 to vector<400x1xf32>
    %div3A_103 = arith.divf %broadcast_in_dim3A_100, %div3A_102 : vector<400x1xf32>
    %add3A_104 = arith.constant 9.99999974E-6 : f32
    %add3A_105 = vector.broadcast %add3A_104 : f32 to vector<400x1xf32>
    %add3A_106 = arith.addf %div3A_103, %add3A_105 : vector<400x1xf32>
    %sqrt3A = math.sqrt %add3A_106 : vector<400x1xf32>
    %div3A_107 = vector.broadcast %sqrt3A : vector<400x1xf32> to vector<400x128xf32>
    %div3A_108 = arith.divf %sub3A_96, %div3A_107 : vector<400x128xf32>
    %get3A_109 = arith.constant 0 : index
    %get3A_110 = arith.constant 0 : index
    %get3A_111 = vector.load %arg11[%get3A_109, %get3A_110] : memref<1x128xf32, #tpu.memory_space<vmem>>, vector<1x128xf32>
    %mul3A_112 = vector.broadcast %get3A_111 : vector<1x128xf32> to vector<400x128xf32>
    %mul3A_113 = arith.mulf %div3A_108, %mul3A_112 : vector<400x128xf32>
    %get3A_114 = arith.constant 0 : index
    %get3A_115 = arith.constant 0 : index
    %get3A_116 = vector.load %arg12[%get3A_114, %get3A_115] : memref<1x128xf32, #tpu.memory_space<vmem>>, vector<1x128xf32>
    %add3A_117 = vector.broadcast %get3A_116 : vector<1x128xf32> to vector<400x128xf32>
    %add3A_118 = arith.addf %mul3A_113, %add3A_117 : vector<400x128xf32>
    %ge3A = arith.constant 0.000000e+00 : f32
    %ge3A_119 = vector.broadcast %ge3A : f32 to vector<400x128xf32>
    %ge3A_120 = arith.cmpf oge, %add3A_118, %ge3A_119 : vector<400x128xf32>
    %mul3A_121 = arith.constant 0.00999999977 : f32
    %mul3A_122 = vector.broadcast %mul3A_121 : f32 to vector<400x128xf32>
    %mul3A_123 = arith.mulf %mul3A_122, %add3A_118 : vector<400x128xf32>
    %select_n3A_124 = arith.select %ge3A_120, %add3A_118, %mul3A_123 : vector<400x128xi1>, vector<400x128xf32>
    %swap3A = arith.constant 0 : index
    %swap3A_125 = arith.constant 0 : index
    %swap3A_126 = vector.load %arg13[%swap3A, %swap3A_125] : memref<400x128xf32, #tpu.memory_space<vmem>>, vector<400x128xf32>
    tpu.vector_store %arg13[%swap3A, %swap3A_125], %select_n3A_124 {strides = array<i32>} : memref<400x128xf32, #tpu.memory_space<vmem>>, vector<400x128xf32>,
    return
  }
  func.func @transform_0(%arg0: i32) -> (i32, i32) {
    %c0_i32 = arith.constant 0 : i32
    %c0_i32_0 = arith.constant 0 : i32
    return %arg0, %c0_i32 : i32, i32
  }
  func.func @transform_1(%arg0: i32) -> (i32, i32, i32) {
    %c0_i32 = arith.constant 0 : i32
    %c0_i32_0 = arith.constant 0 : i32
    %c0_i32_1 = arith.constant 0 : i32
    return %c0_i32, %arg0, %c0_i32_0 : i32, i32, i32
  }
  func.func @transform_2(%arg0: i32) -> (i32, i32) {
    %c0_i32 = arith.constant 0 : i32
    %c0_i32_0 = arith.constant 0 : i32
    return %arg0, %c0_i32 : i32, i32
  }
  func.func @transform_3(%arg0: i32) -> (i32, i32, i32) {
    %c0_i32 = arith.constant 0 : i32
    %c0_i32_0 = arith.constant 0 : i32
    %c0_i32_1 = arith.constant 0 : i32
    return %c0_i32, %arg0, %c0_i32_0 : i32, i32, i32
  }
  func.func @transform_4(%arg0: i32) -> (i32, i32) {
    %c0_i32 = arith.constant 0 : i32
    %c0_i32_0 = arith.constant 0 : i32
    return %arg0, %c0_i32 : i32, i32
  }
  func.func @transform_5(%arg0: i32) -> (i32, i32) {
    %c0_i32 = arith.constant 0 : i32
    %c0_i32_0 = arith.constant 0 : i32
    %c0_i32_1 = arith.constant 0 : i32
    return %c0_i32, %c0_i32_0 : i32, i32
  }
  func.func @transform_6(%arg0: i32) -> (i32, i32) {
    %c0_i32 = arith.constant 0 : i32
    %c0_i32_0 = arith.constant 0 : i32
    %c0_i32_1 = arith.constant 0 : i32
    return %c0_i32, %c0_i32_0 : i32, i32
  }
  func.func @transform_7(%arg0: i32) -> (i32, i32) {
    %c0_i32 = arith.constant 0 : i32
    %c0_i32_0 = arith.constant 0 : i32
    %c0_i32_1 = arith.constant 0 : i32
    return %c0_i32, %c0_i32_0 : i32, i32
  }
  func.func @transform_8(%arg0: i32) -> (i32, i32) {
    %c0_i32 = arith.constant 0 : i32
    %c0_i32_0 = arith.constant 0 : i32
    %c0_i32_1 = arith.constant 0 : i32
    return %c0_i32, %c0_i32_0 : i32, i32
  }
  func.func @transform_9(%arg0: i32) -> (i32, i32) {
    %c0_i32 = arith.constant 0 : i32
    %c0_i32_0 = arith.constant 0 : i32
    %c0_i32_1 = arith.constant 0 : i32
    return %c0_i32, %c0_i32_0 : i32, i32
  }
  func.func @transform_10(%arg0: i32) -> (i32, i32) {
    %c0_i32 = arith.constant 0 : i32
    %c0_i32_0 = arith.constant 0 : i32
    %c0_i32_1 = arith.constant 0 : i32
    return %c0_i32, %c0_i32_0 : i32, i32
  }
  func.func @transform_11(%arg0: i32) -> (i32, i32) {
    %c0_i32 = arith.constant 0 : i32
    %c0_i32_0 = arith.constant 0 : i32
    %c0_i32_1 = arith.constant 0 : i32
    return %c0_i32, %c0_i32_0 : i32, i32
  }
  func.func @transform_12(%arg0: i32) -> (i32, i32) {
    %c0_i32 = arith.constant 0 : i32
    %c0_i32_0 = arith.constant 0 : i32
    return %arg0, %c0_i32 : i32, i32
  }
}

</mosaic_0001>

<sc_bundles>
// kernel: kernel.12.cloned.1.call-start
scs
__scs_entry_jumppad:
0x0: {  	(pc) =	sbr.rel $0x88, $3  }
0x1: {  	(tag) =	ssettag $0x0;
	lr =	simm.s32 $0x1  }
0x2: {  	[smem:$0x3F7D] =	sst lr;
	_ =	strace $0xD0000000  }
0x3: {  	_ = 	snop  }
0x4: {  	_ = 	snop  }
0x5: {  	_ = 	snop  }
0x6: {  	_ = 	snop  }
0x7: {  	_ = 	snop  }
__scs_overlays_trampoline_lowered:
0x8: {  	[smem:$0x3F8C] =	sst s0  }
0x9: {  	[smem:$0x3F8D] =	sst s1  }
0xa: {  	[smem:$0x3F8E] =	sst s2  }
0xb: {  	[smem:$0x3F8F] =	sst s3  }
0xc: {  	[smem:$0x3F90] =	sst s4  }
0xd: {  	[smem:$0x3F91] =	sst s5  }
0xe: {  	[smem:$0x3F92] =	sst s6  }
0xf: {  	[smem:$0x3F93] =	sst s7  }
0x10: {  	[smem:$0x3F94] =	sst s8  }
0x11: {  	[smem:$0x3F95] =	sst s9;
	s0 =	simm.s32 @!p0 $0x0  }
0x12: {  	s1 =	sld [smem:$0x3F7B];
	s0 =	simm.s32 @p0 $0x1  }
0x13: {  	[smem:$0x3F96] =	sst s0;
	s0 =	simm.s32 @!p1 $0x0  }
0x14: {  	s2 =	sld [smem:$0x3F7A];
	s0 =	simm.s32 @p1 $0x1  }
0x15: {  	[smem:$0x3F97] =	sst s0;
	s0 =	simm.s32 @!p2 $0x0  }
0x16: {  	s3 =	sld [smem:$0x3FDB];
	s0 =	simm.s32 @p2 $0x1  }
0x17: {  	s4 =	simm.s32 $0x1BF5;
	[smem:$0x3F99] =	sst s0  }
0x18: {  	s0 =	sld [smem:$0x3F7C];
	_ =	swait.ge [sflag:s4], $0x0  }
0x19: {  	s7 =	sld [smem:$0x3F7D]  }
0x1a: {  	s8 =	sadd.s32 $0xFFFFE003, lr  }
0x1b: {  	s9 =	sadd.s32 $0xFFFFFEF7, lr;
	s5 =	simm.s32 $0xFFFFFFFF;
	p2 =	slt.u32 s8, $0xFFFFF086  }
0x1c: {  	p1 =	slt.u32 s9, $0xF7A;
	s5 =	simm.s32 @!p2 $0x0  }
0x1d: {  	s5 =	simm.s32 @p1 $0x1;
	p0 =	seq.s32 s7, s2  }
0x1e: {  	s7 =	smul.u32 @!p0 $0xF7A, s2;
	p2 =	seq.s32 @!p0 s5, $0x0  }
0x1f: {  	s9 =	smul.u32 $0xF7A, s1;
	s8 =	simm.s32 @!p0 $0x1BF5;
	p2 =	por !p2, p0  }
0x20: {  	[sflag:s8] =	ssyncset.s32 @!p0 $0xFFFFF086;
	s6 =	sadd.s32 @!p0 s3, s7;
	s7 =	simm.s32 @!p0 $0x108  }
0x21: {  	s3 =	sadd.s32 s3, s9;
	s6 =	sadd.s32 @!p0 $0x88, s6;
	s7 =	simm.s32 @p2 $0x1082  }
0x22: {  	[simem:s7], [sflag:s8] =	dma.local @!p0 [hbm:s6], $0xF7A  }
0x23: {  	s9 =	sor.u32 $0xD0000000, s2;
	s6 =	simm.s32 $0x108;
	_ =	swait.ge @!p0 [sflag:s8], $0x0  }
0x24: {  	s3 =	sadd.s32 $0x88, s3;
	s6 =	simm.s32 @!p1 $0x1082;
	[sflag:s4] =	ssyncset.s32 $0xFFFFF086  }
0x25: {  	[simem:s6], [sflag:s4] =	dma.local [hbm:s3], $0xF7A  }
0x26: {  	[smem:$0x3F7D] =	sst s1;
	(tag) =	ssettag s2;
	_ =	strace s9  }
0x27: {  	s1 =	sld [smem:$0x3F8D]  }
0x28: {  	s2 =	sld [smem:$0x3F8E]  }
0x29: {  	s4 =	sld [smem:$0x3F90]  }
0x2a: {  	p0 =	seq.s32 s5, $0x0;
	s5 =	sld [smem:$0x3F91]  }
0x2b: {  	s6 =	sld [smem:$0x3F92]  }
0x2c: {  	s7 =	sld [smem:$0x3F93]  }
0x2d: {  	s3 =	simm.s32 $0x108;
	s8 =	sld [smem:$0x3F94]  }
0x2e: {  	s3 =	simm.s32 @!p0 $0x1082;
	s9 =	sld [smem:$0x3F95]  }
0x2f: {  	lr =	sadd.s32 s0, s3;
	s0 =	sld [smem:$0x3F8C]  }
0x30: {  	s3 =	sld [smem:$0x3F8F]  }
0x31: {  	[smem:$0x3F98] =	sst s10  }
0x32: {  	s10 =	sld [smem:$0x3F96];
	_ =	sdelay $0x3  }
0x33: {  	p0 =	seq.s32 s10, $0x1;
	s10 =	sld [smem:$0x3F98];
	_ =	sdelay $0x3  }
0x34: {  	[smem:$0x3F98] =	sst s10  }
0x35: {  	s10 =	sld [smem:$0x3F97];
	_ =	sdelay $0x3  }
0x36: {  	p1 =	seq.s32 s10, $0x1;
	s10 =	sld [smem:$0x3F98];
	_ =	sdelay $0x3  }
0x37: {  	[smem:$0x3F98] =	sst s10  }
0x38: {  	s10 =	sld [smem:$0x3F99]  }
0x39: {  	_ = 	snop;
	(pc) =	sbr.ind lr, $3  }
0x3a: {  	_ = 	snop  }
0x3b: {  	_ = 	snop  }
0x3c: {  	p2 =	seq.s32 s10, $0x1;
	s10 =	sld [smem:$0x3F98]  }
0x3d: {  	_ =	shalt  }
0x3e: {  	_ =	shalt  }
0x3f: {  	_ =	shalt  }
0x40: {  	_ =	shalt  }
0x41: {  	_ =	shalt  }
0x42: {  	_ =	shalt  }
0x43: {  	_ =	shalt  }
0x44: {  	_ =	shalt  }
0x45: {  	_ =	shalt  }
0x46: {  	_ =	shalt  }
0x47: {  	_ =	shalt  }
0x48: {  	_ =	shalt  }
0x49: {  	_ =	shalt  }
0x4a: {  	_ =	shalt  }
0x4b: {  	_ =	shalt  }
0x4c: {  	_ =	shalt  }
0x4d: {  	_ =	shalt  }
0x4e: {  	_ =	shalt  }
0x4f: {  	_ =	shalt  }
0x50: {  	_ =	shalt  }
0x51: {  	_ =	shalt  }
0x52: {  	_ =	shalt  }
0x53: {  	_ =	shalt  }
0x54: {  	_ =	shalt  }
0x55: {  	_ =	shalt  }
0x56: {  	_ =	shalt  }
0x57: {  	_ =	shalt  }
0x58: {  	_ =	shalt  }
0x59: {  	_ =	shalt  }
0x5a: {  	_ =	shalt  }
0x5b: {  	_ =	shalt  }
0x5c: {  	_ =	shalt  }
0x5d: {  	_ =	shalt  }
0x5e: {  	_ =	shalt  }
0x5f: {  	_ =	shalt  }
0x60: {  	_ =	shalt  }
0x61: {  	_ =	shalt  }
0x62: {  	_ =	shalt  }
0x63: {  	_ =	shalt  }
0x64: {  	_ =	shalt  }
0x65: {  	_ =	shalt  }
0x66: {  	_ =	shalt  }
0x67: {  	_ =	shalt  }
0x68: {  	_ =	shalt  }
0x69: {  	_ =	shalt  }
0x6a: {  	_ =	shalt  }
0x6b: {  	_ =	shalt  }
0x6c: {  	_ =	shalt  }
0x6d: {  	_ =	shalt  }
0x6e: {  	_ =	shalt  }
0x6f: {  	_ =	shalt  }
0x70: {  	_ =	shalt  }
0x71: {  	_ =	shalt  }
0x72: {  	_ =	shalt  }
0x73: {  	_ =	shalt  }
0x74: {  	_ =	shalt  }
0x75: {  	_ =	shalt  }
0x76: {  	_ =	shalt  }
0x77: {  	_ =	shalt  }
0x78: {  	_ =	shalt  }
0x79: {  	_ =	shalt  }
0x7a: {  	_ =	shalt  }
0x7b: {  	_ =	shalt  }
0x7c: {  	_ =	shalt  }
0x7d: {  	_ =	shalt  }
0x7e: {  	_ =	shalt  }
0x7f: {  	_ =	shalt  }
0x80: {  	_ =	shalt  }
0x81: {  	_ =	shalt  }
0x82: {  	_ =	shalt  }
0x83: {  	_ =	shalt  }
0x84: {  	_ =	shalt  }
0x85: {  	_ =	shalt  }
0x86: {  	_ =	shalt  }
0x87: {  	_ =	shalt  }
.Lfunc_end0:
.L_simem_size_0:
called_computation_lowered:
.L_overlay_start_0:
0x88: {  	s2 =	sld [smem:$0x3FD9]  }
0x89: {  	s3 =	sld [smem:$0x3FFE];
	_ =	sdelay $0x1  }
0x8a: {  	s1 =	srdreg.scid  }
0x8b: {  	s0 =	sand.u32 $0x1, s1  }
0x8c: {  	s17 =	sshll.u32 s0, $0xA;
	s2 =	sadd.s32 s3, s2  }
0x8d: {  	s2 =	sadd.s32 s2, s17  }
0x8e: {  	[smem:$0x3FA4] =	sst s2  }
0x8f: {  	_ = 	snop  }
0x90: {  	s18 =	sld [smem:$0x3FC8];
	(tm) =	ssettm $0x1  }
0x91: {  	s19 =	sld [smem:$0x3FFB];
	_ =	sdelay $0x3  }
0x92: {  	_ =	strace s19  }
0x93: {  	s2 =	sld [smem:$0x3FFC];
	_ =	sdelay $0x3  }
0x94: {  	_ =	strace s2  }
0x95: {  	s2 =	sld [smem:$0x3FFD];
	_ =	sdelay $0x3  }
0x96: {  	_ =	strace s2  }
0x97: {  	_ =	strace $0x8FFFFFFF  }
0x98: {  	s20 =	sld [smem:$0x3FDB];
	_ =	sdelay $0x1  }
0x99: {  	s4 =	simm.s32 $_scs_section_size  }
0x9a: {  	s5 =	simm.s32 $_size__tile_overlayer_lowered;
	s6 =	simm.s32 $_tile_overlayer_lowered  }
0x9b: {  	s7 =	simm.s32 $0x1BFF;
	s21 =	sshll.u32 s6, $0x1;
	s4 =	sadd.s32 s4, s20  }
0x9c: {  	s22 =	simm.s32 $0x0;
	s5 =	sshll.u32 s5, $0x1;
	s6 =	sadd.s32 s21, s4  }
0x9d: {  	[timem:s22], [sflag:s7] =	dma.local [hbm:s6], s5  }
0x9e: {  	_ =	swait.ge [sflag:s7], s5  }
0x9f: {  	s5 =	ssub.s32 $0x0, s5;
	[sflag:s7] =	ssyncset.done $0x0  }
0xa0: {  	[sflag:s7] =	ssyncadd.s32 s5;
	_ =	sdelay $0x1  }
0xa1: {  	s23 =	simm.s32 $0x1B8B  }
0xa2: {  	_ =	swait.ge [sflag:s23], $0x1  }
0xa3: {  	[sflag:s23] =	ssyncset.done $0x0  }
0xa4: {  	[sflag:s23] =	ssyncadd.s32 $0xFFFFFFFF  }
0xa5: {  	s5 =	sld [smem:$0x0]  }
0xa6: {  	s6 =	sand.u32 $0xFFFFFFFE, s1  }
0xa7: {  	p0 =	sne.s32 s1, s6  }
0xa8: {  	s6 =	sshll.u32 @p0 s6, $0xE  }
0xa9: {  	s6 =	sadd.s32 @p0 $0x11B8D, s6;
	s7 =	sshll.u32 @p0 s5, $0x11  }
0xaa: {  	s6 =	sor.u32 @p0 s7, s6  }
0xab: {  	[sflag:s6] =	ssyncadd.remote.s32 @p0 $0x1;
	_ =	sdelay $0x1  }
0xac: {  	s6 =	simm.s32 @p0 $0x1B8D  }
0xad: {  	_ =	swait.eq @p0 [sflag:s6], $0x1  }
0xae: {  	[sflag:s6] =	ssyncadd.s32 @p0 $0xFFFFFFFF  }
0xaf: {  	s7 =	sshll.u32 @!p0 s1, $0xE  }
0xb0: {  	s7 =	sor.u32 @!p0 $0x4000, s7;
	s6 =	simm.s32 @!p0 $0x1B8D  }
0xb1: {  	s5 =	sshll.u32 @!p0 s5, $0x11;
	s7 =	sadd.s32 @!p0 $0x11B8D, s7;
	_ =	swait.eq @!p0 [sflag:s6], $0x1  }
0xb2: {  	s5 =	sor.u32 @!p0 s5, s7;
	[sflag:s6] =	ssyncadd.s32 @!p0 $0xFFFFFFFF  }
0xb3: {  	s25 =	simm.s32 $0x1B8E;
	s24 =	sld [smem:$0x3FFE];
	[sflag:s5] =	ssyncadd.remote.s32 @!p0 $0x1  }
0xb4: {  	s26 =	simm.s32 $execute0_lowered;
	[smem:$0x3FD2] =	sst s25  }
0xb5: {  	s6 =	sshll.u32 s26, $0x1;
	_ =	strace $0x8000004F;
	[dreg:$0x1] =	wrdreg $0xFFFFFFFF  }
0xb6: {  	s28 =	simm.s32 $_size_execute0_lowered;
	s4 =	sadd.s32 s4, s6;
	[dreg:$0x0] =	wrdreg $0x0  }
0xb7: {  	s6 =	sshll.u32 s28, $0x1;
	[dreg:$0x2] =	wrdreg s4  }
0xb8: {  	[dreg:$0x3] =	wrdreg s6  }
0xb9: {  	[dreg:$0x4] =	wrdreg $0xC0  }
0xba: {  	_ =	task [dreg:s22], $0x5FFFF  }
0xbb: {  	[dreg:$0x1] =	wrdreg $0xFFFFFFFF  }
0xbc: {  	[dreg:$0x0] =	wrdreg $0x60  }
0xbd: {  	[dreg:$0x2] =	wrdreg s18  }
0xbe: {  	[dreg:$0x3] =	wrdreg s24  }
0xbf: {  	[dreg:$0x4] =	wrdreg $0x0  }
0xc0: {  	[dreg:$0x5] =	wrdreg $0x9  }
0xc1: {  	_ =	task.clear_ibuf [dreg:s22], $0x6FFFF;
	_ =	strace $0x9000004F  }
0xc2: {  	s29 =	simm.s32 $0x9;
	_ =	strace $0x80000051  }
0xc3: {  	_ =	swait.ge [sflag:s29], $0x1  }
0xc4: {  	[sflag:s29] =	ssyncadd.s32 $0xFFFFFFFF  }
0xc5: {  	_ =	strace $0x90000051  }
0xc6: {  	_ =	sfence  }
0xc7: {  	s30 =	sld [smem:$0x0];
	_ =	sdelay $0x2  }
0xc8: {  	s31 =	sshll.u32 s1, $0xD;
	s1 =	sshrl.u32 s1, $0x2  }
0xc9: {  	s4 =	sand.u32 $0x4000, s31;
	s1 =	sadd.s32 s1, s30  }
0xca: {  	s0 =	sor.u32 s4, s0;
	s1 =	sshll.u32 s1, $0x11  }
0xcb: {  	s0 =	sor.u32 s1, s0  }
0xcc: {  	s0 =	sadd.s32 $0x8F2B, s0  }
0xcd: {  	[sflag:s0] =	ssyncadd.remote.s32 $0x1  }
0xce: {  	_ =	sfence.sel $0xFFFF  }
0xcf: {  	[dreg:$0x0] =	wrdreg $0xFFFFFFFF;
	(pc) =	sbr.abs _section_cstart, $3  }
0xd0: {  	[dreg:$0x1] =	wrdreg $0xFFFFFFFF  }
0xd1: {  	_ =	task.clear_ibuf [dreg:s22], $0x2FFFF;
	_ =	strace $0x9FFFFFFF  }
0xd2: {  	(tm) =	ssettm $0x7FFFFFFF  }
0xd3: {  	_ =	shalt  }
tec
execute0_lowered:
.L_overlay_start_1:
0x0: {  	(tag) =	ssettag $0x1  }
0x1: {  	s1 =	rddreg [dreg:$0x0]  }
0x2: {  	s5 =	rddreg [dreg:$0x1]  }
0x3: {  	s2 =	rddreg [dreg:$0x2]  }
0x4: {  	s3 =	srdreg.scid;
	s0 =	rddreg [dreg:$0x3];
	s4 =	simm.s32 $0x0  }
0x5: {  	s19 =	simm.s32 $0x19900;
	s20 =	simm.s32 $0x2;
	s21 =	simm.s32 $0x14000  }
0x6: {  	s22 =	simm.s32 $0x14C80;
	s23 =	simm.s32 $0x80;
	s6 =	sand.u32 $0x1, s3  }
0x7: {  	s24 =	simm.s32 $0x15900;
	s3 =	stileid.u32;
	s8 =	smul.u32 $0x140000, s6  }
0x8: {  	s25 =	simm.s32 $0x1;
	s7 =	sshll.u32 s6, $0x4;
	s9 =	smul.u32 $0x14000, s3  }
0x9: {  	s6 =	ssub.s32 $0x2, s6;
	s30 =	smul.u32 $0x50000, s3;
	s7 =	sor.u32 s3, s7  }
0xa: {  	[smem:$0x7FF] =	sst s4;
	s10 =	sshrl.u32 s6, $0x1;
	s7 =	smul.u32 $0x190, s7  }
0xb: {  	_ =	strace $0x80000050;
	s8 =	sadd.s32 s9, s8;
	s10 =	ssub.s32 s6, s10  }
0xc: {  	s31 =	sshrl.u32 s30, $0x2;
	s8 =	sshrl.u32 s8, $0x3;
	s7 =	sadd.s32 s7, s5  }
0xd: {  	s9 =	smax.u32 s10, $0x1;
	s8 =	sadd.s32 s8, s5;
	s6 =	sadd.s32 $0x1AFA00, s7  }
0xe: {  	s5 =	sadd.s32 s31, s2;
	s7 =	sadd.s32 $0x1E400, s7;
	s8 =	sadd.s32 $0x1B2C00, s8  }
0xf: {  	s10 =	sadd.s32 $0x2000, s5;
	s11 =	sadd.s32 $0x4000, s5;
	s12 =	sadd.s32 $0x6000, s5  }
0x10: {  	s13 =	sadd.s32 $0x8000, s5;
	s14 =	sadd.s32 $0xA000, s5;
	s15 =	sadd.s32 $0xC000, s5  }
0x11: {  	v0 =	vimm.f32 $0.0e+00;
	s16 =	sadd.s32 $0xE000, s5;
	s17 =	sadd.s32 $0x10000, s5;
	s18 =	sadd.s32 $0x12000, s5  }
.LBB2_1:
0x12: {  	s26 =	simm.s32 $0x0;
	s28 =	simm.s32 $0x200  }
.LBB2_2:
0x13: {  	p0 =	sne.s32 s28, $0x7E00;
	[tilespmem:s26+$0x19970] =	vst v0  }
0x14: {  	[tilespmem:s26+$0x19900] =	vst v0  }
0x15: {  	[tilespmem:s26+$0x19910] =	vst v0  }
.Ltmp0:
0x16: {  	[tilespmem:s26+$0x19920] =	vst v0;
	(pc) =	sbr.rel @p0 .LBB2_2-.Ltmp0, $4  }
0x17: {  	[tilespmem:s26+$0x19930] =	vst v0  }
0x18: {  	[tilespmem:s26+$0x19940] =	vst v0  }
0x19: {  	[tilespmem:s26+$0x19950] =	vst v0  }
0x1a: {  	[tilespmem:s26+$0x19960] =	vst v0;
	s26 =	sshra.s32 s28, $0x2;
	s28 =	sadd.s32 $0x200, s28  }
0x1b: {  	[tilespmem:s26+$0x19970] =	vst v0  }
0x1c: {  	[tilespmem:s26+$0x19900] =	vst v0  }
0x1d: {  	[tilespmem:s26+$0x19910] =	vst v0  }
0x1e: {  	[tilespmem:s26+$0x19920] =	vst v0  }
0x1f: {  	[tilespmem:s26+$0x19930] =	vst v0  }
0x20: {  	[tilespmem:s26+$0x19940] =	vst v0  }
0x21: {  	[tilespmem:s26+$0x19950] =	vst v0  }
0x22: {  	[tilespmem:s26+$0x19960] =	vst v0  }
0x23: {  	[spmem:s5] =	stream.linear.scatter [tilespmem:s19], [sflag:$0x2], $0x2000, $0x38;
	[tilespmem:$0x1B900] =	vst v63  }
0x24: {  	_ =	swait.ge [sflag:s20], $0x2000  }
0x25: {  	[sflag:s20] =	ssyncset.done $0x0  }
0x26: {  	[sflag:s20] =	ssyncadd.s32 $0xFFFFE000  }
0x27: {  	[spmem:s10] =	stream.linear.scatter [tilespmem:s19], [sflag:$0x2], $0x2000, $0x38;
	[tilespmem:$0x1B900] =	vst v63  }
0x28: {  	_ =	swait.ge [sflag:s20], $0x2000  }
0x29: {  	[sflag:s20] =	ssyncset.done $0x0  }
0x2a: {  	[sflag:s20] =	ssyncadd.s32 $0xFFFFE000  }
0x2b: {  	[spmem:s11] =	stream.linear.scatter [tilespmem:s19], [sflag:$0x2], $0x2000, $0x38;
	[tilespmem:$0x1B900] =	vst v63  }
0x2c: {  	_ =	swait.ge [sflag:s20], $0x2000  }
0x2d: {  	[sflag:s20] =	ssyncset.done $0x0  }
0x2e: {  	[sflag:s20] =	ssyncadd.s32 $0xFFFFE000  }
0x2f: {  	[spmem:s12] =	stream.linear.scatter [tilespmem:s19], [sflag:$0x2], $0x2000, $0x38;
	[tilespmem:$0x1B900] =	vst v63  }
0x30: {  	_ =	swait.ge [sflag:s20], $0x2000  }
0x31: {  	[sflag:s20] =	ssyncset.done $0x0  }
0x32: {  	[sflag:s20] =	ssyncadd.s32 $0xFFFFE000  }
0x33: {  	[spmem:s13] =	stream.linear.scatter [tilespmem:s19], [sflag:$0x2], $0x2000, $0x38;
	[tilespmem:$0x1B900] =	vst v63  }
0x34: {  	_ =	swait.ge [sflag:s20], $0x2000  }
0x35: {  	[sflag:s20] =	ssyncset.done $0x0  }
0x36: {  	[sflag:s20] =	ssyncadd.s32 $0xFFFFE000  }
0x37: {  	[spmem:s14] =	stream.linear.scatter [tilespmem:s19], [sflag:$0x2], $0x2000, $0x38;
	[tilespmem:$0x1B900] =	vst v63  }
0x38: {  	_ =	swait.ge [sflag:s20], $0x2000  }
0x39: {  	[sflag:s20] =	ssyncset.done $0x0  }
0x3a: {  	[sflag:s20] =	ssyncadd.s32 $0xFFFFE000  }
0x3b: {  	[spmem:s15] =	stream.linear.scatter [tilespmem:s19], [sflag:$0x2], $0x2000, $0x38;
	[tilespmem:$0x1B900] =	vst v63  }
0x3c: {  	_ =	swait.ge [sflag:s20], $0x2000  }
0x3d: {  	[sflag:s20] =	ssyncset.done $0x0  }
0x3e: {  	[sflag:s20] =	ssyncadd.s32 $0xFFFFE000  }
0x3f: {  	[spmem:s16] =	stream.linear.scatter [tilespmem:s19], [sflag:$0x2], $0x2000, $0x38;
	[tilespmem:$0x1B900] =	vst v63  }
0x40: {  	_ =	swait.ge [sflag:s20], $0x2000  }
0x41: {  	[sflag:s20] =	ssyncset.done $0x0  }
0x42: {  	[sflag:s20] =	ssyncadd.s32 $0xFFFFE000  }
0x43: {  	[spmem:s17] =	stream.linear.scatter [tilespmem:s19], [sflag:$0x2], $0x2000, $0x38;
	[tilespmem:$0x1B900] =	vst v63  }
0x44: {  	_ =	swait.ge [sflag:s20], $0x2000  }
0x45: {  	[sflag:s20] =	ssyncset.done $0x0  }
0x46: {  	[sflag:s20] =	ssyncadd.s32 $0xFFFFE000  }
0x47: {  	[spmem:s18] =	stream.linear.scatter [tilespmem:s19], [sflag:$0x2], $0x2000, $0x38;
	[tilespmem:$0x1B900] =	vst v63  }
0x48: {  	_ =	swait.ge [sflag:s20], $0x2000  }
0x49: {  	[sflag:s20] =	ssyncset.done $0x0  }
0x4a: {  	s29 =	simm.s32 $0x0;
	[sflag:s20] =	ssyncadd.s32 $0xFFFFE000  }
0x4b: {  	[tilespmem:s21], [sflag:$0x2] =	stream.linear.gather [hbm4b:s6+s29], $0xC80, $0x38;
	[tilespmem:$0x1B900] =	vst v63  }
0x4c: {  	_ =	swait.ge [sflag:s20], $0xC80  }
0x4d: {  	[sflag:s20] =	ssyncset.done $0x0  }
0x4e: {  	[sflag:s20] =	ssyncadd.s32 $0xFFFFF380  }
0x4f: {  	[tilespmem:s22], [sflag:$0x2] =	stream.linear.gather [hbm4b:s7+s29], $0xC80, $0x38;
	[tilespmem:$0x1B900] =	vst v63  }
0x50: {  	_ =	swait.ge [sflag:s20], $0xC80  }
0x51: {  	[sflag:s20] =	ssyncset.done $0x0  }
0x52: {  	[sflag:s20] =	ssyncadd.s32 $0xFFFFF380  }
0x53: {  	s30 =	simm.s32 $0x14000;
	[bflag:$0x0] =	sbarrier.arrive $0xFFFF  }
0x54: {  	[tilespmem:s24], [sflag:$0x1] =	stream.indirect.gather [hbm4b:s1+s23], $0x80, s30, s23, $0xb8;
	[tilespmem:$0x1B900] =	vst v63  }
0x55: {  	_ =	swait.ge [sflag:s25], $0x4000  }
0x56: {  	[sflag:s25] =	ssyncset.done $0x0  }
0x57: {  	s31 =	simm.s32 $0x14C80;
	[sflag:s25] =	ssyncadd.s32 $0xFFFFC000  }
0x58: {  	[spmem:s2] =	stream.indirect.scatter.add.f32 [tilespmem:s24], [sflag:$0x2], $0x80, s31, s23, $0xb8;
	[tilespmem:$0x1B900] =	vst v63  }
0x59: {  	_ =	swait.ge [sflag:s20], $0x4000  }
0x5a: {  	s28 =	simm.s32 $0x400;
	s26 =	simm.s32 $0x80;
	[sflag:s20] =	ssyncset.done $0x0  }
.LBB2_4:
0x5b: {  	s29 =	sadd.s32 $0x14000, s26  }
0x5c: {  	[sflag:s20] =	ssyncadd.s32 $0xFFFFC000;
	s30 =	smov.u32 s28;
	s31 =	sadd.s32 $0x200, s28  }
0x5d: {  	[tilespmem:s24], [sflag:$0x1] =	stream.indirect.gather [hbm4b:s1+s23], $0x80, s29, s23, $0xb8;
	[tilespmem:$0x1B900] =	vst v63  }
0x5e: {  	p0 =	sne.s32 s28, $0x3000;
	_ =	swait.ge [sflag:s25], $0x4000  }
.Ltmp1:
0x5f: {  	[sflag:s25] =	ssyncset.done $0x0;
	(pc) =	sbr.rel @p0 .LBB2_4-.Ltmp1, $4  }
0x60: {  	s26 =	sadd.s32 $0x14C80, s26;
	[sflag:s25] =	ssyncadd.s32 $0xFFFFC000  }
0x61: {  	[spmem:s2] =	stream.indirect.scatter.add.f32 [tilespmem:s24], [sflag:$0x2], $0x80, s26, s23, $0xb8;
	[tilespmem:$0x1B900] =	vst v63  }
0x62: {  	_ =	swait.ge [sflag:s20], $0x4000  }
0x63: {  	s28 =	smov.u32 s31;
	s26 =	sshra.s32 s30, $0x2;
	[sflag:s20] =	ssyncset.done $0x0  }
0x64: {  	s28 =	sadd.s32 $0x14000, s26;
	[sflag:s20] =	ssyncadd.s32 $0xFFFFC000  }
0x65: {  	[tilespmem:s24], [sflag:$0x1] =	stream.indirect.gather [hbm4b:s1+s23], $0x80, s28, s23, $0xb8;
	[tilespmem:$0x1B900] =	vst v63  }
0x66: {  	_ =	swait.ge [sflag:s25], $0x4000  }
0x67: {  	[sflag:s25] =	ssyncset.done $0x0  }
0x68: {  	s29 =	sadd.s32 $0x14C80, s26;
	[sflag:s25] =	ssyncadd.s32 $0xFFFFC000  }
0x69: {  	[spmem:s2] =	stream.indirect.scatter.add.f32 [tilespmem:s24], [sflag:$0x2], $0x80, s29, s23, $0xb8;
	[tilespmem:$0x1B900] =	vst v63  }
0x6a: {  	_ =	swait.ge [sflag:s20], $0x4000  }
0x6b: {  	s30 =	sshll.u32 s3, $0x6;
	s4 =	sadd.s32 $0x1, s4;
	[sflag:s20] =	ssyncset.done $0x0  }
0x6c: {  	s31 =	sshrl.u32 s5, $0x3;
	p0 =	sne.s32 s4, s9;
	[sflag:s20] =	ssyncadd.s32 $0xFFFFC000  }
.Ltmp2:
0x6d: {  	s26 =	sor.u32 $0x1C02, s30;
	[bflag:$0x0] =	sbarrier.arrive $0xFFFF;
	(pc) =	sbr.rel @p0 .LBB2_1-.Ltmp2, $4  }
0x6e: {  	[hbm:s8], [sflag:s26] =	dma.local [spmem:s31], $0x2800  }
0x6f: {  	_ =	swait.ge [sflag:s20], $0x2800  }
0x70: {  	[sflag:s20] =	ssyncset.done $0x0  }
0x71: {  	[sflag:s20] =	ssyncadd.s32 $0xFFFFD800  }
0x72: {  	_ =	sfence.sel $0x180000  }
0x73: {  	[bflag:$0x0] =	sbarrier.arrive $0xFFFF  }
0x74: {  	p0 =	sne.s32 s3, $0x0;
	_ =	strace $0x90000050  }
0x75: {  	s0 =	sadd.s32 @!p0 $0x100000, s0;
	[bflag:$0x2] =	sbarrier.arrive $0xFFFF  }
0x76: {  	[sflag:s0] =	ssyncadd.tile.s32 @!p0 $0x1;
	_ =	shalt  }
.Lfunc_end2:
_tile_overlayer_lowered:
.L_overlay_start_2:
0x77: {  	(tag) =	ssettag $0x2  }
0x78: {  	s0 =	rddreg [dreg:$0x0];
	s2 =	stileid.u32  }
0x79: {  	s1 =	rddreg [dreg:$0x1];
	p0 =	sne.s32 s2, $0x0  }
0x7a: {  	s3 =	rddreg [dreg:$0x2];
	[bflag:$0x3] =	sbarrier.arrive $0xFFFF;
	s2 =	simm.s32 @!p0 $0x1C02  }
0x7b: {  	[timem:s3], [sflag:s2] =	dma.local @!p0 [hbm:s0], s1  }
0x7c: {  	s0 =	simm.s32 @!p0 $0x2  }
0x7d: {  	_ =	swait.ge @!p0 [sflag:s0], s1  }
0x7e: {  	s1 =	ssub.s32 @!p0 $0x0, s1;
	[sflag:s0] =	ssyncset.done @!p0 $0x0  }
0x7f: {  	[sflag:s0] =	ssyncadd.s32 @!p0 s1  }
0x80: {  	[bflag:$0x3] =	sbarrier.arrive $0xFFFF  }
0x81: {  	_ =	shalt  }

// kernel: kernel.15.cloned.1.call-start
scs
__scs_entry_jumppad:
0x0: {  	(pc) =	sbr.rel $0x88, $3  }
0x1: {  	(tag) =	ssettag $0x0;
	lr =	simm.s32 $0x1  }
0x2: {  	[smem:$0x3F7D] =	sst lr;
	_ =	strace $0xD0000000  }
0x3: {  	_ = 	snop  }
0x4: {  	_ = 	snop  }
0x5: {  	_ = 	snop  }
0x6: {  	_ = 	snop  }
0x7: {  	_ = 	snop  }
__scs_overlays_trampoline_lowered:
0x8: {  	[smem:$0x3F8C] =	sst s0  }
0x9: {  	[smem:$0x3F8D] =	sst s1  }
0xa: {  	[smem:$0x3F8E] =	sst s2  }
0xb: {  	[smem:$0x3F8F] =	sst s3  }
0xc: {  	[smem:$0x3F90] =	sst s4  }
0xd: {  	[smem:$0x3F91] =	sst s5  }
0xe: {  	[smem:$0x3F92] =	sst s6  }
0xf: {  	[smem:$0x3F93] =	sst s7  }
0x10: {  	[smem:$0x3F94] =	sst s8  }
0x11: {  	[smem:$0x3F95] =	sst s9;
	s0 =	simm.s32 @!p0 $0x0  }
0x12: {  	s1 =	sld [smem:$0x3F7B];
	s0 =	simm.s32 @p0 $0x1  }
0x13: {  	[smem:$0x3F96] =	sst s0;
	s0 =	simm.s32 @!p1 $0x0  }
0x14: {  	s2 =	sld [smem:$0x3F7A];
	s0 =	simm.s32 @p1 $0x1  }
0x15: {  	[smem:$0x3F97] =	sst s0;
	s0 =	simm.s32 @!p2 $0x0  }
0x16: {  	s3 =	sld [smem:$0x3FDB];
	s0 =	simm.s32 @p2 $0x1  }
0x17: {  	s4 =	simm.s32 $0x1BF5;
	[smem:$0x3F99] =	sst s0  }
0x18: {  	s0 =	sld [smem:$0x3F7C];
	_ =	swait.ge [sflag:s4], $0x0  }
0x19: {  	s7 =	sld [smem:$0x3F7D]  }
0x1a: {  	s8 =	sadd.s32 $0xFFFFE003, lr  }
0x1b: {  	s9 =	sadd.s32 $0xFFFFFEF7, lr;
	s5 =	simm.s32 $0xFFFFFFFF;
	p2 =	slt.u32 s8, $0xFFFFF086  }
0x1c: {  	p1 =	slt.u32 s9, $0xF7A;
	s5 =	simm.s32 @!p2 $0x0  }
0x1d: {  	s5 =	simm.s32 @p1 $0x1;
	p0 =	seq.s32 s7, s2  }
0x1e: {  	s7 =	smul.u32 @!p0 $0xF7A, s2;
	p2 =	seq.s32 @!p0 s5, $0x0  }
0x1f: {  	s9 =	smul.u32 $0xF7A, s1;
	s8 =	simm.s32 @!p0 $0x1BF5;
	p2 =	por !p2, p0  }
0x20: {  	[sflag:s8] =	ssyncset.s32 @!p0 $0xFFFFF086;
	s6 =	sadd.s32 @!p0 s3, s7;
	s7 =	simm.s32 @!p0 $0x108  }
0x21: {  	s3 =	sadd.s32 s3, s9;
	s6 =	sadd.s32 @!p0 $0x88, s6;
	s7 =	simm.s32 @p2 $0x1082  }
0x22: {  	[simem:s7], [sflag:s8] =	dma.local @!p0 [hbm:s6], $0xF7A  }
0x23: {  	s9 =	sor.u32 $0xD0000000, s2;
	s6 =	simm.s32 $0x108;
	_ =	swait.ge @!p0 [sflag:s8], $0x0  }
0x24: {  	s3 =	sadd.s32 $0x88, s3;
	s6 =	simm.s32 @!p1 $0x1082;
	[sflag:s4] =	ssyncset.s32 $0xFFFFF086  }
0x25: {  	[simem:s6], [sflag:s4] =	dma.local [hbm:s3], $0xF7A  }
0x26: {  	[smem:$0x3F7D] =	sst s1;
	(tag) =	ssettag s2;
	_ =	strace s9  }
0x27: {  	s1 =	sld [smem:$0x3F8D]  }
0x28: {  	s2 =	sld [smem:$0x3F8E]  }
0x29: {  	s4 =	sld [smem:$0x3F90]  }
0x2a: {  	p0 =	seq.s32 s5, $0x0;
	s5 =	sld [smem:$0x3F91]  }
0x2b: {  	s6 =	sld [smem:$0x3F92]  }
0x2c: {  	s7 =	sld [smem:$0x3F93]  }
0x2d: {  	s3 =	simm.s32 $0x108;
	s8 =	sld [smem:$0x3F94]  }
0x2e: {  	s3 =	simm.s32 @!p0 $0x1082;
	s9 =	sld [smem:$0x3F95]  }
0x2f: {  	lr =	sadd.s32 s0, s3;
	s0 =	sld [smem:$0x3F8C]  }
0x30: {  	s3 =	sld [smem:$0x3F8F]  }
0x31: {  	[smem:$0x3F98] =	sst s10  }
0x32: {  	s10 =	sld [smem:$0x3F96];
	_ =	sdelay $0x3  }
0x33: {  	p0 =	seq.s32 s10, $0x1;
	s10 =	sld [smem:$0x3F98];
	_ =	sdelay $0x3  }
0x34: {  	[smem:$0x3F98] =	sst s10  }
0x35: {  	s10 =	sld [smem:$0x3F97];
	_ =	sdelay $0x3  }
0x36: {  	p1 =	seq.s32 s10, $0x1;
	s10 =	sld [smem:$0x3F98];
	_ =	sdelay $0x3  }
0x37: {  	[smem:$0x3F98] =	sst s10  }
0x38: {  	s10 =	sld [smem:$0x3F99]  }
0x39: {  	_ = 	snop;
	(pc) =	sbr.ind lr, $3  }
0x3a: {  	_ = 	snop  }
0x3b: {  	_ = 	snop  }
0x3c: {  	p2 =	seq.s32 s10, $0x1;
	s10 =	sld [smem:$0x3F98]  }
0x3d: {  	_ =	shalt  }
0x3e: {  	_ =	shalt  }
0x3f: {  	_ =	shalt  }
0x40: {  	_ =	shalt  }
0x41: {  	_ =	shalt  }
0x42: {  	_ =	shalt  }
0x43: {  	_ =	shalt  }
0x44: {  	_ =	shalt  }
0x45: {  	_ =	shalt  }
0x46: {  	_ =	shalt  }
0x47: {  	_ =	shalt  }
0x48: {  	_ =	shalt  }
0x49: {  	_ =	shalt  }
0x4a: {  	_ =	shalt  }
0x4b: {  	_ =	shalt  }
0x4c: {  	_ =	shalt  }
0x4d: {  	_ =	shalt  }
0x4e: {  	_ =	shalt  }
0x4f: {  	_ =	shalt  }
0x50: {  	_ =	shalt  }
0x51: {  	_ =	shalt  }
0x52: {  	_ =	shalt  }
0x53: {  	_ =	shalt  }
0x54: {  	_ =	shalt  }
0x55: {  	_ =	shalt  }
0x56: {  	_ =	shalt  }
0x57: {  	_ =	shalt  }
0x58: {  	_ =	shalt  }
0x59: {  	_ =	shalt  }
0x5a: {  	_ =	shalt  }
0x5b: {  	_ =	shalt  }
0x5c: {  	_ =	shalt  }
0x5d: {  	_ =	shalt  }
0x5e: {  	_ =	shalt  }
0x5f: {  	_ =	shalt  }
0x60: {  	_ =	shalt  }
0x61: {  	_ =	shalt  }
0x62: {  	_ =	shalt  }
0x63: {  	_ =	shalt  }
0x64: {  	_ =	shalt  }
0x65: {  	_ =	shalt  }
0x66: {  	_ =	shalt  }
0x67: {  	_ =	shalt  }
0x68: {  	_ =	shalt  }
0x69: {  	_ =	shalt  }
0x6a: {  	_ =	shalt  }
0x6b: {  	_ =	shalt  }
0x6c: {  	_ =	shalt  }
0x6d: {  	_ =	shalt  }
0x6e: {  	_ =	shalt  }
0x6f: {  	_ =	shalt  }
0x70: {  	_ =	shalt  }
0x71: {  	_ =	shalt  }
0x72: {  	_ =	shalt  }
0x73: {  	_ =	shalt  }
0x74: {  	_ =	shalt  }
0x75: {  	_ =	shalt  }
0x76: {  	_ =	shalt  }
0x77: {  	_ =	shalt  }
0x78: {  	_ =	shalt  }
0x79: {  	_ =	shalt  }
0x7a: {  	_ =	shalt  }
0x7b: {  	_ =	shalt  }
0x7c: {  	_ =	shalt  }
0x7d: {  	_ =	shalt  }
0x7e: {  	_ =	shalt  }
0x7f: {  	_ =	shalt  }
0x80: {  	_ =	shalt  }
0x81: {  	_ =	shalt  }
0x82: {  	_ =	shalt  }
0x83: {  	_ =	shalt  }
0x84: {  	_ =	shalt  }
0x85: {  	_ =	shalt  }
0x86: {  	_ =	shalt  }
0x87: {  	_ =	shalt  }
.Lfunc_end0:
.L_simem_size_0:
called_computation.1_lowered:
.L_overlay_start_0:
0x88: {  	s2 =	sld [smem:$0x3FD9]  }
0x89: {  	s3 =	sld [smem:$0x3FFE];
	_ =	sdelay $0x1  }
0x8a: {  	s1 =	srdreg.scid  }
0x8b: {  	s0 =	sand.u32 $0x1, s1  }
0x8c: {  	s17 =	sshll.u32 s0, $0xA;
	s2 =	sadd.s32 s3, s2  }
0x8d: {  	s2 =	sadd.s32 s2, s17  }
0x8e: {  	[smem:$0x3FA4] =	sst s2  }
0x8f: {  	_ = 	snop  }
0x90: {  	s18 =	sld [smem:$0x3FC9];
	(tm) =	ssettm $0x1  }
0x91: {  	s19 =	sld [smem:$0x3FFB];
	_ =	sdelay $0x3  }
0x92: {  	_ =	strace s19  }
0x93: {  	s2 =	sld [smem:$0x3FFC];
	_ =	sdelay $0x3  }
0x94: {  	_ =	strace s2  }
0x95: {  	s2 =	sld [smem:$0x3FFD];
	_ =	sdelay $0x3  }
0x96: {  	_ =	strace s2  }
0x97: {  	_ =	strace $0x8FFFFFFF  }
0x98: {  	s20 =	sld [smem:$0x3FDB];
	_ =	sdelay $0x1  }
0x99: {  	s4 =	simm.s32 $_scs_section_size  }
0x9a: {  	s5 =	simm.s32 $_size__tile_overlayer_lowered;
	s6 =	simm.s32 $_tile_overlayer_lowered  }
0x9b: {  	s7 =	simm.s32 $0x1BFF;
	s21 =	sshll.u32 s6, $0x1;
	s4 =	sadd.s32 s4, s20  }
0x9c: {  	s22 =	simm.s32 $0x0;
	s5 =	sshll.u32 s5, $0x1;
	s6 =	sadd.s32 s21, s4  }
0x9d: {  	[timem:s22], [sflag:s7] =	dma.local [hbm:s6], s5  }
0x9e: {  	_ =	swait.ge [sflag:s7], s5  }
0x9f: {  	s5 =	ssub.s32 $0x0, s5;
	[sflag:s7] =	ssyncset.done $0x0  }
0xa0: {  	[sflag:s7] =	ssyncadd.s32 s5;
	_ =	sdelay $0x1  }
0xa1: {  	s23 =	simm.s32 $0x1B8B  }
0xa2: {  	_ =	swait.ge [sflag:s23], $0x1  }
0xa3: {  	[sflag:s23] =	ssyncset.done $0x0  }
0xa4: {  	[sflag:s23] =	ssyncadd.s32 $0xFFFFFFFF  }
0xa5: {  	s5 =	sld [smem:$0x0]  }
0xa6: {  	s6 =	sand.u32 $0xFFFFFFFE, s1  }
0xa7: {  	p0 =	sne.s32 s1, s6  }
0xa8: {  	s6 =	sshll.u32 @p0 s6, $0xE  }
0xa9: {  	s6 =	sadd.s32 @p0 $0x11B8D, s6;
	s7 =	sshll.u32 @p0 s5, $0x11  }
0xaa: {  	s6 =	sor.u32 @p0 s7, s6  }
0xab: {  	[sflag:s6] =	ssyncadd.remote.s32 @p0 $0x1;
	_ =	sdelay $0x1  }
0xac: {  	s6 =	simm.s32 @p0 $0x1B8D  }
0xad: {  	_ =	swait.eq @p0 [sflag:s6], $0x1  }
0xae: {  	[sflag:s6] =	ssyncadd.s32 @p0 $0xFFFFFFFF  }
0xaf: {  	s7 =	sshll.u32 @!p0 s1, $0xE  }
0xb0: {  	s7 =	sor.u32 @!p0 $0x4000, s7;
	s6 =	simm.s32 @!p0 $0x1B8D  }
0xb1: {  	s5 =	sshll.u32 @!p0 s5, $0x11;
	s7 =	sadd.s32 @!p0 $0x11B8D, s7;
	_ =	swait.eq @!p0 [sflag:s6], $0x1  }
0xb2: {  	s5 =	sor.u32 @!p0 s5, s7;
	[sflag:s6] =	ssyncadd.s32 @!p0 $0xFFFFFFFF  }
0xb3: {  	s25 =	simm.s32 $0x1B8E;
	s24 =	sld [smem:$0x3FFE];
	[sflag:s5] =	ssyncadd.remote.s32 @!p0 $0x1  }
0xb4: {  	s26 =	simm.s32 $execute0_lowered;
	[smem:$0x3FD2] =	sst s25  }
0xb5: {  	s6 =	sshll.u32 s26, $0x1;
	_ =	strace $0x80000052;
	[dreg:$0x1] =	wrdreg $0xFFFFFFFF  }
0xb6: {  	s28 =	simm.s32 $_size_execute0_lowered;
	s4 =	sadd.s32 s4, s6;
	[dreg:$0x0] =	wrdreg $0x0  }
0xb7: {  	s6 =	sshll.u32 s28, $0x1;
	[dreg:$0x2] =	wrdreg s4  }
0xb8: {  	[dreg:$0x3] =	wrdreg s6  }
0xb9: {  	[dreg:$0x4] =	wrdreg $0xC0  }
0xba: {  	_ =	task [dreg:s22], $0x5FFFF  }
0xbb: {  	[dreg:$0x1] =	wrdreg $0xFFFFFFFF  }
0xbc: {  	[dreg:$0x0] =	wrdreg $0x60  }
0xbd: {  	[dreg:$0x2] =	wrdreg s18  }
0xbe: {  	[dreg:$0x3] =	wrdreg s24  }
0xbf: {  	[dreg:$0x4] =	wrdreg $0x0  }
0xc0: {  	[dreg:$0x5] =	wrdreg $0xA  }
0xc1: {  	_ =	task.clear_ibuf [dreg:s22], $0x6FFFF;
	_ =	strace $0x90000052  }
0xc2: {  	s29 =	simm.s32 $0xA;
	_ =	strace $0x80000054  }
0xc3: {  	_ =	swait.ge [sflag:s29], $0x1  }
0xc4: {  	[sflag:s29] =	ssyncadd.s32 $0xFFFFFFFF  }
0xc5: {  	_ =	strace $0x90000054  }
0xc6: {  	_ =	sfence  }
0xc7: {  	s30 =	sld [smem:$0x0];
	_ =	sdelay $0x2  }
0xc8: {  	s31 =	sshll.u32 s1, $0xD;
	s1 =	sshrl.u32 s1, $0x2  }
0xc9: {  	s4 =	sand.u32 $0x4000, s31;
	s1 =	sadd.s32 s1, s30  }
0xca: {  	s0 =	sor.u32 s4, s0;
	s1 =	sshll.u32 s1, $0x11  }
0xcb: {  	s0 =	sor.u32 s1, s0  }
0xcc: {  	s0 =	sadd.s32 $0x8F2B, s0  }
0xcd: {  	[sflag:s0] =	ssyncadd.remote.s32 $0x1  }
0xce: {  	_ =	sfence.sel $0xFFFF  }
0xcf: {  	[dreg:$0x0] =	wrdreg $0xFFFFFFFF;
	(pc) =	sbr.abs _section_cstart, $3  }
0xd0: {  	[dreg:$0x1] =	wrdreg $0xFFFFFFFF  }
0xd1: {  	_ =	task.clear_ibuf [dreg:s22], $0x2FFFF;
	_ =	strace $0x9FFFFFFF  }
0xd2: {  	(tm) =	ssettm $0x7FFFFFFF  }
0xd3: {  	_ =	shalt  }
tec
execute0_lowered:
.L_overlay_start_1:
0x0: {  	(tag) =	ssettag $0x1  }
0x1: {  	s1 =	rddreg [dreg:$0x0]  }
0x2: {  	s5 =	rddreg [dreg:$0x1]  }
0x3: {  	s2 =	rddreg [dreg:$0x2]  }
0x4: {  	s3 =	srdreg.scid;
	s0 =	rddreg [dreg:$0x3];
	s4 =	simm.s32 $0x0  }
0x5: {  	s19 =	simm.s32 $0x19900;
	s20 =	simm.s32 $0x2;
	s21 =	simm.s32 $0x14000  }
0x6: {  	s22 =	simm.s32 $0x14C80;
	s23 =	simm.s32 $0x80;
	s6 =	sand.u32 $0x1, s3  }
0x7: {  	s24 =	simm.s32 $0x15900;
	s3 =	stileid.u32;
	s8 =	smul.u32 $0x140000, s6  }
0x8: {  	s25 =	simm.s32 $0x1;
	s7 =	sshll.u32 s6, $0x4;
	s9 =	smul.u32 $0x14000, s3  }
0x9: {  	s6 =	ssub.s32 $0x2, s6;
	s30 =	smul.u32 $0x50000, s3;
	s7 =	sor.u32 s3, s7  }
0xa: {  	[smem:$0x7FF] =	sst s4;
	s10 =	sshrl.u32 s6, $0x1;
	s7 =	smul.u32 $0x190, s7  }
0xb: {  	_ =	strace $0x80000053;
	s8 =	sadd.s32 s9, s8;
	s10 =	ssub.s32 s6, s10  }
0xc: {  	s31 =	sshrl.u32 s30, $0x2;
	s8 =	sshrl.u32 s8, $0x3;
	s7 =	sadd.s32 s7, s5  }
0xd: {  	s9 =	smax.u32 s10, $0x1;
	s8 =	sadd.s32 s8, s5;
	s6 =	sadd.s32 $0x202C00, s7  }
0xe: {  	s5 =	sadd.s32 s31, s2;
	s7 =	sadd.s32 $0x18000, s7;
	s8 =	sadd.s32 $0x205E00, s8  }
0xf: {  	s10 =	sadd.s32 $0x2000, s5;
	s11 =	sadd.s32 $0x4000, s5;
	s12 =	sadd.s32 $0x6000, s5  }
0x10: {  	s13 =	sadd.s32 $0x8000, s5;
	s14 =	sadd.s32 $0xA000, s5;
	s15 =	sadd.s32 $0xC000, s5  }
0x11: {  	v0 =	vimm.f32 $0.0e+00;
	s16 =	sadd.s32 $0xE000, s5;
	s17 =	sadd.s32 $0x10000, s5;
	s18 =	sadd.s32 $0x12000, s5  }
.LBB2_1:
0x12: {  	s26 =	simm.s32 $0x0;
	s28 =	simm.s32 $0x200  }
.LBB2_2:
0x13: {  	p0 =	sne.s32 s28, $0x7E00;
	[tilespmem:s26+$0x19970] =	vst v0  }
0x14: {  	[tilespmem:s26+$0x19900] =	vst v0  }
0x15: {  	[tilespmem:s26+$0x19910] =	vst v0  }
.Ltmp0:
0x16: {  	[tilespmem:s26+$0x19920] =	vst v0;
	(pc) =	sbr.rel @p0 .LBB2_2-.Ltmp0, $4  }
0x17: {  	[tilespmem:s26+$0x19930] =	vst v0  }
0x18: {  	[tilespmem:s26+$0x19940] =	vst v0  }
0x19: {  	[tilespmem:s26+$0x19950] =	vst v0  }
0x1a: {  	[tilespmem:s26+$0x19960] =	vst v0;
	s26 =	sshra.s32 s28, $0x2;
	s28 =	sadd.s32 $0x200, s28  }
0x1b: {  	[tilespmem:s26+$0x19970] =	vst v0  }
0x1c: {  	[tilespmem:s26+$0x19900] =	vst v0  }
0x1d: {  	[tilespmem:s26+$0x19910] =	vst v0  }
0x1e: {  	[tilespmem:s26+$0x19920] =	vst v0  }
0x1f: {  	[tilespmem:s26+$0x19930] =	vst v0  }
0x20: {  	[tilespmem:s26+$0x19940] =	vst v0  }
0x21: {  	[tilespmem:s26+$0x19950] =	vst v0  }
0x22: {  	[tilespmem:s26+$0x19960] =	vst v0  }
0x23: {  	[spmem:s5] =	stream.linear.scatter [tilespmem:s19], [sflag:$0x2], $0x2000, $0x38;
	[tilespmem:$0x1B900] =	vst v63  }
0x24: {  	_ =	swait.ge [sflag:s20], $0x2000  }
0x25: {  	[sflag:s20] =	ssyncset.done $0x0  }
0x26: {  	[sflag:s20] =	ssyncadd.s32 $0xFFFFE000  }
0x27: {  	[spmem:s10] =	stream.linear.scatter [tilespmem:s19], [sflag:$0x2], $0x2000, $0x38;
	[tilespmem:$0x1B900] =	vst v63  }
0x28: {  	_ =	swait.ge [sflag:s20], $0x2000  }
0x29: {  	[sflag:s20] =	ssyncset.done $0x0  }
0x2a: {  	[sflag:s20] =	ssyncadd.s32 $0xFFFFE000  }
0x2b: {  	[spmem:s11] =	stream.linear.scatter [tilespmem:s19], [sflag:$0x2], $0x2000, $0x38;
	[tilespmem:$0x1B900] =	vst v63  }
0x2c: {  	_ =	swait.ge [sflag:s20], $0x2000  }
0x2d: {  	[sflag:s20] =	ssyncset.done $0x0  }
0x2e: {  	[sflag:s20] =	ssyncadd.s32 $0xFFFFE000  }
0x2f: {  	[spmem:s12] =	stream.linear.scatter [tilespmem:s19], [sflag:$0x2], $0x2000, $0x38;
	[tilespmem:$0x1B900] =	vst v63  }
0x30: {  	_ =	swait.ge [sflag:s20], $0x2000  }
0x31: {  	[sflag:s20] =	ssyncset.done $0x0  }
0x32: {  	[sflag:s20] =	ssyncadd.s32 $0xFFFFE000  }
0x33: {  	[spmem:s13] =	stream.linear.scatter [tilespmem:s19], [sflag:$0x2], $0x2000, $0x38;
	[tilespmem:$0x1B900] =	vst v63  }
0x34: {  	_ =	swait.ge [sflag:s20], $0x2000  }
0x35: {  	[sflag:s20] =	ssyncset.done $0x0  }
0x36: {  	[sflag:s20] =	ssyncadd.s32 $0xFFFFE000  }
0x37: {  	[spmem:s14] =	stream.linear.scatter [tilespmem:s19], [sflag:$0x2], $0x2000, $0x38;
	[tilespmem:$0x1B900] =	vst v63  }
0x38: {  	_ =	swait.ge [sflag:s20], $0x2000  }
0x39: {  	[sflag:s20] =	ssyncset.done $0x0  }
0x3a: {  	[sflag:s20] =	ssyncadd.s32 $0xFFFFE000  }
0x3b: {  	[spmem:s15] =	stream.linear.scatter [tilespmem:s19], [sflag:$0x2], $0x2000, $0x38;
	[tilespmem:$0x1B900] =	vst v63  }
0x3c: {  	_ =	swait.ge [sflag:s20], $0x2000  }
0x3d: {  	[sflag:s20] =	ssyncset.done $0x0  }
0x3e: {  	[sflag:s20] =	ssyncadd.s32 $0xFFFFE000  }
0x3f: {  	[spmem:s16] =	stream.linear.scatter [tilespmem:s19], [sflag:$0x2], $0x2000, $0x38;
	[tilespmem:$0x1B900] =	vst v63  }
0x40: {  	_ =	swait.ge [sflag:s20], $0x2000  }
0x41: {  	[sflag:s20] =	ssyncset.done $0x0  }
0x42: {  	[sflag:s20] =	ssyncadd.s32 $0xFFFFE000  }
0x43: {  	[spmem:s17] =	stream.linear.scatter [tilespmem:s19], [sflag:$0x2], $0x2000, $0x38;
	[tilespmem:$0x1B900] =	vst v63  }
0x44: {  	_ =	swait.ge [sflag:s20], $0x2000  }
0x45: {  	[sflag:s20] =	ssyncset.done $0x0  }
0x46: {  	[sflag:s20] =	ssyncadd.s32 $0xFFFFE000  }
0x47: {  	[spmem:s18] =	stream.linear.scatter [tilespmem:s19], [sflag:$0x2], $0x2000, $0x38;
	[tilespmem:$0x1B900] =	vst v63  }
0x48: {  	_ =	swait.ge [sflag:s20], $0x2000  }
0x49: {  	[sflag:s20] =	ssyncset.done $0x0  }
0x4a: {  	s29 =	simm.s32 $0x0;
	[sflag:s20] =	ssyncadd.s32 $0xFFFFE000  }
0x4b: {  	[tilespmem:s21], [sflag:$0x2] =	stream.linear.gather [hbm4b:s6+s29], $0xC80, $0x38;
	[tilespmem:$0x1B900] =	vst v63  }
0x4c: {  	_ =	swait.ge [sflag:s20], $0xC80  }
0x4d: {  	[sflag:s20] =	ssyncset.done $0x0  }
0x4e: {  	[sflag:s20] =	ssyncadd.s32 $0xFFFFF380  }
0x4f: {  	[tilespmem:s22], [sflag:$0x2] =	stream.linear.gather [hbm4b:s7+s29], $0xC80, $0x38;
	[tilespmem:$0x1B900] =	vst v63  }
0x50: {  	_ =	swait.ge [sflag:s20], $0xC80  }
0x51: {  	[sflag:s20] =	ssyncset.done $0x0  }
0x52: {  	[sflag:s20] =	ssyncadd.s32 $0xFFFFF380  }
0x53: {  	s30 =	simm.s32 $0x14000;
	[bflag:$0x0] =	sbarrier.arrive $0xFFFF  }
0x54: {  	[tilespmem:s24], [sflag:$0x1] =	stream.indirect.gather [hbm4b:s1+s23], $0x80, s30, s23, $0xb8;
	[tilespmem:$0x1B900] =	vst v63  }
0x55: {  	_ =	swait.ge [sflag:s25], $0x4000  }
0x56: {  	[sflag:s25] =	ssyncset.done $0x0  }
0x57: {  	s31 =	simm.s32 $0x14C80;
	[sflag:s25] =	ssyncadd.s32 $0xFFFFC000  }
0x58: {  	[spmem:s2] =	stream.indirect.scatter.add.f32 [tilespmem:s24], [sflag:$0x2], $0x80, s31, s23, $0xb8;
	[tilespmem:$0x1B900] =	vst v63  }
0x59: {  	_ =	swait.ge [sflag:s20], $0x4000  }
0x5a: {  	s28 =	simm.s32 $0x400;
	s26 =	simm.s32 $0x80;
	[sflag:s20] =	ssyncset.done $0x0  }
.LBB2_4:
0x5b: {  	s29 =	sadd.s32 $0x14000, s26  }
0x5c: {  	[sflag:s20] =	ssyncadd.s32 $0xFFFFC000;
	s30 =	smov.u32 s28;
	s31 =	sadd.s32 $0x200, s28  }
0x5d: {  	[tilespmem:s24], [sflag:$0x1] =	stream.indirect.gather [hbm4b:s1+s23], $0x80, s29, s23, $0xb8;
	[tilespmem:$0x1B900] =	vst v63  }
0x5e: {  	p0 =	sne.s32 s28, $0x3000;
	_ =	swait.ge [sflag:s25], $0x4000  }
.Ltmp1:
0x5f: {  	[sflag:s25] =	ssyncset.done $0x0;
	(pc) =	sbr.rel @p0 .LBB2_4-.Ltmp1, $4  }
0x60: {  	s26 =	sadd.s32 $0x14C80, s26;
	[sflag:s25] =	ssyncadd.s32 $0xFFFFC000  }
0x61: {  	[spmem:s2] =	stream.indirect.scatter.add.f32 [tilespmem:s24], [sflag:$0x2], $0x80, s26, s23, $0xb8;
	[tilespmem:$0x1B900] =	vst v63  }
0x62: {  	_ =	swait.ge [sflag:s20], $0x4000  }
0x63: {  	s28 =	smov.u32 s31;
	s26 =	sshra.s32 s30, $0x2;
	[sflag:s20] =	ssyncset.done $0x0  }
0x64: {  	s28 =	sadd.s32 $0x14000, s26;
	[sflag:s20] =	ssyncadd.s32 $0xFFFFC000  }
0x65: {  	[tilespmem:s24], [sflag:$0x1] =	stream.indirect.gather [hbm4b:s1+s23], $0x80, s28, s23, $0xb8;
	[tilespmem:$0x1B900] =	vst v63  }
0x66: {  	_ =	swait.ge [sflag:s25], $0x4000  }
0x67: {  	[sflag:s25] =	ssyncset.done $0x0  }
0x68: {  	s29 =	sadd.s32 $0x14C80, s26;
	[sflag:s25] =	ssyncadd.s32 $0xFFFFC000  }
0x69: {  	[spmem:s2] =	stream.indirect.scatter.add.f32 [tilespmem:s24], [sflag:$0x2], $0x80, s29, s23, $0xb8;
	[tilespmem:$0x1B900] =	vst v63  }
0x6a: {  	_ =	swait.ge [sflag:s20], $0x4000  }
0x6b: {  	s30 =	sshll.u32 s3, $0x6;
	s4 =	sadd.s32 $0x1, s4;
	[sflag:s20] =	ssyncset.done $0x0  }
0x6c: {  	s31 =	sshrl.u32 s5, $0x3;
	p0 =	sne.s32 s4, s9;
	[sflag:s20] =	ssyncadd.s32 $0xFFFFC000  }
.Ltmp2:
0x6d: {  	s26 =	sor.u32 $0x1C02, s30;
	[bflag:$0x0] =	sbarrier.arrive $0xFFFF;
	(pc) =	sbr.rel @p0 .LBB2_1-.Ltmp2, $4  }
0x6e: {  	[hbm:s8], [sflag:s26] =	dma.local [spmem:s31], $0x2800  }
0x6f: {  	_ =	swait.ge [sflag:s20], $0x2800  }
0x70: {  	[sflag:s20] =	ssyncset.done $0x0  }
0x71: {  	[sflag:s20] =	ssyncadd.s32 $0xFFFFD800  }
0x72: {  	_ =	sfence.sel $0x180000  }
0x73: {  	[bflag:$0x0] =	sbarrier.arrive $0xFFFF  }
0x74: {  	p0 =	sne.s32 s3, $0x0;
	_ =	strace $0x90000053  }
0x75: {  	s0 =	sadd.s32 @!p0 $0x100000, s0;
	[bflag:$0x2] =	sbarrier.arrive $0xFFFF  }
0x76: {  	[sflag:s0] =	ssyncadd.tile.s32 @!p0 $0x1;
	_ =	shalt  }
.Lfunc_end2:
_tile_overlayer_lowered:
.L_overlay_start_2:
0x77: {  	(tag) =	ssettag $0x2  }
0x78: {  	s0 =	rddreg [dreg:$0x0];
	s2 =	stileid.u32  }
0x79: {  	s1 =	rddreg [dreg:$0x1];
	p0 =	sne.s32 s2, $0x0  }
0x7a: {  	s3 =	rddreg [dreg:$0x2];
	[bflag:$0x3] =	sbarrier.arrive $0xFFFF;
	s2 =	simm.s32 @!p0 $0x1C02  }
0x7b: {  	[timem:s3], [sflag:s2] =	dma.local @!p0 [hbm:s0], s1  }
0x7c: {  	s0 =	simm.s32 @!p0 $0x2  }
0x7d: {  	_ =	swait.ge @!p0 [sflag:s0], s1  }
0x7e: {  	s1 =	ssub.s32 @!p0 $0x0, s1;
	[sflag:s0] =	ssyncset.done @!p0 $0x0  }
0x7f: {  	[sflag:s0] =	ssyncadd.s32 @!p0 s1  }
0x80: {  	[bflag:$0x3] =	sbarrier.arrive $0xFFFF  }
0x81: {  	_ =	shalt  }

// kernel: kernel.18.cloned.1.call-start
scs
__scs_entry_jumppad:
0x0: {  	(pc) =	sbr.rel $0x88, $3  }
0x1: {  	(tag) =	ssettag $0x0;
	lr =	simm.s32 $0x1  }
0x2: {  	[smem:$0x3F7D] =	sst lr;
	_ =	strace $0xD0000000  }
0x3: {  	_ = 	snop  }
0x4: {  	_ = 	snop  }
0x5: {  	_ = 	snop  }
0x6: {  	_ = 	snop  }
0x7: {  	_ = 	snop  }
__scs_overlays_trampoline_lowered:
0x8: {  	[smem:$0x3F8C] =	sst s0  }
0x9: {  	[smem:$0x3F8D] =	sst s1  }
0xa: {  	[smem:$0x3F8E] =	sst s2  }
0xb: {  	[smem:$0x3F8F] =	sst s3  }
0xc: {  	[smem:$0x3F90] =	sst s4  }
0xd: {  	[smem:$0x3F91] =	sst s5  }
0xe: {  	[smem:$0x3F92] =	sst s6  }
0xf: {  	[smem:$0x3F93] =	sst s7  }
0x10: {  	[smem:$0x3F94] =	sst s8  }
0x11: {  	[smem:$0x3F95] =	sst s9;
	s0 =	simm.s32 @!p0 $0x0  }
0x12: {  	s1 =	sld [smem:$0x3F7B];
	s0 =	simm.s32 @p0 $0x1  }
0x13: {  	[smem:$0x3F96] =	sst s0;
	s0 =	simm.s32 @!p1 $0x0  }
0x14: {  	s2 =	sld [smem:$0x3F7A];
	s0 =	simm.s32 @p1 $0x1  }
0x15: {  	[smem:$0x3F97] =	sst s0;
	s0 =	simm.s32 @!p2 $0x0  }
0x16: {  	s3 =	sld [smem:$0x3FDB];
	s0 =	simm.s32 @p2 $0x1  }
0x17: {  	s4 =	simm.s32 $0x1BF5;
	[smem:$0x3F99] =	sst s0  }
0x18: {  	s0 =	sld [smem:$0x3F7C];
	_ =	swait.ge [sflag:s4], $0x0  }
0x19: {  	s7 =	sld [smem:$0x3F7D]  }
0x1a: {  	s8 =	sadd.s32 $0xFFFFE003, lr  }
0x1b: {  	s9 =	sadd.s32 $0xFFFFFEF7, lr;
	s5 =	simm.s32 $0xFFFFFFFF;
	p2 =	slt.u32 s8, $0xFFFFF086  }
0x1c: {  	p1 =	slt.u32 s9, $0xF7A;
	s5 =	simm.s32 @!p2 $0x0  }
0x1d: {  	s5 =	simm.s32 @p1 $0x1;
	p0 =	seq.s32 s7, s2  }
0x1e: {  	s7 =	smul.u32 @!p0 $0xF7A, s2;
	p2 =	seq.s32 @!p0 s5, $0x0  }
0x1f: {  	s9 =	smul.u32 $0xF7A, s1;
	s8 =	simm.s32 @!p0 $0x1BF5;
	p2 =	por !p2, p0  }
0x20: {  	[sflag:s8] =	ssyncset.s32 @!p0 $0xFFFFF086;
	s6 =	sadd.s32 @!p0 s3, s7;
	s7 =	simm.s32 @!p0 $0x108  }
0x21: {  	s3 =	sadd.s32 s3, s9;
	s6 =	sadd.s32 @!p0 $0x88, s6;
	s7 =	simm.s32 @p2 $0x1082  }
0x22: {  	[simem:s7], [sflag:s8] =	dma.local @!p0 [hbm:s6], $0xF7A  }
0x23: {  	s9 =	sor.u32 $0xD0000000, s2;
	s6 =	simm.s32 $0x108;
	_ =	swait.ge @!p0 [sflag:s8], $0x0  }
0x24: {  	s3 =	sadd.s32 $0x88, s3;
	s6 =	simm.s32 @!p1 $0x1082;
	[sflag:s4] =	ssyncset.s32 $0xFFFFF086  }
0x25: {  	[simem:s6], [sflag:s4] =	dma.local [hbm:s3], $0xF7A  }
0x26: {  	[smem:$0x3F7D] =	sst s1;
	(tag) =	ssettag s2;
	_ =	strace s9  }
0x27: {  	s1 =	sld [smem:$0x3F8D]  }
0x28: {  	s2 =	sld [smem:$0x3F8E]  }
0x29: {  	s4 =	sld [smem:$0x3F90]  }
0x2a: {  	p0 =	seq.s32 s5, $0x0;
	s5 =	sld [smem:$0x3F91]  }
0x2b: {  	s6 =	sld [smem:$0x3F92]  }
0x2c: {  	s7 =	sld [smem:$0x3F93]  }
0x2d: {  	s3 =	simm.s32 $0x108;
	s8 =	sld [smem:$0x3F94]  }
0x2e: {  	s3 =	simm.s32 @!p0 $0x1082;
	s9 =	sld [smem:$0x3F95]  }
0x2f: {  	lr =	sadd.s32 s0, s3;
	s0 =	sld [smem:$0x3F8C]  }
0x30: {  	s3 =	sld [smem:$0x3F8F]  }
0x31: {  	[smem:$0x3F98] =	sst s10  }
0x32: {  	s10 =	sld [smem:$0x3F96];
	_ =	sdelay $0x3  }
0x33: {  	p0 =	seq.s32 s10, $0x1;
	s10 =	sld [smem:$0x3F98];
	_ =	sdelay $0x3  }
0x34: {  	[smem:$0x3F98] =	sst s10  }
0x35: {  	s10 =	sld [smem:$0x3F97];
	_ =	sdelay $0x3  }
0x36: {  	p1 =	seq.s32 s10, $0x1;
	s10 =	sld [smem:$0x3F98];
	_ =	sdelay $0x3  }
0x37: {  	[smem:$0x3F98] =	sst s10  }
0x38: {  	s10 =	sld [smem:$0x3F99]  }
0x39: {  	_ = 	snop;
	(pc) =	sbr.ind lr, $3  }
0x3a: {  	_ = 	snop  }
0x3b: {  	_ = 	snop  }
0x3c: {  	p2 =	seq.s32 s10, $0x1;
	s10 =	sld [smem:$0x3F98]  }
0x3d: {  	_ =	shalt  }
0x3e: {  	_ =	shalt  }
0x3f: {  	_ =	shalt  }
0x40: {  	_ =	shalt  }
0x41: {  	_ =	shalt  }
0x42: {  	_ =	shalt  }
0x43: {  	_ =	shalt  }
0x44: {  	_ =	shalt  }
0x45: {  	_ =	shalt  }
0x46: {  	_ =	shalt  }
0x47: {  	_ =	shalt  }
0x48: {  	_ =	shalt  }
0x49: {  	_ =	shalt  }
0x4a: {  	_ =	shalt  }
0x4b: {  	_ =	shalt  }
0x4c: {  	_ =	shalt  }
0x4d: {  	_ =	shalt  }
0x4e: {  	_ =	shalt  }
0x4f: {  	_ =	shalt  }
0x50: {  	_ =	shalt  }
0x51: {  	_ =	shalt  }
0x52: {  	_ =	shalt  }
0x53: {  	_ =	shalt  }
0x54: {  	_ =	shalt  }
0x55: {  	_ =	shalt  }
0x56: {  	_ =	shalt  }
0x57: {  	_ =	shalt  }
0x58: {  	_ =	shalt  }
0x59: {  	_ =	shalt  }
0x5a: {  	_ =	shalt  }
0x5b: {  	_ =	shalt  }
0x5c: {  	_ =	shalt  }
0x5d: {  	_ =	shalt  }
0x5e: {  	_ =	shalt  }
0x5f: {  	_ =	shalt  }
0x60: {  	_ =	shalt  }
0x61: {  	_ =	shalt  }
0x62: {  	_ =	shalt  }
0x63: {  	_ =	shalt  }
0x64: {  	_ =	shalt  }
0x65: {  	_ =	shalt  }
0x66: {  	_ =	shalt  }
0x67: {  	_ =	shalt  }
0x68: {  	_ =	shalt  }
0x69: {  	_ =	shalt  }
0x6a: {  	_ =	shalt  }
0x6b: {  	_ =	shalt  }
0x6c: {  	_ =	shalt  }
0x6d: {  	_ =	shalt  }
0x6e: {  	_ =	shalt  }
0x6f: {  	_ =	shalt  }
0x70: {  	_ =	shalt  }
0x71: {  	_ =	shalt  }
0x72: {  	_ =	shalt  }
0x73: {  	_ =	shalt  }
0x74: {  	_ =	shalt  }
0x75: {  	_ =	shalt  }
0x76: {  	_ =	shalt  }
0x77: {  	_ =	shalt  }
0x78: {  	_ =	shalt  }
0x79: {  	_ =	shalt  }
0x7a: {  	_ =	shalt  }
0x7b: {  	_ =	shalt  }
0x7c: {  	_ =	shalt  }
0x7d: {  	_ =	shalt  }
0x7e: {  	_ =	shalt  }
0x7f: {  	_ =	shalt  }
0x80: {  	_ =	shalt  }
0x81: {  	_ =	shalt  }
0x82: {  	_ =	shalt  }
0x83: {  	_ =	shalt  }
0x84: {  	_ =	shalt  }
0x85: {  	_ =	shalt  }
0x86: {  	_ =	shalt  }
0x87: {  	_ =	shalt  }
.Lfunc_end0:
.L_simem_size_0:
called_computation.2_lowered:
.L_overlay_start_0:
0x88: {  	s2 =	sld [smem:$0x3FD9]  }
0x89: {  	s3 =	sld [smem:$0x3FFE];
	_ =	sdelay $0x1  }
0x8a: {  	s1 =	srdreg.scid  }
0x8b: {  	s0 =	sand.u32 $0x1, s1  }
0x8c: {  	s17 =	sshll.u32 s0, $0xA;
	s2 =	sadd.s32 s3, s2  }
0x8d: {  	s2 =	sadd.s32 s2, s17  }
0x8e: {  	[smem:$0x3FA4] =	sst s2  }
0x8f: {  	_ = 	snop  }
0x90: {  	s18 =	sld [smem:$0x3FC8];
	(tm) =	ssettm $0x1  }
0x91: {  	s19 =	sld [smem:$0x3FFB];
	_ =	sdelay $0x3  }
0x92: {  	_ =	strace s19  }
0x93: {  	s2 =	sld [smem:$0x3FFC];
	_ =	sdelay $0x3  }
0x94: {  	_ =	strace s2  }
0x95: {  	s2 =	sld [smem:$0x3FFD];
	_ =	sdelay $0x3  }
0x96: {  	_ =	strace s2  }
0x97: {  	_ =	strace $0x8FFFFFFF  }
0x98: {  	s20 =	sld [smem:$0x3FDB];
	_ =	sdelay $0x1  }
0x99: {  	s4 =	simm.s32 $_scs_section_size  }
0x9a: {  	s5 =	simm.s32 $_size__tile_overlayer_lowered;
	s6 =	simm.s32 $_tile_overlayer_lowered  }
0x9b: {  	s7 =	simm.s32 $0x1BFF;
	s21 =	sshll.u32 s6, $0x1;
	s4 =	sadd.s32 s4, s20  }
0x9c: {  	s22 =	simm.s32 $0x0;
	s5 =	sshll.u32 s5, $0x1;
	s6 =	sadd.s32 s21, s4  }
0x9d: {  	[timem:s22], [sflag:s7] =	dma.local [hbm:s6], s5  }
0x9e: {  	_ =	swait.ge [sflag:s7], s5  }
0x9f: {  	s5 =	ssub.s32 $0x0, s5;
	[sflag:s7] =	ssyncset.done $0x0  }
0xa0: {  	[sflag:s7] =	ssyncadd.s32 s5;
	_ =	sdelay $0x1  }
0xa1: {  	s23 =	simm.s32 $0x1B8B  }
0xa2: {  	_ =	swait.ge [sflag:s23], $0x1  }
0xa3: {  	[sflag:s23] =	ssyncset.done $0x0  }
0xa4: {  	[sflag:s23] =	ssyncadd.s32 $0xFFFFFFFF  }
0xa5: {  	s5 =	sld [smem:$0x0]  }
0xa6: {  	s6 =	sand.u32 $0xFFFFFFFE, s1  }
0xa7: {  	p0 =	sne.s32 s1, s6  }
0xa8: {  	s6 =	sshll.u32 @p0 s6, $0xE  }
0xa9: {  	s6 =	sadd.s32 @p0 $0x11B8D, s6;
	s7 =	sshll.u32 @p0 s5, $0x11  }
0xaa: {  	s6 =	sor.u32 @p0 s7, s6  }
0xab: {  	[sflag:s6] =	ssyncadd.remote.s32 @p0 $0x1;
	_ =	sdelay $0x1  }
0xac: {  	s6 =	simm.s32 @p0 $0x1B8D  }
0xad: {  	_ =	swait.eq @p0 [sflag:s6], $0x1  }
0xae: {  	[sflag:s6] =	ssyncadd.s32 @p0 $0xFFFFFFFF  }
0xaf: {  	s7 =	sshll.u32 @!p0 s1, $0xE  }
0xb0: {  	s7 =	sor.u32 @!p0 $0x4000, s7;
	s6 =	simm.s32 @!p0 $0x1B8D  }
0xb1: {  	s5 =	sshll.u32 @!p0 s5, $0x11;
	s7 =	sadd.s32 @!p0 $0x11B8D, s7;
	_ =	swait.eq @!p0 [sflag:s6], $0x1  }
0xb2: {  	s5 =	sor.u32 @!p0 s5, s7;
	[sflag:s6] =	ssyncadd.s32 @!p0 $0xFFFFFFFF  }
0xb3: {  	s25 =	simm.s32 $0x1B8E;
	s24 =	sld [smem:$0x3FFE];
	[sflag:s5] =	ssyncadd.remote.s32 @!p0 $0x1  }
0xb4: {  	s26 =	simm.s32 $execute0_lowered;
	[smem:$0x3FD2] =	sst s25  }
0xb5: {  	s6 =	sshll.u32 s26, $0x1;
	_ =	strace $0x80000055;
	[dreg:$0x1] =	wrdreg $0xFFFFFFFF  }
0xb6: {  	s28 =	simm.s32 $_size_execute0_lowered;
	s4 =	sadd.s32 s4, s6;
	[dreg:$0x0] =	wrdreg $0x0  }
0xb7: {  	s6 =	sshll.u32 s28, $0x1;
	[dreg:$0x2] =	wrdreg s4  }
0xb8: {  	[dreg:$0x3] =	wrdreg s6  }
0xb9: {  	[dreg:$0x4] =	wrdreg $0xC0  }
0xba: {  	_ =	task [dreg:s22], $0x5FFFF  }
0xbb: {  	[dreg:$0x1] =	wrdreg $0xFFFFFFFF  }
0xbc: {  	[dreg:$0x0] =	wrdreg $0x60  }
0xbd: {  	[dreg:$0x2] =	wrdreg s18  }
0xbe: {  	[dreg:$0x3] =	wrdreg s24  }
0xbf: {  	[dreg:$0x4] =	wrdreg $0x0  }
0xc0: {  	[dreg:$0x5] =	wrdreg $0xB  }
0xc1: {  	_ =	task.clear_ibuf [dreg:s22], $0x6FFFF;
	_ =	strace $0x90000055  }
0xc2: {  	s29 =	simm.s32 $0xB;
	_ =	strace $0x80000057  }
0xc3: {  	_ =	swait.ge [sflag:s29], $0x1  }
0xc4: {  	[sflag:s29] =	ssyncadd.s32 $0xFFFFFFFF  }
0xc5: {  	_ =	strace $0x90000057  }
0xc6: {  	_ =	sfence  }
0xc7: {  	s30 =	sld [smem:$0x0];
	_ =	sdelay $0x2  }
0xc8: {  	s31 =	sshll.u32 s1, $0xD;
	s1 =	sshrl.u32 s1, $0x2  }
0xc9: {  	s4 =	sand.u32 $0x4000, s31;
	s1 =	sadd.s32 s1, s30  }
0xca: {  	s0 =	sor.u32 s4, s0;
	s1 =	sshll.u32 s1, $0x11  }
0xcb: {  	s0 =	sor.u32 s1, s0  }
0xcc: {  	s0 =	sadd.s32 $0x8F2B, s0  }
0xcd: {  	[sflag:s0] =	ssyncadd.remote.s32 $0x1  }
0xce: {  	_ =	sfence.sel $0xFFFF  }
0xcf: {  	[dreg:$0x0] =	wrdreg $0xFFFFFFFF;
	(pc) =	sbr.abs _section_cstart, $3  }
0xd0: {  	[dreg:$0x1] =	wrdreg $0xFFFFFFFF  }
0xd1: {  	_ =	task.clear_ibuf [dreg:s22], $0x2FFFF;
	_ =	strace $0x9FFFFFFF  }
0xd2: {  	(tm) =	ssettm $0x7FFFFFFF  }
0xd3: {  	_ =	shalt  }
tec
execute0_lowered:
.L_overlay_start_1:
0x0: {  	(tag) =	ssettag $0x1  }
0x1: {  	s1 =	rddreg [dreg:$0x0]  }
0x2: {  	s5 =	rddreg [dreg:$0x1]  }
0x3: {  	s2 =	rddreg [dreg:$0x2]  }
0x4: {  	s3 =	srdreg.scid;
	s0 =	rddreg [dreg:$0x3];
	s4 =	simm.s32 $0x0  }
0x5: {  	s19 =	simm.s32 $0x19900;
	s20 =	simm.s32 $0x2;
	s21 =	simm.s32 $0x14000  }
0x6: {  	s22 =	simm.s32 $0x14C80;
	s23 =	simm.s32 $0x80;
	s24 =	simm.s32 $0x15900  }
0x7: {  	s25 =	simm.s32 $0x1;
	s6 =	sand.u32 $0x1, s3;
	s3 =	stileid.u32  }
0x8: {  	[smem:$0x7FF] =	sst s4;
	s7 =	sshll.u32 s6, $0x4;
	s8 =	smul.u32 $0x140000, s6  }
0x9: {  	s9 =	smul.u32 $0x14000, s3;
	_ =	strace $0x80000056;
	s6 =	ssub.s32 $0x2, s6  }
0xa: {  	s30 =	smul.u32 $0x50000, s3;
	s7 =	sor.u32 s3, s7;
	s10 =	sshrl.u32 s6, $0x1  }
0xb: {  	s7 =	smul.u32 $0x190, s7;
	s8 =	sadd.s32 s9, s8;
	s10 =	ssub.s32 s6, s10  }
0xc: {  	s31 =	sshrl.u32 s30, $0x2;
	s8 =	sshrl.u32 s8, $0x3;
	s9 =	smax.u32 s10, $0x1  }
0xd: {  	s7 =	sadd.s32 s7, s5;
	s8 =	sadd.s32 s8, s5;
	s5 =	sadd.s32 s31, s2  }
0xe: {  	s6 =	sadd.s32 $0x255E00, s7;
	s7 =	sadd.s32 $0x1B200, s7;
	s8 =	sadd.s32 $0x259000, s8  }
0xf: {  	s10 =	sadd.s32 $0x2000, s5;
	s11 =	sadd.s32 $0x4000, s5;
	s12 =	sadd.s32 $0x6000, s5  }
0x10: {  	s13 =	sadd.s32 $0x8000, s5;
	s14 =	sadd.s32 $0xA000, s5;
	s15 =	sadd.s32 $0xC000, s5  }
0x11: {  	v0 =	vimm.f32 $0.0e+00;
	s16 =	sadd.s32 $0xE000, s5;
	s17 =	sadd.s32 $0x10000, s5;
	s18 =	sadd.s32 $0x12000, s5  }
.LBB2_1:
0x12: {  	s26 =	simm.s32 $0x0;
	s28 =	simm.s32 $0x200  }
.LBB2_2:
0x13: {  	p0 =	sne.s32 s28, $0x7E00;
	[tilespmem:s26+$0x19970] =	vst v0  }
0x14: {  	[tilespmem:s26+$0x19900] =	vst v0  }
0x15: {  	[tilespmem:s26+$0x19910] =	vst v0  }
.Ltmp0:
0x16: {  	[tilespmem:s26+$0x19920] =	vst v0;
	(pc) =	sbr.rel @p0 .LBB2_2-.Ltmp0, $4  }
0x17: {  	[tilespmem:s26+$0x19930] =	vst v0  }
0x18: {  	[tilespmem:s26+$0x19940] =	vst v0  }
0x19: {  	[tilespmem:s26+$0x19950] =	vst v0  }
0x1a: {  	[tilespmem:s26+$0x19960] =	vst v0;
	s26 =	sshra.s32 s28, $0x2;
	s28 =	sadd.s32 $0x200, s28  }
0x1b: {  	[tilespmem:s26+$0x19970] =	vst v0  }
0x1c: {  	[tilespmem:s26+$0x19900] =	vst v0  }
0x1d: {  	[tilespmem:s26+$0x19910] =	vst v0  }
0x1e: {  	[tilespmem:s26+$0x19920] =	vst v0  }
0x1f: {  	[tilespmem:s26+$0x19930] =	vst v0  }
0x20: {  	[tilespmem:s26+$0x19940] =	vst v0  }
0x21: {  	[tilespmem:s26+$0x19950] =	vst v0  }
0x22: {  	[tilespmem:s26+$0x19960] =	vst v0  }
0x23: {  	[spmem:s5] =	stream.linear.scatter [tilespmem:s19], [sflag:$0x2], $0x2000, $0x38;
	[tilespmem:$0x1B900] =	vst v63  }
0x24: {  	_ =	swait.ge [sflag:s20], $0x2000  }
0x25: {  	[sflag:s20] =	ssyncset.done $0x0  }
0x26: {  	[sflag:s20] =	ssyncadd.s32 $0xFFFFE000  }
0x27: {  	[spmem:s10] =	stream.linear.scatter [tilespmem:s19], [sflag:$0x2], $0x2000, $0x38;
	[tilespmem:$0x1B900] =	vst v63  }
0x28: {  	_ =	swait.ge [sflag:s20], $0x2000  }
0x29: {  	[sflag:s20] =	ssyncset.done $0x0  }
0x2a: {  	[sflag:s20] =	ssyncadd.s32 $0xFFFFE000  }
0x2b: {  	[spmem:s11] =	stream.linear.scatter [tilespmem:s19], [sflag:$0x2], $0x2000, $0x38;
	[tilespmem:$0x1B900] =	vst v63  }
0x2c: {  	_ =	swait.ge [sflag:s20], $0x2000  }
0x2d: {  	[sflag:s20] =	ssyncset.done $0x0  }
0x2e: {  	[sflag:s20] =	ssyncadd.s32 $0xFFFFE000  }
0x2f: {  	[spmem:s12] =	stream.linear.scatter [tilespmem:s19], [sflag:$0x2], $0x2000, $0x38;
	[tilespmem:$0x1B900] =	vst v63  }
0x30: {  	_ =	swait.ge [sflag:s20], $0x2000  }
0x31: {  	[sflag:s20] =	ssyncset.done $0x0  }
0x32: {  	[sflag:s20] =	ssyncadd.s32 $0xFFFFE000  }
0x33: {  	[spmem:s13] =	stream.linear.scatter [tilespmem:s19], [sflag:$0x2], $0x2000, $0x38;
	[tilespmem:$0x1B900] =	vst v63  }
0x34: {  	_ =	swait.ge [sflag:s20], $0x2000  }
0x35: {  	[sflag:s20] =	ssyncset.done $0x0  }
0x36: {  	[sflag:s20] =	ssyncadd.s32 $0xFFFFE000  }
0x37: {  	[spmem:s14] =	stream.linear.scatter [tilespmem:s19], [sflag:$0x2], $0x2000, $0x38;
	[tilespmem:$0x1B900] =	vst v63  }
0x38: {  	_ =	swait.ge [sflag:s20], $0x2000  }
0x39: {  	[sflag:s20] =	ssyncset.done $0x0  }
0x3a: {  	[sflag:s20] =	ssyncadd.s32 $0xFFFFE000  }
0x3b: {  	[spmem:s15] =	stream.linear.scatter [tilespmem:s19], [sflag:$0x2], $0x2000, $0x38;
	[tilespmem:$0x1B900] =	vst v63  }
0x3c: {  	_ =	swait.ge [sflag:s20], $0x2000  }
0x3d: {  	[sflag:s20] =	ssyncset.done $0x0  }
0x3e: {  	[sflag:s20] =	ssyncadd.s32 $0xFFFFE000  }
0x3f: {  	[spmem:s16] =	stream.linear.scatter [tilespmem:s19], [sflag:$0x2], $0x2000, $0x38;
	[tilespmem:$0x1B900] =	vst v63  }
0x40: {  	_ =	swait.ge [sflag:s20], $0x2000  }
0x41: {  	[sflag:s20] =	ssyncset.done $0x0  }
0x42: {  	[sflag:s20] =	ssyncadd.s32 $0xFFFFE000  }
0x43: {  	[spmem:s17] =	stream.linear.scatter [tilespmem:s19], [sflag:$0x2], $0x2000, $0x38;
	[tilespmem:$0x1B900] =	vst v63  }
0x44: {  	_ =	swait.ge [sflag:s20], $0x2000  }
0x45: {  	[sflag:s20] =	ssyncset.done $0x0  }
0x46: {  	[sflag:s20] =	ssyncadd.s32 $0xFFFFE000  }
0x47: {  	[spmem:s18] =	stream.linear.scatter [tilespmem:s19], [sflag:$0x2], $0x2000, $0x38;
	[tilespmem:$0x1B900] =	vst v63  }
0x48: {  	_ =	swait.ge [sflag:s20], $0x2000  }
0x49: {  	[sflag:s20] =	ssyncset.done $0x0  }
0x4a: {  	s29 =	simm.s32 $0x0;
	[sflag:s20] =	ssyncadd.s32 $0xFFFFE000  }
0x4b: {  	[tilespmem:s21], [sflag:$0x2] =	stream.linear.gather [hbm4b:s6+s29], $0xC80, $0x38;
	[tilespmem:$0x1B900] =	vst v63  }
0x4c: {  	_ =	swait.ge [sflag:s20], $0xC80  }
0x4d: {  	[sflag:s20] =	ssyncset.done $0x0  }
0x4e: {  	[sflag:s20] =	ssyncadd.s32 $0xFFFFF380  }
0x4f: {  	[tilespmem:s22], [sflag:$0x2] =	stream.linear.gather [hbm4b:s7+s29], $0xC80, $0x38;
	[tilespmem:$0x1B900] =	vst v63  }
0x50: {  	_ =	swait.ge [sflag:s20], $0xC80  }
0x51: {  	[sflag:s20] =	ssyncset.done $0x0  }
0x52: {  	[sflag:s20] =	ssyncadd.s32 $0xFFFFF380  }
0x53: {  	s30 =	simm.s32 $0x14000;
	[bflag:$0x0] =	sbarrier.arrive $0xFFFF  }
0x54: {  	[tilespmem:s24], [sflag:$0x1] =	stream.indirect.gather [hbm4b:s1+s23], $0x80, s30, s23, $0xb8;
	[tilespmem:$0x1B900] =	vst v63  }
0x55: {  	_ =	swait.ge [sflag:s25], $0x4000  }
0x56: {  	[sflag:s25] =	ssyncset.done $0x0  }
0x57: {  	s31 =	simm.s32 $0x14C80;
	[sflag:s25] =	ssyncadd.s32 $0xFFFFC000  }
0x58: {  	[spmem:s2] =	stream.indirect.scatter.add.f32 [tilespmem:s24], [sflag:$0x2], $0x80, s31, s23, $0xb8;
	[tilespmem:$0x1B900] =	vst v63  }
0x59: {  	_ =	swait.ge [sflag:s20], $0x4000  }
0x5a: {  	s28 =	simm.s32 $0x400;
	s26 =	simm.s32 $0x80;
	[sflag:s20] =	ssyncset.done $0x0  }
.LBB2_4:
0x5b: {  	s29 =	sadd.s32 $0x14000, s26  }
0x5c: {  	[sflag:s20] =	ssyncadd.s32 $0xFFFFC000;
	s30 =	smov.u32 s28;
	s31 =	sadd.s32 $0x200, s28  }
0x5d: {  	[tilespmem:s24], [sflag:$0x1] =	stream.indirect.gather [hbm4b:s1+s23], $0x80, s29, s23, $0xb8;
	[tilespmem:$0x1B900] =	vst v63  }
0x5e: {  	p0 =	sne.s32 s28, $0x3000;
	_ =	swait.ge [sflag:s25], $0x4000  }
.Ltmp1:
0x5f: {  	[sflag:s25] =	ssyncset.done $0x0;
	(pc) =	sbr.rel @p0 .LBB2_4-.Ltmp1, $4  }
0x60: {  	s26 =	sadd.s32 $0x14C80, s26;
	[sflag:s25] =	ssyncadd.s32 $0xFFFFC000  }
0x61: {  	[spmem:s2] =	stream.indirect.scatter.add.f32 [tilespmem:s24], [sflag:$0x2], $0x80, s26, s23, $0xb8;
	[tilespmem:$0x1B900] =	vst v63  }
0x62: {  	_ =	swait.ge [sflag:s20], $0x4000  }
0x63: {  	s28 =	smov.u32 s31;
	s26 =	sshra.s32 s30, $0x2;
	[sflag:s20] =	ssyncset.done $0x0  }
0x64: {  	s28 =	sadd.s32 $0x14000, s26;
	[sflag:s20] =	ssyncadd.s32 $0xFFFFC000  }
0x65: {  	[tilespmem:s24], [sflag:$0x1] =	stream.indirect.gather [hbm4b:s1+s23], $0x80, s28, s23, $0xb8;
	[tilespmem:$0x1B900] =	vst v63  }
0x66: {  	_ =	swait.ge [sflag:s25], $0x4000  }
0x67: {  	[sflag:s25] =	ssyncset.done $0x0  }
0x68: {  	s29 =	sadd.s32 $0x14C80, s26;
	[sflag:s25] =	ssyncadd.s32 $0xFFFFC000  }
0x69: {  	[spmem:s2] =	stream.indirect.scatter.add.f32 [tilespmem:s24], [sflag:$0x2], $0x80, s29, s23, $0xb8;
	[tilespmem:$0x1B900] =	vst v63  }
0x6a: {  	_ =	swait.ge [sflag:s20], $0x4000  }
0x6b: {  	s30 =	sshll.u32 s3, $0x6;
	s4 =	sadd.s32 $0x1, s4;
	[sflag:s20] =	ssyncset.done $0x0  }
0x6c: {  	s31 =	sshrl.u32 s5, $0x3;
	p0 =	sne.s32 s4, s9;
	[sflag:s20] =	ssyncadd.s32 $0xFFFFC000  }
.Ltmp2:
0x6d: {  	s26 =	sor.u32 $0x1C02, s30;
	[bflag:$0x0] =	sbarrier.arrive $0xFFFF;
	(pc) =	sbr.rel @p0 .LBB2_1-.Ltmp2, $4  }
0x6e: {  	[hbm:s8], [sflag:s26] =	dma.local [spmem:s31], $0x2800  }
0x6f: {  	_ =	swait.ge [sflag:s20], $0x2800  }
0x70: {  	[sflag:s20] =	ssyncset.done $0x0  }
0x71: {  	[sflag:s20] =	ssyncadd.s32 $0xFFFFD800  }
0x72: {  	_ =	sfence.sel $0x180000  }
0x73: {  	[bflag:$0x0] =	sbarrier.arrive $0xFFFF  }
0x74: {  	p0 =	sne.s32 s3, $0x0;
	_ =	strace $0x90000056  }
0x75: {  	s0 =	sadd.s32 @!p0 $0x100000, s0;
	[bflag:$0x2] =	sbarrier.arrive $0xFFFF  }
0x76: {  	[sflag:s0] =	ssyncadd.tile.s32 @!p0 $0x1;
	_ =	shalt  }
.Lfunc_end2:
_tile_overlayer_lowered:
.L_overlay_start_2:
0x77: {  	(tag) =	ssettag $0x2  }
0x78: {  	s0 =	rddreg [dreg:$0x0];
	s2 =	stileid.u32  }
0x79: {  	s1 =	rddreg [dreg:$0x1];
	p0 =	sne.s32 s2, $0x0  }
0x7a: {  	s3 =	rddreg [dreg:$0x2];
	[bflag:$0x3] =	sbarrier.arrive $0xFFFF;
	s2 =	simm.s32 @!p0 $0x1C02  }
0x7b: {  	[timem:s3], [sflag:s2] =	dma.local @!p0 [hbm:s0], s1  }
0x7c: {  	s0 =	simm.s32 @!p0 $0x2  }
0x7d: {  	_ =	swait.ge @!p0 [sflag:s0], s1  }
0x7e: {  	s1 =	ssub.s32 @!p0 $0x0, s1;
	[sflag:s0] =	ssyncset.done @!p0 $0x0  }
0x7f: {  	[sflag:s0] =	ssyncadd.s32 @!p0 s1  }
0x80: {  	[bflag:$0x3] =	sbarrier.arrive $0xFFFF  }
0x81: {  	_ =	shalt  }

// kernel: kernel.21.cloned.1.call-start
scs
__scs_entry_jumppad:
0x0: {  	(pc) =	sbr.rel $0x88, $3  }
0x1: {  	(tag) =	ssettag $0x0;
	lr =	simm.s32 $0x1  }
0x2: {  	[smem:$0x3F7D] =	sst lr;
	_ =	strace $0xD0000000  }
0x3: {  	_ = 	snop  }
0x4: {  	_ = 	snop  }
0x5: {  	_ = 	snop  }
0x6: {  	_ = 	snop  }
0x7: {  	_ = 	snop  }
__scs_overlays_trampoline_lowered:
0x8: {  	[smem:$0x3F8C] =	sst s0  }
0x9: {  	[smem:$0x3F8D] =	sst s1  }
0xa: {  	[smem:$0x3F8E] =	sst s2  }
0xb: {  	[smem:$0x3F8F] =	sst s3  }
0xc: {  	[smem:$0x3F90] =	sst s4  }
0xd: {  	[smem:$0x3F91] =	sst s5  }
0xe: {  	[smem:$0x3F92] =	sst s6  }
0xf: {  	[smem:$0x3F93] =	sst s7  }
0x10: {  	[smem:$0x3F94] =	sst s8  }
0x11: {  	[smem:$0x3F95] =	sst s9;
	s0 =	simm.s32 @!p0 $0x0  }
0x12: {  	s1 =	sld [smem:$0x3F7B];
	s0 =	simm.s32 @p0 $0x1  }
0x13: {  	[smem:$0x3F96] =	sst s0;
	s0 =	simm.s32 @!p1 $0x0  }
0x14: {  	s2 =	sld [smem:$0x3F7A];
	s0 =	simm.s32 @p1 $0x1  }
0x15: {  	[smem:$0x3F97] =	sst s0;
	s0 =	simm.s32 @!p2 $0x0  }
0x16: {  	s3 =	sld [smem:$0x3FDB];
	s0 =	simm.s32 @p2 $0x1  }
0x17: {  	s4 =	simm.s32 $0x1BF5;
	[smem:$0x3F99] =	sst s0  }
0x18: {  	s0 =	sld [smem:$0x3F7C];
	_ =	swait.ge [sflag:s4], $0x0  }
0x19: {  	s7 =	sld [smem:$0x3F7D]  }
0x1a: {  	s8 =	sadd.s32 $0xFFFFE003, lr  }
0x1b: {  	s9 =	sadd.s32 $0xFFFFFEF7, lr;
	s5 =	simm.s32 $0xFFFFFFFF;
	p2 =	slt.u32 s8, $0xFFFFF086  }
0x1c: {  	p1 =	slt.u32 s9, $0xF7A;
	s5 =	simm.s32 @!p2 $0x0  }
0x1d: {  	s5 =	simm.s32 @p1 $0x1;
	p0 =	seq.s32 s7, s2  }
0x1e: {  	s7 =	smul.u32 @!p0 $0xF7A, s2;
	p2 =	seq.s32 @!p0 s5, $0x0  }
0x1f: {  	s9 =	smul.u32 $0xF7A, s1;
	s8 =	simm.s32 @!p0 $0x1BF5;
	p2 =	por !p2, p0  }
0x20: {  	[sflag:s8] =	ssyncset.s32 @!p0 $0xFFFFF086;
	s6 =	sadd.s32 @!p0 s3, s7;
	s7 =	simm.s32 @!p0 $0x108  }
0x21: {  	s3 =	sadd.s32 s3, s9;
	s6 =	sadd.s32 @!p0 $0x88, s6;
	s7 =	simm.s32 @p2 $0x1082  }
0x22: {  	[simem:s7], [sflag:s8] =	dma.local @!p0 [hbm:s6], $0xF7A  }
0x23: {  	s9 =	sor.u32 $0xD0000000, s2;
	s6 =	simm.s32 $0x108;
	_ =	swait.ge @!p0 [sflag:s8], $0x0  }
0x24: {  	s3 =	sadd.s32 $0x88, s3;
	s6 =	simm.s32 @!p1 $0x1082;
	[sflag:s4] =	ssyncset.s32 $0xFFFFF086  }
0x25: {  	[simem:s6], [sflag:s4] =	dma.local [hbm:s3], $0xF7A  }
0x26: {  	[smem:$0x3F7D] =	sst s1;
	(tag) =	ssettag s2;
	_ =	strace s9  }
0x27: {  	s1 =	sld [smem:$0x3F8D]  }
0x28: {  	s2 =	sld [smem:$0x3F8E]  }
0x29: {  	s4 =	sld [smem:$0x3F90]  }
0x2a: {  	p0 =	seq.s32 s5, $0x0;
	s5 =	sld [smem:$0x3F91]  }
0x2b: {  	s6 =	sld [smem:$0x3F92]  }
0x2c: {  	s7 =	sld [smem:$0x3F93]  }
0x2d: {  	s3 =	simm.s32 $0x108;
	s8 =	sld [smem:$0x3F94]  }
0x2e: {  	s3 =	simm.s32 @!p0 $0x1082;
	s9 =	sld [smem:$0x3F95]  }
0x2f: {  	lr =	sadd.s32 s0, s3;
	s0 =	sld [smem:$0x3F8C]  }
0x30: {  	s3 =	sld [smem:$0x3F8F]  }
0x31: {  	[smem:$0x3F98] =	sst s10  }
0x32: {  	s10 =	sld [smem:$0x3F96];
	_ =	sdelay $0x3  }
0x33: {  	p0 =	seq.s32 s10, $0x1;
	s10 =	sld [smem:$0x3F98];
	_ =	sdelay $0x3  }
0x34: {  	[smem:$0x3F98] =	sst s10  }
0x35: {  	s10 =	sld [smem:$0x3F97];
	_ =	sdelay $0x3  }
0x36: {  	p1 =	seq.s32 s10, $0x1;
	s10 =	sld [smem:$0x3F98];
	_ =	sdelay $0x3  }
0x37: {  	[smem:$0x3F98] =	sst s10  }
0x38: {  	s10 =	sld [smem:$0x3F99]  }
0x39: {  	_ = 	snop;
	(pc) =	sbr.ind lr, $3  }
0x3a: {  	_ = 	snop  }
0x3b: {  	_ = 	snop  }
0x3c: {  	p2 =	seq.s32 s10, $0x1;
	s10 =	sld [smem:$0x3F98]  }
0x3d: {  	_ =	shalt  }
0x3e: {  	_ =	shalt  }
0x3f: {  	_ =	shalt  }
0x40: {  	_ =	shalt  }
0x41: {  	_ =	shalt  }
0x42: {  	_ =	shalt  }
0x43: {  	_ =	shalt  }
0x44: {  	_ =	shalt  }
0x45: {  	_ =	shalt  }
0x46: {  	_ =	shalt  }
0x47: {  	_ =	shalt  }
0x48: {  	_ =	shalt  }
0x49: {  	_ =	shalt  }
0x4a: {  	_ =	shalt  }
0x4b: {  	_ =	shalt  }
0x4c: {  	_ =	shalt  }
0x4d: {  	_ =	shalt  }
0x4e: {  	_ =	shalt  }
0x4f: {  	_ =	shalt  }
0x50: {  	_ =	shalt  }
0x51: {  	_ =	shalt  }
0x52: {  	_ =	shalt  }
0x53: {  	_ =	shalt  }
0x54: {  	_ =	shalt  }
0x55: {  	_ =	shalt  }
0x56: {  	_ =	shalt  }
0x57: {  	_ =	shalt  }
0x58: {  	_ =	shalt  }
0x59: {  	_ =	shalt  }
0x5a: {  	_ =	shalt  }
0x5b: {  	_ =	shalt  }
0x5c: {  	_ =	shalt  }
0x5d: {  	_ =	shalt  }
0x5e: {  	_ =	shalt  }
0x5f: {  	_ =	shalt  }
0x60: {  	_ =	shalt  }
0x61: {  	_ =	shalt  }
0x62: {  	_ =	shalt  }
0x63: {  	_ =	shalt  }
0x64: {  	_ =	shalt  }
0x65: {  	_ =	shalt  }
0x66: {  	_ =	shalt  }
0x67: {  	_ =	shalt  }
0x68: {  	_ =	shalt  }
0x69: {  	_ =	shalt  }
0x6a: {  	_ =	shalt  }
0x6b: {  	_ =	shalt  }
0x6c: {  	_ =	shalt  }
0x6d: {  	_ =	shalt  }
0x6e: {  	_ =	shalt  }
0x6f: {  	_ =	shalt  }
0x70: {  	_ =	shalt  }
0x71: {  	_ =	shalt  }
0x72: {  	_ =	shalt  }
0x73: {  	_ =	shalt  }
0x74: {  	_ =	shalt  }
0x75: {  	_ =	shalt  }
0x76: {  	_ =	shalt  }
0x77: {  	_ =	shalt  }
0x78: {  	_ =	shalt  }
0x79: {  	_ =	shalt  }
0x7a: {  	_ =	shalt  }
0x7b: {  	_ =	shalt  }
0x7c: {  	_ =	shalt  }
0x7d: {  	_ =	shalt  }
0x7e: {  	_ =	shalt  }
0x7f: {  	_ =	shalt  }
0x80: {  	_ =	shalt  }
0x81: {  	_ =	shalt  }
0x82: {  	_ =	shalt  }
0x83: {  	_ =	shalt  }
0x84: {  	_ =	shalt  }
0x85: {  	_ =	shalt  }
0x86: {  	_ =	shalt  }
0x87: {  	_ =	shalt  }
.Lfunc_end0:
.L_simem_size_0:
called_computation.3_lowered:
.L_overlay_start_0:
0x88: {  	s2 =	sld [smem:$0x3FD9]  }
0x89: {  	s3 =	sld [smem:$0x3FFE];
	_ =	sdelay $0x1  }
0x8a: {  	s1 =	srdreg.scid  }
0x8b: {  	s0 =	sand.u32 $0x1, s1  }
0x8c: {  	s17 =	sshll.u32 s0, $0xA;
	s2 =	sadd.s32 s3, s2  }
0x8d: {  	s2 =	sadd.s32 s2, s17  }
0x8e: {  	[smem:$0x3FA4] =	sst s2  }
0x8f: {  	_ = 	snop  }
0x90: {  	s18 =	sld [smem:$0x3FC7];
	(tm) =	ssettm $0x1  }
0x91: {  	s19 =	sld [smem:$0x3FFB];
	_ =	sdelay $0x3  }
0x92: {  	_ =	strace s19  }
0x93: {  	s2 =	sld [smem:$0x3FFC];
	_ =	sdelay $0x3  }
0x94: {  	_ =	strace s2  }
0x95: {  	s2 =	sld [smem:$0x3FFD];
	_ =	sdelay $0x3  }
0x96: {  	_ =	strace s2  }
0x97: {  	_ =	strace $0x8FFFFFFF  }
0x98: {  	s20 =	sld [smem:$0x3FDB];
	_ =	sdelay $0x1  }
0x99: {  	s4 =	simm.s32 $_scs_section_size  }
0x9a: {  	s5 =	simm.s32 $_size__tile_overlayer_lowered;
	s6 =	simm.s32 $_tile_overlayer_lowered  }
0x9b: {  	s7 =	simm.s32 $0x1BFF;
	s21 =	sshll.u32 s6, $0x1;
	s4 =	sadd.s32 s4, s20  }
0x9c: {  	s22 =	simm.s32 $0x0;
	s5 =	sshll.u32 s5, $0x1;
	s6 =	sadd.s32 s21, s4  }
0x9d: {  	[timem:s22], [sflag:s7] =	dma.local [hbm:s6], s5  }
0x9e: {  	_ =	swait.ge [sflag:s7], s5  }
0x9f: {  	s5 =	ssub.s32 $0x0, s5;
	[sflag:s7] =	ssyncset.done $0x0  }
0xa0: {  	[sflag:s7] =	ssyncadd.s32 s5;
	_ =	sdelay $0x1  }
0xa1: {  	s23 =	simm.s32 $0x1B8B  }
0xa2: {  	_ =	swait.ge [sflag:s23], $0x1  }
0xa3: {  	[sflag:s23] =	ssyncset.done $0x0  }
0xa4: {  	[sflag:s23] =	ssyncadd.s32 $0xFFFFFFFF  }
0xa5: {  	s5 =	sld [smem:$0x0]  }
0xa6: {  	s6 =	sand.u32 $0xFFFFFFFE, s1  }
0xa7: {  	p0 =	sne.s32 s1, s6  }
0xa8: {  	s6 =	sshll.u32 @p0 s6, $0xE  }
0xa9: {  	s6 =	sadd.s32 @p0 $0x11B8D, s6;
	s7 =	sshll.u32 @p0 s5, $0x11  }
0xaa: {  	s6 =	sor.u32 @p0 s7, s6  }
0xab: {  	[sflag:s6] =	ssyncadd.remote.s32 @p0 $0x1;
	_ =	sdelay $0x1  }
0xac: {  	s6 =	simm.s32 @p0 $0x1B8D  }
0xad: {  	_ =	swait.eq @p0 [sflag:s6], $0x1  }
0xae: {  	[sflag:s6] =	ssyncadd.s32 @p0 $0xFFFFFFFF  }
0xaf: {  	s7 =	sshll.u32 @!p0 s1, $0xE  }
0xb0: {  	s7 =	sor.u32 @!p0 $0x4000, s7;
	s6 =	simm.s32 @!p0 $0x1B8D  }
0xb1: {  	s5 =	sshll.u32 @!p0 s5, $0x11;
	s7 =	sadd.s32 @!p0 $0x11B8D, s7;
	_ =	swait.eq @!p0 [sflag:s6], $0x1  }
0xb2: {  	s5 =	sor.u32 @!p0 s5, s7;
	[sflag:s6] =	ssyncadd.s32 @!p0 $0xFFFFFFFF  }
0xb3: {  	s25 =	simm.s32 $0x1B8E;
	s24 =	sld [smem:$0x3FFE];
	[sflag:s5] =	ssyncadd.remote.s32 @!p0 $0x1  }
0xb4: {  	s26 =	simm.s32 $execute0_lowered;
	[smem:$0x3FD2] =	sst s25  }
0xb5: {  	s6 =	sshll.u32 s26, $0x1;
	_ =	strace $0x80000058;
	[dreg:$0x1] =	wrdreg $0xFFFFFFFF  }
0xb6: {  	s28 =	simm.s32 $_size_execute0_lowered;
	s4 =	sadd.s32 s4, s6;
	[dreg:$0x0] =	wrdreg $0x0  }
0xb7: {  	s6 =	sshll.u32 s28, $0x1;
	[dreg:$0x2] =	wrdreg s4  }
0xb8: {  	[dreg:$0x3] =	wrdreg s6  }
0xb9: {  	[dreg:$0x4] =	wrdreg $0xC0  }
0xba: {  	_ =	task [dreg:s22], $0x5FFFF  }
0xbb: {  	[dreg:$0x1] =	wrdreg $0xFFFFFFFF  }
0xbc: {  	[dreg:$0x0] =	wrdreg $0x60  }
0xbd: {  	[dreg:$0x2] =	wrdreg s18  }
0xbe: {  	[dreg:$0x3] =	wrdreg s24  }
0xbf: {  	[dreg:$0x4] =	wrdreg $0x0  }
0xc0: {  	[dreg:$0x5] =	wrdreg $0xC  }
0xc1: {  	_ =	task.clear_ibuf [dreg:s22], $0x6FFFF;
	_ =	strace $0x90000058  }
0xc2: {  	s29 =	simm.s32 $0xC;
	_ =	strace $0x8000005A  }
0xc3: {  	_ =	swait.ge [sflag:s29], $0x1  }
0xc4: {  	[sflag:s29] =	ssyncadd.s32 $0xFFFFFFFF  }
0xc5: {  	_ =	strace $0x9000005A  }
0xc6: {  	_ =	sfence  }
0xc7: {  	s30 =	sld [smem:$0x0];
	_ =	sdelay $0x2  }
0xc8: {  	s31 =	sshll.u32 s1, $0xD;
	s1 =	sshrl.u32 s1, $0x2  }
0xc9: {  	s4 =	sand.u32 $0x4000, s31;
	s1 =	sadd.s32 s1, s30  }
0xca: {  	s0 =	sor.u32 s4, s0;
	s1 =	sshll.u32 s1, $0x11  }
0xcb: {  	s0 =	sor.u32 s1, s0  }
0xcc: {  	s0 =	sadd.s32 $0x8F2B, s0  }
0xcd: {  	[sflag:s0] =	ssyncadd.remote.s32 $0x1  }
0xce: {  	_ =	sfence.sel $0xFFFF  }
0xcf: {  	[dreg:$0x0] =	wrdreg $0xFFFFFFFF;
	(pc) =	sbr.abs _section_cstart, $3  }
0xd0: {  	[dreg:$0x1] =	wrdreg $0xFFFFFFFF  }
0xd1: {  	_ =	task.clear_ibuf [dreg:s22], $0x2FFFF;
	_ =	strace $0x9FFFFFFF  }
0xd2: {  	(tm) =	ssettm $0x7FFFFFFF  }
0xd3: {  	_ =	shalt  }
tec
execute0_lowered:
.L_overlay_start_1:
0x0: {  	(tag) =	ssettag $0x1  }
0x1: {  	s1 =	rddreg [dreg:$0x0]  }
0x2: {  	s5 =	rddreg [dreg:$0x1]  }
0x3: {  	s2 =	rddreg [dreg:$0x2]  }
0x4: {  	s3 =	srdreg.scid;
	s0 =	rddreg [dreg:$0x3];
	s4 =	simm.s32 $0x0  }
0x5: {  	s19 =	simm.s32 $0x19900;
	s20 =	simm.s32 $0x2;
	s21 =	simm.s32 $0x14000  }
0x6: {  	s22 =	simm.s32 $0x14C80;
	s23 =	simm.s32 $0x80;
	s24 =	simm.s32 $0x15900  }
0x7: {  	s25 =	simm.s32 $0x1;
	s6 =	sand.u32 $0x1, s3;
	s3 =	stileid.u32  }
0x8: {  	[smem:$0x7FF] =	sst s4;
	s7 =	sshll.u32 s6, $0x4;
	s8 =	smul.u32 $0x140000, s6  }
0x9: {  	s9 =	smul.u32 $0x14000, s3;
	_ =	strace $0x80000059;
	s6 =	ssub.s32 $0x2, s6  }
0xa: {  	s30 =	smul.u32 $0x50000, s3;
	s7 =	sor.u32 s3, s7;
	s10 =	sshrl.u32 s6, $0x1  }
0xb: {  	s7 =	smul.u32 $0x190, s7;
	s8 =	sadd.s32 s9, s8;
	s10 =	ssub.s32 s6, s10  }
0xc: {  	s31 =	sshrl.u32 s30, $0x2;
	s8 =	sshrl.u32 s8, $0x3;
	s9 =	smax.u32 s10, $0x1  }
0xd: {  	s7 =	sadd.s32 s7, s5;
	s8 =	sadd.s32 s8, s5;
	s5 =	sadd.s32 s31, s2  }
0xe: {  	s6 =	sadd.s32 $0x2A9000, s7;
	s7 =	sadd.s32 $0x14E00, s7;
	s8 =	sadd.s32 $0x2AC200, s8  }
0xf: {  	s10 =	sadd.s32 $0x2000, s5;
	s11 =	sadd.s32 $0x4000, s5;
	s12 =	sadd.s32 $0x6000, s5  }
0x10: {  	s13 =	sadd.s32 $0x8000, s5;
	s14 =	sadd.s32 $0xA000, s5;
	s15 =	sadd.s32 $0xC000, s5  }
0x11: {  	v0 =	vimm.f32 $0.0e+00;
	s16 =	sadd.s32 $0xE000, s5;
	s17 =	sadd.s32 $0x10000, s5;
	s18 =	sadd.s32 $0x12000, s5  }
.LBB2_1:
0x12: {  	s26 =	simm.s32 $0x0;
	s28 =	simm.s32 $0x200  }
.LBB2_2:
0x13: {  	p0 =	sne.s32 s28, $0x7E00;
	[tilespmem:s26+$0x19970] =	vst v0  }
0x14: {  	[tilespmem:s26+$0x19900] =	vst v0  }
0x15: {  	[tilespmem:s26+$0x19910] =	vst v0  }
.Ltmp0:
0x16: {  	[tilespmem:s26+$0x19920] =	vst v0;
	(pc) =	sbr.rel @p0 .LBB2_2-.Ltmp0, $4  }
0x17: {  	[tilespmem:s26+$0x19930] =	vst v0  }
0x18: {  	[tilespmem:s26+$0x19940] =	vst v0  }
0x19: {  	[tilespmem:s26+$0x19950] =	vst v0  }
0x1a: {  	[tilespmem:s26+$0x19960] =	vst v0;
	s26 =	sshra.s32 s28, $0x2;
	s28 =	sadd.s32 $0x200, s28  }
0x1b: {  	[tilespmem:s26+$0x19970] =	vst v0  }
0x1c: {  	[tilespmem:s26+$0x19900] =	vst v0  }
0x1d: {  	[tilespmem:s26+$0x19910] =	vst v0  }
0x1e: {  	[tilespmem:s26+$0x19920] =	vst v0  }
0x1f: {  	[tilespmem:s26+$0x19930] =	vst v0  }
0x20: {  	[tilespmem:s26+$0x19940] =	vst v0  }
0x21: {  	[tilespmem:s26+$0x19950] =	vst v0  }
0x22: {  	[tilespmem:s26+$0x19960] =	vst v0  }
0x23: {  	[spmem:s5] =	stream.linear.scatter [tilespmem:s19], [sflag:$0x2], $0x2000, $0x38;
	[tilespmem:$0x1B900] =	vst v63  }
0x24: {  	_ =	swait.ge [sflag:s20], $0x2000  }
0x25: {  	[sflag:s20] =	ssyncset.done $0x0  }
0x26: {  	[sflag:s20] =	ssyncadd.s32 $0xFFFFE000  }
0x27: {  	[spmem:s10] =	stream.linear.scatter [tilespmem:s19], [sflag:$0x2], $0x2000, $0x38;
	[tilespmem:$0x1B900] =	vst v63  }
0x28: {  	_ =	swait.ge [sflag:s20], $0x2000  }
0x29: {  	[sflag:s20] =	ssyncset.done $0x0  }
0x2a: {  	[sflag:s20] =	ssyncadd.s32 $0xFFFFE000  }
0x2b: {  	[spmem:s11] =	stream.linear.scatter [tilespmem:s19], [sflag:$0x2], $0x2000, $0x38;
	[tilespmem:$0x1B900] =	vst v63  }
0x2c: {  	_ =	swait.ge [sflag:s20], $0x2000  }
0x2d: {  	[sflag:s20] =	ssyncset.done $0x0  }
0x2e: {  	[sflag:s20] =	ssyncadd.s32 $0xFFFFE000  }
0x2f: {  	[spmem:s12] =	stream.linear.scatter [tilespmem:s19], [sflag:$0x2], $0x2000, $0x38;
	[tilespmem:$0x1B900] =	vst v63  }
0x30: {  	_ =	swait.ge [sflag:s20], $0x2000  }
0x31: {  	[sflag:s20] =	ssyncset.done $0x0  }
0x32: {  	[sflag:s20] =	ssyncadd.s32 $0xFFFFE000  }
0x33: {  	[spmem:s13] =	stream.linear.scatter [tilespmem:s19], [sflag:$0x2], $0x2000, $0x38;
	[tilespmem:$0x1B900] =	vst v63  }
0x34: {  	_ =	swait.ge [sflag:s20], $0x2000  }
0x35: {  	[sflag:s20] =	ssyncset.done $0x0  }
0x36: {  	[sflag:s20] =	ssyncadd.s32 $0xFFFFE000  }
0x37: {  	[spmem:s14] =	stream.linear.scatter [tilespmem:s19], [sflag:$0x2], $0x2000, $0x38;
	[tilespmem:$0x1B900] =	vst v63  }
0x38: {  	_ =	swait.ge [sflag:s20], $0x2000  }
0x39: {  	[sflag:s20] =	ssyncset.done $0x0  }
0x3a: {  	[sflag:s20] =	ssyncadd.s32 $0xFFFFE000  }
0x3b: {  	[spmem:s15] =	stream.linear.scatter [tilespmem:s19], [sflag:$0x2], $0x2000, $0x38;
	[tilespmem:$0x1B900] =	vst v63  }
0x3c: {  	_ =	swait.ge [sflag:s20], $0x2000  }
0x3d: {  	[sflag:s20] =	ssyncset.done $0x0  }
0x3e: {  	[sflag:s20] =	ssyncadd.s32 $0xFFFFE000  }
0x3f: {  	[spmem:s16] =	stream.linear.scatter [tilespmem:s19], [sflag:$0x2], $0x2000, $0x38;
	[tilespmem:$0x1B900] =	vst v63  }
0x40: {  	_ =	swait.ge [sflag:s20], $0x2000  }
0x41: {  	[sflag:s20] =	ssyncset.done $0x0  }
0x42: {  	[sflag:s20] =	ssyncadd.s32 $0xFFFFE000  }
0x43: {  	[spmem:s17] =	stream.linear.scatter [tilespmem:s19], [sflag:$0x2], $0x2000, $0x38;
	[tilespmem:$0x1B900] =	vst v63  }
0x44: {  	_ =	swait.ge [sflag:s20], $0x2000  }
0x45: {  	[sflag:s20] =	ssyncset.done $0x0  }
0x46: {  	[sflag:s20] =	ssyncadd.s32 $0xFFFFE000  }
0x47: {  	[spmem:s18] =	stream.linear.scatter [tilespmem:s19], [sflag:$0x2], $0x2000, $0x38;
	[tilespmem:$0x1B900] =	vst v63  }
0x48: {  	_ =	swait.ge [sflag:s20], $0x2000  }
0x49: {  	[sflag:s20] =	ssyncset.done $0x0  }
0x4a: {  	s29 =	simm.s32 $0x0;
	[sflag:s20] =	ssyncadd.s32 $0xFFFFE000  }
0x4b: {  	[tilespmem:s21], [sflag:$0x2] =	stream.linear.gather [hbm4b:s6+s29], $0xC80, $0x38;
	[tilespmem:$0x1B900] =	vst v63  }
0x4c: {  	_ =	swait.ge [sflag:s20], $0xC80  }
0x4d: {  	[sflag:s20] =	ssyncset.done $0x0  }
0x4e: {  	[sflag:s20] =	ssyncadd.s32 $0xFFFFF380  }
0x4f: {  	[tilespmem:s22], [sflag:$0x2] =	stream.linear.gather [hbm4b:s7+s29], $0xC80, $0x38;
	[tilespmem:$0x1B900] =	vst v63  }
0x50: {  	_ =	swait.ge [sflag:s20], $0xC80  }
0x51: {  	[sflag:s20] =	ssyncset.done $0x0  }
0x52: {  	[sflag:s20] =	ssyncadd.s32 $0xFFFFF380  }
0x53: {  	s30 =	simm.s32 $0x14000;
	[bflag:$0x0] =	sbarrier.arrive $0xFFFF  }
0x54: {  	[tilespmem:s24], [sflag:$0x1] =	stream.indirect.gather [hbm4b:s1+s23], $0x80, s30, s23, $0xb8;
	[tilespmem:$0x1B900] =	vst v63  }
0x55: {  	_ =	swait.ge [sflag:s25], $0x4000  }
0x56: {  	[sflag:s25] =	ssyncset.done $0x0  }
0x57: {  	s31 =	simm.s32 $0x14C80;
	[sflag:s25] =	ssyncadd.s32 $0xFFFFC000  }
0x58: {  	[spmem:s2] =	stream.indirect.scatter.add.f32 [tilespmem:s24], [sflag:$0x2], $0x80, s31, s23, $0xb8;
	[tilespmem:$0x1B900] =	vst v63  }
0x59: {  	_ =	swait.ge [sflag:s20], $0x4000  }
0x5a: {  	s28 =	simm.s32 $0x400;
	s26 =	simm.s32 $0x80;
	[sflag:s20] =	ssyncset.done $0x0  }
.LBB2_4:
0x5b: {  	s29 =	sadd.s32 $0x14000, s26  }
0x5c: {  	[sflag:s20] =	ssyncadd.s32 $0xFFFFC000;
	s30 =	smov.u32 s28;
	s31 =	sadd.s32 $0x200, s28  }
0x5d: {  	[tilespmem:s24], [sflag:$0x1] =	stream.indirect.gather [hbm4b:s1+s23], $0x80, s29, s23, $0xb8;
	[tilespmem:$0x1B900] =	vst v63  }
0x5e: {  	p0 =	sne.s32 s28, $0x3000;
	_ =	swait.ge [sflag:s25], $0x4000  }
.Ltmp1:
0x5f: {  	[sflag:s25] =	ssyncset.done $0x0;
	(pc) =	sbr.rel @p0 .LBB2_4-.Ltmp1, $4  }
0x60: {  	s26 =	sadd.s32 $0x14C80, s26;
	[sflag:s25] =	ssyncadd.s32 $0xFFFFC000  }
0x61: {  	[spmem:s2] =	stream.indirect.scatter.add.f32 [tilespmem:s24], [sflag:$0x2], $0x80, s26, s23, $0xb8;
	[tilespmem:$0x1B900] =	vst v63  }
0x62: {  	_ =	swait.ge [sflag:s20], $0x4000  }
0x63: {  	s28 =	smov.u32 s31;
	s26 =	sshra.s32 s30, $0x2;
	[sflag:s20] =	ssyncset.done $0x0  }
0x64: {  	s28 =	sadd.s32 $0x14000, s26;
	[sflag:s20] =	ssyncadd.s32 $0xFFFFC000  }
0x65: {  	[tilespmem:s24], [sflag:$0x1] =	stream.indirect.gather [hbm4b:s1+s23], $0x80, s28, s23, $0xb8;
	[tilespmem:$0x1B900] =	vst v63  }
0x66: {  	_ =	swait.ge [sflag:s25], $0x4000  }
0x67: {  	[sflag:s25] =	ssyncset.done $0x0  }
0x68: {  	s29 =	sadd.s32 $0x14C80, s26;
	[sflag:s25] =	ssyncadd.s32 $0xFFFFC000  }
0x69: {  	[spmem:s2] =	stream.indirect.scatter.add.f32 [tilespmem:s24], [sflag:$0x2], $0x80, s29, s23, $0xb8;
	[tilespmem:$0x1B900] =	vst v63  }
0x6a: {  	_ =	swait.ge [sflag:s20], $0x4000  }
0x6b: {  	s30 =	sshll.u32 s3, $0x6;
	s4 =	sadd.s32 $0x1, s4;
	[sflag:s20] =	ssyncset.done $0x0  }
0x6c: {  	s31 =	sshrl.u32 s5, $0x3;
	p0 =	sne.s32 s4, s9;
	[sflag:s20] =	ssyncadd.s32 $0xFFFFC000  }
.Ltmp2:
0x6d: {  	s26 =	sor.u32 $0x1C02, s30;
	[bflag:$0x0] =	sbarrier.arrive $0xFFFF;
	(pc) =	sbr.rel @p0 .LBB2_1-.Ltmp2, $4  }
0x6e: {  	[hbm:s8], [sflag:s26] =	dma.local [spmem:s31], $0x2800  }
0x6f: {  	_ =	swait.ge [sflag:s20], $0x2800  }
0x70: {  	[sflag:s20] =	ssyncset.done $0x0  }
0x71: {  	[sflag:s20] =	ssyncadd.s32 $0xFFFFD800  }
0x72: {  	_ =	sfence.sel $0x180000  }
0x73: {  	[bflag:$0x0] =	sbarrier.arrive $0xFFFF  }
0x74: {  	p0 =	sne.s32 s3, $0x0;
	_ =	strace $0x90000059  }
0x75: {  	s0 =	sadd.s32 @!p0 $0x100000, s0;
	[bflag:$0x2] =	sbarrier.arrive $0xFFFF  }
0x76: {  	[sflag:s0] =	ssyncadd.tile.s32 @!p0 $0x1;
	_ =	shalt  }
.Lfunc_end2:
_tile_overlayer_lowered:
.L_overlay_start_2:
0x77: {  	(tag) =	ssettag $0x2  }
0x78: {  	s0 =	rddreg [dreg:$0x0];
	s2 =	stileid.u32  }
0x79: {  	s1 =	rddreg [dreg:$0x1];
	p0 =	sne.s32 s2, $0x0  }
0x7a: {  	s3 =	rddreg [dreg:$0x2];
	[bflag:$0x3] =	sbarrier.arrive $0xFFFF;
	s2 =	simm.s32 @!p0 $0x1C02  }
0x7b: {  	[timem:s3], [sflag:s2] =	dma.local @!p0 [hbm:s0], s1  }
0x7c: {  	s0 =	simm.s32 @!p0 $0x2  }
0x7d: {  	_ =	swait.ge @!p0 [sflag:s0], s1  }
0x7e: {  	s1 =	ssub.s32 @!p0 $0x0, s1;
	[sflag:s0] =	ssyncset.done @!p0 $0x0  }
0x7f: {  	[sflag:s0] =	ssyncadd.s32 @!p0 s1  }
0x80: {  	[bflag:$0x3] =	sbarrier.arrive $0xFFFF  }
0x81: {  	_ =	shalt  }

// kernel: kernel.24.cloned.1.call-start
scs
__scs_entry_jumppad:
0x0: {  	(pc) =	sbr.rel $0x88, $3  }
0x1: {  	(tag) =	ssettag $0x0;
	lr =	simm.s32 $0x1  }
0x2: {  	[smem:$0x3F7D] =	sst lr;
	_ =	strace $0xD0000000  }
0x3: {  	_ = 	snop  }
0x4: {  	_ = 	snop  }
0x5: {  	_ = 	snop  }
0x6: {  	_ = 	snop  }
0x7: {  	_ = 	snop  }
__scs_overlays_trampoline_lowered:
0x8: {  	[smem:$0x3F8C] =	sst s0  }
0x9: {  	[smem:$0x3F8D] =	sst s1  }
0xa: {  	[smem:$0x3F8E] =	sst s2  }
0xb: {  	[smem:$0x3F8F] =	sst s3  }
0xc: {  	[smem:$0x3F90] =	sst s4  }
0xd: {  	[smem:$0x3F91] =	sst s5  }
0xe: {  	[smem:$0x3F92] =	sst s6  }
0xf: {  	[smem:$0x3F93] =	sst s7  }
0x10: {  	[smem:$0x3F94] =	sst s8  }
0x11: {  	[smem:$0x3F95] =	sst s9;
	s0 =	simm.s32 @!p0 $0x0  }
0x12: {  	s1 =	sld [smem:$0x3F7B];
	s0 =	simm.s32 @p0 $0x1  }
0x13: {  	[smem:$0x3F96] =	sst s0;
	s0 =	simm.s32 @!p1 $0x0  }
0x14: {  	s2 =	sld [smem:$0x3F7A];
	s0 =	simm.s32 @p1 $0x1  }
0x15: {  	[smem:$0x3F97] =	sst s0;
	s0 =	simm.s32 @!p2 $0x0  }
0x16: {  	s3 =	sld [smem:$0x3FDB];
	s0 =	simm.s32 @p2 $0x1  }
0x17: {  	s4 =	simm.s32 $0x1BF5;
	[smem:$0x3F99] =	sst s0  }
0x18: {  	s0 =	sld [smem:$0x3F7C];
	_ =	swait.ge [sflag:s4], $0x0  }
0x19: {  	s7 =	sld [smem:$0x3F7D]  }
0x1a: {  	s8 =	sadd.s32 $0xFFFFE003, lr  }
0x1b: {  	s9 =	sadd.s32 $0xFFFFFEF7, lr;
	s5 =	simm.s32 $0xFFFFFFFF;
	p2 =	slt.u32 s8, $0xFFFFF086  }
0x1c: {  	p1 =	slt.u32 s9, $0xF7A;
	s5 =	simm.s32 @!p2 $0x0  }
0x1d: {  	s5 =	simm.s32 @p1 $0x1;
	p0 =	seq.s32 s7, s2  }
0x1e: {  	s7 =	smul.u32 @!p0 $0xF7A, s2;
	p2 =	seq.s32 @!p0 s5, $0x0  }
0x1f: {  	s9 =	smul.u32 $0xF7A, s1;
	s8 =	simm.s32 @!p0 $0x1BF5;
	p2 =	por !p2, p0  }
0x20: {  	[sflag:s8] =	ssyncset.s32 @!p0 $0xFFFFF086;
	s6 =	sadd.s32 @!p0 s3, s7;
	s7 =	simm.s32 @!p0 $0x108  }
0x21: {  	s3 =	sadd.s32 s3, s9;
	s6 =	sadd.s32 @!p0 $0x88, s6;
	s7 =	simm.s32 @p2 $0x1082  }
0x22: {  	[simem:s7], [sflag:s8] =	dma.local @!p0 [hbm:s6], $0xF7A  }
0x23: {  	s9 =	sor.u32 $0xD0000000, s2;
	s6 =	simm.s32 $0x108;
	_ =	swait.ge @!p0 [sflag:s8], $0x0  }
0x24: {  	s3 =	sadd.s32 $0x88, s3;
	s6 =	simm.s32 @!p1 $0x1082;
	[sflag:s4] =	ssyncset.s32 $0xFFFFF086  }
0x25: {  	[simem:s6], [sflag:s4] =	dma.local [hbm:s3], $0xF7A  }
0x26: {  	[smem:$0x3F7D] =	sst s1;
	(tag) =	ssettag s2;
	_ =	strace s9  }
0x27: {  	s1 =	sld [smem:$0x3F8D]  }
0x28: {  	s2 =	sld [smem:$0x3F8E]  }
0x29: {  	s4 =	sld [smem:$0x3F90]  }
0x2a: {  	p0 =	seq.s32 s5, $0x0;
	s5 =	sld [smem:$0x3F91]  }
0x2b: {  	s6 =	sld [smem:$0x3F92]  }
0x2c: {  	s7 =	sld [smem:$0x3F93]  }
0x2d: {  	s3 =	simm.s32 $0x108;
	s8 =	sld [smem:$0x3F94]  }
0x2e: {  	s3 =	simm.s32 @!p0 $0x1082;
	s9 =	sld [smem:$0x3F95]  }
0x2f: {  	lr =	sadd.s32 s0, s3;
	s0 =	sld [smem:$0x3F8C]  }
0x30: {  	s3 =	sld [smem:$0x3F8F]  }
0x31: {  	[smem:$0x3F98] =	sst s10  }
0x32: {  	s10 =	sld [smem:$0x3F96];
	_ =	sdelay $0x3  }
0x33: {  	p0 =	seq.s32 s10, $0x1;
	s10 =	sld [smem:$0x3F98];
	_ =	sdelay $0x3  }
0x34: {  	[smem:$0x3F98] =	sst s10  }
0x35: {  	s10 =	sld [smem:$0x3F97];
	_ =	sdelay $0x3  }
0x36: {  	p1 =	seq.s32 s10, $0x1;
	s10 =	sld [smem:$0x3F98];
	_ =	sdelay $0x3  }
0x37: {  	[smem:$0x3F98] =	sst s10  }
0x38: {  	s10 =	sld [smem:$0x3F99]  }
0x39: {  	_ = 	snop;
	(pc) =	sbr.ind lr, $3  }
0x3a: {  	_ = 	snop  }
0x3b: {  	_ = 	snop  }
0x3c: {  	p2 =	seq.s32 s10, $0x1;
	s10 =	sld [smem:$0x3F98]  }
0x3d: {  	_ =	shalt  }
0x3e: {  	_ =	shalt  }
0x3f: {  	_ =	shalt  }
0x40: {  	_ =	shalt  }
0x41: {  	_ =	shalt  }
0x42: {  	_ =	shalt  }
0x43: {  	_ =	shalt  }
0x44: {  	_ =	shalt  }
0x45: {  	_ =	shalt  }
0x46: {  	_ =	shalt  }
0x47: {  	_ =	shalt  }
0x48: {  	_ =	shalt  }
0x49: {  	_ =	shalt  }
0x4a: {  	_ =	shalt  }
0x4b: {  	_ =	shalt  }
0x4c: {  	_ =	shalt  }
0x4d: {  	_ =	shalt  }
0x4e: {  	_ =	shalt  }
0x4f: {  	_ =	shalt  }
0x50: {  	_ =	shalt  }
0x51: {  	_ =	shalt  }
0x52: {  	_ =	shalt  }
0x53: {  	_ =	shalt  }
0x54: {  	_ =	shalt  }
0x55: {  	_ =	shalt  }
0x56: {  	_ =	shalt  }
0x57: {  	_ =	shalt  }
0x58: {  	_ =	shalt  }
0x59: {  	_ =	shalt  }
0x5a: {  	_ =	shalt  }
0x5b: {  	_ =	shalt  }
0x5c: {  	_ =	shalt  }
0x5d: {  	_ =	shalt  }
0x5e: {  	_ =	shalt  }
0x5f: {  	_ =	shalt  }
0x60: {  	_ =	shalt  }
0x61: {  	_ =	shalt  }
0x62: {  	_ =	shalt  }
0x63: {  	_ =	shalt  }
0x64: {  	_ =	shalt  }
0x65: {  	_ =	shalt  }
0x66: {  	_ =	shalt  }
0x67: {  	_ =	shalt  }
0x68: {  	_ =	shalt  }
0x69: {  	_ =	shalt  }
0x6a: {  	_ =	shalt  }
0x6b: {  	_ =	shalt  }
0x6c: {  	_ =	shalt  }
0x6d: {  	_ =	shalt  }
0x6e: {  	_ =	shalt  }
0x6f: {  	_ =	shalt  }
0x70: {  	_ =	shalt  }
0x71: {  	_ =	shalt  }
0x72: {  	_ =	shalt  }
0x73: {  	_ =	shalt  }
0x74: {  	_ =	shalt  }
0x75: {  	_ =	shalt  }
0x76: {  	_ =	shalt  }
0x77: {  	_ =	shalt  }
0x78: {  	_ =	shalt  }
0x79: {  	_ =	shalt  }
0x7a: {  	_ =	shalt  }
0x7b: {  	_ =	shalt  }
0x7c: {  	_ =	shalt  }
0x7d: {  	_ =	shalt  }
0x7e: {  	_ =	shalt  }
0x7f: {  	_ =	shalt  }
0x80: {  	_ =	shalt  }
0x81: {  	_ =	shalt  }
0x82: {  	_ =	shalt  }
0x83: {  	_ =	shalt  }
0x84: {  	_ =	shalt  }
0x85: {  	_ =	shalt  }
0x86: {  	_ =	shalt  }
0x87: {  	_ =	shalt  }
.Lfunc_end0:
.L_simem_size_0:
called_computation.4_lowered:
.L_overlay_start_0:
0x88: {  	s2 =	sld [smem:$0x3FD9]  }
0x89: {  	s3 =	sld [smem:$0x3FFE];
	_ =	sdelay $0x1  }
0x8a: {  	s1 =	srdreg.scid  }
0x8b: {  	s0 =	sand.u32 $0x1, s1  }
0x8c: {  	s17 =	sshll.u32 s0, $0xA;
	s2 =	sadd.s32 s3, s2  }
0x8d: {  	s2 =	sadd.s32 s2, s17  }
0x8e: {  	[smem:$0x3FA4] =	sst s2  }
0x8f: {  	_ = 	snop  }
0x90: {  	s18 =	sld [smem:$0x3FC9];
	(tm) =	ssettm $0x1  }
0x91: {  	s19 =	sld [smem:$0x3FFB];
	_ =	sdelay $0x3  }
0x92: {  	_ =	strace s19  }
0x93: {  	s2 =	sld [smem:$0x3FFC];
	_ =	sdelay $0x3  }
0x94: {  	_ =	strace s2  }
0x95: {  	s2 =	sld [smem:$0x3FFD];
	_ =	sdelay $0x3  }
0x96: {  	_ =	strace s2  }
0x97: {  	_ =	strace $0x8FFFFFFF  }
0x98: {  	s20 =	sld [smem:$0x3FDB];
	_ =	sdelay $0x1  }
0x99: {  	s4 =	simm.s32 $_scs_section_size  }
0x9a: {  	s5 =	simm.s32 $_size__tile_overlayer_lowered;
	s6 =	simm.s32 $_tile_overlayer_lowered  }
0x9b: {  	s7 =	simm.s32 $0x1BFF;
	s21 =	sshll.u32 s6, $0x1;
	s4 =	sadd.s32 s4, s20  }
0x9c: {  	s22 =	simm.s32 $0x0;
	s5 =	sshll.u32 s5, $0x1;
	s6 =	sadd.s32 s21, s4  }
0x9d: {  	[timem:s22], [sflag:s7] =	dma.local [hbm:s6], s5  }
0x9e: {  	_ =	swait.ge [sflag:s7], s5  }
0x9f: {  	s5 =	ssub.s32 $0x0, s5;
	[sflag:s7] =	ssyncset.done $0x0  }
0xa0: {  	[sflag:s7] =	ssyncadd.s32 s5;
	_ =	sdelay $0x1  }
0xa1: {  	s23 =	simm.s32 $0x1B8B  }
0xa2: {  	_ =	swait.ge [sflag:s23], $0x1  }
0xa3: {  	[sflag:s23] =	ssyncset.done $0x0  }
0xa4: {  	[sflag:s23] =	ssyncadd.s32 $0xFFFFFFFF  }
0xa5: {  	s5 =	sld [smem:$0x0]  }
0xa6: {  	s6 =	sand.u32 $0xFFFFFFFE, s1  }
0xa7: {  	p0 =	sne.s32 s1, s6  }
0xa8: {  	s6 =	sshll.u32 @p0 s6, $0xE  }
0xa9: {  	s6 =	sadd.s32 @p0 $0x11B8D, s6;
	s7 =	sshll.u32 @p0 s5, $0x11  }
0xaa: {  	s6 =	sor.u32 @p0 s7, s6  }
0xab: {  	[sflag:s6] =	ssyncadd.remote.s32 @p0 $0x1;
	_ =	sdelay $0x1  }
0xac: {  	s6 =	simm.s32 @p0 $0x1B8D  }
0xad: {  	_ =	swait.eq @p0 [sflag:s6], $0x1  }
0xae: {  	[sflag:s6] =	ssyncadd.s32 @p0 $0xFFFFFFFF  }
0xaf: {  	s7 =	sshll.u32 @!p0 s1, $0xE  }
0xb0: {  	s7 =	sor.u32 @!p0 $0x4000, s7;
	s6 =	simm.s32 @!p0 $0x1B8D  }
0xb1: {  	s5 =	sshll.u32 @!p0 s5, $0x11;
	s7 =	sadd.s32 @!p0 $0x11B8D, s7;
	_ =	swait.eq @!p0 [sflag:s6], $0x1  }
0xb2: {  	s5 =	sor.u32 @!p0 s5, s7;
	[sflag:s6] =	ssyncadd.s32 @!p0 $0xFFFFFFFF  }
0xb3: {  	s25 =	simm.s32 $0x1B8E;
	s24 =	sld [smem:$0x3FFE];
	[sflag:s5] =	ssyncadd.remote.s32 @!p0 $0x1  }
0xb4: {  	s26 =	simm.s32 $execute0_lowered;
	[smem:$0x3FD2] =	sst s25  }
0xb5: {  	s6 =	sshll.u32 s26, $0x1;
	_ =	strace $0x8000004C;
	[dreg:$0x1] =	wrdreg $0xFFFFFFFF  }
0xb6: {  	s28 =	simm.s32 $_size_execute0_lowered;
	s4 =	sadd.s32 s4, s6;
	[dreg:$0x0] =	wrdreg $0x0  }
0xb7: {  	s6 =	sshll.u32 s28, $0x1;
	[dreg:$0x2] =	wrdreg s4  }
0xb8: {  	[dreg:$0x3] =	wrdreg s6  }
0xb9: {  	[dreg:$0x4] =	wrdreg $0xC0  }
0xba: {  	_ =	task [dreg:s22], $0x5FFFF  }
0xbb: {  	[dreg:$0x1] =	wrdreg $0xFFFFFFFF  }
0xbc: {  	[dreg:$0x0] =	wrdreg $0x60  }
0xbd: {  	[dreg:$0x2] =	wrdreg s18  }
0xbe: {  	[dreg:$0x3] =	wrdreg s24  }
0xbf: {  	[dreg:$0x4] =	wrdreg $0x0  }
0xc0: {  	[dreg:$0x5] =	wrdreg $0xD  }
0xc1: {  	_ =	task.clear_ibuf [dreg:s22], $0x6FFFF;
	_ =	strace $0x9000004C  }
0xc2: {  	s29 =	simm.s32 $0xD;
	_ =	strace $0x8000004E  }
0xc3: {  	_ =	swait.ge [sflag:s29], $0x1  }
0xc4: {  	[sflag:s29] =	ssyncadd.s32 $0xFFFFFFFF  }
0xc5: {  	_ =	strace $0x9000004E  }
0xc6: {  	_ =	sfence  }
0xc7: {  	s30 =	sld [smem:$0x0];
	_ =	sdelay $0x2  }
0xc8: {  	s31 =	sshll.u32 s1, $0xD;
	s1 =	sshrl.u32 s1, $0x2  }
0xc9: {  	s4 =	sand.u32 $0x4000, s31;
	s1 =	sadd.s32 s1, s30  }
0xca: {  	s0 =	sor.u32 s4, s0;
	s1 =	sshll.u32 s1, $0x11  }
0xcb: {  	s0 =	sor.u32 s1, s0  }
0xcc: {  	s0 =	sadd.s32 $0x8F2B, s0  }
0xcd: {  	[sflag:s0] =	ssyncadd.remote.s32 $0x1  }
0xce: {  	_ =	sfence.sel $0xFFFF  }
0xcf: {  	[dreg:$0x0] =	wrdreg $0xFFFFFFFF;
	(pc) =	sbr.abs _section_cstart, $3  }
0xd0: {  	[dreg:$0x1] =	wrdreg $0xFFFFFFFF  }
0xd1: {  	_ =	task.clear_ibuf [dreg:s22], $0x2FFFF;
	_ =	strace $0x9FFFFFFF  }
0xd2: {  	(tm) =	ssettm $0x7FFFFFFF  }
0xd3: {  	_ =	shalt  }
tec
execute0_lowered:
.L_overlay_start_1:
0x0: {  	(tag) =	ssettag $0x1  }
0x1: {  	s1 =	rddreg [dreg:$0x0]  }
0x2: {  	s5 =	rddreg [dreg:$0x1]  }
0x3: {  	s3 =	rddreg [dreg:$0x2]  }
0x4: {  	s0 =	rddreg [dreg:$0x3];
	s4 =	simm.s32 $0x0  }
0x5: {  	s2 =	stileid.u32;
	s7 =	srdreg.scid;
	s14 =	simm.s32 $0x1BA00  }
0x6: {  	s15 =	simm.s32 $0x1E300;
	s18 =	simm.s32 $0x1;
	s6 =	smul.u32 $0x320, s2  }
0x7: {  	[smem:$0x7FF] =	sst s4;
	s7 =	sand.u32 $0x1, s7;
	s9 =	smul.u32 $0x62000, s2  }
0x8: {  	s10 =	sadd.s32 $0xEBA00, s5;
	s11 =	smul.u32 $0x18800, s2;
	_ =	strace $0x8000004D  }
0x9: {  	s8 =	ssub.s32 $0x2, s7;
	s29 =	smul.u32 $0x310000, s7;
	s16 =	sshllo.u32 s7, $0x1  }
0xa: {  	s17 =	sshll.u32 s7, $0x1;
	s6 =	sadd.s32 s6, s5;
	s28 =	sshrl.u32 s8, $0x1  }
0xb: {  	s13 =	smul.u32 $0x188000, s16;
	s30 =	sshrl.u32 s9, $0x2;
	s9 =	sadd.s32 s11, s3  }
0xc: {  	v0 =	vmov s17;
	v1 =	vmov s16;
	s16 =	simm.s32 $0x80;
	s17 =	simm.s32 $0x1D300;
	s12 =	ssub.s32 s8, s28  }
0xd: {  	s5 =	sadd.s32 $0xE8800, s6;
	s6 =	sadd.s32 $0x8600, s6;
	s8 =	sadd.s32 s11, s29  }
0xe: {  	s7 =	sadd.s32 s30, s3;
	s8 =	sshrl.u32 s8, $0x3;
	s13 =	sadd.s32 s11, s13  }
0xf: {  	s11 =	smax.u32 s12, $0x1;
	s12 =	simm.s32 $0x18800;
	s31 =	sshrl.u32 s13, $0x3  }
0x10: {  	v2 =	vimm.f32 $0.0e+00;
	s8 =	sadd.s32 s10, s8;
	s13 =	simm.s32 $0x2;
	s10 =	sadd.s32 s10, s31  }
.LBB2_1:
0x11: {  	s19 =	simm.s32 $0x80;
	s20 =	simm.s32 $0x0  }
.LBB2_2:
0x12: {  	p0 =	sne.s32 s19, $0x1F80;
	[tilespmem:s20+$0x1E300] =	vst v2;
	s21 =	smov.u32 s19;
	s19 =	sadd.s32 $0x80, s19  }
.Ltmp0:
0x13: {  	[tilespmem:s20+$0x1E310] =	vst v2;
	(pc) =	sbr.rel @p0 .LBB2_2-.Ltmp0, $2  }
0x14: {  	_ =	sdelay $0x2  }
0x15: {  	s20 =	sshra.s32 s21, $0x2  }
0x16: {  	[tilespmem:s20+$0x1E300] =	vst v2  }
0x17: {  	[tilespmem:s20+$0x1E310] =	vst v2;
	s19 =	simm.s32 $0x0  }
0x18: {  	[tilespmem:s12], [sflag:$0x2] =	stream.linear.gather [hbm4b:s5+s19], $0x1900, $0x38;
	[tilespmem:$0x1EB00] =	vst v63  }
0x19: {  	_ =	swait.ge [sflag:s13], $0x1900  }
0x1a: {  	[sflag:s13] =	ssyncset.done $0x0  }
0x1b: {  	[sflag:s13] =	ssyncadd.s32 $0xFFFFE700  }
0x1c: {  	[tilespmem:s14], [sflag:$0x2] =	stream.linear.gather [hbm4b:s6+s19], $0x1900, $0x38;
	[tilespmem:$0x1EB00] =	vst v63  }
0x1d: {  	_ =	swait.ge [sflag:s13], $0x1900  }
0x1e: {  	[sflag:s13] =	ssyncset.done $0x0  }
0x1f: {  	s31 =	sadd.s32 $0x0, s7;
	[sflag:s13] =	ssyncadd.s32 $0xFFFFE700  }
0x20: {  	[spmem:s31] =	stream.linear.scatter [tilespmem:s15], [sflag:$0x2], $0x800, $0x38;
	[tilespmem:$0x1EB00] =	vst v63  }
0x21: {  	s20 =	simm.s32 $0x2000;
	s19 =	simm.s32 $0x0;
	_ =	swait.ge [sflag:s13], $0x800  }
.LBB2_4:
0x22: {  	s21 =	sshra.s32 s20, $0x2;
	[sflag:s13] =	ssyncset.done $0x0;
	p0 =	sne.s32 s20, $0x60000  }
.Ltmp1:
0x23: {  	s21 =	sadd.s32 s21, s7;
	[sflag:s13] =	ssyncadd.s32 $0xFFFFF800;
	(pc) =	sbr.rel @p0 .LBB2_4-.Ltmp1, $3  }
0x24: {  	[spmem:s21] =	stream.linear.scatter [tilespmem:s15], [sflag:$0x2], $0x800, $0x38;
	[tilespmem:$0x1EB00] =	vst v63  }
0x25: {  	s20 =	sadd.s32 $0x2000, s20;
	_ =	sdelay $0x1  }
0x26: {  	_ =	swait.ge [sflag:s13], $0x800  }
0x27: {  	[sflag:s13] =	ssyncset.done $0x0  }
0x28: {  	[sflag:s13] =	ssyncadd.s32 $0xFFFFF800  }
0x29: {  	v3 =	vld [tilespmem:s19+$0x18870]  }
0x2a: {  	v5 =	vld [tilespmem:s19+$0x18800]  }
0x2b: {  	v9 =	vld [tilespmem:s19+$0x18810]  }
0x2c: {  	v7 =	vld [tilespmem:s19+$0x18820]  }
0x2d: {  	v6 =	vld [tilespmem:s19+$0x18830]  }
0x2e: {  	v4 =	vld [tilespmem:s19+$0x18840];
	v8 =	vshll.u32 v3, $0x2  }
0x2f: {  	v3 =	vld [tilespmem:s19+$0x18850];
	v10 =	vshll.u32 v5, $0x2;
	v11 =	vor.u32 v0, v8  }
0x30: {  	s20 =	simm.s32 $0x80;
	s21 =	simm.s32 $0x400;
	v5 =	vld [tilespmem:s19+$0x18860];
	v9 =	vshll.u32 v9, $0x2;
	v8 =	vor.u32 v0, v10;
	[tilespmem:s19+$0x1A170] =	vst v11  }
.LBB2_6:
0x31: {  	p0 =	sne.s32 s21, $0x6200;
	v10 =	vld [tilespmem:s20+$0x18870];
	[tilespmem:s19+$0x1A100] =	vst v8;
	v8 =	vor.u32 v0, v9;
	v7 =	vshll.u32 v7, $0x2  }
0x32: {  	v9 =	vld [tilespmem:s20+$0x18800];
	[tilespmem:s19+$0x1A110] =	vst v8;
	v7 =	vor.u32 v0, v7;
	v6 =	vshll.u32 v6, $0x2  }
0x33: {  	v11 =	vld [tilespmem:s20+$0x18810];
	[tilespmem:s19+$0x1A120] =	vst v7;
	v6 =	vor.u32 v0, v6;
	v4 =	vshll.u32 v4, $0x2  }
.Ltmp2:
0x34: {  	v7 =	vld [tilespmem:s20+$0x18820];
	[tilespmem:s19+$0x1A130] =	vst v6;
	v4 =	vor.u32 v0, v4;
	v3 =	vshll.u32 v3, $0x2;
	(pc) =	sbr.rel @p0 .LBB2_6-.Ltmp2, $4  }
0x35: {  	v6 =	vld [tilespmem:s20+$0x18830];
	[tilespmem:s19+$0x1A140] =	vst v4;
	v3 =	vor.u32 v0, v3;
	v5 =	vshll.u32 v5, $0x2  }
0x36: {  	v4 =	vld [tilespmem:s20+$0x18840];
	v8 =	vshll.u32 v10, $0x2;
	[tilespmem:s19+$0x1A150] =	vst v3;
	v5 =	vor.u32 v0, v5  }
0x37: {  	v9 =	vshll.u32 v9, $0x2;
	v3 =	vld [tilespmem:s20+$0x18850];
	v10 =	vor.u32 v0, v8;
	[tilespmem:s19+$0x1A160] =	vst v5;
	s19 =	smov.u32 s20  }
0x38: {  	s20 =	sshra.s32 s21, $0x2;
	s21 =	sadd.s32 $0x200, s21;
	v8 =	vor.u32 v0, v9;
	v9 =	vshll.u32 v11, $0x2;
	v5 =	vld [tilespmem:s19+$0x18860];
	[tilespmem:s19+$0x1A170] =	vst v10  }
0x39: {  	v10 =	vld [tilespmem:s20+$0x18870];
	[tilespmem:s19+$0x1A100] =	vst v8;
	v57 =	vor.u32 v0, v9;
	v7 =	vshll.u32 v7, $0x2  }
0x3a: {  	v58 =	vld [tilespmem:s20+$0x18800];
	[tilespmem:s19+$0x1A110] =	vst v57;
	v7 =	vor.u32 v0, v7;
	v6 =	vshll.u32 v6, $0x2  }
0x3b: {  	v8 =	vld [tilespmem:s20+$0x18810];
	[tilespmem:s19+$0x1A120] =	vst v7;
	v6 =	vor.u32 v0, v6;
	v4 =	vshll.u32 v4, $0x2  }
0x3c: {  	v7 =	vld [tilespmem:s20+$0x18820];
	[tilespmem:s19+$0x1A130] =	vst v6;
	v4 =	vor.u32 v0, v4;
	v3 =	vshll.u32 v3, $0x2  }
0x3d: {  	v6 =	vld [tilespmem:s20+$0x18830];
	[tilespmem:s19+$0x1A140] =	vst v4;
	v3 =	vor.u32 v0, v3;
	v5 =	vshll.u32 v5, $0x2  }
0x3e: {  	v4 =	vld [tilespmem:s20+$0x18840];
	[tilespmem:s19+$0x1A150] =	vst v3;
	v3 =	vor.u32 v0, v5;
	v10 =	vshll.u32 v10, $0x2  }
0x3f: {  	v59 =	vld [tilespmem:s20+$0x18850];
	[tilespmem:s19+$0x1A160] =	vst v3;
	v3 =	vshll.u32 v58, $0x2;
	v60 =	vor.u32 v0, v10  }
0x40: {  	v61 =	vld [tilespmem:s20+$0x18860];
	v3 =	vor.u32 v0, v3;
	v8 =	vshll.u32 v8, $0x2;
	[tilespmem:s20+$0x1A170] =	vst v60  }
0x41: {  	[tilespmem:s20+$0x1A100] =	vst v3;
	v3 =	vor.u32 v0, v8;
	v7 =	vshll.u32 v7, $0x2  }
0x42: {  	[tilespmem:s20+$0x1A110] =	vst v3;
	v3 =	vor.u32 v0, v7;
	v6 =	vshll.u32 v6, $0x2  }
0x43: {  	[tilespmem:s20+$0x1A120] =	vst v3;
	v3 =	vor.u32 v0, v6;
	v4 =	vshll.u32 v4, $0x2  }
0x44: {  	[tilespmem:s20+$0x1A130] =	vst v3;
	v3 =	vor.u32 v0, v4;
	v62 =	vshll.u32 v59, $0x2  }
0x45: {  	[tilespmem:s20+$0x1A140] =	vst v3;
	v3 =	vor.u32 v0, v62;
	v63 =	vshll.u32 v61, $0x2  }
0x46: {  	[tilespmem:s20+$0x1A150] =	vst v3;
	v3 =	vor.u32 v0, v63  }
0x47: {  	[tilespmem:s20+$0x1A160] =	vst v3  }
0x48: {  	s30 =	simm.s32 $0x1A100;
	[bflag:$0x0] =	sbarrier.arrive $0xFFFF  }
0x49: {  	[tilespmem:s17], [sflag:$0x1] =	stream.indirect.gather [hbm4b:s1+s16], $0x20, s30, s16, $0xb8;
	[tilespmem:$0x1EB00] =	vst v63  }
0x4a: {  	_ =	swait.ge [sflag:s18], $0x1000  }
0x4b: {  	[sflag:s18] =	ssyncset.done $0x0  }
0x4c: {  	s31 =	simm.s32 $0x1BA00;
	[sflag:s18] =	ssyncadd.s32 $0xFFFFF000  }
0x4d: {  	[spmem:s3] =	stream.indirect.scatter.add.f32 [tilespmem:s17], [sflag:$0x2], $0x20, s31, s16, $0xb8;
	[tilespmem:$0x1EB00] =	vst v63  }
0x4e: {  	_ =	swait.ge [sflag:s13], $0x1000  }
0x4f: {  	s19 =	simm.s32 $0x80;
	s20 =	simm.s32 $0x400;
	[sflag:s13] =	ssyncset.done $0x0  }
.LBB2_8:
0x50: {  	s21 =	sadd.s32 $0x1A100, s19  }
0x51: {  	[sflag:s13] =	ssyncadd.s32 $0xFFFFF000;
	s22 =	smov.u32 s20;
	s23 =	sadd.s32 $0x200, s20  }
0x52: {  	[tilespmem:s17], [sflag:$0x1] =	stream.indirect.gather [hbm4b:s1+s16], $0x20, s21, s16, $0xb8;
	[tilespmem:$0x1EB00] =	vst v63  }
0x53: {  	p0 =	sne.s32 s20, $0x6200;
	_ =	swait.ge [sflag:s18], $0x1000  }
.Ltmp3:
0x54: {  	[sflag:s18] =	ssyncset.done $0x0;
	(pc) =	sbr.rel @p0 .LBB2_8-.Ltmp3, $4  }
0x55: {  	s19 =	sadd.s32 $0x1BA00, s19;
	[sflag:s18] =	ssyncadd.s32 $0xFFFFF000  }
0x56: {  	[spmem:s3] =	stream.indirect.scatter.add.f32 [tilespmem:s17], [sflag:$0x2], $0x20, s19, s16, $0xb8;
	[tilespmem:$0x1EB00] =	vst v63  }
0x57: {  	_ =	swait.ge [sflag:s13], $0x1000  }
0x58: {  	s20 =	smov.u32 s23;
	s19 =	sshra.s32 s22, $0x2;
	[sflag:s13] =	ssyncset.done $0x0  }
0x59: {  	s20 =	sadd.s32 $0x1A100, s19;
	[sflag:s13] =	ssyncadd.s32 $0xFFFFF000  }
0x5a: {  	[tilespmem:s17], [sflag:$0x1] =	stream.indirect.gather [hbm4b:s1+s16], $0x20, s20, s16, $0xb8;
	[tilespmem:$0x1EB00] =	vst v63  }
0x5b: {  	_ =	swait.ge [sflag:s18], $0x1000  }
0x5c: {  	[sflag:s18] =	ssyncset.done $0x0  }
0x5d: {  	s30 =	sadd.s32 $0x1BA00, s19;
	[sflag:s18] =	ssyncadd.s32 $0xFFFFF000  }
0x5e: {  	[spmem:s3] =	stream.indirect.scatter.add.f32 [tilespmem:s17], [sflag:$0x2], $0x20, s30, s16, $0xb8;
	[tilespmem:$0x1EB00] =	vst v63  }
0x5f: {  	_ =	swait.ge [sflag:s13], $0x1000  }
0x60: {  	[sflag:s13] =	ssyncset.done $0x0  }
0x61: {  	s31 =	sshll.u32 s2, $0x6;
	[sflag:s13] =	ssyncadd.s32 $0xFFFFF000  }
0x62: {  	s19 =	sor.u32 $0x1C02, s31;
	s20 =	sshrl.u32 s9, $0x3;
	[bflag:$0x0] =	sbarrier.arrive $0xFFFF  }
0x63: {  	[hbm:s8], [sflag:s19] =	dma.local [spmem:s20], $0x3100  }
0x64: {  	_ =	swait.ge [sflag:s13], $0x3100  }
0x65: {  	[sflag:s13] =	ssyncset.done $0x0  }
0x66: {  	s21 =	sadd.s32 $0x0, s7;
	[sflag:s13] =	ssyncadd.s32 $0xFFFFCF00  }
0x67: {  	[spmem:s21] =	stream.linear.scatter [tilespmem:s15], [sflag:$0x2], $0x800, $0x38;
	[tilespmem:$0x1EB00] =	vst v63  }
0x68: {  	s22 =	simm.s32 $0x2000;
	s21 =	simm.s32 $0x0;
	_ =	swait.ge [sflag:s13], $0x800  }
.LBB2_10:
0x69: {  	s23 =	sshra.s32 s22, $0x2;
	[sflag:s13] =	ssyncset.done $0x0;
	p0 =	sne.s32 s22, $0x60000  }
.Ltmp4:
0x6a: {  	s23 =	sadd.s32 s23, s7;
	[sflag:s13] =	ssyncadd.s32 $0xFFFFF800;
	(pc) =	sbr.rel @p0 .LBB2_10-.Ltmp4, $3  }
0x6b: {  	[spmem:s23] =	stream.linear.scatter [tilespmem:s15], [sflag:$0x2], $0x800, $0x38;
	[tilespmem:$0x1EB00] =	vst v63  }
0x6c: {  	s22 =	sadd.s32 $0x2000, s22;
	_ =	sdelay $0x1  }
0x6d: {  	_ =	swait.ge [sflag:s13], $0x800  }
0x6e: {  	[sflag:s13] =	ssyncset.done $0x0  }
0x6f: {  	[sflag:s13] =	ssyncadd.s32 $0xFFFFF800  }
0x70: {  	v3 =	vld [tilespmem:s21+$0x18870]  }
0x71: {  	v5 =	vld [tilespmem:s21+$0x18800]  }
0x72: {  	v9 =	vld [tilespmem:s21+$0x18810]  }
0x73: {  	v7 =	vld [tilespmem:s21+$0x18820]  }
0x74: {  	v6 =	vld [tilespmem:s21+$0x18830]  }
0x75: {  	v4 =	vld [tilespmem:s21+$0x18840];
	v8 =	vshll.u32 v3, $0x2  }
0x76: {  	v3 =	vld [tilespmem:s21+$0x18850];
	v10 =	vshll.u32 v5, $0x2;
	v11 =	vor.u32 v1, v8  }
0x77: {  	s22 =	simm.s32 $0x80;
	s23 =	simm.s32 $0x400;
	v5 =	vld [tilespmem:s21+$0x18860];
	v9 =	vshll.u32 v9, $0x2;
	v8 =	vor.u32 v1, v10;
	[tilespmem:s21+$0x1A170] =	vst v11  }
.LBB2_12:
0x78: {  	p0 =	sne.s32 s23, $0x6200;
	v10 =	vld [tilespmem:s22+$0x18870];
	[tilespmem:s21+$0x1A100] =	vst v8;
	v8 =	vor.u32 v1, v9;
	v7 =	vshll.u32 v7, $0x2  }
0x79: {  	v9 =	vld [tilespmem:s22+$0x18800];
	[tilespmem:s21+$0x1A110] =	vst v8;
	v7 =	vor.u32 v1, v7;
	v6 =	vshll.u32 v6, $0x2  }
0x7a: {  	v11 =	vld [tilespmem:s22+$0x18810];
	[tilespmem:s21+$0x1A120] =	vst v7;
	v6 =	vor.u32 v1, v6;
	v4 =	vshll.u32 v4, $0x2  }
.Ltmp5:
0x7b: {  	v7 =	vld [tilespmem:s22+$0x18820];
	[tilespmem:s21+$0x1A130] =	vst v6;
	v4 =	vor.u32 v1, v4;
	v3 =	vshll.u32 v3, $0x2;
	(pc) =	sbr.rel @p0 .LBB2_12-.Ltmp5, $4  }
0x7c: {  	v6 =	vld [tilespmem:s22+$0x18830];
	[tilespmem:s21+$0x1A140] =	vst v4;
	v3 =	vor.u32 v1, v3;
	v5 =	vshll.u32 v5, $0x2  }
0x7d: {  	v4 =	vld [tilespmem:s22+$0x18840];
	v8 =	vshll.u32 v10, $0x2;
	[tilespmem:s21+$0x1A150] =	vst v3;
	v5 =	vor.u32 v1, v5  }
0x7e: {  	v9 =	vshll.u32 v9, $0x2;
	v3 =	vld [tilespmem:s22+$0x18850];
	v10 =	vor.u32 v1, v8;
	[tilespmem:s21+$0x1A160] =	vst v5;
	s21 =	smov.u32 s22  }
0x7f: {  	s22 =	sshra.s32 s23, $0x2;
	s23 =	sadd.s32 $0x200, s23;
	v8 =	vor.u32 v1, v9;
	v9 =	vshll.u32 v11, $0x2;
	v5 =	vld [tilespmem:s21+$0x18860];
	[tilespmem:s21+$0x1A170] =	vst v10  }
0x80: {  	v10 =	vld [tilespmem:s22+$0x18870];
	[tilespmem:s21+$0x1A100] =	vst v8;
	v57 =	vor.u32 v1, v9;
	v7 =	vshll.u32 v7, $0x2  }
0x81: {  	v58 =	vld [tilespmem:s22+$0x18800];
	[tilespmem:s21+$0x1A110] =	vst v57;
	v7 =	vor.u32 v1, v7;
	v6 =	vshll.u32 v6, $0x2  }
0x82: {  	v8 =	vld [tilespmem:s22+$0x18810];
	[tilespmem:s21+$0x1A120] =	vst v7;
	v6 =	vor.u32 v1, v6;
	v4 =	vshll.u32 v4, $0x2  }
0x83: {  	v7 =	vld [tilespmem:s22+$0x18820];
	[tilespmem:s21+$0x1A130] =	vst v6;
	v4 =	vor.u32 v1, v4;
	v3 =	vshll.u32 v3, $0x2  }
0x84: {  	v6 =	vld [tilespmem:s22+$0x18830];
	[tilespmem:s21+$0x1A140] =	vst v4;
	v3 =	vor.u32 v1, v3;
	v5 =	vshll.u32 v5, $0x2  }
0x85: {  	v4 =	vld [tilespmem:s22+$0x18840];
	[tilespmem:s21+$0x1A150] =	vst v3;
	v3 =	vor.u32 v1, v5;
	v10 =	vshll.u32 v10, $0x2  }
0x86: {  	v59 =	vld [tilespmem:s22+$0x18850];
	[tilespmem:s21+$0x1A160] =	vst v3;
	v3 =	vshll.u32 v58, $0x2;
	v60 =	vor.u32 v1, v10  }
0x87: {  	v61 =	vld [tilespmem:s22+$0x18860];
	v3 =	vor.u32 v1, v3;
	v8 =	vshll.u32 v8, $0x2;
	[tilespmem:s22+$0x1A170] =	vst v60  }
0x88: {  	[tilespmem:s22+$0x1A100] =	vst v3;
	v3 =	vor.u32 v1, v8;
	v7 =	vshll.u32 v7, $0x2  }
0x89: {  	[tilespmem:s22+$0x1A110] =	vst v3;
	v3 =	vor.u32 v1, v7;
	v6 =	vshll.u32 v6, $0x2  }
0x8a: {  	[tilespmem:s22+$0x1A120] =	vst v3;
	v3 =	vor.u32 v1, v6;
	v4 =	vshll.u32 v4, $0x2  }
0x8b: {  	[tilespmem:s22+$0x1A130] =	vst v3;
	v3 =	vor.u32 v1, v4;
	v62 =	vshll.u32 v59, $0x2  }
0x8c: {  	[tilespmem:s22+$0x1A140] =	vst v3;
	v3 =	vor.u32 v1, v62;
	v63 =	vshll.u32 v61, $0x2  }
0x8d: {  	[tilespmem:s22+$0x1A150] =	vst v3;
	v3 =	vor.u32 v1, v63  }
0x8e: {  	[tilespmem:s22+$0x1A160] =	vst v3  }
0x8f: {  	s30 =	simm.s32 $0x1A100;
	[bflag:$0x0] =	sbarrier.arrive $0xFFFF  }
0x90: {  	[tilespmem:s17], [sflag:$0x1] =	stream.indirect.gather [hbm4b:s1+s16], $0x20, s30, s16, $0xb8;
	[tilespmem:$0x1EB00] =	vst v63  }
0x91: {  	_ =	swait.ge [sflag:s18], $0x1000  }
0x92: {  	[sflag:s18] =	ssyncset.done $0x0  }
0x93: {  	s31 =	simm.s32 $0x1BA00;
	[sflag:s18] =	ssyncadd.s32 $0xFFFFF000  }
0x94: {  	[spmem:s3] =	stream.indirect.scatter.add.f32 [tilespmem:s17], [sflag:$0x2], $0x20, s31, s16, $0xb8;
	[tilespmem:$0x1EB00] =	vst v63  }
0x95: {  	_ =	swait.ge [sflag:s13], $0x1000  }
0x96: {  	s21 =	simm.s32 $0x80;
	s22 =	simm.s32 $0x400;
	[sflag:s13] =	ssyncset.done $0x0  }
.LBB2_14:
0x97: {  	s23 =	sadd.s32 $0x1A100, s21  }
0x98: {  	[sflag:s13] =	ssyncadd.s32 $0xFFFFF000;
	s24 =	smov.u32 s22;
	s25 =	sadd.s32 $0x200, s22  }
0x99: {  	[tilespmem:s17], [sflag:$0x1] =	stream.indirect.gather [hbm4b:s1+s16], $0x20, s23, s16, $0xb8;
	[tilespmem:$0x1EB00] =	vst v63  }
0x9a: {  	p0 =	sne.s32 s22, $0x6200;
	_ =	swait.ge [sflag:s18], $0x1000  }
.Ltmp6:
0x9b: {  	[sflag:s18] =	ssyncset.done $0x0;
	(pc) =	sbr.rel @p0 .LBB2_14-.Ltmp6, $4  }
0x9c: {  	s21 =	sadd.s32 $0x1BA00, s21;
	[sflag:s18] =	ssyncadd.s32 $0xFFFFF000  }
0x9d: {  	[spmem:s3] =	stream.indirect.scatter.add.f32 [tilespmem:s17], [sflag:$0x2], $0x20, s21, s16, $0xb8;
	[tilespmem:$0x1EB00] =	vst v63  }
0x9e: {  	_ =	swait.ge [sflag:s13], $0x1000  }
0x9f: {  	s22 =	smov.u32 s25;
	s21 =	sshra.s32 s24, $0x2;
	[sflag:s13] =	ssyncset.done $0x0  }
0xa0: {  	s22 =	sadd.s32 $0x1A100, s21;
	[sflag:s13] =	ssyncadd.s32 $0xFFFFF000  }
0xa1: {  	[tilespmem:s17], [sflag:$0x1] =	stream.indirect.gather [hbm4b:s1+s16], $0x20, s22, s16, $0xb8;
	[tilespmem:$0x1EB00] =	vst v63  }
0xa2: {  	_ =	swait.ge [sflag:s18], $0x1000  }
0xa3: {  	[sflag:s18] =	ssyncset.done $0x0  }
0xa4: {  	s31 =	sadd.s32 $0x1BA00, s21;
	[sflag:s18] =	ssyncadd.s32 $0xFFFFF000  }
0xa5: {  	[spmem:s3] =	stream.indirect.scatter.add.f32 [tilespmem:s17], [sflag:$0x2], $0x20, s31, s16, $0xb8;
	[tilespmem:$0x1EB00] =	vst v63  }
0xa6: {  	_ =	swait.ge [sflag:s13], $0x1000  }
0xa7: {  	s4 =	sadd.s32 $0x1, s4;
	[sflag:s13] =	ssyncset.done $0x0  }
0xa8: {  	p0 =	sne.s32 s4, s11;
	[sflag:s13] =	ssyncadd.s32 $0xFFFFF000  }
.Ltmp7:
0xa9: {  	[bflag:$0x0] =	sbarrier.arrive $0xFFFF;
	(pc) =	sbr.rel @p0 .LBB2_1-.Ltmp7, $4  }
0xaa: {  	[hbm:s10], [sflag:s19] =	dma.local [spmem:s20], $0x3100  }
0xab: {  	_ =	swait.ge [sflag:s13], $0x3100  }
0xac: {  	[sflag:s13] =	ssyncset.done $0x0  }
0xad: {  	[sflag:s13] =	ssyncadd.s32 $0xFFFFCF00  }
0xae: {  	_ =	sfence.sel $0x180000  }
0xaf: {  	[bflag:$0x0] =	sbarrier.arrive $0xFFFF  }
0xb0: {  	p0 =	sne.s32 s2, $0x0;
	_ =	strace $0x9000004D  }
0xb1: {  	s0 =	sadd.s32 @!p0 $0x100000, s0;
	[bflag:$0x2] =	sbarrier.arrive $0xFFFF  }
0xb2: {  	[sflag:s0] =	ssyncadd.tile.s32 @!p0 $0x1;
	_ =	shalt  }
.Lfunc_end2:
_tile_overlayer_lowered:
.L_overlay_start_2:
0xb3: {  	(tag) =	ssettag $0x2  }
0xb4: {  	s0 =	rddreg [dreg:$0x0];
	s2 =	stileid.u32  }
0xb5: {  	s1 =	rddreg [dreg:$0x1];
	p0 =	sne.s32 s2, $0x0  }
0xb6: {  	s3 =	rddreg [dreg:$0x2];
	[bflag:$0x3] =	sbarrier.arrive $0xFFFF;
	s2 =	simm.s32 @!p0 $0x1C02  }
0xb7: {  	[timem:s3], [sflag:s2] =	dma.local @!p0 [hbm:s0], s1  }
0xb8: {  	s0 =	simm.s32 @!p0 $0x2  }
0xb9: {  	_ =	swait.ge @!p0 [sflag:s0], s1  }
0xba: {  	s1 =	ssub.s32 @!p0 $0x0, s1;
	[sflag:s0] =	ssyncset.done @!p0 $0x0  }
0xbb: {  	[sflag:s0] =	ssyncadd.s32 @!p0 s1  }
0xbc: {  	[bflag:$0x3] =	sbarrier.arrive $0xFFFF  }
0xbd: {  	_ =	shalt  }

// kernel: kernel.27.cloned.1.call-start
scs
__scs_entry_jumppad:
0x0: {  	(pc) =	sbr.rel $0x88, $3  }
0x1: {  	(tag) =	ssettag $0x0;
	lr =	simm.s32 $0x1  }
0x2: {  	[smem:$0x3F7D] =	sst lr;
	_ =	strace $0xD0000000  }
0x3: {  	_ = 	snop  }
0x4: {  	_ = 	snop  }
0x5: {  	_ = 	snop  }
0x6: {  	_ = 	snop  }
0x7: {  	_ = 	snop  }
__scs_overlays_trampoline_lowered:
0x8: {  	[smem:$0x3F8C] =	sst s0  }
0x9: {  	[smem:$0x3F8D] =	sst s1  }
0xa: {  	[smem:$0x3F8E] =	sst s2  }
0xb: {  	[smem:$0x3F8F] =	sst s3  }
0xc: {  	[smem:$0x3F90] =	sst s4  }
0xd: {  	[smem:$0x3F91] =	sst s5  }
0xe: {  	[smem:$0x3F92] =	sst s6  }
0xf: {  	[smem:$0x3F93] =	sst s7  }
0x10: {  	[smem:$0x3F94] =	sst s8  }
0x11: {  	[smem:$0x3F95] =	sst s9;
	s0 =	simm.s32 @!p0 $0x0  }
0x12: {  	s1 =	sld [smem:$0x3F7B];
	s0 =	simm.s32 @p0 $0x1  }
0x13: {  	[smem:$0x3F96] =	sst s0;
	s0 =	simm.s32 @!p1 $0x0  }
0x14: {  	s2 =	sld [smem:$0x3F7A];
	s0 =	simm.s32 @p1 $0x1  }
0x15: {  	[smem:$0x3F97] =	sst s0;
	s0 =	simm.s32 @!p2 $0x0  }
0x16: {  	s3 =	sld [smem:$0x3FDB];
	s0 =	simm.s32 @p2 $0x1  }
0x17: {  	s4 =	simm.s32 $0x1BF5;
	[smem:$0x3F99] =	sst s0  }
0x18: {  	s0 =	sld [smem:$0x3F7C];
	_ =	swait.ge [sflag:s4], $0x0  }
0x19: {  	s7 =	sld [smem:$0x3F7D]  }
0x1a: {  	s8 =	sadd.s32 $0xFFFFE003, lr  }
0x1b: {  	s9 =	sadd.s32 $0xFFFFFEF7, lr;
	s5 =	simm.s32 $0xFFFFFFFF;
	p2 =	slt.u32 s8, $0xFFFFF086  }
0x1c: {  	p1 =	slt.u32 s9, $0xF7A;
	s5 =	simm.s32 @!p2 $0x0  }
0x1d: {  	s5 =	simm.s32 @p1 $0x1;
	p0 =	seq.s32 s7, s2  }
0x1e: {  	s7 =	smul.u32 @!p0 $0xF7A, s2;
	p2 =	seq.s32 @!p0 s5, $0x0  }
0x1f: {  	s9 =	smul.u32 $0xF7A, s1;
	s8 =	simm.s32 @!p0 $0x1BF5;
	p2 =	por !p2, p0  }
0x20: {  	[sflag:s8] =	ssyncset.s32 @!p0 $0xFFFFF086;
	s6 =	sadd.s32 @!p0 s3, s7;
	s7 =	simm.s32 @!p0 $0x108  }
0x21: {  	s3 =	sadd.s32 s3, s9;
	s6 =	sadd.s32 @!p0 $0x88, s6;
	s7 =	simm.s32 @p2 $0x1082  }
0x22: {  	[simem:s7], [sflag:s8] =	dma.local @!p0 [hbm:s6], $0xF7A  }
0x23: {  	s9 =	sor.u32 $0xD0000000, s2;
	s6 =	simm.s32 $0x108;
	_ =	swait.ge @!p0 [sflag:s8], $0x0  }
0x24: {  	s3 =	sadd.s32 $0x88, s3;
	s6 =	simm.s32 @!p1 $0x1082;
	[sflag:s4] =	ssyncset.s32 $0xFFFFF086  }
0x25: {  	[simem:s6], [sflag:s4] =	dma.local [hbm:s3], $0xF7A  }
0x26: {  	[smem:$0x3F7D] =	sst s1;
	(tag) =	ssettag s2;
	_ =	strace s9  }
0x27: {  	s1 =	sld [smem:$0x3F8D]  }
0x28: {  	s2 =	sld [smem:$0x3F8E]  }
0x29: {  	s4 =	sld [smem:$0x3F90]  }
0x2a: {  	p0 =	seq.s32 s5, $0x0;
	s5 =	sld [smem:$0x3F91]  }
0x2b: {  	s6 =	sld [smem:$0x3F92]  }
0x2c: {  	s7 =	sld [smem:$0x3F93]  }
0x2d: {  	s3 =	simm.s32 $0x108;
	s8 =	sld [smem:$0x3F94]  }
0x2e: {  	s3 =	simm.s32 @!p0 $0x1082;
	s9 =	sld [smem:$0x3F95]  }
0x2f: {  	lr =	sadd.s32 s0, s3;
	s0 =	sld [smem:$0x3F8C]  }
0x30: {  	s3 =	sld [smem:$0x3F8F]  }
0x31: {  	[smem:$0x3F98] =	sst s10  }
0x32: {  	s10 =	sld [smem:$0x3F96];
	_ =	sdelay $0x3  }
0x33: {  	p0 =	seq.s32 s10, $0x1;
	s10 =	sld [smem:$0x3F98];
	_ =	sdelay $0x3  }
0x34: {  	[smem:$0x3F98] =	sst s10  }
0x35: {  	s10 =	sld [smem:$0x3F97];
	_ =	sdelay $0x3  }
0x36: {  	p1 =	seq.s32 s10, $0x1;
	s10 =	sld [smem:$0x3F98];
	_ =	sdelay $0x3  }
0x37: {  	[smem:$0x3F98] =	sst s10  }
0x38: {  	s10 =	sld [smem:$0x3F99]  }
0x39: {  	_ = 	snop;
	(pc) =	sbr.ind lr, $3  }
0x3a: {  	_ = 	snop  }
0x3b: {  	_ = 	snop  }
0x3c: {  	p2 =	seq.s32 s10, $0x1;
	s10 =	sld [smem:$0x3F98]  }
0x3d: {  	_ =	shalt  }
0x3e: {  	_ =	shalt  }
0x3f: {  	_ =	shalt  }
0x40: {  	_ =	shalt  }
0x41: {  	_ =	shalt  }
0x42: {  	_ =	shalt  }
0x43: {  	_ =	shalt  }
0x44: {  	_ =	shalt  }
0x45: {  	_ =	shalt  }
0x46: {  	_ =	shalt  }
0x47: {  	_ =	shalt  }
0x48: {  	_ =	shalt  }
0x49: {  	_ =	shalt  }
0x4a: {  	_ =	shalt  }
0x4b: {  	_ =	shalt  }
0x4c: {  	_ =	shalt  }
0x4d: {  	_ =	shalt  }
0x4e: {  	_ =	shalt  }
0x4f: {  	_ =	shalt  }
0x50: {  	_ =	shalt  }
0x51: {  	_ =	shalt  }
0x52: {  	_ =	shalt  }
0x53: {  	_ =	shalt  }
0x54: {  	_ =	shalt  }
0x55: {  	_ =	shalt  }
0x56: {  	_ =	shalt  }
0x57: {  	_ =	shalt  }
0x58: {  	_ =	shalt  }
0x59: {  	_ =	shalt  }
0x5a: {  	_ =	shalt  }
0x5b: {  	_ =	shalt  }
0x5c: {  	_ =	shalt  }
0x5d: {  	_ =	shalt  }
0x5e: {  	_ =	shalt  }
0x5f: {  	_ =	shalt  }
0x60: {  	_ =	shalt  }
0x61: {  	_ =	shalt  }
0x62: {  	_ =	shalt  }
0x63: {  	_ =	shalt  }
0x64: {  	_ =	shalt  }
0x65: {  	_ =	shalt  }
0x66: {  	_ =	shalt  }
0x67: {  	_ =	shalt  }
0x68: {  	_ =	shalt  }
0x69: {  	_ =	shalt  }
0x6a: {  	_ =	shalt  }
0x6b: {  	_ =	shalt  }
0x6c: {  	_ =	shalt  }
0x6d: {  	_ =	shalt  }
0x6e: {  	_ =	shalt  }
0x6f: {  	_ =	shalt  }
0x70: {  	_ =	shalt  }
0x71: {  	_ =	shalt  }
0x72: {  	_ =	shalt  }
0x73: {  	_ =	shalt  }
0x74: {  	_ =	shalt  }
0x75: {  	_ =	shalt  }
0x76: {  	_ =	shalt  }
0x77: {  	_ =	shalt  }
0x78: {  	_ =	shalt  }
0x79: {  	_ =	shalt  }
0x7a: {  	_ =	shalt  }
0x7b: {  	_ =	shalt  }
0x7c: {  	_ =	shalt  }
0x7d: {  	_ =	shalt  }
0x7e: {  	_ =	shalt  }
0x7f: {  	_ =	shalt  }
0x80: {  	_ =	shalt  }
0x81: {  	_ =	shalt  }
0x82: {  	_ =	shalt  }
0x83: {  	_ =	shalt  }
0x84: {  	_ =	shalt  }
0x85: {  	_ =	shalt  }
0x86: {  	_ =	shalt  }
0x87: {  	_ =	shalt  }
.Lfunc_end0:
.L_simem_size_0:
called_computation.5_lowered:
.L_overlay_start_0:
0x88: {  	s2 =	sld [smem:$0x3FD9]  }
0x89: {  	s3 =	sld [smem:$0x3FFE];
	_ =	sdelay $0x1  }
0x8a: {  	s1 =	srdreg.scid  }
0x8b: {  	s0 =	sand.u32 $0x1, s1  }
0x8c: {  	s17 =	sshll.u32 s0, $0xA;
	s2 =	sadd.s32 s3, s2  }
0x8d: {  	s2 =	sadd.s32 s2, s17  }
0x8e: {  	[smem:$0x3FA4] =	sst s2  }
0x8f: {  	_ = 	snop  }
0x90: {  	s18 =	sld [smem:$0x3FC7];
	(tm) =	ssettm $0x1  }
0x91: {  	s19 =	sld [smem:$0x3FFB];
	_ =	sdelay $0x3  }
0x92: {  	_ =	strace s19  }
0x93: {  	s2 =	sld [smem:$0x3FFC];
	_ =	sdelay $0x3  }
0x94: {  	_ =	strace s2  }
0x95: {  	s2 =	sld [smem:$0x3FFD];
	_ =	sdelay $0x3  }
0x96: {  	_ =	strace s2  }
0x97: {  	_ =	strace $0x8FFFFFFF  }
0x98: {  	s20 =	sld [smem:$0x3FDB];
	_ =	sdelay $0x1  }
0x99: {  	s4 =	simm.s32 $_scs_section_size  }
0x9a: {  	s5 =	simm.s32 $_size__tile_overlayer_lowered;
	s6 =	simm.s32 $_tile_overlayer_lowered  }
0x9b: {  	s7 =	simm.s32 $0x1BFF;
	s21 =	sshll.u32 s6, $0x1;
	s4 =	sadd.s32 s4, s20  }
0x9c: {  	s22 =	simm.s32 $0x0;
	s5 =	sshll.u32 s5, $0x1;
	s6 =	sadd.s32 s21, s4  }
0x9d: {  	[timem:s22], [sflag:s7] =	dma.local [hbm:s6], s5  }
0x9e: {  	_ =	swait.ge [sflag:s7], s5  }
0x9f: {  	s5 =	ssub.s32 $0x0, s5;
	[sflag:s7] =	ssyncset.done $0x0  }
0xa0: {  	[sflag:s7] =	ssyncadd.s32 s5;
	_ =	sdelay $0x1  }
0xa1: {  	s23 =	simm.s32 $0x1B8B  }
0xa2: {  	_ =	swait.ge [sflag:s23], $0x1  }
0xa3: {  	[sflag:s23] =	ssyncset.done $0x0  }
0xa4: {  	[sflag:s23] =	ssyncadd.s32 $0xFFFFFFFF  }
0xa5: {  	s5 =	sld [smem:$0x0]  }
0xa6: {  	s6 =	sand.u32 $0xFFFFFFFE, s1  }
0xa7: {  	p0 =	sne.s32 s1, s6  }
0xa8: {  	s6 =	sshll.u32 @p0 s6, $0xE  }
0xa9: {  	s6 =	sadd.s32 @p0 $0x11B8D, s6;
	s7 =	sshll.u32 @p0 s5, $0x11  }
0xaa: {  	s6 =	sor.u32 @p0 s7, s6  }
0xab: {  	[sflag:s6] =	ssyncadd.remote.s32 @p0 $0x1;
	_ =	sdelay $0x1  }
0xac: {  	s6 =	simm.s32 @p0 $0x1B8D  }
0xad: {  	_ =	swait.eq @p0 [sflag:s6], $0x1  }
0xae: {  	[sflag:s6] =	ssyncadd.s32 @p0 $0xFFFFFFFF  }
0xaf: {  	s7 =	sshll.u32 @!p0 s1, $0xE  }
0xb0: {  	s7 =	sor.u32 @!p0 $0x4000, s7;
	s6 =	simm.s32 @!p0 $0x1B8D  }
0xb1: {  	s5 =	sshll.u32 @!p0 s5, $0x11;
	s7 =	sadd.s32 @!p0 $0x11B8D, s7;
	_ =	swait.eq @!p0 [sflag:s6], $0x1  }
0xb2: {  	s5 =	sor.u32 @!p0 s5, s7;
	[sflag:s6] =	ssyncadd.s32 @!p0 $0xFFFFFFFF  }
0xb3: {  	s25 =	simm.s32 $0x1B8E;
	s24 =	sld [smem:$0x3FFE];
	[sflag:s5] =	ssyncadd.remote.s32 @!p0 $0x1  }
0xb4: {  	s26 =	simm.s32 $execute0_lowered;
	[smem:$0x3FD2] =	sst s25  }
0xb5: {  	s6 =	sshll.u32 s26, $0x1;
	_ =	strace $0x80000049;
	[dreg:$0x1] =	wrdreg $0xFFFFFFFF  }
0xb6: {  	s28 =	simm.s32 $_size_execute0_lowered;
	s4 =	sadd.s32 s4, s6;
	[dreg:$0x0] =	wrdreg $0x0  }
0xb7: {  	s6 =	sshll.u32 s28, $0x1;
	[dreg:$0x2] =	wrdreg s4  }
0xb8: {  	[dreg:$0x3] =	wrdreg s6  }
0xb9: {  	[dreg:$0x4] =	wrdreg $0xC0  }
0xba: {  	_ =	task [dreg:s22], $0x5FFFF  }
0xbb: {  	[dreg:$0x1] =	wrdreg $0xFFFFFFFF  }
0xbc: {  	[dreg:$0x0] =	wrdreg $0x60  }
0xbd: {  	[dreg:$0x2] =	wrdreg s18  }
0xbe: {  	[dreg:$0x3] =	wrdreg s24  }
0xbf: {  	[dreg:$0x4] =	wrdreg $0x0  }
0xc0: {  	[dreg:$0x5] =	wrdreg $0xE  }
0xc1: {  	_ =	task.clear_ibuf [dreg:s22], $0x6FFFF;
	_ =	strace $0x90000049  }
0xc2: {  	s29 =	simm.s32 $0xE;
	_ =	strace $0x8000004B  }
0xc3: {  	_ =	swait.ge [sflag:s29], $0x1  }
0xc4: {  	[sflag:s29] =	ssyncadd.s32 $0xFFFFFFFF  }
0xc5: {  	_ =	strace $0x9000004B  }
0xc6: {  	_ =	sfence  }
0xc7: {  	s30 =	sld [smem:$0x0];
	_ =	sdelay $0x2  }
0xc8: {  	s31 =	sshll.u32 s1, $0xD;
	s1 =	sshrl.u32 s1, $0x2  }
0xc9: {  	s4 =	sand.u32 $0x4000, s31;
	s1 =	sadd.s32 s1, s30  }
0xca: {  	s0 =	sor.u32 s4, s0;
	s1 =	sshll.u32 s1, $0x11  }
0xcb: {  	s0 =	sor.u32 s1, s0  }
0xcc: {  	s0 =	sadd.s32 $0x8F2B, s0  }
0xcd: {  	[sflag:s0] =	ssyncadd.remote.s32 $0x1  }
0xce: {  	_ =	sfence.sel $0xFFFF  }
0xcf: {  	[dreg:$0x0] =	wrdreg $0xFFFFFFFF;
	(pc) =	sbr.abs _section_cstart, $3  }
0xd0: {  	[dreg:$0x1] =	wrdreg $0xFFFFFFFF  }
0xd1: {  	_ =	task.clear_ibuf [dreg:s22], $0x2FFFF;
	_ =	strace $0x9FFFFFFF  }
0xd2: {  	(tm) =	ssettm $0x7FFFFFFF  }
0xd3: {  	_ =	shalt  }
tec
execute0_lowered:
.L_overlay_start_1:
0x0: {  	(tag) =	ssettag $0x1  }
0x1: {  	s1 =	rddreg [dreg:$0x0]  }
0x2: {  	s5 =	rddreg [dreg:$0x1]  }
0x3: {  	s3 =	rddreg [dreg:$0x2]  }
0x4: {  	s0 =	rddreg [dreg:$0x3];
	s4 =	simm.s32 $0x0  }
0x5: {  	s2 =	stileid.u32;
	s7 =	srdreg.scid;
	s14 =	simm.s32 $0x1BA00  }
0x6: {  	s15 =	simm.s32 $0x1E300;
	s18 =	simm.s32 $0x1;
	s6 =	smul.u32 $0x320, s2  }
0x7: {  	[smem:$0x7FF] =	sst s4;
	s7 =	sand.u32 $0x1, s7;
	s9 =	smul.u32 $0x62000, s2  }
0x8: {  	s10 =	sadd.s32 $0x24800, s5;
	s11 =	smul.u32 $0x18800, s2;
	_ =	strace $0x8000004A  }
0x9: {  	s8 =	ssub.s32 $0x2, s7;
	s29 =	smul.u32 $0x310000, s7;
	s16 =	sshllo.u32 s7, $0x1  }
0xa: {  	s17 =	sshll.u32 s7, $0x1;
	s6 =	sadd.s32 s6, s5;
	s28 =	sshrl.u32 s8, $0x1  }
0xb: {  	s13 =	smul.u32 $0x188000, s16;
	s30 =	sshrl.u32 s9, $0x2;
	s9 =	sadd.s32 s11, s3  }
0xc: {  	v0 =	vmov s17;
	v1 =	vmov s16;
	s16 =	simm.s32 $0x80;
	s17 =	simm.s32 $0x1D300;
	s12 =	ssub.s32 s8, s28  }
0xd: {  	s5 =	sadd.s32 $0x21600, s6;
	s6 =	sadd.s32 $0xB800, s6;
	s8 =	sadd.s32 s11, s29  }
0xe: {  	s7 =	sadd.s32 s30, s3;
	s8 =	sshrl.u32 s8, $0x3;
	s13 =	sadd.s32 s11, s13  }
0xf: {  	s11 =	smax.u32 s12, $0x1;
	s12 =	simm.s32 $0x18800;
	s31 =	sshrl.u32 s13, $0x3  }
0x10: {  	v2 =	vimm.f32 $0.0e+00;
	s8 =	sadd.s32 s10, s8;
	s13 =	simm.s32 $0x2;
	s10 =	sadd.s32 s10, s31  }
.LBB2_1:
0x11: {  	s19 =	simm.s32 $0x80;
	s20 =	simm.s32 $0x0  }
.LBB2_2:
0x12: {  	p0 =	sne.s32 s19, $0x1F80;
	[tilespmem:s20+$0x1E300] =	vst v2;
	s21 =	smov.u32 s19;
	s19 =	sadd.s32 $0x80, s19  }
.Ltmp0:
0x13: {  	[tilespmem:s20+$0x1E310] =	vst v2;
	(pc) =	sbr.rel @p0 .LBB2_2-.Ltmp0, $2  }
0x14: {  	_ =	sdelay $0x2  }
0x15: {  	s20 =	sshra.s32 s21, $0x2  }
0x16: {  	[tilespmem:s20+$0x1E300] =	vst v2  }
0x17: {  	[tilespmem:s20+$0x1E310] =	vst v2;
	s19 =	simm.s32 $0x0  }
0x18: {  	[tilespmem:s12], [sflag:$0x2] =	stream.linear.gather [hbm4b:s5+s19], $0x1900, $0x38;
	[tilespmem:$0x1EB00] =	vst v63  }
0x19: {  	_ =	swait.ge [sflag:s13], $0x1900  }
0x1a: {  	[sflag:s13] =	ssyncset.done $0x0  }
0x1b: {  	[sflag:s13] =	ssyncadd.s32 $0xFFFFE700  }
0x1c: {  	[tilespmem:s14], [sflag:$0x2] =	stream.linear.gather [hbm4b:s6+s19], $0x1900, $0x38;
	[tilespmem:$0x1EB00] =	vst v63  }
0x1d: {  	_ =	swait.ge [sflag:s13], $0x1900  }
0x1e: {  	[sflag:s13] =	ssyncset.done $0x0  }
0x1f: {  	s31 =	sadd.s32 $0x0, s7;
	[sflag:s13] =	ssyncadd.s32 $0xFFFFE700  }
0x20: {  	[spmem:s31] =	stream.linear.scatter [tilespmem:s15], [sflag:$0x2], $0x800, $0x38;
	[tilespmem:$0x1EB00] =	vst v63  }
0x21: {  	s20 =	simm.s32 $0x2000;
	s19 =	simm.s32 $0x0;
	_ =	swait.ge [sflag:s13], $0x800  }
.LBB2_4:
0x22: {  	s21 =	sshra.s32 s20, $0x2;
	[sflag:s13] =	ssyncset.done $0x0;
	p0 =	sne.s32 s20, $0x60000  }
.Ltmp1:
0x23: {  	s21 =	sadd.s32 s21, s7;
	[sflag:s13] =	ssyncadd.s32 $0xFFFFF800;
	(pc) =	sbr.rel @p0 .LBB2_4-.Ltmp1, $3  }
0x24: {  	[spmem:s21] =	stream.linear.scatter [tilespmem:s15], [sflag:$0x2], $0x800, $0x38;
	[tilespmem:$0x1EB00] =	vst v63  }
0x25: {  	s20 =	sadd.s32 $0x2000, s20;
	_ =	sdelay $0x1  }
0x26: {  	_ =	swait.ge [sflag:s13], $0x800  }
0x27: {  	[sflag:s13] =	ssyncset.done $0x0  }
0x28: {  	[sflag:s13] =	ssyncadd.s32 $0xFFFFF800  }
0x29: {  	v3 =	vld [tilespmem:s19+$0x18870]  }
0x2a: {  	v5 =	vld [tilespmem:s19+$0x18800]  }
0x2b: {  	v9 =	vld [tilespmem:s19+$0x18810]  }
0x2c: {  	v7 =	vld [tilespmem:s19+$0x18820]  }
0x2d: {  	v6 =	vld [tilespmem:s19+$0x18830]  }
0x2e: {  	v4 =	vld [tilespmem:s19+$0x18840];
	v8 =	vshll.u32 v3, $0x2  }
0x2f: {  	v3 =	vld [tilespmem:s19+$0x18850];
	v10 =	vshll.u32 v5, $0x2;
	v11 =	vor.u32 v0, v8  }
0x30: {  	s20 =	simm.s32 $0x80;
	s21 =	simm.s32 $0x400;
	v5 =	vld [tilespmem:s19+$0x18860];
	v9 =	vshll.u32 v9, $0x2;
	v8 =	vor.u32 v0, v10;
	[tilespmem:s19+$0x1A170] =	vst v11  }
.LBB2_6:
0x31: {  	p0 =	sne.s32 s21, $0x6200;
	v10 =	vld [tilespmem:s20+$0x18870];
	[tilespmem:s19+$0x1A100] =	vst v8;
	v8 =	vor.u32 v0, v9;
	v7 =	vshll.u32 v7, $0x2  }
0x32: {  	v9 =	vld [tilespmem:s20+$0x18800];
	[tilespmem:s19+$0x1A110] =	vst v8;
	v7 =	vor.u32 v0, v7;
	v6 =	vshll.u32 v6, $0x2  }
0x33: {  	v11 =	vld [tilespmem:s20+$0x18810];
	[tilespmem:s19+$0x1A120] =	vst v7;
	v6 =	vor.u32 v0, v6;
	v4 =	vshll.u32 v4, $0x2  }
.Ltmp2:
0x34: {  	v7 =	vld [tilespmem:s20+$0x18820];
	[tilespmem:s19+$0x1A130] =	vst v6;
	v4 =	vor.u32 v0, v4;
	v3 =	vshll.u32 v3, $0x2;
	(pc) =	sbr.rel @p0 .LBB2_6-.Ltmp2, $4  }
0x35: {  	v6 =	vld [tilespmem:s20+$0x18830];
	[tilespmem:s19+$0x1A140] =	vst v4;
	v3 =	vor.u32 v0, v3;
	v5 =	vshll.u32 v5, $0x2  }
0x36: {  	v4 =	vld [tilespmem:s20+$0x18840];
	v8 =	vshll.u32 v10, $0x2;
	[tilespmem:s19+$0x1A150] =	vst v3;
	v5 =	vor.u32 v0, v5  }
0x37: {  	v9 =	vshll.u32 v9, $0x2;
	v3 =	vld [tilespmem:s20+$0x18850];
	v10 =	vor.u32 v0, v8;
	[tilespmem:s19+$0x1A160] =	vst v5;
	s19 =	smov.u32 s20  }
0x38: {  	s20 =	sshra.s32 s21, $0x2;
	s21 =	sadd.s32 $0x200, s21;
	v8 =	vor.u32 v0, v9;
	v9 =	vshll.u32 v11, $0x2;
	v5 =	vld [tilespmem:s19+$0x18860];
	[tilespmem:s19+$0x1A170] =	vst v10  }
0x39: {  	v10 =	vld [tilespmem:s20+$0x18870];
	[tilespmem:s19+$0x1A100] =	vst v8;
	v57 =	vor.u32 v0, v9;
	v7 =	vshll.u32 v7, $0x2  }
0x3a: {  	v58 =	vld [tilespmem:s20+$0x18800];
	[tilespmem:s19+$0x1A110] =	vst v57;
	v7 =	vor.u32 v0, v7;
	v6 =	vshll.u32 v6, $0x2  }
0x3b: {  	v8 =	vld [tilespmem:s20+$0x18810];
	[tilespmem:s19+$0x1A120] =	vst v7;
	v6 =	vor.u32 v0, v6;
	v4 =	vshll.u32 v4, $0x2  }
0x3c: {  	v7 =	vld [tilespmem:s20+$0x18820];
	[tilespmem:s19+$0x1A130] =	vst v6;
	v4 =	vor.u32 v0, v4;
	v3 =	vshll.u32 v3, $0x2  }
0x3d: {  	v6 =	vld [tilespmem:s20+$0x18830];
	[tilespmem:s19+$0x1A140] =	vst v4;
	v3 =	vor.u32 v0, v3;
	v5 =	vshll.u32 v5, $0x2  }
0x3e: {  	v4 =	vld [tilespmem:s20+$0x18840];
	[tilespmem:s19+$0x1A150] =	vst v3;
	v3 =	vor.u32 v0, v5;
	v10 =	vshll.u32 v10, $0x2  }
0x3f: {  	v59 =	vld [tilespmem:s20+$0x18850];
	[tilespmem:s19+$0x1A160] =	vst v3;
	v3 =	vshll.u32 v58, $0x2;
	v60 =	vor.u32 v0, v10  }
0x40: {  	v61 =	vld [tilespmem:s20+$0x18860];
	v3 =	vor.u32 v0, v3;
	v8 =	vshll.u32 v8, $0x2;
	[tilespmem:s20+$0x1A170] =	vst v60  }
0x41: {  	[tilespmem:s20+$0x1A100] =	vst v3;
	v3 =	vor.u32 v0, v8;
	v7 =	vshll.u32 v7, $0x2  }
0x42: {  	[tilespmem:s20+$0x1A110] =	vst v3;
	v3 =	vor.u32 v0, v7;
	v6 =	vshll.u32 v6, $0x2  }
0x43: {  	[tilespmem:s20+$0x1A120] =	vst v3;
	v3 =	vor.u32 v0, v6;
	v4 =	vshll.u32 v4, $0x2  }
0x44: {  	[tilespmem:s20+$0x1A130] =	vst v3;
	v3 =	vor.u32 v0, v4;
	v62 =	vshll.u32 v59, $0x2  }
0x45: {  	[tilespmem:s20+$0x1A140] =	vst v3;
	v3 =	vor.u32 v0, v62;
	v63 =	vshll.u32 v61, $0x2  }
0x46: {  	[tilespmem:s20+$0x1A150] =	vst v3;
	v3 =	vor.u32 v0, v63  }
0x47: {  	[tilespmem:s20+$0x1A160] =	vst v3  }
0x48: {  	s30 =	simm.s32 $0x1A100;
	[bflag:$0x0] =	sbarrier.arrive $0xFFFF  }
0x49: {  	[tilespmem:s17], [sflag:$0x1] =	stream.indirect.gather [hbm4b:s1+s16], $0x20, s30, s16, $0xb8;
	[tilespmem:$0x1EB00] =	vst v63  }
0x4a: {  	_ =	swait.ge [sflag:s18], $0x1000  }
0x4b: {  	[sflag:s18] =	ssyncset.done $0x0  }
0x4c: {  	s31 =	simm.s32 $0x1BA00;
	[sflag:s18] =	ssyncadd.s32 $0xFFFFF000  }
0x4d: {  	[spmem:s3] =	stream.indirect.scatter.add.f32 [tilespmem:s17], [sflag:$0x2], $0x20, s31, s16, $0xb8;
	[tilespmem:$0x1EB00] =	vst v63  }
0x4e: {  	_ =	swait.ge [sflag:s13], $0x1000  }
0x4f: {  	s19 =	simm.s32 $0x80;
	s20 =	simm.s32 $0x400;
	[sflag:s13] =	ssyncset.done $0x0  }
.LBB2_8:
0x50: {  	s21 =	sadd.s32 $0x1A100, s19  }
0x51: {  	[sflag:s13] =	ssyncadd.s32 $0xFFFFF000;
	s22 =	smov.u32 s20;
	s23 =	sadd.s32 $0x200, s20  }
0x52: {  	[tilespmem:s17], [sflag:$0x1] =	stream.indirect.gather [hbm4b:s1+s16], $0x20, s21, s16, $0xb8;
	[tilespmem:$0x1EB00] =	vst v63  }
0x53: {  	p0 =	sne.s32 s20, $0x6200;
	_ =	swait.ge [sflag:s18], $0x1000  }
.Ltmp3:
0x54: {  	[sflag:s18] =	ssyncset.done $0x0;
	(pc) =	sbr.rel @p0 .LBB2_8-.Ltmp3, $4  }
0x55: {  	s19 =	sadd.s32 $0x1BA00, s19;
	[sflag:s18] =	ssyncadd.s32 $0xFFFFF000  }
0x56: {  	[spmem:s3] =	stream.indirect.scatter.add.f32 [tilespmem:s17], [sflag:$0x2], $0x20, s19, s16, $0xb8;
	[tilespmem:$0x1EB00] =	vst v63  }
0x57: {  	_ =	swait.ge [sflag:s13], $0x1000  }
0x58: {  	s20 =	smov.u32 s23;
	s19 =	sshra.s32 s22, $0x2;
	[sflag:s13] =	ssyncset.done $0x0  }
0x59: {  	s20 =	sadd.s32 $0x1A100, s19;
	[sflag:s13] =	ssyncadd.s32 $0xFFFFF000  }
0x5a: {  	[tilespmem:s17], [sflag:$0x1] =	stream.indirect.gather [hbm4b:s1+s16], $0x20, s20, s16, $0xb8;
	[tilespmem:$0x1EB00] =	vst v63  }
0x5b: {  	_ =	swait.ge [sflag:s18], $0x1000  }
0x5c: {  	[sflag:s18] =	ssyncset.done $0x0  }
0x5d: {  	s30 =	sadd.s32 $0x1BA00, s19;
	[sflag:s18] =	ssyncadd.s32 $0xFFFFF000  }
0x5e: {  	[spmem:s3] =	stream.indirect.scatter.add.f32 [tilespmem:s17], [sflag:$0x2], $0x20, s30, s16, $0xb8;
	[tilespmem:$0x1EB00] =	vst v63  }
0x5f: {  	_ =	swait.ge [sflag:s13], $0x1000  }
0x60: {  	[sflag:s13] =	ssyncset.done $0x0  }
0x61: {  	s31 =	sshll.u32 s2, $0x6;
	[sflag:s13] =	ssyncadd.s32 $0xFFFFF000  }
0x62: {  	s19 =	sor.u32 $0x1C02, s31;
	s20 =	sshrl.u32 s9, $0x3;
	[bflag:$0x0] =	sbarrier.arrive $0xFFFF  }
0x63: {  	[hbm:s8], [sflag:s19] =	dma.local [spmem:s20], $0x3100  }
0x64: {  	_ =	swait.ge [sflag:s13], $0x3100  }
0x65: {  	[sflag:s13] =	ssyncset.done $0x0  }
0x66: {  	s21 =	sadd.s32 $0x0, s7;
	[sflag:s13] =	ssyncadd.s32 $0xFFFFCF00  }
0x67: {  	[spmem:s21] =	stream.linear.scatter [tilespmem:s15], [sflag:$0x2], $0x800, $0x38;
	[tilespmem:$0x1EB00] =	vst v63  }
0x68: {  	s22 =	simm.s32 $0x2000;
	s21 =	simm.s32 $0x0;
	_ =	swait.ge [sflag:s13], $0x800  }
.LBB2_10:
0x69: {  	s23 =	sshra.s32 s22, $0x2;
	[sflag:s13] =	ssyncset.done $0x0;
	p0 =	sne.s32 s22, $0x60000  }
.Ltmp4:
0x6a: {  	s23 =	sadd.s32 s23, s7;
	[sflag:s13] =	ssyncadd.s32 $0xFFFFF800;
	(pc) =	sbr.rel @p0 .LBB2_10-.Ltmp4, $3  }
0x6b: {  	[spmem:s23] =	stream.linear.scatter [tilespmem:s15], [sflag:$0x2], $0x800, $0x38;
	[tilespmem:$0x1EB00] =	vst v63  }
0x6c: {  	s22 =	sadd.s32 $0x2000, s22;
	_ =	sdelay $0x1  }
0x6d: {  	_ =	swait.ge [sflag:s13], $0x800  }
0x6e: {  	[sflag:s13] =	ssyncset.done $0x0  }
0x6f: {  	[sflag:s13] =	ssyncadd.s32 $0xFFFFF800  }
0x70: {  	v3 =	vld [tilespmem:s21+$0x18870]  }
0x71: {  	v5 =	vld [tilespmem:s21+$0x18800]  }
0x72: {  	v9 =	vld [tilespmem:s21+$0x18810]  }
0x73: {  	v7 =	vld [tilespmem:s21+$0x18820]  }
0x74: {  	v6 =	vld [tilespmem:s21+$0x18830]  }
0x75: {  	v4 =	vld [tilespmem:s21+$0x18840];
	v8 =	vshll.u32 v3, $0x2  }
0x76: {  	v3 =	vld [tilespmem:s21+$0x18850];
	v10 =	vshll.u32 v5, $0x2;
	v11 =	vor.u32 v1, v8  }
0x77: {  	s22 =	simm.s32 $0x80;
	s23 =	simm.s32 $0x400;
	v5 =	vld [tilespmem:s21+$0x18860];
	v9 =	vshll.u32 v9, $0x2;
	v8 =	vor.u32 v1, v10;
	[tilespmem:s21+$0x1A170] =	vst v11  }
.LBB2_12:
0x78: {  	p0 =	sne.s32 s23, $0x6200;
	v10 =	vld [tilespmem:s22+$0x18870];
	[tilespmem:s21+$0x1A100] =	vst v8;
	v8 =	vor.u32 v1, v9;
	v7 =	vshll.u32 v7, $0x2  }
0x79: {  	v9 =	vld [tilespmem:s22+$0x18800];
	[tilespmem:s21+$0x1A110] =	vst v8;
	v7 =	vor.u32 v1, v7;
	v6 =	vshll.u32 v6, $0x2  }
0x7a: {  	v11 =	vld [tilespmem:s22+$0x18810];
	[tilespmem:s21+$0x1A120] =	vst v7;
	v6 =	vor.u32 v1, v6;
	v4 =	vshll.u32 v4, $0x2  }
.Ltmp5:
0x7b: {  	v7 =	vld [tilespmem:s22+$0x18820];
	[tilespmem:s21+$0x1A130] =	vst v6;
	v4 =	vor.u32 v1, v4;
	v3 =	vshll.u32 v3, $0x2;
	(pc) =	sbr.rel @p0 .LBB2_12-.Ltmp5, $4  }
0x7c: {  	v6 =	vld [tilespmem:s22+$0x18830];
	[tilespmem:s21+$0x1A140] =	vst v4;
	v3 =	vor.u32 v1, v3;
	v5 =	vshll.u32 v5, $0x2  }
0x7d: {  	v4 =	vld [tilespmem:s22+$0x18840];
	v8 =	vshll.u32 v10, $0x2;
	[tilespmem:s21+$0x1A150] =	vst v3;
	v5 =	vor.u32 v1, v5  }
0x7e: {  	v9 =	vshll.u32 v9, $0x2;
	v3 =	vld [tilespmem:s22+$0x18850];
	v10 =	vor.u32 v1, v8;
	[tilespmem:s21+$0x1A160] =	vst v5;
	s21 =	smov.u32 s22  }
0x7f: {  	s22 =	sshra.s32 s23, $0x2;
	s23 =	sadd.s32 $0x200, s23;
	v8 =	vor.u32 v1, v9;
	v9 =	vshll.u32 v11, $0x2;
	v5 =	vld [tilespmem:s21+$0x18860];
	[tilespmem:s21+$0x1A170] =	vst v10  }
0x80: {  	v10 =	vld [tilespmem:s22+$0x18870];
	[tilespmem:s21+$0x1A100] =	vst v8;
	v57 =	vor.u32 v1, v9;
	v7 =	vshll.u32 v7, $0x2  }
0x81: {  	v58 =	vld [tilespmem:s22+$0x18800];
	[tilespmem:s21+$0x1A110] =	vst v57;
	v7 =	vor.u32 v1, v7;
	v6 =	vshll.u32 v6, $0x2  }
0x82: {  	v8 =	vld [tilespmem:s22+$0x18810];
	[tilespmem:s21+$0x1A120] =	vst v7;
	v6 =	vor.u32 v1, v6;
	v4 =	vshll.u32 v4, $0x2  }
0x83: {  	v7 =	vld [tilespmem:s22+$0x18820];
	[tilespmem:s21+$0x1A130] =	vst v6;
	v4 =	vor.u32 v1, v4;
	v3 =	vshll.u32 v3, $0x2  }
0x84: {  	v6 =	vld [tilespmem:s22+$0x18830];
	[tilespmem:s21+$0x1A140] =	vst v4;
	v3 =	vor.u32 v1, v3;
	v5 =	vshll.u32 v5, $0x2  }
0x85: {  	v4 =	vld [tilespmem:s22+$0x18840];
	[tilespmem:s21+$0x1A150] =	vst v3;
	v3 =	vor.u32 v1, v5;
	v10 =	vshll.u32 v10, $0x2  }
0x86: {  	v59 =	vld [tilespmem:s22+$0x18850];
	[tilespmem:s21+$0x1A160] =	vst v3;
	v3 =	vshll.u32 v58, $0x2;
	v60 =	vor.u32 v1, v10  }
0x87: {  	v61 =	vld [tilespmem:s22+$0x18860];
	v3 =	vor.u32 v1, v3;
	v8 =	vshll.u32 v8, $0x2;
	[tilespmem:s22+$0x1A170] =	vst v60  }
0x88: {  	[tilespmem:s22+$0x1A100] =	vst v3;
	v3 =	vor.u32 v1, v8;
	v7 =	vshll.u32 v7, $0x2  }
0x89: {  	[tilespmem:s22+$0x1A110] =	vst v3;
	v3 =	vor.u32 v1, v7;
	v6 =	vshll.u32 v6, $0x2  }
0x8a: {  	[tilespmem:s22+$0x1A120] =	vst v3;
	v3 =	vor.u32 v1, v6;
	v4 =	vshll.u32 v4, $0x2  }
0x8b: {  	[tilespmem:s22+$0x1A130] =	vst v3;
	v3 =	vor.u32 v1, v4;
	v62 =	vshll.u32 v59, $0x2  }
0x8c: {  	[tilespmem:s22+$0x1A140] =	vst v3;
	v3 =	vor.u32 v1, v62;
	v63 =	vshll.u32 v61, $0x2  }
0x8d: {  	[tilespmem:s22+$0x1A150] =	vst v3;
	v3 =	vor.u32 v1, v63  }
0x8e: {  	[tilespmem:s22+$0x1A160] =	vst v3  }
0x8f: {  	s30 =	simm.s32 $0x1A100;
	[bflag:$0x0] =	sbarrier.arrive $0xFFFF  }
0x90: {  	[tilespmem:s17], [sflag:$0x1] =	stream.indirect.gather [hbm4b:s1+s16], $0x20, s30, s16, $0xb8;
	[tilespmem:$0x1EB00] =	vst v63  }
0x91: {  	_ =	swait.ge [sflag:s18], $0x1000  }
0x92: {  	[sflag:s18] =	ssyncset.done $0x0  }
0x93: {  	s31 =	simm.s32 $0x1BA00;
	[sflag:s18] =	ssyncadd.s32 $0xFFFFF000  }
0x94: {  	[spmem:s3] =	stream.indirect.scatter.add.f32 [tilespmem:s17], [sflag:$0x2], $0x20, s31, s16, $0xb8;
	[tilespmem:$0x1EB00] =	vst v63  }
0x95: {  	_ =	swait.ge [sflag:s13], $0x1000  }
0x96: {  	s21 =	simm.s32 $0x80;
	s22 =	simm.s32 $0x400;
	[sflag:s13] =	ssyncset.done $0x0  }
.LBB2_14:
0x97: {  	s23 =	sadd.s32 $0x1A100, s21  }
0x98: {  	[sflag:s13] =	ssyncadd.s32 $0xFFFFF000;
	s24 =	smov.u32 s22;
	s25 =	sadd.s32 $0x200, s22  }
0x99: {  	[tilespmem:s17], [sflag:$0x1] =	stream.indirect.gather [hbm4b:s1+s16], $0x20, s23, s16, $0xb8;
	[tilespmem:$0x1EB00] =	vst v63  }
0x9a: {  	p0 =	sne.s32 s22, $0x6200;
	_ =	swait.ge [sflag:s18], $0x1000  }
.Ltmp6:
0x9b: {  	[sflag:s18] =	ssyncset.done $0x0;
	(pc) =	sbr.rel @p0 .LBB2_14-.Ltmp6, $4  }
0x9c: {  	s21 =	sadd.s32 $0x1BA00, s21;
	[sflag:s18] =	ssyncadd.s32 $0xFFFFF000  }
0x9d: {  	[spmem:s3] =	stream.indirect.scatter.add.f32 [tilespmem:s17], [sflag:$0x2], $0x20, s21, s16, $0xb8;
	[tilespmem:$0x1EB00] =	vst v63  }
0x9e: {  	_ =	swait.ge [sflag:s13], $0x1000  }
0x9f: {  	s22 =	smov.u32 s25;
	s21 =	sshra.s32 s24, $0x2;
	[sflag:s13] =	ssyncset.done $0x0  }
0xa0: {  	s22 =	sadd.s32 $0x1A100, s21;
	[sflag:s13] =	ssyncadd.s32 $0xFFFFF000  }
0xa1: {  	[tilespmem:s17], [sflag:$0x1] =	stream.indirect.gather [hbm4b:s1+s16], $0x20, s22, s16, $0xb8;
	[tilespmem:$0x1EB00] =	vst v63  }
0xa2: {  	_ =	swait.ge [sflag:s18], $0x1000  }
0xa3: {  	[sflag:s18] =	ssyncset.done $0x0  }
0xa4: {  	s31 =	sadd.s32 $0x1BA00, s21;
	[sflag:s18] =	ssyncadd.s32 $0xFFFFF000  }
0xa5: {  	[spmem:s3] =	stream.indirect.scatter.add.f32 [tilespmem:s17], [sflag:$0x2], $0x20, s31, s16, $0xb8;
	[tilespmem:$0x1EB00] =	vst v63  }
0xa6: {  	_ =	swait.ge [sflag:s13], $0x1000  }
0xa7: {  	s4 =	sadd.s32 $0x1, s4;
	[sflag:s13] =	ssyncset.done $0x0  }
0xa8: {  	p0 =	sne.s32 s4, s11;
	[sflag:s13] =	ssyncadd.s32 $0xFFFFF000  }
.Ltmp7:
0xa9: {  	[bflag:$0x0] =	sbarrier.arrive $0xFFFF;
	(pc) =	sbr.rel @p0 .LBB2_1-.Ltmp7, $4  }
0xaa: {  	[hbm:s10], [sflag:s19] =	dma.local [spmem:s20], $0x3100  }
0xab: {  	_ =	swait.ge [sflag:s13], $0x3100  }
0xac: {  	[sflag:s13] =	ssyncset.done $0x0  }
0xad: {  	[sflag:s13] =	ssyncadd.s32 $0xFFFFCF00  }
0xae: {  	_ =	sfence.sel $0x180000  }
0xaf: {  	[bflag:$0x0] =	sbarrier.arrive $0xFFFF  }
0xb0: {  	p0 =	sne.s32 s2, $0x0;
	_ =	strace $0x9000004A  }
0xb1: {  	s0 =	sadd.s32 @!p0 $0x100000, s0;
	[bflag:$0x2] =	sbarrier.arrive $0xFFFF  }
0xb2: {  	[sflag:s0] =	ssyncadd.tile.s32 @!p0 $0x1;
	_ =	shalt  }
.Lfunc_end2:
_tile_overlayer_lowered:
.L_overlay_start_2:
0xb3: {  	(tag) =	ssettag $0x2  }
0xb4: {  	s0 =	rddreg [dreg:$0x0];
	s2 =	stileid.u32  }
0xb5: {  	s1 =	rddreg [dreg:$0x1];
	p0 =	sne.s32 s2, $0x0  }
0xb6: {  	s3 =	rddreg [dreg:$0x2];
	[bflag:$0x3] =	sbarrier.arrive $0xFFFF;
	s2 =	simm.s32 @!p0 $0x1C02  }
0xb7: {  	[timem:s3], [sflag:s2] =	dma.local @!p0 [hbm:s0], s1  }
0xb8: {  	s0 =	simm.s32 @!p0 $0x2  }
0xb9: {  	_ =	swait.ge @!p0 [sflag:s0], s1  }
0xba: {  	s1 =	ssub.s32 @!p0 $0x0, s1;
	[sflag:s0] =	ssyncset.done @!p0 $0x0  }
0xbb: {  	[sflag:s0] =	ssyncadd.s32 @!p0 s1  }
0xbc: {  	[bflag:$0x3] =	sbarrier.arrive $0xFFFF  }
0xbd: {  	_ =	shalt  }

// kernel: kernel.30.cloned.1.call-start
scs
__scs_entry_jumppad:
0x0: {  	(pc) =	sbr.rel $0x88, $3  }
0x1: {  	(tag) =	ssettag $0x0;
	lr =	simm.s32 $0x1  }
0x2: {  	[smem:$0x3F7D] =	sst lr;
	_ =	strace $0xD0000000  }
0x3: {  	_ = 	snop  }
0x4: {  	_ = 	snop  }
0x5: {  	_ = 	snop  }
0x6: {  	_ = 	snop  }
0x7: {  	_ = 	snop  }
__scs_overlays_trampoline_lowered:
0x8: {  	[smem:$0x3F8C] =	sst s0  }
0x9: {  	[smem:$0x3F8D] =	sst s1  }
0xa: {  	[smem:$0x3F8E] =	sst s2  }
0xb: {  	[smem:$0x3F8F] =	sst s3  }
0xc: {  	[smem:$0x3F90] =	sst s4  }
0xd: {  	[smem:$0x3F91] =	sst s5  }
0xe: {  	[smem:$0x3F92] =	sst s6  }
0xf: {  	[smem:$0x3F93] =	sst s7  }
0x10: {  	[smem:$0x3F94] =	sst s8  }
0x11: {  	[smem:$0x3F95] =	sst s9;
	s0 =	simm.s32 @!p0 $0x0  }
0x12: {  	s1 =	sld [smem:$0x3F7B];
	s0 =	simm.s32 @p0 $0x1  }
0x13: {  	[smem:$0x3F96] =	sst s0;
	s0 =	simm.s32 @!p1 $0x0  }
0x14: {  	s2 =	sld [smem:$0x3F7A];
	s0 =	simm.s32 @p1 $0x1  }
0x15: {  	[smem:$0x3F97] =	sst s0;
	s0 =	simm.s32 @!p2 $0x0  }
0x16: {  	s3 =	sld [smem:$0x3FDB];
	s0 =	simm.s32 @p2 $0x1  }
0x17: {  	s4 =	simm.s32 $0x1BF5;
	[smem:$0x3F99] =	sst s0  }
0x18: {  	s0 =	sld [smem:$0x3F7C];
	_ =	swait.ge [sflag:s4], $0x0  }
0x19: {  	s7 =	sld [smem:$0x3F7D]  }
0x1a: {  	s8 =	sadd.s32 $0xFFFFE003, lr  }
0x1b: {  	s9 =	sadd.s32 $0xFFFFFEF7, lr;
	s5 =	simm.s32 $0xFFFFFFFF;
	p2 =	slt.u32 s8, $0xFFFFF086  }
0x1c: {  	p1 =	slt.u32 s9, $0xF7A;
	s5 =	simm.s32 @!p2 $0x0  }
0x1d: {  	s5 =	simm.s32 @p1 $0x1;
	p0 =	seq.s32 s7, s2  }
0x1e: {  	s7 =	smul.u32 @!p0 $0xF7A, s2;
	p2 =	seq.s32 @!p0 s5, $0x0  }
0x1f: {  	s9 =	smul.u32 $0xF7A, s1;
	s8 =	simm.s32 @!p0 $0x1BF5;
	p2 =	por !p2, p0  }
0x20: {  	[sflag:s8] =	ssyncset.s32 @!p0 $0xFFFFF086;
	s6 =	sadd.s32 @!p0 s3, s7;
	s7 =	simm.s32 @!p0 $0x108  }
0x21: {  	s3 =	sadd.s32 s3, s9;
	s6 =	sadd.s32 @!p0 $0x88, s6;
	s7 =	simm.s32 @p2 $0x1082  }
0x22: {  	[simem:s7], [sflag:s8] =	dma.local @!p0 [hbm:s6], $0xF7A  }
0x23: {  	s9 =	sor.u32 $0xD0000000, s2;
	s6 =	simm.s32 $0x108;
	_ =	swait.ge @!p0 [sflag:s8], $0x0  }
0x24: {  	s3 =	sadd.s32 $0x88, s3;
	s6 =	simm.s32 @!p1 $0x1082;
	[sflag:s4] =	ssyncset.s32 $0xFFFFF086  }
0x25: {  	[simem:s6], [sflag:s4] =	dma.local [hbm:s3], $0xF7A  }
0x26: {  	[smem:$0x3F7D] =	sst s1;
	(tag) =	ssettag s2;
	_ =	strace s9  }
0x27: {  	s1 =	sld [smem:$0x3F8D]  }
0x28: {  	s2 =	sld [smem:$0x3F8E]  }
0x29: {  	s4 =	sld [smem:$0x3F90]  }
0x2a: {  	p0 =	seq.s32 s5, $0x0;
	s5 =	sld [smem:$0x3F91]  }
0x2b: {  	s6 =	sld [smem:$0x3F92]  }
0x2c: {  	s7 =	sld [smem:$0x3F93]  }
0x2d: {  	s3 =	simm.s32 $0x108;
	s8 =	sld [smem:$0x3F94]  }
0x2e: {  	s3 =	simm.s32 @!p0 $0x1082;
	s9 =	sld [smem:$0x3F95]  }
0x2f: {  	lr =	sadd.s32 s0, s3;
	s0 =	sld [smem:$0x3F8C]  }
0x30: {  	s3 =	sld [smem:$0x3F8F]  }
0x31: {  	[smem:$0x3F98] =	sst s10  }
0x32: {  	s10 =	sld [smem:$0x3F96];
	_ =	sdelay $0x3  }
0x33: {  	p0 =	seq.s32 s10, $0x1;
	s10 =	sld [smem:$0x3F98];
	_ =	sdelay $0x3  }
0x34: {  	[smem:$0x3F98] =	sst s10  }
0x35: {  	s10 =	sld [smem:$0x3F97];
	_ =	sdelay $0x3  }
0x36: {  	p1 =	seq.s32 s10, $0x1;
	s10 =	sld [smem:$0x3F98];
	_ =	sdelay $0x3  }
0x37: {  	[smem:$0x3F98] =	sst s10  }
0x38: {  	s10 =	sld [smem:$0x3F99]  }
0x39: {  	_ = 	snop;
	(pc) =	sbr.ind lr, $3  }
0x3a: {  	_ = 	snop  }
0x3b: {  	_ = 	snop  }
0x3c: {  	p2 =	seq.s32 s10, $0x1;
	s10 =	sld [smem:$0x3F98]  }
0x3d: {  	_ =	shalt  }
0x3e: {  	_ =	shalt  }
0x3f: {  	_ =	shalt  }
0x40: {  	_ =	shalt  }
0x41: {  	_ =	shalt  }
0x42: {  	_ =	shalt  }
0x43: {  	_ =	shalt  }
0x44: {  	_ =	shalt  }
0x45: {  	_ =	shalt  }
0x46: {  	_ =	shalt  }
0x47: {  	_ =	shalt  }
0x48: {  	_ =	shalt  }
0x49: {  	_ =	shalt  }
0x4a: {  	_ =	shalt  }
0x4b: {  	_ =	shalt  }
0x4c: {  	_ =	shalt  }
0x4d: {  	_ =	shalt  }
0x4e: {  	_ =	shalt  }
0x4f: {  	_ =	shalt  }
0x50: {  	_ =	shalt  }
0x51: {  	_ =	shalt  }
0x52: {  	_ =	shalt  }
0x53: {  	_ =	shalt  }
0x54: {  	_ =	shalt  }
0x55: {  	_ =	shalt  }
0x56: {  	_ =	shalt  }
0x57: {  	_ =	shalt  }
0x58: {  	_ =	shalt  }
0x59: {  	_ =	shalt  }
0x5a: {  	_ =	shalt  }
0x5b: {  	_ =	shalt  }
0x5c: {  	_ =	shalt  }
0x5d: {  	_ =	shalt  }
0x5e: {  	_ =	shalt  }
0x5f: {  	_ =	shalt  }
0x60: {  	_ =	shalt  }
0x61: {  	_ =	shalt  }
0x62: {  	_ =	shalt  }
0x63: {  	_ =	shalt  }
0x64: {  	_ =	shalt  }
0x65: {  	_ =	shalt  }
0x66: {  	_ =	shalt  }
0x67: {  	_ =	shalt  }
0x68: {  	_ =	shalt  }
0x69: {  	_ =	shalt  }
0x6a: {  	_ =	shalt  }
0x6b: {  	_ =	shalt  }
0x6c: {  	_ =	shalt  }
0x6d: {  	_ =	shalt  }
0x6e: {  	_ =	shalt  }
0x6f: {  	_ =	shalt  }
0x70: {  	_ =	shalt  }
0x71: {  	_ =	shalt  }
0x72: {  	_ =	shalt  }
0x73: {  	_ =	shalt  }
0x74: {  	_ =	shalt  }
0x75: {  	_ =	shalt  }
0x76: {  	_ =	shalt  }
0x77: {  	_ =	shalt  }
0x78: {  	_ =	shalt  }
0x79: {  	_ =	shalt  }
0x7a: {  	_ =	shalt  }
0x7b: {  	_ =	shalt  }
0x7c: {  	_ =	shalt  }
0x7d: {  	_ =	shalt  }
0x7e: {  	_ =	shalt  }
0x7f: {  	_ =	shalt  }
0x80: {  	_ =	shalt  }
0x81: {  	_ =	shalt  }
0x82: {  	_ =	shalt  }
0x83: {  	_ =	shalt  }
0x84: {  	_ =	shalt  }
0x85: {  	_ =	shalt  }
0x86: {  	_ =	shalt  }
0x87: {  	_ =	shalt  }
.Lfunc_end0:
.L_simem_size_0:
called_computation.6_lowered:
.L_overlay_start_0:
0x88: {  	s2 =	sld [smem:$0x3FD9]  }
0x89: {  	s3 =	sld [smem:$0x3FFE];
	_ =	sdelay $0x1  }
0x8a: {  	s1 =	srdreg.scid  }
0x8b: {  	s0 =	sand.u32 $0x1, s1  }
0x8c: {  	s16 =	sshll.u32 s0, $0xA;
	s2 =	sadd.s32 s3, s2  }
0x8d: {  	s2 =	sadd.s32 s2, s16  }
0x8e: {  	[smem:$0x3FA4] =	sst s2  }
0x8f: {  	_ = 	snop  }
0x90: {  	s2 =	sld [smem:$0x3FD0];
	_ =	sdelay $0x2  }
0x91: {  	s17 =	simm.s32 $0x10  }
0x92: {  	[smem:s17], [sflag:s17] =	dma.local [hbm:s2], $0x1  }
0x93: {  	_ =	swait.eq [sflag:s17], $0x1  }
0x94: {  	[sflag:s17] =	ssyncset.done $0x0  }
0x95: {  	[sflag:s17] =	ssyncadd.s32 $0xFFFFFFFF  }
0x96: {  	s18 =	sld [smem:$0x10]  }
0x97: {  	s3 =	sld [smem:$0x11]  }
0x98: {  	s4 =	sld [smem:$0x12];
	(tm) =	ssettm $0x1  }
0x99: {  	s5 =	sld [smem:$0x3FFB];
	_ =	sdelay $0x3  }
0x9a: {  	_ =	strace s5  }
0x9b: {  	s5 =	sld [smem:$0x3FFC];
	_ =	sdelay $0x3  }
0x9c: {  	_ =	strace s5  }
0x9d: {  	s5 =	sld [smem:$0x3FFD];
	_ =	sdelay $0x3  }
0x9e: {  	_ =	strace s5  }
0x9f: {  	_ =	strace $0x8FFFFFFF  }
0xa0: {  	s19 =	sld [smem:$0x3FDB];
	_ =	sdelay $0x1  }
0xa1: {  	s6 =	simm.s32 $_scs_section_size  }
0xa2: {  	s7 =	simm.s32 $_size__tile_overlayer_lowered;
	s8 =	simm.s32 $_tile_overlayer_lowered  }
0xa3: {  	s22 =	simm.s32 $0x1BFF;
	s21 =	sshll.u32 s8, $0x1;
	s5 =	sadd.s32 s6, s19  }
0xa4: {  	s9 =	simm.s32 $0x0;
	s20 =	sshll.u32 s7, $0x1;
	s7 =	sadd.s32 s21, s5  }
0xa5: {  	[timem:s9], [sflag:s22] =	dma.local [hbm:s7], s20  }
0xa6: {  	_ =	swait.ge [sflag:s22], s20  }
0xa7: {  	s6 =	ssub.s32 $0x0, s20;
	[sflag:s22] =	ssyncset.done $0x0  }
0xa8: {  	[sflag:s22] =	ssyncadd.s32 s6;
	_ =	sdelay $0x1  }
0xa9: {  	s23 =	simm.s32 $0x1B8B  }
0xaa: {  	_ =	swait.ge [sflag:s23], $0x1  }
0xab: {  	[sflag:s23] =	ssyncset.done $0x0  }
0xac: {  	s25 =	simm.s32 $0x1B8E;
	s24 =	sld [smem:$0x3FFE];
	[sflag:s23] =	ssyncadd.s32 $0xFFFFFFFF  }
0xad: {  	s26 =	simm.s32 $execute0_lowered;
	[smem:$0x3FD2] =	sst s25  }
0xae: {  	s7 =	sshll.u32 s26, $0x1;
	_ =	strace $0x80000046;
	[dreg:$0x1] =	wrdreg $0xFFFFFFFF  }
0xaf: {  	s28 =	simm.s32 $_size_execute0_lowered;
	s5 =	sadd.s32 s5, s7;
	[dreg:$0x0] =	wrdreg $0x0  }
0xb0: {  	s7 =	sshll.u32 s28, $0x1;
	[dreg:$0x2] =	wrdreg s5  }
0xb1: {  	[dreg:$0x3] =	wrdreg s7  }
0xb2: {  	[dreg:$0x4] =	wrdreg $0xC0  }
0xb3: {  	_ =	task [dreg:s9], $0x5FFFF  }
0xb4: {  	[dreg:$0x1] =	wrdreg $0xFFFFFFFF  }
0xb5: {  	[dreg:$0x0] =	wrdreg $0x60  }
0xb6: {  	[dreg:$0x2] =	wrdreg s18  }
0xb7: {  	[dreg:$0x3] =	wrdreg s24  }
0xb8: {  	[dreg:$0x4] =	wrdreg s4  }
0xb9: {  	[dreg:$0x5] =	wrdreg s3  }
0xba: {  	[dreg:$0x6] =	wrdreg $0x0  }
0xbb: {  	[dreg:$0x7] =	wrdreg $0xF  }
0xbc: {  	_ =	task.clear_ibuf [dreg:s9], $0x8FFFF;
	_ =	strace $0x90000046  }
0xbd: {  	s29 =	simm.s32 $0xF;
	_ =	strace $0x80000048  }
0xbe: {  	_ =	swait.ge [sflag:s29], $0x1  }
0xbf: {  	[sflag:s29] =	ssyncadd.s32 $0xFFFFFFFF  }
0xc0: {  	_ =	strace $0x90000048  }
0xc1: {  	_ =	sfence  }
0xc2: {  	s30 =	sld [smem:$0x0];
	_ =	sdelay $0x2  }
0xc3: {  	s31 =	sshll.u32 s1, $0xD;
	s1 =	sshrl.u32 s1, $0x2  }
0xc4: {  	s3 =	sand.u32 $0x4000, s31;
	s1 =	sadd.s32 s1, s30  }
0xc5: {  	s0 =	sor.u32 s3, s0;
	s1 =	sshll.u32 s1, $0x11  }
0xc6: {  	s0 =	sor.u32 s1, s0  }
0xc7: {  	s0 =	sadd.s32 $0x8F2B, s0  }
0xc8: {  	[sflag:s0] =	ssyncadd.remote.s32 $0x1  }
0xc9: {  	_ =	sfence.sel $0xFFFF  }
0xca: {  	[dreg:$0x0] =	wrdreg $0xFFFFFFFF;
	(pc) =	sbr.abs _section_cstart, $3  }
0xcb: {  	[dreg:$0x1] =	wrdreg $0xFFFFFFFF  }
0xcc: {  	_ =	task.clear_ibuf [dreg:s9], $0x2FFFF;
	_ =	strace $0x9FFFFFFF  }
0xcd: {  	(tm) =	ssettm $0x7FFFFFFF  }
tec
execute0_lowered:
.L_overlay_start_1:
0x0: {  	(tag) =	ssettag $0x1  }
0x1: {  	s1 =	stileid.u32  }
0x2: {  	s8 =	rddreg [dreg:$0x0];
	s10 =	smul.u32 $0x1900, s1  }
0x3: {  	s4 =	rddreg [dreg:$0x1];
	s11 =	smul.u32 $0xA000, s1  }
0x4: {  	s9 =	rddreg [dreg:$0x2];
	s16 =	smul.u32 $0x2800, s1  }
0x5: {  	s5 =	srdreg.scid;
	s25 =	smul.u32 $0x31000, s1  }
0x6: {  	s12 =	rddreg [dreg:$0x3];
	s7 =	sand.u32 $0x1, s5;
	s29 =	smul.u32 $0xC400, s1  }
0x7: {  	s2 =	rddreg [dreg:$0x4];
	s3 =	simm.s32 $0x0;
	s5 =	smul.u32 $0x19000, s7  }
0x8: {  	[smem:$0x7FF] =	sst s3;
	s14 =	smul.u32 $0x32000, s7  }
0x9: {  	s0 =	rddreg [dreg:$0x5];
	_ =	strace $0x80000047;
	s20 =	smul.u32 $0x50000, s7  }
0xa: {  	s6 =	ssub.s32 $0x2, s7;
	s21 =	sshllo.u32 s7, $0x1;
	s26 =	smul.u32 $0xC4000, s7  }
0xb: {  	s13 =	sshrl.u32 s6, $0x1;
	s19 =	sshrl.u32 s11, $0x2;
	s23 =	smul.u32 $0x19000, s21  }
0xc: {  	s18 =	smul.u32 $0x28000, s21;
	s7 =	sadd.s32 s16, s2;
	s31 =	sshrl.u32 s25, $0x2  }
0xd: {  	s5 =	sadd.s32 s10, s5;
	s13 =	ssub.s32 s6, s13;
	s22 =	sadd.s32 s10, s14  }
0xe: {  	s17 =	sadd.s32 s16, s20;
	s14 =	sadd.s32 s29, s26;
	s5 =	sshrl.u32 s5, $0x3  }
0xf: {  	s11 =	sshrl.u32 s22, $0x3;
	s24 =	sshrl.u32 s17, $0x3;
	s10 =	sadd.s32 s10, s23  }
0x10: {  	s28 =	sadd.s32 s16, s18;
	s14 =	sshrl.u32 s14, $0x3;
	s13 =	smax.u32 s13, $0x1  }
0x11: {  	s16 =	simm.s32 $0xC400;
	s17 =	simm.s32 $0x80;
	s18 =	simm.s32 $0xDD00  }
0x12: {  	s15 =	sadd.s32 s5, s4;
	s4 =	sadd.s32 s19, s2;
	s5 =	sadd.s32 s8, s11  }
0x13: {  	s6 =	sadd.s32 s9, s24;
	s10 =	sshrl.u32 s10, $0x3;
	s30 =	sshrl.u32 s28, $0x3  }
0x14: {  	s12 =	sadd.s32 s12, s14;
	s19 =	sadd.s32 s29, s2;
	s14 =	simm.s32 $0xE500  }
0x15: {  	s8 =	sadd.s32 s8, s10;
	s9 =	sadd.s32 s9, s30;
	s10 =	sadd.s32 s31, s2  }
0x16: {  	v0 =	vimm.f32 $0.0e+00;
	v1 =	vimm.f32 $1.000000000e+00;
	s11 =	sadd.s32 $0xEA00, s15;
	s15 =	simm.s32 $0x1;
	s19 =	sshrl.u32 s19, $0x3  }
.LBB2_1:
0x17: {  	[tilespmem:$0xE500] =	vst v0  }
0x18: {  	[tilespmem:$0xE510] =	vst v0  }
0x19: {  	[tilespmem:$0xE520] =	vst v0  }
0x1a: {  	[tilespmem:$0xE530] =	vst v0  }
0x1b: {  	[tilespmem:$0xE540] =	vst v0  }
0x1c: {  	[tilespmem:$0xE550] =	vst v0  }
0x1d: {  	[tilespmem:$0xE560] =	vst v0  }
0x1e: {  	[tilespmem:$0xE570] =	vst v0  }
0x1f: {  	[tilespmem:$0xE580] =	vst v0  }
0x20: {  	[tilespmem:$0xE590] =	vst v0  }
0x21: {  	[tilespmem:$0xE5A0] =	vst v0  }
0x22: {  	[tilespmem:$0xE5B0] =	vst v0  }
0x23: {  	[tilespmem:$0xE5C0] =	vst v0  }
0x24: {  	[tilespmem:$0xE5D0] =	vst v0  }
0x25: {  	[tilespmem:$0xE5E0] =	vst v0  }
0x26: {  	[tilespmem:$0xE5F0] =	vst v0;
	s20 =	simm.s32 $0x0  }
.LBB2_2:
0x27: {  	p0 =	sne.s32 s20, $0x1FC0  }
.Ltmp0:
0x28: {  	_ = 	snop;
	(pc) =	sbr.rel @p0 .LBB2_2-.Ltmp0, $3  }
0x29: {  	_ =	sdelay $0x1  }
0x2a: {  	s21 =	sshra.s32 s20, $0x2  }
0x2b: {  	s20 =	sadd.s32 $0x40, s20;
	[tilespmem:s21+$0xDD00] =	vst v1  }
0x2c: {  	s20 =	sadd.s32 $0x0, s4  }
0x2d: {  	[spmem:s20] =	stream.linear.scatter [tilespmem:s14], [sflag:$0x1], $0x100, $0x38;
	[tilespmem:$0xE600] =	vst v63  }
0x2e: {  	s20 =	simm.s32 $0x400;
	_ =	swait.ge [sflag:s15], $0x100  }
.LBB2_4:
0x2f: {  	s21 =	sshra.s32 s20, $0x2;
	[sflag:s15] =	ssyncset.done $0x0;
	p0 =	sne.s32 s20, $0x9C00  }
.Ltmp1:
0x30: {  	s21 =	sadd.s32 s21, s4;
	[sflag:s15] =	ssyncadd.s32 $0xFFFFFF00;
	(pc) =	sbr.rel @p0 .LBB2_4-.Ltmp1, $3  }
0x31: {  	[spmem:s21] =	stream.linear.scatter [tilespmem:s14], [sflag:$0x1], $0x100, $0x38;
	[tilespmem:$0xE600] =	vst v63  }
0x32: {  	s20 =	sadd.s32 $0x400, s20;
	_ =	sdelay $0x1  }
0x33: {  	_ =	swait.ge [sflag:s15], $0x100  }
0x34: {  	[sflag:s15] =	ssyncset.done $0x0  }
0x35: {  	s20 =	simm.s32 $0x0;
	[sflag:s15] =	ssyncadd.s32 $0xFFFFFF00  }
0x36: {  	[tilespmem:s16], [sflag:$0x1] =	stream.linear.gather [hbm4b:s5+s20], $0x1900, $0x38;
	[tilespmem:$0xE600] =	vst v63  }
0x37: {  	_ =	swait.ge [sflag:s15], $0x1900  }
0x38: {  	[sflag:s15] =	ssyncset.done $0x0  }
0x39: {  	[sflag:s15] =	ssyncadd.s32 $0xFFFFE700  }
0x3a: {  	s31 =	simm.s32 $0xC400;
	[bflag:$0x0] =	sbarrier.arrive $0xFFFF  }
0x3b: {  	[spmem:s2] =	stream.indirect.scatter.add.f32 [tilespmem:s18], [sflag:$0x1], $0x10, s31, s17, $0xb8;
	[tilespmem:$0xE600] =	vst v63  }
0x3c: {  	s20 =	simm.s32 $0x200;
	_ =	swait.ge [sflag:s15], $0x800  }
.LBB2_6:
0x3d: {  	s21 =	sshra.s32 s20, $0x2;
	[sflag:s15] =	ssyncset.done $0x0;
	p0 =	sne.s32 s20, $0x6200  }
.Ltmp2:
0x3e: {  	s21 =	sadd.s32 $0xC400, s21;
	[sflag:s15] =	ssyncadd.s32 $0xFFFFF800;
	(pc) =	sbr.rel @p0 .LBB2_6-.Ltmp2, $3  }
0x3f: {  	[spmem:s2] =	stream.indirect.scatter.add.f32 [tilespmem:s18], [sflag:$0x1], $0x10, s21, s17, $0xb8;
	[tilespmem:$0xE600] =	vst v63  }
0x40: {  	s20 =	sadd.s32 $0x200, s20;
	_ =	sdelay $0x1  }
0x41: {  	_ =	swait.ge [sflag:s15], $0x800  }
0x42: {  	[sflag:s15] =	ssyncset.done $0x0  }
0x43: {  	s20 =	sshll.u32 s1, $0x6;
	[sflag:s15] =	ssyncadd.s32 $0xFFFFF800  }
0x44: {  	s21 =	sshrl.u32 s7, $0x3;
	s20 =	sor.u32 $0x1C01, s20;
	[bflag:$0x0] =	sbarrier.arrive $0xFFFF  }
0x45: {  	[hbm:s6], [sflag:s20] =	dma.local [spmem:s21], $0x500  }
0x46: {  	_ =	swait.ge [sflag:s15], $0x500  }
0x47: {  	[sflag:s15] =	ssyncset.done $0x0  }
0x48: {  	s22 =	sadd.s32 $0x0, s4;
	[sflag:s15] =	ssyncadd.s32 $0xFFFFFB00  }
0x49: {  	[spmem:s22] =	stream.linear.scatter [tilespmem:s14], [sflag:$0x1], $0x100, $0x38;
	[tilespmem:$0xE600] =	vst v63  }
0x4a: {  	s22 =	simm.s32 $0x400;
	_ =	swait.ge [sflag:s15], $0x100  }
.LBB2_8:
0x4b: {  	s23 =	sshra.s32 s22, $0x2;
	[sflag:s15] =	ssyncset.done $0x0;
	p0 =	sne.s32 s22, $0x9C00  }
.Ltmp3:
0x4c: {  	s23 =	sadd.s32 s23, s4;
	[sflag:s15] =	ssyncadd.s32 $0xFFFFFF00;
	(pc) =	sbr.rel @p0 .LBB2_8-.Ltmp3, $3  }
0x4d: {  	[spmem:s23] =	stream.linear.scatter [tilespmem:s14], [sflag:$0x1], $0x100, $0x38;
	[tilespmem:$0xE600] =	vst v63  }
0x4e: {  	s22 =	sadd.s32 $0x400, s22;
	_ =	sdelay $0x1  }
0x4f: {  	_ =	swait.ge [sflag:s15], $0x100  }
0x50: {  	[sflag:s15] =	ssyncset.done $0x0  }
0x51: {  	s22 =	simm.s32 $0x0;
	[sflag:s15] =	ssyncadd.s32 $0xFFFFFF00  }
0x52: {  	[tilespmem:s16], [sflag:$0x1] =	stream.linear.gather [hbm4b:s8+s22], $0x1900, $0x38;
	[tilespmem:$0xE600] =	vst v63  }
0x53: {  	_ =	swait.ge [sflag:s15], $0x1900  }
0x54: {  	[sflag:s15] =	ssyncset.done $0x0  }
0x55: {  	[sflag:s15] =	ssyncadd.s32 $0xFFFFE700  }
0x56: {  	s31 =	simm.s32 $0xC400;
	[bflag:$0x0] =	sbarrier.arrive $0xFFFF  }
0x57: {  	[spmem:s2] =	stream.indirect.scatter.add.f32 [tilespmem:s18], [sflag:$0x1], $0x10, s31, s17, $0xb8;
	[tilespmem:$0xE600] =	vst v63  }
0x58: {  	s22 =	simm.s32 $0x200;
	_ =	swait.ge [sflag:s15], $0x800  }
.LBB2_10:
0x59: {  	s23 =	sshra.s32 s22, $0x2;
	[sflag:s15] =	ssyncset.done $0x0;
	p0 =	sne.s32 s22, $0x6200  }
.Ltmp4:
0x5a: {  	s23 =	sadd.s32 $0xC400, s23;
	[sflag:s15] =	ssyncadd.s32 $0xFFFFF800;
	(pc) =	sbr.rel @p0 .LBB2_10-.Ltmp4, $3  }
0x5b: {  	[spmem:s2] =	stream.indirect.scatter.add.f32 [tilespmem:s18], [sflag:$0x1], $0x10, s23, s17, $0xb8;
	[tilespmem:$0xE600] =	vst v63  }
0x5c: {  	s22 =	sadd.s32 $0x200, s22;
	_ =	sdelay $0x1  }
0x5d: {  	_ =	swait.ge [sflag:s15], $0x800  }
0x5e: {  	[sflag:s15] =	ssyncset.done $0x0  }
0x5f: {  	[sflag:s15] =	ssyncadd.s32 $0xFFFFF800  }
0x60: {  	[bflag:$0x0] =	sbarrier.arrive $0xFFFF  }
0x61: {  	[hbm:s9], [sflag:s20] =	dma.local [spmem:s21], $0x500  }
0x62: {  	_ =	swait.ge [sflag:s15], $0x500  }
0x63: {  	[sflag:s15] =	ssyncset.done $0x0  }
0x64: {  	s31 =	sadd.s32 $0x0, s10;
	[sflag:s15] =	ssyncadd.s32 $0xFFFFFB00  }
0x65: {  	[spmem:s31] =	stream.linear.scatter [tilespmem:s14], [sflag:$0x1], $0x100, $0x38;
	[tilespmem:$0xE600] =	vst v63  }
0x66: {  	s21 =	simm.s32 $0x400;
	_ =	swait.ge [sflag:s15], $0x100  }
.LBB2_12:
0x67: {  	s22 =	sshra.s32 s21, $0x2;
	[sflag:s15] =	ssyncset.done $0x0;
	p0 =	sne.s32 s21, $0x30C00  }
.Ltmp5:
0x68: {  	s22 =	sadd.s32 s22, s10;
	[sflag:s15] =	ssyncadd.s32 $0xFFFFFF00;
	(pc) =	sbr.rel @p0 .LBB2_12-.Ltmp5, $3  }
0x69: {  	[spmem:s22] =	stream.linear.scatter [tilespmem:s14], [sflag:$0x1], $0x100, $0x38;
	[tilespmem:$0xE600] =	vst v63  }
0x6a: {  	s21 =	sadd.s32 $0x400, s21;
	_ =	sdelay $0x1  }
0x6b: {  	_ =	swait.ge [sflag:s15], $0x100  }
0x6c: {  	[sflag:s15] =	ssyncset.done $0x0  }
0x6d: {  	s21 =	simm.s32 $0x0;
	[sflag:s15] =	ssyncadd.s32 $0xFFFFFF00  }
0x6e: {  	[tilespmem:s16], [sflag:$0x1] =	stream.linear.gather [hbm4b:s11+s21], $0x1900, $0x38;
	[tilespmem:$0xE600] =	vst v63  }
0x6f: {  	_ =	swait.ge [sflag:s15], $0x1900  }
0x70: {  	[sflag:s15] =	ssyncset.done $0x0  }
0x71: {  	[sflag:s15] =	ssyncadd.s32 $0xFFFFE700  }
0x72: {  	s31 =	simm.s32 $0xC400;
	[bflag:$0x0] =	sbarrier.arrive $0xFFFF  }
0x73: {  	[spmem:s2] =	stream.indirect.scatter.add.f32 [tilespmem:s18], [sflag:$0x1], $0x10, s31, s17, $0xb8;
	[tilespmem:$0xE600] =	vst v63  }
0x74: {  	s21 =	simm.s32 $0x200;
	_ =	swait.ge [sflag:s15], $0x800  }
.LBB2_14:
0x75: {  	s22 =	sshra.s32 s21, $0x2;
	[sflag:s15] =	ssyncset.done $0x0;
	p0 =	sne.s32 s21, $0x6200  }
.Ltmp6:
0x76: {  	s22 =	sadd.s32 $0xC400, s22;
	[sflag:s15] =	ssyncadd.s32 $0xFFFFF800;
	(pc) =	sbr.rel @p0 .LBB2_14-.Ltmp6, $3  }
0x77: {  	[spmem:s2] =	stream.indirect.scatter.add.f32 [tilespmem:s18], [sflag:$0x1], $0x10, s22, s17, $0xb8;
	[tilespmem:$0xE600] =	vst v63  }
0x78: {  	s21 =	sadd.s32 $0x200, s21;
	_ =	sdelay $0x1  }
0x79: {  	_ =	swait.ge [sflag:s15], $0x800  }
0x7a: {  	[sflag:s15] =	ssyncset.done $0x0;
	s3 =	sadd.s32 $0x1, s3  }
0x7b: {  	[sflag:s15] =	ssyncadd.s32 $0xFFFFF800;
	p0 =	sne.s32 s3, s13  }
.Ltmp7:
0x7c: {  	[bflag:$0x0] =	sbarrier.arrive $0xFFFF;
	(pc) =	sbr.rel @p0 .LBB2_1-.Ltmp7, $4  }
0x7d: {  	[hbm:s12], [sflag:s20] =	dma.local [spmem:s19], $0x1880  }
0x7e: {  	_ =	swait.ge [sflag:s15], $0x1880  }
0x7f: {  	[sflag:s15] =	ssyncset.done $0x0  }
0x80: {  	[sflag:s15] =	ssyncadd.s32 $0xFFFFE780  }
0x81: {  	_ =	sfence.sel $0x180000  }
0x82: {  	[bflag:$0x0] =	sbarrier.arrive $0xFFFF  }
0x83: {  	p0 =	sne.s32 s1, $0x0;
	_ =	strace $0x90000047  }
0x84: {  	s0 =	sadd.s32 @!p0 $0x100000, s0;
	[bflag:$0x2] =	sbarrier.arrive $0xFFFF  }
0x85: {  	[sflag:s0] =	ssyncadd.tile.s32 @!p0 $0x1;
	_ =	shalt  }
.Lfunc_end2:
_tile_overlayer_lowered:
.L_overlay_start_2:
0x86: {  	(tag) =	ssettag $0x2  }
0x87: {  	s0 =	rddreg [dreg:$0x0];
	s2 =	stileid.u32  }
0x88: {  	s1 =	rddreg [dreg:$0x1];
	p0 =	sne.s32 s2, $0x0  }
0x89: {  	s3 =	rddreg [dreg:$0x2];
	[bflag:$0x3] =	sbarrier.arrive $0xFFFF;
	s2 =	simm.s32 @!p0 $0x1C01  }
0x8a: {  	[timem:s3], [sflag:s2] =	dma.local @!p0 [hbm:s0], s1  }
0x8b: {  	s0 =	simm.s32 @!p0 $0x1  }
0x8c: {  	_ =	swait.ge @!p0 [sflag:s0], s1  }
0x8d: {  	s1 =	ssub.s32 @!p0 $0x0, s1;
	[sflag:s0] =	ssyncset.done @!p0 $0x0  }
0x8e: {  	[sflag:s0] =	ssyncadd.s32 @!p0 s1  }
0x8f: {  	[bflag:$0x3] =	sbarrier.arrive $0xFFFF  }
0x90: {  	_ =	shalt  }

</sc_bundles>
